<compile_context>
chip_gen: v7x
topology: tpu7x:2x2x1
jax: 0.10.2.dev20260603
libtpu: 0.0.44.dev20260713+nightly
codegen_flags: <defaults>
</compile_context>

<pallas_src>
import functools

import jax
import jax.numpy as jnp
from jax import lax
from jax.experimental import pallas as pl
from jax.experimental.pallas import tpu as pltpu
from jax.experimental.pallas import tpu_sc as plsc

N = 10000
E = 320000
HID = 128
NW = 32
GK = 40
NBUF = 5
ACC_LEN = 30720
BE = 2560
SLABS = (166400, 153600)


def _prep(h, W_r, W_c, b_in2, interpret=False):
    def body(h_ref, wr_ref, wc_ref, b_ref, a_ref, b_out_ref):
        hb = h_ref[...]
        a_ref[...] = jnp.dot(hb, wr_ref[...],
                             preferred_element_type=jnp.float32) + b_ref[...]
        b_out_ref[...] = jnp.dot(hb, wc_ref[...],
                                 preferred_element_type=jnp.float32)

    grid = (5,)
    blk = N // 5
    return pl.pallas_call(
        body,
        grid=grid,
        in_specs=[
            pl.BlockSpec((blk, HID), lambda i: (i, 0)),
            pl.BlockSpec((HID, HID), lambda i: (0, 0)),
            pl.BlockSpec((HID, HID), lambda i: (0, 0)),
            pl.BlockSpec((1, HID), lambda i: (0, 0)),
        ],
        out_specs=[
            pl.BlockSpec((blk, HID), lambda i: (i, 0)),
            pl.BlockSpec((blk, HID), lambda i: (i, 0)),
        ],
        out_shape=[
            jax.ShapeDtypeStruct((N, HID), jnp.float32),
            jax.ShapeDtypeStruct((N, HID), jnp.float32),
        ],
        interpret=interpret,
    )(h, W_r, W_c, b_in2)


def _gather(A, B, row, col, e0, ne, interpret=False):
    info = plsc.get_sparse_core_info()
    nc = info.num_cores
    mesh = plsc.VectorSubcoreMesh(core_axis_name="c", subcore_axis_name="s")
    epw = ne // NW
    giters = epw // GK

    @functools.partial(
        pl.kernel,
        mesh=mesh,
        out_type=jax.ShapeDtypeStruct((ne, HID), jnp.float32),
        scratch_types=(
            [pltpu.VMEM((epw,), jnp.int32),
             pltpu.VMEM((epw,), jnp.int32)]
            + [pltpu.VMEM((GK, HID), jnp.float32) for _ in range(2 * NBUF)]
            + [pltpu.SemaphoreType.DMA for _ in range(2 * NBUF)]
        ),
        interpret=interpret,
    )
    def gk(a_hbm, b_hbm, row_hbm, col_hbm, gab_hbm, rv, cv, *rest):
        bufa = rest[0:NBUF]
        bufb = rest[NBUF:2 * NBUF]
        semg = rest[2 * NBUF:3 * NBUF]
        semw = rest[3 * NBUF:4 * NBUF]
        wid = lax.axis_index("s") * nc + lax.axis_index("c")
        base = wid * epw
        pltpu.sync_copy(row_hbm.at[pl.ds(e0 + base, epw)], rv)
        pltpu.sync_copy(col_hbm.at[pl.ds(e0 + base, epw)], cv)

        def fire_gather(j, p):
            o = j * GK
            pltpu.make_async_copy(
                a_hbm.at[rv.at[pl.ds(o, GK)]], bufa[p], semg[p]).start()
            pltpu.make_async_copy(
                b_hbm.at[cv.at[pl.ds(o, GK)]], bufb[p], semg[p]).start()

        def drain_gather(p):
            pltpu.make_async_copy(a_hbm.at[rv.at[pl.ds(0, GK)]],
                                  bufa[p], semg[p]).wait()
            pltpu.make_async_copy(b_hbm.at[cv.at[pl.ds(0, GK)]],
                                  bufb[p], semg[p]).wait()

        def add_into_a(p):
            def rowbody(i, _):
                for c in range(HID // 16):
                    sl = pl.ds(c * 16, 16)
                    bufa[p][i, sl] = bufa[p][i, sl] + bufb[p][i, sl]
                return 0

            lax.fori_loop(0, GK, rowbody, 0)

        def fire_write(j, p):
            off = base + j * GK
            pltpu.make_async_copy(
                bufa[p], gab_hbm.at[pl.ds(off, GK)], semw[p]).start()

        def drain_write(p):
            pltpu.make_async_copy(bufa[p], gab_hbm.at[pl.ds(base, GK)],
                                  semw[p]).wait()

        fire_gather(0, 0)

        def group(g, _):
            for p in range(NBUF):
                j = g * NBUF + p
                nxt = (p + 1) % NBUF

                @pl.when(j + 1 < giters)
                def _():
                    @pl.when(j + 1 >= NBUF)
                    def _():
                        drain_write(nxt)
                    fire_gather(j + 1, nxt)

                drain_gather(p)
                add_into_a(p)
                fire_write(j, p)
            return 0

        lax.fori_loop(0, giters // NBUF, group, 0)
        for p in range(NBUF):
            drain_write(p)

    return gk(A, B, row, col)


def _edge_mlp(GAB, ea_t, d_t, time_emb, adj_t,
              Wa, Wd, Wts, Wtc, W1, small, interpret=False):
    tdims = (((0,), (0,)), ((), ()))

    def body(gab_ref, ea_ref, d_ref, te_ref, adj_ref,
             wa_ref, wd_ref, wts_ref, wtc_ref, w1_ref, sm_ref, s_ref):
        pre = (gab_ref[...]
               + lax.dot_general(ea_ref[...].astype(jnp.bfloat16),
                                 wa_ref[...], tdims,
                                 preferred_element_type=jnp.float32)
               + lax.dot_general(d_ref[...].astype(jnp.bfloat16),
                                 wd_ref[...], tdims,
                                 preferred_element_type=jnp.float32))
        mu = jnp.mean(pre, axis=-1, keepdims=True)
        xc = pre - mu
        var = jnp.mean(xc * xc, axis=-1, keepdims=True)
        ln = xc / jnp.sqrt(var + 1e-6)

        te = te_ref[...]
        st = (te / (1.0 + jnp.exp(-te))).astype(jnp.bfloat16)
        sm = sm_ref[...]
        shift = jnp.dot(st, wts_ref[...],
                        preferred_element_type=jnp.float32) + sm[0:1, :]
        scale = jnp.dot(st, wtc_ref[...],
                        preferred_element_type=jnp.float32) + sm[1:2, :]
        inv = (ln * (1.0 + scale) + shift).astype(jnp.bfloat16)

        u = jnp.dot(inv, w1_ref[...],
                    preferred_element_type=jnp.float32) + sm[2:3, :]
        u = u / (1.0 + jnp.exp(-u))
        v0 = jnp.sum(u * sm[3:4, :], axis=-1)
        v1 = jnp.sum(u * sm[4:5, :], axis=-1)
        v2 = jnp.sum(u * sm[5:6, :], axis=-1)
        adj = adj_ref[...]
        s = (jnp.tanh(v0)
             + jnp.tanh(v1) * adj[0, :]
             + jnp.tanh(v2) * adj[1, :]) * sm_ref[6, 0]
        s_ref[...] = s[None, None, :]

    ne = GAB.shape[0]
    return pl.pallas_call(
        body,
        grid=(ne // BE,),
        in_specs=[
            pl.BlockSpec((BE, HID), lambda i: (i, 0)),
            pl.BlockSpec((16, BE), lambda i: (0, i)),
            pl.BlockSpec((16, BE), lambda i: (0, i)),
            pl.BlockSpec((BE, HID), lambda i: (i, 0)),
            pl.BlockSpec((8, BE), lambda i: (0, i)),
            pl.BlockSpec((16, HID), lambda i: (0, 0)),
            pl.BlockSpec((16, HID), lambda i: (0, 0)),
            pl.BlockSpec((HID, HID), lambda i: (0, 0)),
            pl.BlockSpec((HID, HID), lambda i: (0, 0)),
            pl.BlockSpec((HID, HID), lambda i: (0, 0)),
            pl.BlockSpec((8, HID), lambda i: (0, 0)),
        ],
        out_specs=pl.BlockSpec((1, 1, BE), lambda i: (i, 0, 0)),
        out_shape=jax.ShapeDtypeStruct((ne // BE, 1, BE), jnp.float32),
        interpret=interpret,
    )(GAB, ea_t, d_t, time_emb, adj_t,
      Wa, Wd, Wts, Wtc, W1, small)


def _scatter(pos_flat, row, col, s, e0, ne, interpret=False):
    info = plsc.get_sparse_core_info()
    nc = info.num_cores
    mesh = plsc.VectorSubcoreMesh(core_axis_name="c", subcore_axis_name="s")
    epw = ne // NW
    groups = epw // 16

    @functools.partial(
        pl.kernel,
        mesh=mesh,
        out_type=jax.ShapeDtypeStruct((NW, ACC_LEN), jnp.float32),
        scratch_types=[
            pltpu.VMEM((3 * N,), jnp.float32),
            pltpu.VMEM((ACC_LEN,), jnp.float32),
            pltpu.VMEM((epw,), jnp.int32),
            pltpu.VMEM((epw,), jnp.int32),
            pltpu.VMEM((epw,), jnp.float32),
        ],
        compiler_params=pltpu.CompilerParams(needs_layout_passes=False),
        interpret=interpret,
    )
    def sk(pos_hbm, row_hbm, col_hbm, s_hbm, out_hbm,
           pos_v, acc_v, rv, cv, sv):
        wid = lax.axis_index("s") * nc + lax.axis_index("c")
        base = wid * epw
        pltpu.sync_copy(pos_hbm, pos_v)
        pltpu.sync_copy(row_hbm.at[pl.ds(e0 + base, epw)], rv)
        pltpu.sync_copy(col_hbm.at[pl.ds(e0 + base, epw)], cv)
        pltpu.sync_copy(s_hbm.at[pl.ds(base, epw)], sv)

        zeros16 = jnp.zeros((16,), jnp.float32)

        def zbody(i, _):
            acc_v[pl.ds(i * 16, 16)] = zeros16
            return 0

        lax.fori_loop(0, ACC_LEN // 16, zbody, 0)

        def ebody(g, _):
            o = g * 16
            r3 = rv[pl.ds(o, 16)] * 3
            c3 = cv[pl.ds(o, 16)] * 3
            se = sv[pl.ds(o, 16)]
            dx = (plsc.load_gather(pos_v, [r3])
                  - plsc.load_gather(pos_v, [c3]))
            dy = (plsc.load_gather(pos_v, [r3 + 1])
                  - plsc.load_gather(pos_v, [c3 + 1]))
            dz = (plsc.load_gather(pos_v, [r3 + 2])
                  - plsc.load_gather(pos_v, [c3 + 2]))
            n2 = jnp.maximum(dx * dx + dy * dy + dz * dz, 1e-30)
            y = plsc.bitcast(0x5F3759DF - (plsc.bitcast(n2, jnp.int32) >> 1),
                             jnp.float32)
            y = y * (1.5 - 0.5 * n2 * y * y)
            y = y * (1.5 - 0.5 * n2 * y * y)
            y = y * (1.5 - 0.5 * n2 * y * y)
            nrm = n2 * y
            f = se / jnp.maximum(nrm, 1e-8)
            plsc.addupdate_scatter(acc_v, [r3], dx * f)
            plsc.addupdate_scatter(acc_v, [r3 + 1], dy * f)
            plsc.addupdate_scatter(acc_v, [r3 + 2], dz * f)
            return 0

        lax.fori_loop(0, groups, ebody, 0)
        pltpu.sync_copy(acc_v, out_hbm.at[wid])

    return sk(pos_flat, row, col, s)


def _combine(p1, p2, pos_pad2, interpret=False):
    def body(p1_ref, p2_ref, pos_ref, o_ref):
        o_ref[...] = (jnp.sum(p1_ref[...], axis=0)
                      + jnp.sum(p2_ref[...], axis=0) + pos_ref[...])

    return pl.pallas_call(
        body,
        grid=(1,),
        in_specs=[
            pl.BlockSpec((NW, 240, 128), lambda i: (0, 0, 0)),
            pl.BlockSpec((NW, 240, 128), lambda i: (0, 0, 0)),
            pl.BlockSpec((240, 128), lambda i: (0, 0)),
        ],
        out_specs=pl.BlockSpec((240, 128), lambda i: (0, 0)),
        out_shape=jax.ShapeDtypeStruct((240, 128), jnp.float32),
        interpret=interpret,
    )(p1, p2, pos_pad2)


def kernel(h, pos, edge_index, edge_attr, dist, time_emb, adj_extra,
           W_t, b_t, W_in, b_in, W1, b1, W2, coors_scale):
    row = edge_index[0]
    col = edge_index[1]
    W_r = W_in[:HID]
    W_c = W_in[HID:2 * HID]
    Wa = W_in[2 * HID:2 * HID + 16].astype(jnp.bfloat16)
    Wd = W_in[2 * HID + 16:].astype(jnp.bfloat16)
    Wts = W_t[:, :HID].astype(jnp.bfloat16)
    Wtc = W_t[:, HID:].astype(jnp.bfloat16)
    W1b = W1.astype(jnp.bfloat16)

    small = jnp.zeros((8, HID), jnp.float32)
    small = small.at[0].set(b_t[:HID]).at[1].set(b_t[HID:]).at[2].set(b1)
    small = small.at[3].set(W2[:, 0]).at[4].set(W2[:, 1]).at[5].set(W2[:, 2])
    small = small.at[6, 0].set(coors_scale / 3.0)

    A, B = _prep(h, W_r, W_c, b_in.reshape(1, HID))
    pos_flat = pos.reshape(-1)
    ea_t = edge_attr.T
    d_t = dist.T
    adj_t = jnp.pad(adj_extra.T, ((0, 6), (0, 0)))

    parts = []
    e0 = 0
    for ne in SLABS:
        GAB = _gather(A, B, row, col, e0, ne)
        s = _edge_mlp(GAB, ea_t[:, e0:e0 + ne], d_t[:, e0:e0 + ne],
                      time_emb[e0:e0 + ne], adj_t[:, e0:e0 + ne],
                      Wa, Wd, Wts, Wtc, W1b, small)
        parts.append(_scatter(pos_flat, row, col, s.reshape(ne), e0, ne))
        e0 += ne

    pos_pad2 = jnp.pad(pos_flat, (0, ACC_LEN - 3 * N)).reshape(240, 128)
    out = _combine(parts[0].reshape(NW, 240, 128),
                   parts[1].reshape(NW, 240, 128), pos_pad2)
    return out.reshape(ACC_LEN)[:3 * N].reshape(N, 3)

# --- scband reference (transcript-rebuilt; emitter-appended) ---
"""Pipeline reference for scband-dgt-concat-61211873903543 (READ-ONLY COPY).

The authoritative reference and input builder live on the scoring server;
editing this copy changes nothing except your own understanding.
"""

import jax, jax.numpy as jnp
import numpy as np

N = 10000
E = 320000
HID = 128
EDGE = 16
DIST = 16
TIME = 128
EXTRA = 2
UPDATE_HEADS = 1 + EXTRA
INPUT_CH = HID * 2 + EDGE + DIST  # 288


def _layernorm(x, eps=1e-6):
    mu = jnp.mean(x, axis=-1, keepdims=True)
    var = jnp.mean((x - mu) ** 2, axis=-1, keepdims=True)
    return (x - mu) / jnp.sqrt(var + eps)


def setup_inputs(seed: int = 0) -> dict:
    key = jax.random.key(seed)
    ks = jax.random.split(key, 16)
    h = jax.random.normal(ks[0], (N, HID), dtype=jnp.float32)
    pos = jax.random.normal(ks[1], (N, 3), dtype=jnp.float32)
    edge_index = jax.random.randint(ks[2], (2, E), 0, N, dtype=jnp.int32)
    edge_attr = jax.random.normal(ks[3], (E, EDGE), dtype=jnp.float32)
    dist = jax.random.normal(ks[4], (E, DIST), dtype=jnp.float32)
    time_emb = jax.random.normal(ks[5], (E, TIME), dtype=jnp.float32)
    adj_extra = jax.random.normal(ks[6], (E, EXTRA), dtype=jnp.float32)
    # learned parameters
    W_t = jax.random.normal(ks[7], (TIME, HID * 2), dtype=jnp.float32) * 0.02
    b_t = jnp.zeros((HID * 2,), dtype=jnp.float32)
    W_in = jax.random.normal(ks[8], (INPUT_CH, HID), dtype=jnp.float32) * 0.02
    b_in = jnp.zeros((HID,), dtype=jnp.float32)
    W1 = jax.random.normal(ks[9], (HID, HID), dtype=jnp.float32) * 0.02
    b1 = jnp.zeros((HID,), dtype=jnp.float32)
    W2 = jax.random.normal(ks[10], (HID, UPDATE_HEADS), dtype=jnp.float32) * 0.02
    coors_scale = jnp.array(0.01, dtype=jnp.float32)  # CoorsNorm(scale_init=0.01)
    return {
        'h': h, 'pos': pos, 'edge_index': edge_index, 'edge_attr': edge_attr,
        'dist': dist, 'time_emb': time_emb, 'adj_extra': adj_extra,
        'W_t': W_t, 'b_t': b_t, 'W_in': W_in, 'b_in': b_in,
        'W1': W1, 'b1': b1, 'W2': W2, 'coors_scale': coors_scale,
    }


def reference(h, pos, edge_index, edge_attr, dist, time_emb, adj_extra,
              W_t, b_t, W_in, b_in, W1, b1, W2, coors_scale):
    row = edge_index[0]
    col = edge_index[1]
    # h_input = cat([h[row], h[col], edge_attr, dist])
    h_input = jnp.concatenate([jnp.take(h, row, axis=0),
                               jnp.take(h, col, axis=0),
                               edge_attr, dist], axis=1)
    # CoorsNorm on coord_diff
    coord_diff = jnp.take(pos, row, axis=0) - jnp.take(pos, col, axis=0)
    nrm = jnp.linalg.norm(coord_diff, axis=-1, keepdims=True)
    coord_diff = coord_diff / jnp.maximum(nrm, 1e-8) * coors_scale
    # time_mlp = SiLU -> Linear, then chunk into shift/scale
    t = jax.nn.silu(time_emb) @ W_t + b_t
    shift, scale = jnp.split(t, 2, axis=1)
    # modulate(LN(input_lin(h_input)), shift, scale)
    inv = _layernorm(h_input @ W_in + b_in)
    inv = inv * (1.0 + scale) + shift
    # coord_mlp: Linear -> SiLU -> Linear(no bias), then tanh
    inv = jnp.tanh(jax.nn.silu(inv @ W1 + b1) @ W2)
    adjs = jnp.concatenate([jnp.ones((adj_extra.shape[0], 1), dtype=adj_extra.dtype), adj_extra], axis=-1)
    inv = jnp.mean(inv * adjs, axis=-1, keepdims=True)
    trans = coord_diff * inv
    agg = jax.ops.segment_sum(trans, row, num_segments=pos.shape[0])
    return pos + agg

if __name__ == "__main__":
    import jax
    _d = setup_inputs()
    print(jax.jit(kernel)(*tuple(_d.values())))

</pallas_src>

<mosaic_0001>
#map = affine_map<(d0, d1) -> (0)>
#map1 = affine_map<(d0, d1) -> (0, 0)>
module attributes {stable_mosaic.version = 14 : i64} {
  func.func @sk(%arg0: i32, %arg1: i32, %arg2: memref<30000xf32, #tpu.memory_space<hbm>>, %arg3: memref<320000xi32, #tpu.memory_space<hbm>>, %arg4: memref<320000xi32, #tpu.memory_space<hbm>>, %arg5: memref<166400xf32, #tpu.memory_space<hbm>>, %arg6: memref<32x30720xf32, #tpu.memory_space<hbm>>, %arg7: memref<30000xf32, #tpu.memory_space<vmem>>, %arg8: memref<30720xf32, #tpu.memory_space<vmem>>, %arg9: memref<5200xi32, #tpu.memory_space<vmem>>, %arg10: memref<5200xi32, #tpu.memory_space<vmem>>, %arg11: memref<5200xf32, #tpu.memory_space<vmem>>) attributes {dimension_semantics = [#tpu.dimension_semantics<core_parallel>, #tpu.dimension_semantics<subcore_parallel>], iteration_bounds = array<i64: 2, 16>, scalar_prefetch = 0 : i64, scratch_operands = 5 : i64, tpu.core_type = #tpu.core_type<sc_vector_subcore>, window_params = [{transform_indices = #map}, {transform_indices = #map}, {transform_indices = #map}, {transform_indices = #map}, {transform_indices = #map1}]} {
    %mul3A = arith.constant 2 : i32
    %mul3A_0 = arith.muli %arg1, %mul3A : i32
    %add3A = arith.addi %mul3A_0, %arg0 : i32
    %mul3A_1 = arith.constant 5200 : i32
    %mul3A_2 = arith.muli %add3A, %mul3A_1 : i32
    "tpu.region"() ({
      %run_scoped3A = tpu.sem_alloc : memref<!tpu.dma_semaphore, #tpu.memory_space<semaphore_mem>>
      tpu.enqueue_dma source(%arg2 : memref<30000xf32, #tpu.memory_space<hbm>>) target(%arg7 : memref<30000xf32, #tpu.memory_space<vmem>>) target_semaphore(%run_scoped3A : memref<!tpu.dma_semaphore, #tpu.memory_space<semaphore_mem>>)
      tpu.wait_dma2 semaphore(%run_scoped3A : memref<!tpu.dma_semaphore, #tpu.memory_space<semaphore_mem>>) src(%arg2 : memref<30000xf32, #tpu.memory_space<hbm>>) dst(%arg7 : memref<30000xf32, #tpu.memory_space<vmem>>)
      tpu.yield
    }) : () -> ()
    %add3A_3 = arith.constant 0 : i32
    %add3A_4 = arith.addi %add3A_3, %mul3A_2 : i32
    "tpu.region"() ({
      %run_scoped3A = tpu.sem_alloc : memref<!tpu.dma_semaphore, #tpu.memory_space<semaphore_mem>>
      %dma_start3A = tpu.memref_slice %arg3[%add3A_4] : memref<320000xi32, #tpu.memory_space<hbm>> -> memref<5200xi32, #tpu.memory_space<hbm>>
      %dma_start3A_21 = tpu.memref_slice %arg3[%add3A_4] : memref<320000xi32, #tpu.memory_space<hbm>> -> memref<5200xi32, #tpu.memory_space<hbm>>
      tpu.enqueue_dma source(%dma_start3A_21 : memref<5200xi32, #tpu.memory_space<hbm>>) target(%arg9 : memref<5200xi32, #tpu.memory_space<vmem>>) target_semaphore(%run_scoped3A : memref<!tpu.dma_semaphore, #tpu.memory_space<semaphore_mem>>)
      %dma_wait3A = tpu.memref_slice %arg3[%add3A_4] : memref<320000xi32, #tpu.memory_space<hbm>> -> memref<5200xi32, #tpu.memory_space<hbm>>
      %dma_wait3A_22 = tpu.memref_slice %arg3[%add3A_4] : memref<320000xi32, #tpu.memory_space<hbm>> -> memref<5200xi32, #tpu.memory_space<hbm>>
      tpu.wait_dma2 semaphore(%run_scoped3A : memref<!tpu.dma_semaphore, #tpu.memory_space<semaphore_mem>>) src(%dma_wait3A_22 : memref<5200xi32, #tpu.memory_space<hbm>>) dst(%arg9 : memref<5200xi32, #tpu.memory_space<vmem>>)
      tpu.yield
    }) : () -> ()
    %add3A_5 = arith.constant 0 : i32
    %add3A_6 = arith.addi %add3A_5, %mul3A_2 : i32
    "tpu.region"() ({
      %run_scoped3A = tpu.sem_alloc : memref<!tpu.dma_semaphore, #tpu.memory_space<semaphore_mem>>
      %dma_start3A = tpu.memref_slice %arg4[%add3A_6] : memref<320000xi32, #tpu.memory_space<hbm>> -> memref<5200xi32, #tpu.memory_space<hbm>>
      %dma_start3A_21 = tpu.memref_slice %arg4[%add3A_6] : memref<320000xi32, #tpu.memory_space<hbm>> -> memref<5200xi32, #tpu.memory_space<hbm>>
      tpu.enqueue_dma source(%dma_start3A_21 : memref<5200xi32, #tpu.memory_space<hbm>>) target(%arg10 : memref<5200xi32, #tpu.memory_space<vmem>>) target_semaphore(%run_scoped3A : memref<!tpu.dma_semaphore, #tpu.memory_space<semaphore_mem>>)
      %dma_wait3A = tpu.memref_slice %arg4[%add3A_6] : memref<320000xi32, #tpu.memory_space<hbm>> -> memref<5200xi32, #tpu.memory_space<hbm>>
      %dma_wait3A_22 = tpu.memref_slice %arg4[%add3A_6] : memref<320000xi32, #tpu.memory_space<hbm>> -> memref<5200xi32, #tpu.memory_space<hbm>>
      tpu.wait_dma2 semaphore(%run_scoped3A : memref<!tpu.dma_semaphore, #tpu.memory_space<semaphore_mem>>) src(%dma_wait3A_22 : memref<5200xi32, #tpu.memory_space<hbm>>) dst(%arg10 : memref<5200xi32, #tpu.memory_space<vmem>>)
      tpu.yield
    }) : () -> ()
    "tpu.region"() ({
      %run_scoped3A = tpu.sem_alloc : memref<!tpu.dma_semaphore, #tpu.memory_space<semaphore_mem>>
      %dma_start3A = tpu.memref_slice %arg5[%mul3A_2] : memref<166400xf32, #tpu.memory_space<hbm>> -> memref<5200xf32, #tpu.memory_space<hbm>>
      %dma_start3A_21 = tpu.memref_slice %arg5[%mul3A_2] : memref<166400xf32, #tpu.memory_space<hbm>> -> memref<5200xf32, #tpu.memory_space<hbm>>
      tpu.enqueue_dma source(%dma_start3A_21 : memref<5200xf32, #tpu.memory_space<hbm>>) target(%arg11 : memref<5200xf32, #tpu.memory_space<vmem>>) target_semaphore(%run_scoped3A : memref<!tpu.dma_semaphore, #tpu.memory_space<semaphore_mem>>)
      %dma_wait3A = tpu.memref_slice %arg5[%mul3A_2] : memref<166400xf32, #tpu.memory_space<hbm>> -> memref<5200xf32, #tpu.memory_space<hbm>>
      %dma_wait3A_22 = tpu.memref_slice %arg5[%mul3A_2] : memref<166400xf32, #tpu.memory_space<hbm>> -> memref<5200xf32, #tpu.memory_space<hbm>>
      tpu.wait_dma2 semaphore(%run_scoped3A : memref<!tpu.dma_semaphore, #tpu.memory_space<semaphore_mem>>) src(%dma_wait3A_22 : memref<5200xf32, #tpu.memory_space<hbm>>) dst(%arg11 : memref<5200xf32, #tpu.memory_space<vmem>>)
      tpu.yield
    }) : () -> ()
    %broadcast_in_dim3A = arith.constant 0.000000e+00 : f32
    %broadcast_in_dim3A_7 = vector.broadcast %broadcast_in_dim3A : f32 to vector<16xf32>
    %scan3A = arith.constant 0 : i32
    %scan3A_8 = arith.constant 0 : i32
    %scan3A_9 = arith.constant 1920 : i32
    %scan3A_10 = arith.addi %scan3A_8, %scan3A_9 : i32
    %scan3A_11 = arith.constant 1 : i32
    %scan3A_12 = scf.for %scan3A_21 = %scan3A_8 to %scan3A_10 step %scan3A_11 iter_args(%scan3A_22 = %scan3A) -> (i32)  : i32 {
      %mul3A_23 = arith.constant 16 : i32
      %mul3A_24 = arith.muli %scan3A_21, %mul3A_23 : i32
      %swap3A = arith.index_cast %mul3A_24 : i32 to index
      %swap3A_25 = tpu.vector_load %arg8[%swap3A] {strides = array<i32>} : memref<30720xf32, #tpu.memory_space<vmem>>, vector<16xf32>,
      tpu.vector_store %arg8[%swap3A], %broadcast_in_dim3A_7 {strides = array<i32>} : memref<30720xf32, #tpu.memory_space<vmem>>, vector<16xf32>,
      %scan3A_26 = arith.constant 0 : i32
      scf.yield %scan3A_26 : i32
    }
    %scan3A_13 = arith.constant 1920 : i32
    %scan3A_14 = arith.constant 0 : i32
    %scan3A_15 = arith.constant 0 : i32
    %scan3A_16 = arith.constant 325 : i32
    %scan3A_17 = arith.addi %scan3A_15, %scan3A_16 : i32
    %scan3A_18 = arith.constant 1 : i32
    %scan3A_19 = scf.for %scan3A_21 = %scan3A_15 to %scan3A_17 step %scan3A_18 iter_args(%scan3A_22 = %scan3A_14) -> (i32)  : i32 {
      %mul3A_23 = arith.constant 16 : i32
      %mul3A_24 = arith.muli %scan3A_21, %mul3A_23 : i32
      %get3A = arith.index_cast %mul3A_24 : i32 to index
      %get3A_25 = tpu.vector_load %arg9[%get3A] {strides = array<i32>} : memref<5200xi32, #tpu.memory_space<vmem>>, vector<16xi32>,
      %mul3A_26 = arith.constant 3 : i32
      %mul3A_27 = vector.broadcast %mul3A_26 : i32 to vector<16xi32>
      %mul3A_28 = arith.muli %get3A_25, %mul3A_27 : vector<16xi32>
      %get3A_29 = arith.index_cast %mul3A_24 : i32 to index
      %get3A_30 = tpu.vector_load %arg10[%get3A_29] {strides = array<i32>} : memref<5200xi32, #tpu.memory_space<vmem>>, vector<16xi32>,
      %mul3A_31 = arith.constant 3 : i32
      %mul3A_32 = vector.broadcast %mul3A_31 : i32 to vector<16xi32>
      %mul3A_33 = arith.muli %get3A_30, %mul3A_32 : vector<16xi32>
      %get3A_34 = arith.index_cast %mul3A_24 : i32 to index
      %get3A_35 = tpu.vector_load %arg11[%get3A_34] {strides = array<i32>} : memref<5200xf32, #tpu.memory_space<vmem>>, vector<16xf32>,
      %gather3A = tpu.vector_load_idx %arg7[%mul3A_28] : memref<30000xf32, #tpu.memory_space<vmem>>[vector<16xi32>], vector<16xf32>,
      %gather3A_36 = tpu.vector_load_idx %arg7[%mul3A_33] : memref<30000xf32, #tpu.memory_space<vmem>>[vector<16xi32>], vector<16xf32>,
      %sub3A = arith.subf %gather3A, %gather3A_36 : vector<16xf32>
      %add3A_37 = arith.constant 1 : i32
      %add3A_38 = vector.broadcast %add3A_37 : i32 to vector<16xi32>
      %add3A_39 = arith.addi %mul3A_28, %add3A_38 : vector<16xi32>
      %gather3A_40 = tpu.vector_load_idx %arg7[%add3A_39] : memref<30000xf32, #tpu.memory_space<vmem>>[vector<16xi32>], vector<16xf32>,
      %add3A_41 = arith.constant 1 : i32
      %add3A_42 = vector.broadcast %add3A_41 : i32 to vector<16xi32>
      %add3A_43 = arith.addi %mul3A_33, %add3A_42 : vector<16xi32>
      %gather3A_44 = tpu.vector_load_idx %arg7[%add3A_43] : memref<30000xf32, #tpu.memory_space<vmem>>[vector<16xi32>], vector<16xf32>,
      %sub3A_45 = arith.subf %gather3A_40, %gather3A_44 : vector<16xf32>
      %add3A_46 = arith.constant 2 : i32
      %add3A_47 = vector.broadcast %add3A_46 : i32 to vector<16xi32>
      %add3A_48 = arith.addi %mul3A_28, %add3A_47 : vector<16xi32>
      %gather3A_49 = tpu.vector_load_idx %arg7[%add3A_48] : memref<30000xf32, #tpu.memory_space<vmem>>[vector<16xi32>], vector<16xf32>,
      %add3A_50 = arith.constant 2 : i32
      %add3A_51 = vector.broadcast %add3A_50 : i32 to vector<16xi32>
      %add3A_52 = arith.addi %mul3A_33, %add3A_51 : vector<16xi32>
      %gather3A_53 = tpu.vector_load_idx %arg7[%add3A_52] : memref<30000xf32, #tpu.memory_space<vmem>>[vector<16xi32>], vector<16xf32>,
      %sub3A_54 = arith.subf %gather3A_49, %gather3A_53 : vector<16xf32>
      %mul3A_55 = arith.mulf %sub3A, %sub3A : vector<16xf32>
      %mul3A_56 = arith.mulf %sub3A_45, %sub3A_45 : vector<16xf32>
      %add3A_57 = arith.addf %mul3A_55, %mul3A_56 : vector<16xf32>
      %mul3A_58 = arith.mulf %sub3A_54, %sub3A_54 : vector<16xf32>
      %add3A_59 = arith.addf %add3A_57, %mul3A_58 : vector<16xf32>
      %max3A = arith.constant 1.000000e-30 : f32
      %max3A_60 = vector.broadcast %max3A : f32 to vector<16xf32>
      %max3A_61 = arith.maximumf %add3A_59, %max3A_60 : vector<16xf32>
      %bitcast3A = vector.bitcast %max3A_61 : vector<16xf32> to vector<16xi32>
      %shift_right_arithmetic3A = arith.constant 1 : i32
      %shift_right_arithmetic3A_62 = vector.broadcast %shift_right_arithmetic3A : i32 to vector<16xi32>
      %shift_right_arithmetic3A_63 = arith.shrsi %bitcast3A, %shift_right_arithmetic3A_62 : vector<16xi32>
      %sub3A_64 = arith.constant 1597463007 : i32
      %sub3A_65 = vector.broadcast %sub3A_64 : i32 to vector<16xi32>
      %sub3A_66 = arith.subi %sub3A_65, %shift_right_arithmetic3A_63 : vector<16xi32>
      %bitcast3A_67 = vector.bitcast %sub3A_66 : vector<16xi32> to vector<16xf32>
      %mul3A_68 = arith.constant 5.000000e-01 : f32
      %mul3A_69 = vector.broadcast %mul3A_68 : f32 to vector<16xf32>
      %mul3A_70 = arith.mulf %mul3A_69, %max3A_61 : vector<16xf32>
      %mul3A_71 = arith.mulf %mul3A_70, %bitcast3A_67 : vector<16xf32>
      %mul3A_72 = arith.mulf %mul3A_71, %bitcast3A_67 : vector<16xf32>
      %sub3A_73 = arith.constant 1.500000e+00 : f32
      %sub3A_74 = vector.broadcast %sub3A_73 : f32 to vector<16xf32>
      %sub3A_75 = arith.subf %sub3A_74, %mul3A_72 : vector<16xf32>
      %mul3A_76 = arith.mulf %bitcast3A_67, %sub3A_75 : vector<16xf32>
      %mul3A_77 = arith.constant 5.000000e-01 : f32
      %mul3A_78 = vector.broadcast %mul3A_77 : f32 to vector<16xf32>
      %mul3A_79 = arith.mulf %mul3A_78, %max3A_61 : vector<16xf32>
      %mul3A_80 = arith.mulf %mul3A_79, %mul3A_76 : vector<16xf32>
      %mul3A_81 = arith.mulf %mul3A_80, %mul3A_76 : vector<16xf32>
      %sub3A_82 = arith.constant 1.500000e+00 : f32
      %sub3A_83 = vector.broadcast %sub3A_82 : f32 to vector<16xf32>
      %sub3A_84 = arith.subf %sub3A_83, %mul3A_81 : vector<16xf32>
      %mul3A_85 = arith.mulf %mul3A_76, %sub3A_84 : vector<16xf32>
      %mul3A_86 = arith.constant 5.000000e-01 : f32
      %mul3A_87 = vector.broadcast %mul3A_86 : f32 to vector<16xf32>
      %mul3A_88 = arith.mulf %mul3A_87, %max3A_61 : vector<16xf32>
      %mul3A_89 = arith.mulf %mul3A_88, %mul3A_85 : vector<16xf32>
      %mul3A_90 = arith.mulf %mul3A_89, %mul3A_85 : vector<16xf32>
      %sub3A_91 = arith.constant 1.500000e+00 : f32
      %sub3A_92 = vector.broadcast %sub3A_91 : f32 to vector<16xf32>
      %sub3A_93 = arith.subf %sub3A_92, %mul3A_90 : vector<16xf32>
      %mul3A_94 = arith.mulf %mul3A_85, %sub3A_93 : vector<16xf32>
      %mul3A_95 = arith.mulf %max3A_61, %mul3A_94 : vector<16xf32>
      %max3A_96 = arith.constant 9.99999993E-9 : f32
      %max3A_97 = vector.broadcast %max3A_96 : f32 to vector<16xf32>
      %max3A_98 = arith.maximumf %mul3A_95, %max3A_97 : vector<16xf32>
      %div3A = arith.divf %get3A_35, %max3A_98 : vector<16xf32>
      %mul3A_99 = arith.mulf %sub3A, %div3A : vector<16xf32>
      tpu.vector_store_idx %arg8[%mul3A_28], %mul3A_99 {add = true} : memref<30720xf32, #tpu.memory_space<vmem>>[vector<16xi32>], vector<16xf32>,
      %add3A_100 = arith.constant 1 : i32
      %add3A_101 = vector.broadcast %add3A_100 : i32 to vector<16xi32>
      %add3A_102 = arith.addi %mul3A_28, %add3A_101 : vector<16xi32>
      %mul3A_103 = arith.mulf %sub3A_45, %div3A : vector<16xf32>
      tpu.vector_store_idx %arg8[%add3A_102], %mul3A_103 {add = true} : memref<30720xf32, #tpu.memory_space<vmem>>[vector<16xi32>], vector<16xf32>,
      %add3A_104 = arith.constant 2 : i32
      %add3A_105 = vector.broadcast %add3A_104 : i32 to vector<16xi32>
      %add3A_106 = arith.addi %mul3A_28, %add3A_105 : vector<16xi32>
      %mul3A_107 = arith.mulf %sub3A_54, %div3A : vector<16xf32>
      tpu.vector_store_idx %arg8[%add3A_106], %mul3A_107 {add = true} : memref<30720xf32, #tpu.memory_space<vmem>>[vector<16xi32>], vector<16xf32>,
      %scan3A_108 = arith.constant 0 : i32
      scf.yield %scan3A_108 : i32
    }
    %scan3A_20 = arith.constant 325 : i32
    "tpu.region"() ({
      %run_scoped3A = tpu.sem_alloc : memref<!tpu.dma_semaphore, #tpu.memory_space<semaphore_mem>>
      %dma_start3A = arith.constant 0 : i32
      %dma_start3A_21 = tpu.memref_slice %arg6[%add3A, %dma_start3A] : memref<32x30720xf32, #tpu.memory_space<hbm>> -> memref<1x30720xf32, #tpu.memory_space<hbm>>
      %dma_start3A_22 = tpu.memref_squeeze %dma_start3A_21 : memref<1x30720xf32, #tpu.memory_space<hbm>> -> memref<30720xf32, #tpu.memory_space<hbm>>
      %dma_start3A_23 = arith.constant 0 : i32
      %dma_start3A_24 = tpu.memref_slice %arg6[%add3A, %dma_start3A_23] : memref<32x30720xf32, #tpu.memory_space<hbm>> -> memref<1x30720xf32, #tpu.memory_space<hbm>>
      %dma_start3A_25 = tpu.memref_squeeze %dma_start3A_24 : memref<1x30720xf32, #tpu.memory_space<hbm>> -> memref<30720xf32, #tpu.memory_space<hbm>>
      tpu.enqueue_dma source(%arg8 : memref<30720xf32, #tpu.memory_space<vmem>>) target(%dma_start3A_25 : memref<30720xf32, #tpu.memory_space<hbm>>) target_semaphore(%run_scoped3A : memref<!tpu.dma_semaphore, #tpu.memory_space<semaphore_mem>>)
      %dma_wait3A = arith.constant 0 : i32
      %dma_wait3A_26 = tpu.memref_slice %arg6[%add3A, %dma_wait3A] : memref<32x30720xf32, #tpu.memory_space<hbm>> -> memref<1x30720xf32, #tpu.memory_space<hbm>>
      %dma_wait3A_27 = tpu.memref_squeeze %dma_wait3A_26 : memref<1x30720xf32, #tpu.memory_space<hbm>> -> memref<30720xf32, #tpu.memory_space<hbm>>
      %dma_wait3A_28 = arith.constant 0 : i32
      %dma_wait3A_29 = tpu.memref_slice %arg6[%add3A, %dma_wait3A_28] : memref<32x30720xf32, #tpu.memory_space<hbm>> -> memref<1x30720xf32, #tpu.memory_space<hbm>>
      %dma_wait3A_30 = tpu.memref_squeeze %dma_wait3A_29 : memref<1x30720xf32, #tpu.memory_space<hbm>> -> memref<30720xf32, #tpu.memory_space<hbm>>
      tpu.wait_dma2 semaphore(%run_scoped3A : memref<!tpu.dma_semaphore, #tpu.memory_space<semaphore_mem>>) src(%arg8 : memref<30720xf32, #tpu.memory_space<vmem>>) dst(%dma_wait3A_30 : memref<30720xf32, #tpu.memory_space<hbm>>)
      tpu.yield
    }) : () -> ()
    return
  }
}

#map = affine_map<(d0, d1) -> (0, 0)>
#map1 = affine_map<(d0, d1) -> (0)>
module attributes {stable_mosaic.version = 14 : i64} {
  func.func @gk(%arg0: i32, %arg1: i32, %arg2: memref<10000x128xf32, #tpu.memory_space<hbm>>, %arg3: memref<10000x128xf32, #tpu.memory_space<hbm>>, %arg4: memref<320000xi32, #tpu.memory_space<hbm>>, %arg5: memref<320000xi32, #tpu.memory_space<hbm>>, %arg6: memref<153600x128xf32, #tpu.memory_space<hbm>>, %arg7: memref<4800xi32, #tpu.memory_space<vmem>>, %arg8: memref<4800xi32, #tpu.memory_space<vmem>>, %arg9: memref<40x128xf32, #tpu.memory_space<vmem>>, %arg10: memref<40x128xf32, #tpu.memory_space<vmem>>, %arg11: memref<40x128xf32, #tpu.memory_space<vmem>>, %arg12: memref<40x128xf32, #tpu.memory_space<vmem>>, %arg13: memref<40x128xf32, #tpu.memory_space<vmem>>, %arg14: memref<40x128xf32, #tpu.memory_space<vmem>>, %arg15: memref<40x128xf32, #tpu.memory_space<vmem>>, %arg16: memref<40x128xf32, #tpu.memory_space<vmem>>, %arg17: memref<40x128xf32, #tpu.memory_space<vmem>>, %arg18: memref<40x128xf32, #tpu.memory_space<vmem>>, %arg19: memref<!tpu.dma_semaphore, #tpu.memory_space<semaphore_mem>>, %arg20: memref<!tpu.dma_semaphore, #tpu.memory_space<semaphore_mem>>, %arg21: memref<!tpu.dma_semaphore, #tpu.memory_space<semaphore_mem>>, %arg22: memref<!tpu.dma_semaphore, #tpu.memory_space<semaphore_mem>>, %arg23: memref<!tpu.dma_semaphore, #tpu.memory_space<semaphore_mem>>, %arg24: memref<!tpu.dma_semaphore, #tpu.memory_space<semaphore_mem>>, %arg25: memref<!tpu.dma_semaphore, #tpu.memory_space<semaphore_mem>>, %arg26: memref<!tpu.dma_semaphore, #tpu.memory_space<semaphore_mem>>, %arg27: memref<!tpu.dma_semaphore, #tpu.memory_space<semaphore_mem>>, %arg28: memref<!tpu.dma_semaphore, #tpu.memory_space<semaphore_mem>>) attributes {dimension_semantics = [#tpu.dimension_semantics<core_parallel>, #tpu.dimension_semantics<subcore_parallel>], iteration_bounds = array<i64: 2, 16>, scalar_prefetch = 0 : i64, scratch_operands = 22 : i64, tpu.core_type = #tpu.core_type<sc_vector_subcore>, window_params = [{transform_indices = #map}, {transform_indices = #map}, {transform_indices = #map1}, {transform_indices = #map1}, {transform_indices = #map}]} {
    %mul3A = arith.constant 2 : i32
    %mul3A_0 = arith.muli %arg1, %mul3A : i32
    %add3A = arith.addi %mul3A_0, %arg0 : i32
    %mul3A_1 = arith.constant 4800 : i32
    %mul3A_2 = arith.muli %add3A, %mul3A_1 : i32
    %add3A_3 = arith.constant 166400 : i32
    %add3A_4 = arith.addi %add3A_3, %mul3A_2 : i32
    "tpu.region"() ({
      %run_scoped3A = tpu.sem_alloc : memref<!tpu.dma_semaphore, #tpu.memory_space<semaphore_mem>>
      %dma_start3A_41 = tpu.memref_slice %arg4[%add3A_4] : memref<320000xi32, #tpu.memory_space<hbm>> -> memref<4800xi32, #tpu.memory_space<hbm>>
      %dma_start3A_42 = tpu.memref_slice %arg4[%add3A_4] : memref<320000xi32, #tpu.memory_space<hbm>> -> memref<4800xi32, #tpu.memory_space<hbm>>
      tpu.enqueue_dma source(%dma_start3A_42 : memref<4800xi32, #tpu.memory_space<hbm>>) target(%arg7 : memref<4800xi32, #tpu.memory_space<vmem>>) target_semaphore(%run_scoped3A : memref<!tpu.dma_semaphore, #tpu.memory_space<semaphore_mem>>)
      %dma_wait3A_43 = tpu.memref_slice %arg4[%add3A_4] : memref<320000xi32, #tpu.memory_space<hbm>> -> memref<4800xi32, #tpu.memory_space<hbm>>
      %dma_wait3A_44 = tpu.memref_slice %arg4[%add3A_4] : memref<320000xi32, #tpu.memory_space<hbm>> -> memref<4800xi32, #tpu.memory_space<hbm>>
      tpu.wait_dma2 semaphore(%run_scoped3A : memref<!tpu.dma_semaphore, #tpu.memory_space<semaphore_mem>>) src(%dma_wait3A_44 : memref<4800xi32, #tpu.memory_space<hbm>>) dst(%arg7 : memref<4800xi32, #tpu.memory_space<vmem>>)
      tpu.yield
    }) : () -> ()
    %add3A_5 = arith.constant 166400 : i32
    %add3A_6 = arith.addi %add3A_5, %mul3A_2 : i32
    "tpu.region"() ({
      %run_scoped3A = tpu.sem_alloc : memref<!tpu.dma_semaphore, #tpu.memory_space<semaphore_mem>>
      %dma_start3A_41 = tpu.memref_slice %arg5[%add3A_6] : memref<320000xi32, #tpu.memory_space<hbm>> -> memref<4800xi32, #tpu.memory_space<hbm>>
      %dma_start3A_42 = tpu.memref_slice %arg5[%add3A_6] : memref<320000xi32, #tpu.memory_space<hbm>> -> memref<4800xi32, #tpu.memory_space<hbm>>
      tpu.enqueue_dma source(%dma_start3A_42 : memref<4800xi32, #tpu.memory_space<hbm>>) target(%arg8 : memref<4800xi32, #tpu.memory_space<vmem>>) target_semaphore(%run_scoped3A : memref<!tpu.dma_semaphore, #tpu.memory_space<semaphore_mem>>)
      %dma_wait3A_43 = tpu.memref_slice %arg5[%add3A_6] : memref<320000xi32, #tpu.memory_space<hbm>> -> memref<4800xi32, #tpu.memory_space<hbm>>
      %dma_wait3A_44 = tpu.memref_slice %arg5[%add3A_6] : memref<320000xi32, #tpu.memory_space<hbm>> -> memref<4800xi32, #tpu.memory_space<hbm>>
      tpu.wait_dma2 semaphore(%run_scoped3A : memref<!tpu.dma_semaphore, #tpu.memory_space<semaphore_mem>>) src(%dma_wait3A_44 : memref<4800xi32, #tpu.memory_space<hbm>>) dst(%arg8 : memref<4800xi32, #tpu.memory_space<vmem>>)
      tpu.yield
    }) : () -> ()
    %dma_start3A = arith.constant 0 : i32
    %dma_start3A_7 = tpu.memref_slice %arg7[%dma_start3A] : memref<4800xi32, #tpu.memory_space<vmem>> -> memref<40xi32, #tpu.memory_space<vmem>>
    %dma_start3A_8 = arith.constant 0 : i32
    %dma_start3A_9 = arith.constant 0 : i32
    %dma_start3A_10 = tpu.memref_slice %arg2[%dma_start3A_8, %dma_start3A_9] : memref<10000x128xf32, #tpu.memory_space<hbm>> -> memref<10000x128xf32, #tpu.memory_space<hbm>>
    tpu.enqueue_indirect_dma source(%dma_start3A_10 : memref<10000x128xf32, #tpu.memory_space<hbm>>) target(%arg9 : memref<40x128xf32, #tpu.memory_space<vmem>>) offsets(%dma_start3A_7 : memref<40xi32, #tpu.memory_space<vmem>>) semaphore(%arg19 : memref<!tpu.dma_semaphore, #tpu.memory_space<semaphore_mem>>)
    %dma_start3A_11 = arith.constant 0 : i32
    %dma_start3A_12 = tpu.memref_slice %arg8[%dma_start3A_11] : memref<4800xi32, #tpu.memory_space<vmem>> -> memref<40xi32, #tpu.memory_space<vmem>>
    %dma_start3A_13 = arith.constant 0 : i32
    %dma_start3A_14 = arith.constant 0 : i32
    %dma_start3A_15 = tpu.memref_slice %arg3[%dma_start3A_13, %dma_start3A_14] : memref<10000x128xf32, #tpu.memory_space<hbm>> -> memref<10000x128xf32, #tpu.memory_space<hbm>>
    tpu.enqueue_indirect_dma source(%dma_start3A_15 : memref<10000x128xf32, #tpu.memory_space<hbm>>) target(%arg14 : memref<40x128xf32, #tpu.memory_space<vmem>>) offsets(%dma_start3A_12 : memref<40xi32, #tpu.memory_space<vmem>>) semaphore(%arg19 : memref<!tpu.dma_semaphore, #tpu.memory_space<semaphore_mem>>)
    %scan3A = arith.constant 0 : i32
    %scan3A_16 = arith.constant 0 : i32
    %scan3A_17 = arith.constant 24 : i32
    %scan3A_18 = arith.addi %scan3A_16, %scan3A_17 : i32
    %scan3A_19 = arith.constant 1 : i32
    %scan3A_20 = scf.for %scan3A_41 = %scan3A_16 to %scan3A_18 step %scan3A_19 iter_args(%scan3A_42 = %scan3A) -> (i32)  : i32 {
      %mul3A_43 = arith.constant 5 : i32
      %mul3A_44 = arith.muli %scan3A_41, %mul3A_43 : i32
      %add3A_45 = arith.constant 0 : i32
      %add3A_46 = arith.addi %mul3A_44, %add3A_45 : i32
      %add3A_47 = arith.constant 1 : i32
      %add3A_48 = arith.addi %add3A_46, %add3A_47 : i32
      %lt3A = arith.constant 120 : i32
      %lt3A_49 = arith.cmpi slt, %add3A_48, %lt3A : i32
      %convert_element_type3A = arith.extui %lt3A_49 : i1 to i32
      %cond3A = arith.constant 0 : i32
      %cond3A_50 = arith.cmpi ne, %convert_element_type3A, %cond3A : i32
      scf.if %cond3A_50 {
        %add3A_216 = arith.constant 1 : i32
        %add3A_217 = arith.addi %add3A_46, %add3A_216 : i32
        %ge3A = arith.constant 5 : i32
        %ge3A_218 = arith.cmpi sge, %add3A_217, %ge3A : i32
        %convert_element_type3A_219 = arith.extui %ge3A_218 : i1 to i32
        %cond3A_220 = arith.constant 0 : i32
        %cond3A_221 = arith.cmpi ne, %convert_element_type3A_219, %cond3A_220 : i32
        scf.if %cond3A_221 {
          %dma_wait3A_234 = arith.constant 0 : i32
          %dma_wait3A_235 = tpu.memref_slice %arg6[%mul3A_2, %dma_wait3A_234] : memref<153600x128xf32, #tpu.memory_space<hbm>> -> memref<40x128xf32, #tpu.memory_space<hbm>>
          %dma_wait3A_236 = arith.constant 0 : i32
          %dma_wait3A_237 = tpu.memref_slice %arg6[%mul3A_2, %dma_wait3A_236] : memref<153600x128xf32, #tpu.memory_space<hbm>> -> memref<40x128xf32, #tpu.memory_space<hbm>>
          tpu.wait_dma2 semaphore(%arg25 : memref<!tpu.dma_semaphore, #tpu.memory_space<semaphore_mem>>) src(%arg10 : memref<40x128xf32, #tpu.memory_space<vmem>>) dst(%dma_wait3A_237 : memref<40x128xf32, #tpu.memory_space<hbm>>)
        } else {
        }
        %add3A_222 = arith.constant 1 : i32
        %add3A_223 = arith.addi %add3A_46, %add3A_222 : i32
        %mul3A_224 = arith.constant 40 : i32
        %mul3A_225 = arith.muli %add3A_223, %mul3A_224 : i32
        %dma_start3A_226 = tpu.memref_slice %arg7[%mul3A_225] : memref<4800xi32, #tpu.memory_space<vmem>> -> memref<40xi32, #tpu.memory_space<vmem>>
        %dma_start3A_227 = arith.constant 0 : i32
        %dma_start3A_228 = arith.constant 0 : i32
        %dma_start3A_229 = tpu.memref_slice %arg2[%dma_start3A_227, %dma_start3A_228] : memref<10000x128xf32, #tpu.memory_space<hbm>> -> memref<10000x128xf32, #tpu.memory_space<hbm>>
        tpu.enqueue_indirect_dma source(%dma_start3A_229 : memref<10000x128xf32, #tpu.memory_space<hbm>>) target(%arg10 : memref<40x128xf32, #tpu.memory_space<vmem>>) offsets(%dma_start3A_226 : memref<40xi32, #tpu.memory_space<vmem>>) semaphore(%arg20 : memref<!tpu.dma_semaphore, #tpu.memory_space<semaphore_mem>>)
        %dma_start3A_230 = tpu.memref_slice %arg8[%mul3A_225] : memref<4800xi32, #tpu.memory_space<vmem>> -> memref<40xi32, #tpu.memory_space<vmem>>
        %dma_start3A_231 = arith.constant 0 : i32
        %dma_start3A_232 = arith.constant 0 : i32
        %dma_start3A_233 = tpu.memref_slice %arg3[%dma_start3A_231, %dma_start3A_232] : memref<10000x128xf32, #tpu.memory_space<hbm>> -> memref<10000x128xf32, #tpu.memory_space<hbm>>
        tpu.enqueue_indirect_dma source(%dma_start3A_233 : memref<10000x128xf32, #tpu.memory_space<hbm>>) target(%arg15 : memref<40x128xf32, #tpu.memory_space<vmem>>) offsets(%dma_start3A_230 : memref<40xi32, #tpu.memory_space<vmem>>) semaphore(%arg20 : memref<!tpu.dma_semaphore, #tpu.memory_space<semaphore_mem>>)
      } else {
      }
      %dma_wait3A_51 = arith.constant 0 : i32
      %dma_wait3A_52 = tpu.memref_slice %arg7[%dma_wait3A_51] : memref<4800xi32, #tpu.memory_space<vmem>> -> memref<40xi32, #tpu.memory_space<vmem>>
      %dma_wait3A_53 = arith.constant 0 : i32
      %dma_wait3A_54 = arith.constant 0 : i32
      %dma_wait3A_55 = tpu.memref_slice %arg2[%dma_wait3A_53, %dma_wait3A_54] : memref<10000x128xf32, #tpu.memory_space<hbm>> -> memref<10000x128xf32, #tpu.memory_space<hbm>>
      tpu.wait_indirect_dma semaphore(%arg19 : memref<!tpu.dma_semaphore, #tpu.memory_space<semaphore_mem>>) src(%dma_wait3A_55 : memref<10000x128xf32, #tpu.memory_space<hbm>>) dst(%arg9 : memref<40x128xf32, #tpu.memory_space<vmem>>)
      %dma_wait3A_56 = arith.constant 0 : i32
      %dma_wait3A_57 = tpu.memref_slice %arg8[%dma_wait3A_56] : memref<4800xi32, #tpu.memory_space<vmem>> -> memref<40xi32, #tpu.memory_space<vmem>>
      %dma_wait3A_58 = arith.constant 0 : i32
      %dma_wait3A_59 = arith.constant 0 : i32
      %dma_wait3A_60 = tpu.memref_slice %arg3[%dma_wait3A_58, %dma_wait3A_59] : memref<10000x128xf32, #tpu.memory_space<hbm>> -> memref<10000x128xf32, #tpu.memory_space<hbm>>
      tpu.wait_indirect_dma semaphore(%arg19 : memref<!tpu.dma_semaphore, #tpu.memory_space<semaphore_mem>>) src(%dma_wait3A_60 : memref<10000x128xf32, #tpu.memory_space<hbm>>) dst(%arg14 : memref<40x128xf32, #tpu.memory_space<vmem>>)
      %scan3A_61 = arith.constant 0 : i32
      %scan3A_62 = arith.constant 0 : i32
      %scan3A_63 = arith.constant 40 : i32
      %scan3A_64 = arith.addi %scan3A_62, %scan3A_63 : i32
      %scan3A_65 = arith.constant 1 : i32
      %scan3A_66 = scf.for %scan3A_216 = %scan3A_62 to %scan3A_64 step %scan3A_65 iter_args(%scan3A_217 = %scan3A_61) -> (i32)  : i32 {
        %get3A = arith.index_cast %scan3A_216 : i32 to index
        %get3A_218 = arith.constant 0 : index
        %get3A_219 = tpu.vector_load %arg9[%get3A, %get3A_218] {strides = array<i32>} : memref<40x128xf32, #tpu.memory_space<vmem>>, vector<1x16xf32>,
        %get3A_220 = vector.shape_cast %get3A_219 : vector<1x16xf32> to vector<16xf32>
        %get3A_221 = arith.index_cast %scan3A_216 : i32 to index
        %get3A_222 = arith.constant 0 : index
        %get3A_223 = tpu.vector_load %arg14[%get3A_221, %get3A_222] {strides = array<i32>} : memref<40x128xf32, #tpu.memory_space<vmem>>, vector<1x16xf32>,
        %get3A_224 = vector.shape_cast %get3A_223 : vector<1x16xf32> to vector<16xf32>
        %add3A_225 = arith.addf %get3A_220, %get3A_224 : vector<16xf32>
        %swap3A = arith.index_cast %scan3A_216 : i32 to index
        %swap3A_226 = arith.constant 0 : index
        %swap3A_227 = tpu.vector_load %arg9[%swap3A, %swap3A_226] {strides = array<i32>} : memref<40x128xf32, #tpu.memory_space<vmem>>, vector<1x16xf32>,
        %swap3A_228 = vector.shape_cast %swap3A_227 : vector<1x16xf32> to vector<16xf32>
        %swap3A_229 = vector.shape_cast %add3A_225 : vector<16xf32> to vector<1x16xf32>
        tpu.vector_store %arg9[%swap3A, %swap3A_226], %swap3A_229 {strides = array<i32>} : memref<40x128xf32, #tpu.memory_space<vmem>>, vector<1x16xf32>,
        %get3A_230 = arith.index_cast %scan3A_216 : i32 to index
        %get3A_231 = arith.constant 16 : index
        %get3A_232 = tpu.vector_load %arg9[%get3A_230, %get3A_231] {strides = array<i32>} : memref<40x128xf32, #tpu.memory_space<vmem>>, vector<1x16xf32>,
        %get3A_233 = vector.shape_cast %get3A_232 : vector<1x16xf32> to vector<16xf32>
        %get3A_234 = arith.index_cast %scan3A_216 : i32 to index
        %get3A_235 = arith.constant 16 : index
        %get3A_236 = tpu.vector_load %arg14[%get3A_234, %get3A_235] {strides = array<i32>} : memref<40x128xf32, #tpu.memory_space<vmem>>, vector<1x16xf32>,
        %get3A_237 = vector.shape_cast %get3A_236 : vector<1x16xf32> to vector<16xf32>
        %add3A_238 = arith.addf %get3A_233, %get3A_237 : vector<16xf32>
        %swap3A_239 = arith.index_cast %scan3A_216 : i32 to index
        %swap3A_240 = arith.constant 16 : index
        %swap3A_241 = tpu.vector_load %arg9[%swap3A_239, %swap3A_240] {strides = array<i32>} : memref<40x128xf32, #tpu.memory_space<vmem>>, vector<1x16xf32>,
        %swap3A_242 = vector.shape_cast %swap3A_241 : vector<1x16xf32> to vector<16xf32>
        %swap3A_243 = vector.shape_cast %add3A_238 : vector<16xf32> to vector<1x16xf32>
        tpu.vector_store %arg9[%swap3A_239, %swap3A_240], %swap3A_243 {strides = array<i32>} : memref<40x128xf32, #tpu.memory_space<vmem>>, vector<1x16xf32>,
        %get3A_244 = arith.index_cast %scan3A_216 : i32 to index
        %get3A_245 = arith.constant 32 : index
        %get3A_246 = tpu.vector_load %arg9[%get3A_244, %get3A_245] {strides = array<i32>} : memref<40x128xf32, #tpu.memory_space<vmem>>, vector<1x16xf32>,
        %get3A_247 = vector.shape_cast %get3A_246 : vector<1x16xf32> to vector<16xf32>
        %get3A_248 = arith.index_cast %scan3A_216 : i32 to index
        %get3A_249 = arith.constant 32 : index
        %get3A_250 = tpu.vector_load %arg14[%get3A_248, %get3A_249] {strides = array<i32>} : memref<40x128xf32, #tpu.memory_space<vmem>>, vector<1x16xf32>,
        %get3A_251 = vector.shape_cast %get3A_250 : vector<1x16xf32> to vector<16xf32>
        %add3A_252 = arith.addf %get3A_247, %get3A_251 : vector<16xf32>
        %swap3A_253 = arith.index_cast %scan3A_216 : i32 to index
        %swap3A_254 = arith.constant 32 : index
        %swap3A_255 = tpu.vector_load %arg9[%swap3A_253, %swap3A_254] {strides = array<i32>} : memref<40x128xf32, #tpu.memory_space<vmem>>, vector<1x16xf32>,
        %swap3A_256 = vector.shape_cast %swap3A_255 : vector<1x16xf32> to vector<16xf32>
        %swap3A_257 = vector.shape_cast %add3A_252 : vector<16xf32> to vector<1x16xf32>
        tpu.vector_store %arg9[%swap3A_253, %swap3A_254], %swap3A_257 {strides = array<i32>} : memref<40x128xf32, #tpu.memory_space<vmem>>, vector<1x16xf32>,
        %get3A_258 = arith.index_cast %scan3A_216 : i32 to index
        %get3A_259 = arith.constant 48 : index
        %get3A_260 = tpu.vector_load %arg9[%get3A_258, %get3A_259] {strides = array<i32>} : memref<40x128xf32, #tpu.memory_space<vmem>>, vector<1x16xf32>,
        %get3A_261 = vector.shape_cast %get3A_260 : vector<1x16xf32> to vector<16xf32>
        %get3A_262 = arith.index_cast %scan3A_216 : i32 to index
        %get3A_263 = arith.constant 48 : index
        %get3A_264 = tpu.vector_load %arg14[%get3A_262, %get3A_263] {strides = array<i32>} : memref<40x128xf32, #tpu.memory_space<vmem>>, vector<1x16xf32>,
        %get3A_265 = vector.shape_cast %get3A_264 : vector<1x16xf32> to vector<16xf32>
        %add3A_266 = arith.addf %get3A_261, %get3A_265 : vector<16xf32>
        %swap3A_267 = arith.index_cast %scan3A_216 : i32 to index
        %swap3A_268 = arith.constant 48 : index
        %swap3A_269 = tpu.vector_load %arg9[%swap3A_267, %swap3A_268] {strides = array<i32>} : memref<40x128xf32, #tpu.memory_space<vmem>>, vector<1x16xf32>,
        %swap3A_270 = vector.shape_cast %swap3A_269 : vector<1x16xf32> to vector<16xf32>
        %swap3A_271 = vector.shape_cast %add3A_266 : vector<16xf32> to vector<1x16xf32>
        tpu.vector_store %arg9[%swap3A_267, %swap3A_268], %swap3A_271 {strides = array<i32>} : memref<40x128xf32, #tpu.memory_space<vmem>>, vector<1x16xf32>,
        %get3A_272 = arith.index_cast %scan3A_216 : i32 to index
        %get3A_273 = arith.constant 64 : index
        %get3A_274 = tpu.vector_load %arg9[%get3A_272, %get3A_273] {strides = array<i32>} : memref<40x128xf32, #tpu.memory_space<vmem>>, vector<1x16xf32>,
        %get3A_275 = vector.shape_cast %get3A_274 : vector<1x16xf32> to vector<16xf32>
        %get3A_276 = arith.index_cast %scan3A_216 : i32 to index
        %get3A_277 = arith.constant 64 : index
        %get3A_278 = tpu.vector_load %arg14[%get3A_276, %get3A_277] {strides = array<i32>} : memref<40x128xf32, #tpu.memory_space<vmem>>, vector<1x16xf32>,
        %get3A_279 = vector.shape_cast %get3A_278 : vector<1x16xf32> to vector<16xf32>
        %add3A_280 = arith.addf %get3A_275, %get3A_279 : vector<16xf32>
        %swap3A_281 = arith.index_cast %scan3A_216 : i32 to index
        %swap3A_282 = arith.constant 64 : index
        %swap3A_283 = tpu.vector_load %arg9[%swap3A_281, %swap3A_282] {strides = array<i32>} : memref<40x128xf32, #tpu.memory_space<vmem>>, vector<1x16xf32>,
        %swap3A_284 = vector.shape_cast %swap3A_283 : vector<1x16xf32> to vector<16xf32>
        %swap3A_285 = vector.shape_cast %add3A_280 : vector<16xf32> to vector<1x16xf32>
        tpu.vector_store %arg9[%swap3A_281, %swap3A_282], %swap3A_285 {strides = array<i32>} : memref<40x128xf32, #tpu.memory_space<vmem>>, vector<1x16xf32>,
        %get3A_286 = arith.index_cast %scan3A_216 : i32 to index
        %get3A_287 = arith.constant 80 : index
        %get3A_288 = tpu.vector_load %arg9[%get3A_286, %get3A_287] {strides = array<i32>} : memref<40x128xf32, #tpu.memory_space<vmem>>, vector<1x16xf32>,
        %get3A_289 = vector.shape_cast %get3A_288 : vector<1x16xf32> to vector<16xf32>
        %get3A_290 = arith.index_cast %scan3A_216 : i32 to index
        %get3A_291 = arith.constant 80 : index
        %get3A_292 = tpu.vector_load %arg14[%get3A_290, %get3A_291] {strides = array<i32>} : memref<40x128xf32, #tpu.memory_space<vmem>>, vector<1x16xf32>,
        %get3A_293 = vector.shape_cast %get3A_292 : vector<1x16xf32> to vector<16xf32>
        %add3A_294 = arith.addf %get3A_289, %get3A_293 : vector<16xf32>
        %swap3A_295 = arith.index_cast %scan3A_216 : i32 to index
        %swap3A_296 = arith.constant 80 : index
        %swap3A_297 = tpu.vector_load %arg9[%swap3A_295, %swap3A_296] {strides = array<i32>} : memref<40x128xf32, #tpu.memory_space<vmem>>, vector<1x16xf32>,
        %swap3A_298 = vector.shape_cast %swap3A_297 : vector<1x16xf32> to vector<16xf32>
        %swap3A_299 = vector.shape_cast %add3A_294 : vector<16xf32> to vector<1x16xf32>
        tpu.vector_store %arg9[%swap3A_295, %swap3A_296], %swap3A_299 {strides = array<i32>} : memref<40x128xf32, #tpu.memory_space<vmem>>, vector<1x16xf32>,
        %get3A_300 = arith.index_cast %scan3A_216 : i32 to index
        %get3A_301 = arith.constant 96 : index
        %get3A_302 = tpu.vector_load %arg9[%get3A_300, %get3A_301] {strides = array<i32>} : memref<40x128xf32, #tpu.memory_space<vmem>>, vector<1x16xf32>,
        %get3A_303 = vector.shape_cast %get3A_302 : vector<1x16xf32> to vector<16xf32>
        %get3A_304 = arith.index_cast %scan3A_216 : i32 to index
        %get3A_305 = arith.constant 96 : index
        %get3A_306 = tpu.vector_load %arg14[%get3A_304, %get3A_305] {strides = array<i32>} : memref<40x128xf32, #tpu.memory_space<vmem>>, vector<1x16xf32>,
        %get3A_307 = vector.shape_cast %get3A_306 : vector<1x16xf32> to vector<16xf32>
        %add3A_308 = arith.addf %get3A_303, %get3A_307 : vector<16xf32>
        %swap3A_309 = arith.index_cast %scan3A_216 : i32 to index
        %swap3A_310 = arith.constant 96 : index
        %swap3A_311 = tpu.vector_load %arg9[%swap3A_309, %swap3A_310] {strides = array<i32>} : memref<40x128xf32, #tpu.memory_space<vmem>>, vector<1x16xf32>,
        %swap3A_312 = vector.shape_cast %swap3A_311 : vector<1x16xf32> to vector<16xf32>
        %swap3A_313 = vector.shape_cast %add3A_308 : vector<16xf32> to vector<1x16xf32>
        tpu.vector_store %arg9[%swap3A_309, %swap3A_310], %swap3A_313 {strides = array<i32>} : memref<40x128xf32, #tpu.memory_space<vmem>>, vector<1x16xf32>,
        %get3A_314 = arith.index_cast %scan3A_216 : i32 to index
        %get3A_315 = arith.constant 112 : index
        %get3A_316 = tpu.vector_load %arg9[%get3A_314, %get3A_315] {strides = array<i32>} : memref<40x128xf32, #tpu.memory_space<vmem>>, vector<1x16xf32>,
        %get3A_317 = vector.shape_cast %get3A_316 : vector<1x16xf32> to vector<16xf32>
        %get3A_318 = arith.index_cast %scan3A_216 : i32 to index
        %get3A_319 = arith.constant 112 : index
        %get3A_320 = tpu.vector_load %arg14[%get3A_318, %get3A_319] {strides = array<i32>} : memref<40x128xf32, #tpu.memory_space<vmem>>, vector<1x16xf32>,
        %get3A_321 = vector.shape_cast %get3A_320 : vector<1x16xf32> to vector<16xf32>
        %add3A_322 = arith.addf %get3A_317, %get3A_321 : vector<16xf32>
        %swap3A_323 = arith.index_cast %scan3A_216 : i32 to index
        %swap3A_324 = arith.constant 112 : index
        %swap3A_325 = tpu.vector_load %arg9[%swap3A_323, %swap3A_324] {strides = array<i32>} : memref<40x128xf32, #tpu.memory_space<vmem>>, vector<1x16xf32>,
        %swap3A_326 = vector.shape_cast %swap3A_325 : vector<1x16xf32> to vector<16xf32>
        %swap3A_327 = vector.shape_cast %add3A_322 : vector<16xf32> to vector<1x16xf32>
        tpu.vector_store %arg9[%swap3A_323, %swap3A_324], %swap3A_327 {strides = array<i32>} : memref<40x128xf32, #tpu.memory_space<vmem>>, vector<1x16xf32>,
        %scan3A_328 = arith.constant 0 : i32
        scf.yield %scan3A_328 : i32
      }
      %scan3A_67 = arith.constant 40 : i32
      %mul3A_68 = arith.constant 40 : i32
      %mul3A_69 = arith.muli %add3A_46, %mul3A_68 : i32
      %add3A_70 = arith.addi %mul3A_2, %mul3A_69 : i32
      %dma_start3A_71 = arith.constant 0 : i32
      %dma_start3A_72 = tpu.memref_slice %arg6[%add3A_70, %dma_start3A_71] : memref<153600x128xf32, #tpu.memory_space<hbm>> -> memref<40x128xf32, #tpu.memory_space<hbm>>
      %dma_start3A_73 = arith.constant 0 : i32
      %dma_start3A_74 = tpu.memref_slice %arg6[%add3A_70, %dma_start3A_73] : memref<153600x128xf32, #tpu.memory_space<hbm>> -> memref<40x128xf32, #tpu.memory_space<hbm>>
      tpu.enqueue_dma source(%arg9 : memref<40x128xf32, #tpu.memory_space<vmem>>) target(%dma_start3A_74 : memref<40x128xf32, #tpu.memory_space<hbm>>) target_semaphore(%arg24 : memref<!tpu.dma_semaphore, #tpu.memory_space<semaphore_mem>>)
      %mul3A_75 = arith.constant 5 : i32
      %mul3A_76 = arith.muli %scan3A_41, %mul3A_75 : i32
      %add3A_77 = arith.constant 1 : i32
      %add3A_78 = arith.addi %mul3A_76, %add3A_77 : i32
      %add3A_79 = arith.constant 1 : i32
      %add3A_80 = arith.addi %add3A_78, %add3A_79 : i32
      %lt3A_81 = arith.constant 120 : i32
      %lt3A_82 = arith.cmpi slt, %add3A_80, %lt3A_81 : i32
      %convert_element_type3A_83 = arith.extui %lt3A_82 : i1 to i32
      %cond3A_84 = arith.constant 0 : i32
      %cond3A_85 = arith.cmpi ne, %convert_element_type3A_83, %cond3A_84 : i32
      scf.if %cond3A_85 {
        %add3A_216 = arith.constant 1 : i32
        %add3A_217 = arith.addi %add3A_78, %add3A_216 : i32
        %ge3A = arith.constant 5 : i32
        %ge3A_218 = arith.cmpi sge, %add3A_217, %ge3A : i32
        %convert_element_type3A_219 = arith.extui %ge3A_218 : i1 to i32
        %cond3A_220 = arith.constant 0 : i32
        %cond3A_221 = arith.cmpi ne, %convert_element_type3A_219, %cond3A_220 : i32
        scf.if %cond3A_221 {
          %dma_wait3A_234 = arith.constant 0 : i32
          %dma_wait3A_235 = tpu.memref_slice %arg6[%mul3A_2, %dma_wait3A_234] : memref<153600x128xf32, #tpu.memory_space<hbm>> -> memref<40x128xf32, #tpu.memory_space<hbm>>
          %dma_wait3A_236 = arith.constant 0 : i32
          %dma_wait3A_237 = tpu.memref_slice %arg6[%mul3A_2, %dma_wait3A_236] : memref<153600x128xf32, #tpu.memory_space<hbm>> -> memref<40x128xf32, #tpu.memory_space<hbm>>
          tpu.wait_dma2 semaphore(%arg26 : memref<!tpu.dma_semaphore, #tpu.memory_space<semaphore_mem>>) src(%arg11 : memref<40x128xf32, #tpu.memory_space<vmem>>) dst(%dma_wait3A_237 : memref<40x128xf32, #tpu.memory_space<hbm>>)
        } else {
        }
        %add3A_222 = arith.constant 1 : i32
        %add3A_223 = arith.addi %add3A_78, %add3A_222 : i32
        %mul3A_224 = arith.constant 40 : i32
        %mul3A_225 = arith.muli %add3A_223, %mul3A_224 : i32
        %dma_start3A_226 = tpu.memref_slice %arg7[%mul3A_225] : memref<4800xi32, #tpu.memory_space<vmem>> -> memref<40xi32, #tpu.memory_space<vmem>>
        %dma_start3A_227 = arith.constant 0 : i32
        %dma_start3A_228 = arith.constant 0 : i32
        %dma_start3A_229 = tpu.memref_slice %arg2[%dma_start3A_227, %dma_start3A_228] : memref<10000x128xf32, #tpu.memory_space<hbm>> -> memref<10000x128xf32, #tpu.memory_space<hbm>>
        tpu.enqueue_indirect_dma source(%dma_start3A_229 : memref<10000x128xf32, #tpu.memory_space<hbm>>) target(%arg11 : memref<40x128xf32, #tpu.memory_space<vmem>>) offsets(%dma_start3A_226 : memref<40xi32, #tpu.memory_space<vmem>>) semaphore(%arg21 : memref<!tpu.dma_semaphore, #tpu.memory_space<semaphore_mem>>)
        %dma_start3A_230 = tpu.memref_slice %arg8[%mul3A_225] : memref<4800xi32, #tpu.memory_space<vmem>> -> memref<40xi32, #tpu.memory_space<vmem>>
        %dma_start3A_231 = arith.constant 0 : i32
        %dma_start3A_232 = arith.constant 0 : i32
        %dma_start3A_233 = tpu.memref_slice %arg3[%dma_start3A_231, %dma_start3A_232] : memref<10000x128xf32, #tpu.memory_space<hbm>> -> memref<10000x128xf32, #tpu.memory_space<hbm>>
        tpu.enqueue_indirect_dma source(%dma_start3A_233 : memref<10000x128xf32, #tpu.memory_space<hbm>>) target(%arg16 : memref<40x128xf32, #tpu.memory_space<vmem>>) offsets(%dma_start3A_230 : memref<40xi32, #tpu.memory_space<vmem>>) semaphore(%arg21 : memref<!tpu.dma_semaphore, #tpu.memory_space<semaphore_mem>>)
      } else {
      }
      %dma_wait3A_86 = arith.constant 0 : i32
      %dma_wait3A_87 = tpu.memref_slice %arg7[%dma_wait3A_86] : memref<4800xi32, #tpu.memory_space<vmem>> -> memref<40xi32, #tpu.memory_space<vmem>>
      %dma_wait3A_88 = arith.constant 0 : i32
      %dma_wait3A_89 = arith.constant 0 : i32
      %dma_wait3A_90 = tpu.memref_slice %arg2[%dma_wait3A_88, %dma_wait3A_89] : memref<10000x128xf32, #tpu.memory_space<hbm>> -> memref<10000x128xf32, #tpu.memory_space<hbm>>
      tpu.wait_indirect_dma semaphore(%arg20 : memref<!tpu.dma_semaphore, #tpu.memory_space<semaphore_mem>>) src(%dma_wait3A_90 : memref<10000x128xf32, #tpu.memory_space<hbm>>) dst(%arg10 : memref<40x128xf32, #tpu.memory_space<vmem>>)
      %dma_wait3A_91 = arith.constant 0 : i32
      %dma_wait3A_92 = tpu.memref_slice %arg8[%dma_wait3A_91] : memref<4800xi32, #tpu.memory_space<vmem>> -> memref<40xi32, #tpu.memory_space<vmem>>
      %dma_wait3A_93 = arith.constant 0 : i32
      %dma_wait3A_94 = arith.constant 0 : i32
      %dma_wait3A_95 = tpu.memref_slice %arg3[%dma_wait3A_93, %dma_wait3A_94] : memref<10000x128xf32, #tpu.memory_space<hbm>> -> memref<10000x128xf32, #tpu.memory_space<hbm>>
      tpu.wait_indirect_dma semaphore(%arg20 : memref<!tpu.dma_semaphore, #tpu.memory_space<semaphore_mem>>) src(%dma_wait3A_95 : memref<10000x128xf32, #tpu.memory_space<hbm>>) dst(%arg15 : memref<40x128xf32, #tpu.memory_space<vmem>>)
      %scan3A_96 = arith.constant 0 : i32
      %scan3A_97 = arith.constant 0 : i32
      %scan3A_98 = arith.constant 40 : i32
      %scan3A_99 = arith.addi %scan3A_97, %scan3A_98 : i32
      %scan3A_100 = arith.constant 1 : i32
      %scan3A_101 = scf.for %scan3A_216 = %scan3A_97 to %scan3A_99 step %scan3A_100 iter_args(%scan3A_217 = %scan3A_96) -> (i32)  : i32 {
        %get3A = arith.index_cast %scan3A_216 : i32 to index
        %get3A_218 = arith.constant 0 : index
        %get3A_219 = tpu.vector_load %arg10[%get3A, %get3A_218] {strides = array<i32>} : memref<40x128xf32, #tpu.memory_space<vmem>>, vector<1x16xf32>,
        %get3A_220 = vector.shape_cast %get3A_219 : vector<1x16xf32> to vector<16xf32>
        %get3A_221 = arith.index_cast %scan3A_216 : i32 to index
        %get3A_222 = arith.constant 0 : index
        %get3A_223 = tpu.vector_load %arg15[%get3A_221, %get3A_222] {strides = array<i32>} : memref<40x128xf32, #tpu.memory_space<vmem>>, vector<1x16xf32>,
        %get3A_224 = vector.shape_cast %get3A_223 : vector<1x16xf32> to vector<16xf32>
        %add3A_225 = arith.addf %get3A_220, %get3A_224 : vector<16xf32>
        %swap3A = arith.index_cast %scan3A_216 : i32 to index
        %swap3A_226 = arith.constant 0 : index
        %swap3A_227 = tpu.vector_load %arg10[%swap3A, %swap3A_226] {strides = array<i32>} : memref<40x128xf32, #tpu.memory_space<vmem>>, vector<1x16xf32>,
        %swap3A_228 = vector.shape_cast %swap3A_227 : vector<1x16xf32> to vector<16xf32>
        %swap3A_229 = vector.shape_cast %add3A_225 : vector<16xf32> to vector<1x16xf32>
        tpu.vector_store %arg10[%swap3A, %swap3A_226], %swap3A_229 {strides = array<i32>} : memref<40x128xf32, #tpu.memory_space<vmem>>, vector<1x16xf32>,
        %get3A_230 = arith.index_cast %scan3A_216 : i32 to index
        %get3A_231 = arith.constant 16 : index
        %get3A_232 = tpu.vector_load %arg10[%get3A_230, %get3A_231] {strides = array<i32>} : memref<40x128xf32, #tpu.memory_space<vmem>>, vector<1x16xf32>,
        %get3A_233 = vector.shape_cast %get3A_232 : vector<1x16xf32> to vector<16xf32>
        %get3A_234 = arith.index_cast %scan3A_216 : i32 to index
        %get3A_235 = arith.constant 16 : index
        %get3A_236 = tpu.vector_load %arg15[%get3A_234, %get3A_235] {strides = array<i32>} : memref<40x128xf32, #tpu.memory_space<vmem>>, vector<1x16xf32>,
        %get3A_237 = vector.shape_cast %get3A_236 : vector<1x16xf32> to vector<16xf32>
        %add3A_238 = arith.addf %get3A_233, %get3A_237 : vector<16xf32>
        %swap3A_239 = arith.index_cast %scan3A_216 : i32 to index
        %swap3A_240 = arith.constant 16 : index
        %swap3A_241 = tpu.vector_load %arg10[%swap3A_239, %swap3A_240] {strides = array<i32>} : memref<40x128xf32, #tpu.memory_space<vmem>>, vector<1x16xf32>,
        %swap3A_242 = vector.shape_cast %swap3A_241 : vector<1x16xf32> to vector<16xf32>
        %swap3A_243 = vector.shape_cast %add3A_238 : vector<16xf32> to vector<1x16xf32>
        tpu.vector_store %arg10[%swap3A_239, %swap3A_240], %swap3A_243 {strides = array<i32>} : memref<40x128xf32, #tpu.memory_space<vmem>>, vector<1x16xf32>,
        %get3A_244 = arith.index_cast %scan3A_216 : i32 to index
        %get3A_245 = arith.constant 32 : index
        %get3A_246 = tpu.vector_load %arg10[%get3A_244, %get3A_245] {strides = array<i32>} : memref<40x128xf32, #tpu.memory_space<vmem>>, vector<1x16xf32>,
        %get3A_247 = vector.shape_cast %get3A_246 : vector<1x16xf32> to vector<16xf32>
        %get3A_248 = arith.index_cast %scan3A_216 : i32 to index
        %get3A_249 = arith.constant 32 : index
        %get3A_250 = tpu.vector_load %arg15[%get3A_248, %get3A_249] {strides = array<i32>} : memref<40x128xf32, #tpu.memory_space<vmem>>, vector<1x16xf32>,
        %get3A_251 = vector.shape_cast %get3A_250 : vector<1x16xf32> to vector<16xf32>
        %add3A_252 = arith.addf %get3A_247, %get3A_251 : vector<16xf32>
        %swap3A_253 = arith.index_cast %scan3A_216 : i32 to index
        %swap3A_254 = arith.constant 32 : index
        %swap3A_255 = tpu.vector_load %arg10[%swap3A_253, %swap3A_254] {strides = array<i32>} : memref<40x128xf32, #tpu.memory_space<vmem>>, vector<1x16xf32>,
        %swap3A_256 = vector.shape_cast %swap3A_255 : vector<1x16xf32> to vector<16xf32>
        %swap3A_257 = vector.shape_cast %add3A_252 : vector<16xf32> to vector<1x16xf32>
        tpu.vector_store %arg10[%swap3A_253, %swap3A_254], %swap3A_257 {strides = array<i32>} : memref<40x128xf32, #tpu.memory_space<vmem>>, vector<1x16xf32>,
        %get3A_258 = arith.index_cast %scan3A_216 : i32 to index
        %get3A_259 = arith.constant 48 : index
        %get3A_260 = tpu.vector_load %arg10[%get3A_258, %get3A_259] {strides = array<i32>} : memref<40x128xf32, #tpu.memory_space<vmem>>, vector<1x16xf32>,
        %get3A_261 = vector.shape_cast %get3A_260 : vector<1x16xf32> to vector<16xf32>
        %get3A_262 = arith.index_cast %scan3A_216 : i32 to index
        %get3A_263 = arith.constant 48 : index
        %get3A_264 = tpu.vector_load %arg15[%get3A_262, %get3A_263] {strides = array<i32>} : memref<40x128xf32, #tpu.memory_space<vmem>>, vector<1x16xf32>,
        %get3A_265 = vector.shape_cast %get3A_264 : vector<1x16xf32> to vector<16xf32>
        %add3A_266 = arith.addf %get3A_261, %get3A_265 : vector<16xf32>
        %swap3A_267 = arith.index_cast %scan3A_216 : i32 to index
        %swap3A_268 = arith.constant 48 : index
        %swap3A_269 = tpu.vector_load %arg10[%swap3A_267, %swap3A_268] {strides = array<i32>} : memref<40x128xf32, #tpu.memory_space<vmem>>, vector<1x16xf32>,
        %swap3A_270 = vector.shape_cast %swap3A_269 : vector<1x16xf32> to vector<16xf32>
        %swap3A_271 = vector.shape_cast %add3A_266 : vector<16xf32> to vector<1x16xf32>
        tpu.vector_store %arg10[%swap3A_267, %swap3A_268], %swap3A_271 {strides = array<i32>} : memref<40x128xf32, #tpu.memory_space<vmem>>, vector<1x16xf32>,
        %get3A_272 = arith.index_cast %scan3A_216 : i32 to index
        %get3A_273 = arith.constant 64 : index
        %get3A_274 = tpu.vector_load %arg10[%get3A_272, %get3A_273] {strides = array<i32>} : memref<40x128xf32, #tpu.memory_space<vmem>>, vector<1x16xf32>,
        %get3A_275 = vector.shape_cast %get3A_274 : vector<1x16xf32> to vector<16xf32>
        %get3A_276 = arith.index_cast %scan3A_216 : i32 to index
        %get3A_277 = arith.constant 64 : index
        %get3A_278 = tpu.vector_load %arg15[%get3A_276, %get3A_277] {strides = array<i32>} : memref<40x128xf32, #tpu.memory_space<vmem>>, vector<1x16xf32>,
        %get3A_279 = vector.shape_cast %get3A_278 : vector<1x16xf32> to vector<16xf32>
        %add3A_280 = arith.addf %get3A_275, %get3A_279 : vector<16xf32>
        %swap3A_281 = arith.index_cast %scan3A_216 : i32 to index
        %swap3A_282 = arith.constant 64 : index
        %swap3A_283 = tpu.vector_load %arg10[%swap3A_281, %swap3A_282] {strides = array<i32>} : memref<40x128xf32, #tpu.memory_space<vmem>>, vector<1x16xf32>,
        %swap3A_284 = vector.shape_cast %swap3A_283 : vector<1x16xf32> to vector<16xf32>
        %swap3A_285 = vector.shape_cast %add3A_280 : vector<16xf32> to vector<1x16xf32>
        tpu.vector_store %arg10[%swap3A_281, %swap3A_282], %swap3A_285 {strides = array<i32>} : memref<40x128xf32, #tpu.memory_space<vmem>>, vector<1x16xf32>,
        %get3A_286 = arith.index_cast %scan3A_216 : i32 to index
        %get3A_287 = arith.constant 80 : index
        %get3A_288 = tpu.vector_load %arg10[%get3A_286, %get3A_287] {strides = array<i32>} : memref<40x128xf32, #tpu.memory_space<vmem>>, vector<1x16xf32>,
        %get3A_289 = vector.shape_cast %get3A_288 : vector<1x16xf32> to vector<16xf32>
        %get3A_290 = arith.index_cast %scan3A_216 : i32 to index
        %get3A_291 = arith.constant 80 : index
        %get3A_292 = tpu.vector_load %arg15[%get3A_290, %get3A_291] {strides = array<i32>} : memref<40x128xf32, #tpu.memory_space<vmem>>, vector<1x16xf32>,
        %get3A_293 = vector.shape_cast %get3A_292 : vector<1x16xf32> to vector<16xf32>
        %add3A_294 = arith.addf %get3A_289, %get3A_293 : vector<16xf32>
        %swap3A_295 = arith.index_cast %scan3A_216 : i32 to index
        %swap3A_296 = arith.constant 80 : index
        %swap3A_297 = tpu.vector_load %arg10[%swap3A_295, %swap3A_296] {strides = array<i32>} : memref<40x128xf32, #tpu.memory_space<vmem>>, vector<1x16xf32>,
        %swap3A_298 = vector.shape_cast %swap3A_297 : vector<1x16xf32> to vector<16xf32>
        %swap3A_299 = vector.shape_cast %add3A_294 : vector<16xf32> to vector<1x16xf32>
        tpu.vector_store %arg10[%swap3A_295, %swap3A_296], %swap3A_299 {strides = array<i32>} : memref<40x128xf32, #tpu.memory_space<vmem>>, vector<1x16xf32>,
        %get3A_300 = arith.index_cast %scan3A_216 : i32 to index
        %get3A_301 = arith.constant 96 : index
        %get3A_302 = tpu.vector_load %arg10[%get3A_300, %get3A_301] {strides = array<i32>} : memref<40x128xf32, #tpu.memory_space<vmem>>, vector<1x16xf32>,
        %get3A_303 = vector.shape_cast %get3A_302 : vector<1x16xf32> to vector<16xf32>
        %get3A_304 = arith.index_cast %scan3A_216 : i32 to index
        %get3A_305 = arith.constant 96 : index
        %get3A_306 = tpu.vector_load %arg15[%get3A_304, %get3A_305] {strides = array<i32>} : memref<40x128xf32, #tpu.memory_space<vmem>>, vector<1x16xf32>,
        %get3A_307 = vector.shape_cast %get3A_306 : vector<1x16xf32> to vector<16xf32>
        %add3A_308 = arith.addf %get3A_303, %get3A_307 : vector<16xf32>
        %swap3A_309 = arith.index_cast %scan3A_216 : i32 to index
        %swap3A_310 = arith.constant 96 : index
        %swap3A_311 = tpu.vector_load %arg10[%swap3A_309, %swap3A_310] {strides = array<i32>} : memref<40x128xf32, #tpu.memory_space<vmem>>, vector<1x16xf32>,
        %swap3A_312 = vector.shape_cast %swap3A_311 : vector<1x16xf32> to vector<16xf32>
        %swap3A_313 = vector.shape_cast %add3A_308 : vector<16xf32> to vector<1x16xf32>
        tpu.vector_store %arg10[%swap3A_309, %swap3A_310], %swap3A_313 {strides = array<i32>} : memref<40x128xf32, #tpu.memory_space<vmem>>, vector<1x16xf32>,
        %get3A_314 = arith.index_cast %scan3A_216 : i32 to index
        %get3A_315 = arith.constant 112 : index
        %get3A_316 = tpu.vector_load %arg10[%get3A_314, %get3A_315] {strides = array<i32>} : memref<40x128xf32, #tpu.memory_space<vmem>>, vector<1x16xf32>,
        %get3A_317 = vector.shape_cast %get3A_316 : vector<1x16xf32> to vector<16xf32>
        %get3A_318 = arith.index_cast %scan3A_216 : i32 to index
        %get3A_319 = arith.constant 112 : index
        %get3A_320 = tpu.vector_load %arg15[%get3A_318, %get3A_319] {strides = array<i32>} : memref<40x128xf32, #tpu.memory_space<vmem>>, vector<1x16xf32>,
        %get3A_321 = vector.shape_cast %get3A_320 : vector<1x16xf32> to vector<16xf32>
        %add3A_322 = arith.addf %get3A_317, %get3A_321 : vector<16xf32>
        %swap3A_323 = arith.index_cast %scan3A_216 : i32 to index
        %swap3A_324 = arith.constant 112 : index
        %swap3A_325 = tpu.vector_load %arg10[%swap3A_323, %swap3A_324] {strides = array<i32>} : memref<40x128xf32, #tpu.memory_space<vmem>>, vector<1x16xf32>,
        %swap3A_326 = vector.shape_cast %swap3A_325 : vector<1x16xf32> to vector<16xf32>
        %swap3A_327 = vector.shape_cast %add3A_322 : vector<16xf32> to vector<1x16xf32>
        tpu.vector_store %arg10[%swap3A_323, %swap3A_324], %swap3A_327 {strides = array<i32>} : memref<40x128xf32, #tpu.memory_space<vmem>>, vector<1x16xf32>,
        %scan3A_328 = arith.constant 0 : i32
        scf.yield %scan3A_328 : i32
      }
      %scan3A_102 = arith.constant 40 : i32
      %mul3A_103 = arith.constant 40 : i32
      %mul3A_104 = arith.muli %add3A_78, %mul3A_103 : i32
      %add3A_105 = arith.addi %mul3A_2, %mul3A_104 : i32
      %dma_start3A_106 = arith.constant 0 : i32
      %dma_start3A_107 = tpu.memref_slice %arg6[%add3A_105, %dma_start3A_106] : memref<153600x128xf32, #tpu.memory_space<hbm>> -> memref<40x128xf32, #tpu.memory_space<hbm>>
      %dma_start3A_108 = arith.constant 0 : i32
      %dma_start3A_109 = tpu.memref_slice %arg6[%add3A_105, %dma_start3A_108] : memref<153600x128xf32, #tpu.memory_space<hbm>> -> memref<40x128xf32, #tpu.memory_space<hbm>>
      tpu.enqueue_dma source(%arg10 : memref<40x128xf32, #tpu.memory_space<vmem>>) target(%dma_start3A_109 : memref<40x128xf32, #tpu.memory_space<hbm>>) target_semaphore(%arg25 : memref<!tpu.dma_semaphore, #tpu.memory_space<semaphore_mem>>)
      %mul3A_110 = arith.constant 5 : i32
      %mul3A_111 = arith.muli %scan3A_41, %mul3A_110 : i32
      %add3A_112 = arith.constant 2 : i32
      %add3A_113 = arith.addi %mul3A_111, %add3A_112 : i32
      %add3A_114 = arith.constant 1 : i32
      %add3A_115 = arith.addi %add3A_113, %add3A_114 : i32
      %lt3A_116 = arith.constant 120 : i32
      %lt3A_117 = arith.cmpi slt, %add3A_115, %lt3A_116 : i32
      %convert_element_type3A_118 = arith.extui %lt3A_117 : i1 to i32
      %cond3A_119 = arith.constant 0 : i32
      %cond3A_120 = arith.cmpi ne, %convert_element_type3A_118, %cond3A_119 : i32
      scf.if %cond3A_120 {
        %add3A_216 = arith.constant 1 : i32
        %add3A_217 = arith.addi %add3A_113, %add3A_216 : i32
        %ge3A = arith.constant 5 : i32
        %ge3A_218 = arith.cmpi sge, %add3A_217, %ge3A : i32
        %convert_element_type3A_219 = arith.extui %ge3A_218 : i1 to i32
        %cond3A_220 = arith.constant 0 : i32
        %cond3A_221 = arith.cmpi ne, %convert_element_type3A_219, %cond3A_220 : i32
        scf.if %cond3A_221 {
          %dma_wait3A_234 = arith.constant 0 : i32
          %dma_wait3A_235 = tpu.memref_slice %arg6[%mul3A_2, %dma_wait3A_234] : memref<153600x128xf32, #tpu.memory_space<hbm>> -> memref<40x128xf32, #tpu.memory_space<hbm>>
          %dma_wait3A_236 = arith.constant 0 : i32
          %dma_wait3A_237 = tpu.memref_slice %arg6[%mul3A_2, %dma_wait3A_236] : memref<153600x128xf32, #tpu.memory_space<hbm>> -> memref<40x128xf32, #tpu.memory_space<hbm>>
          tpu.wait_dma2 semaphore(%arg27 : memref<!tpu.dma_semaphore, #tpu.memory_space<semaphore_mem>>) src(%arg12 : memref<40x128xf32, #tpu.memory_space<vmem>>) dst(%dma_wait3A_237 : memref<40x128xf32, #tpu.memory_space<hbm>>)
        } else {
        }
        %add3A_222 = arith.constant 1 : i32
        %add3A_223 = arith.addi %add3A_113, %add3A_222 : i32
        %mul3A_224 = arith.constant 40 : i32
        %mul3A_225 = arith.muli %add3A_223, %mul3A_224 : i32
        %dma_start3A_226 = tpu.memref_slice %arg7[%mul3A_225] : memref<4800xi32, #tpu.memory_space<vmem>> -> memref<40xi32, #tpu.memory_space<vmem>>
        %dma_start3A_227 = arith.constant 0 : i32
        %dma_start3A_228 = arith.constant 0 : i32
        %dma_start3A_229 = tpu.memref_slice %arg2[%dma_start3A_227, %dma_start3A_228] : memref<10000x128xf32, #tpu.memory_space<hbm>> -> memref<10000x128xf32, #tpu.memory_space<hbm>>
        tpu.enqueue_indirect_dma source(%dma_start3A_229 : memref<10000x128xf32, #tpu.memory_space<hbm>>) target(%arg12 : memref<40x128xf32, #tpu.memory_space<vmem>>) offsets(%dma_start3A_226 : memref<40xi32, #tpu.memory_space<vmem>>) semaphore(%arg22 : memref<!tpu.dma_semaphore, #tpu.memory_space<semaphore_mem>>)
        %dma_start3A_230 = tpu.memref_slice %arg8[%mul3A_225] : memref<4800xi32, #tpu.memory_space<vmem>> -> memref<40xi32, #tpu.memory_space<vmem>>
        %dma_start3A_231 = arith.constant 0 : i32
        %dma_start3A_232 = arith.constant 0 : i32
        %dma_start3A_233 = tpu.memref_slice %arg3[%dma_start3A_231, %dma_start3A_232] : memref<10000x128xf32, #tpu.memory_space<hbm>> -> memref<10000x128xf32, #tpu.memory_space<hbm>>
        tpu.enqueue_indirect_dma source(%dma_start3A_233 : memref<10000x128xf32, #tpu.memory_space<hbm>>) target(%arg17 : memref<40x128xf32, #tpu.memory_space<vmem>>) offsets(%dma_start3A_230 : memref<40xi32, #tpu.memory_space<vmem>>) semaphore(%arg22 : memref<!tpu.dma_semaphore, #tpu.memory_space<semaphore_mem>>)
      } else {
      }
      %dma_wait3A_121 = arith.constant 0 : i32
      %dma_wait3A_122 = tpu.memref_slice %arg7[%dma_wait3A_121] : memref<4800xi32, #tpu.memory_space<vmem>> -> memref<40xi32, #tpu.memory_space<vmem>>
      %dma_wait3A_123 = arith.constant 0 : i32
      %dma_wait3A_124 = arith.constant 0 : i32
      %dma_wait3A_125 = tpu.memref_slice %arg2[%dma_wait3A_123, %dma_wait3A_124] : memref<10000x128xf32, #tpu.memory_space<hbm>> -> memref<10000x128xf32, #tpu.memory_space<hbm>>
      tpu.wait_indirect_dma semaphore(%arg21 : memref<!tpu.dma_semaphore, #tpu.memory_space<semaphore_mem>>) src(%dma_wait3A_125 : memref<10000x128xf32, #tpu.memory_space<hbm>>) dst(%arg11 : memref<40x128xf32, #tpu.memory_space<vmem>>)
      %dma_wait3A_126 = arith.constant 0 : i32
      %dma_wait3A_127 = tpu.memref_slice %arg8[%dma_wait3A_126] : memref<4800xi32, #tpu.memory_space<vmem>> -> memref<40xi32, #tpu.memory_space<vmem>>
      %dma_wait3A_128 = arith.constant 0 : i32
      %dma_wait3A_129 = arith.constant 0 : i32
      %dma_wait3A_130 = tpu.memref_slice %arg3[%dma_wait3A_128, %dma_wait3A_129] : memref<10000x128xf32, #tpu.memory_space<hbm>> -> memref<10000x128xf32, #tpu.memory_space<hbm>>
      tpu.wait_indirect_dma semaphore(%arg21 : memref<!tpu.dma_semaphore, #tpu.memory_space<semaphore_mem>>) src(%dma_wait3A_130 : memref<10000x128xf32, #tpu.memory_space<hbm>>) dst(%arg16 : memref<40x128xf32, #tpu.memory_space<vmem>>)
      %scan3A_131 = arith.constant 0 : i32
      %scan3A_132 = arith.constant 0 : i32
      %scan3A_133 = arith.constant 40 : i32
      %scan3A_134 = arith.addi %scan3A_132, %scan3A_133 : i32
      %scan3A_135 = arith.constant 1 : i32
      %scan3A_136 = scf.for %scan3A_216 = %scan3A_132 to %scan3A_134 step %scan3A_135 iter_args(%scan3A_217 = %scan3A_131) -> (i32)  : i32 {
        %get3A = arith.index_cast %scan3A_216 : i32 to index
        %get3A_218 = arith.constant 0 : index
        %get3A_219 = tpu.vector_load %arg11[%get3A, %get3A_218] {strides = array<i32>} : memref<40x128xf32, #tpu.memory_space<vmem>>, vector<1x16xf32>,
        %get3A_220 = vector.shape_cast %get3A_219 : vector<1x16xf32> to vector<16xf32>
        %get3A_221 = arith.index_cast %scan3A_216 : i32 to index
        %get3A_222 = arith.constant 0 : index
        %get3A_223 = tpu.vector_load %arg16[%get3A_221, %get3A_222] {strides = array<i32>} : memref<40x128xf32, #tpu.memory_space<vmem>>, vector<1x16xf32>,
        %get3A_224 = vector.shape_cast %get3A_223 : vector<1x16xf32> to vector<16xf32>
        %add3A_225 = arith.addf %get3A_220, %get3A_224 : vector<16xf32>
        %swap3A = arith.index_cast %scan3A_216 : i32 to index
        %swap3A_226 = arith.constant 0 : index
        %swap3A_227 = tpu.vector_load %arg11[%swap3A, %swap3A_226] {strides = array<i32>} : memref<40x128xf32, #tpu.memory_space<vmem>>, vector<1x16xf32>,
        %swap3A_228 = vector.shape_cast %swap3A_227 : vector<1x16xf32> to vector<16xf32>
        %swap3A_229 = vector.shape_cast %add3A_225 : vector<16xf32> to vector<1x16xf32>
        tpu.vector_store %arg11[%swap3A, %swap3A_226], %swap3A_229 {strides = array<i32>} : memref<40x128xf32, #tpu.memory_space<vmem>>, vector<1x16xf32>,
        %get3A_230 = arith.index_cast %scan3A_216 : i32 to index
        %get3A_231 = arith.constant 16 : index
        %get3A_232 = tpu.vector_load %arg11[%get3A_230, %get3A_231] {strides = array<i32>} : memref<40x128xf32, #tpu.memory_space<vmem>>, vector<1x16xf32>,
        %get3A_233 = vector.shape_cast %get3A_232 : vector<1x16xf32> to vector<16xf32>
        %get3A_234 = arith.index_cast %scan3A_216 : i32 to index
        %get3A_235 = arith.constant 16 : index
        %get3A_236 = tpu.vector_load %arg16[%get3A_234, %get3A_235] {strides = array<i32>} : memref<40x128xf32, #tpu.memory_space<vmem>>, vector<1x16xf32>,
        %get3A_237 = vector.shape_cast %get3A_236 : vector<1x16xf32> to vector<16xf32>
        %add3A_238 = arith.addf %get3A_233, %get3A_237 : vector<16xf32>
        %swap3A_239 = arith.index_cast %scan3A_216 : i32 to index
        %swap3A_240 = arith.constant 16 : index
        %swap3A_241 = tpu.vector_load %arg11[%swap3A_239, %swap3A_240] {strides = array<i32>} : memref<40x128xf32, #tpu.memory_space<vmem>>, vector<1x16xf32>,
        %swap3A_242 = vector.shape_cast %swap3A_241 : vector<1x16xf32> to vector<16xf32>
        %swap3A_243 = vector.shape_cast %add3A_238 : vector<16xf32> to vector<1x16xf32>
        tpu.vector_store %arg11[%swap3A_239, %swap3A_240], %swap3A_243 {strides = array<i32>} : memref<40x128xf32, #tpu.memory_space<vmem>>, vector<1x16xf32>,
        %get3A_244 = arith.index_cast %scan3A_216 : i32 to index
        %get3A_245 = arith.constant 32 : index
        %get3A_246 = tpu.vector_load %arg11[%get3A_244, %get3A_245] {strides = array<i32>} : memref<40x128xf32, #tpu.memory_space<vmem>>, vector<1x16xf32>,
        %get3A_247 = vector.shape_cast %get3A_246 : vector<1x16xf32> to vector<16xf32>
        %get3A_248 = arith.index_cast %scan3A_216 : i32 to index
        %get3A_249 = arith.constant 32 : index
        %get3A_250 = tpu.vector_load %arg16[%get3A_248, %get3A_249] {strides = array<i32>} : memref<40x128xf32, #tpu.memory_space<vmem>>, vector<1x16xf32>,
        %get3A_251 = vector.shape_cast %get3A_250 : vector<1x16xf32> to vector<16xf32>
        %add3A_252 = arith.addf %get3A_247, %get3A_251 : vector<16xf32>
        %swap3A_253 = arith.index_cast %scan3A_216 : i32 to index
        %swap3A_254 = arith.constant 32 : index
        %swap3A_255 = tpu.vector_load %arg11[%swap3A_253, %swap3A_254] {strides = array<i32>} : memref<40x128xf32, #tpu.memory_space<vmem>>, vector<1x16xf32>,
        %swap3A_256 = vector.shape_cast %swap3A_255 : vector<1x16xf32> to vector<16xf32>
        %swap3A_257 = vector.shape_cast %add3A_252 : vector<16xf32> to vector<1x16xf32>
        tpu.vector_store %arg11[%swap3A_253, %swap3A_254], %swap3A_257 {strides = array<i32>} : memref<40x128xf32, #tpu.memory_space<vmem>>, vector<1x16xf32>,
        %get3A_258 = arith.index_cast %scan3A_216 : i32 to index
        %get3A_259 = arith.constant 48 : index
        %get3A_260 = tpu.vector_load %arg11[%get3A_258, %get3A_259] {strides = array<i32>} : memref<40x128xf32, #tpu.memory_space<vmem>>, vector<1x16xf32>,
        %get3A_261 = vector.shape_cast %get3A_260 : vector<1x16xf32> to vector<16xf32>
        %get3A_262 = arith.index_cast %scan3A_216 : i32 to index
        %get3A_263 = arith.constant 48 : index
        %get3A_264 = tpu.vector_load %arg16[%get3A_262, %get3A_263] {strides = array<i32>} : memref<40x128xf32, #tpu.memory_space<vmem>>, vector<1x16xf32>,
        %get3A_265 = vector.shape_cast %get3A_264 : vector<1x16xf32> to vector<16xf32>
        %add3A_266 = arith.addf %get3A_261, %get3A_265 : vector<16xf32>
        %swap3A_267 = arith.index_cast %scan3A_216 : i32 to index
        %swap3A_268 = arith.constant 48 : index
        %swap3A_269 = tpu.vector_load %arg11[%swap3A_267, %swap3A_268] {strides = array<i32>} : memref<40x128xf32, #tpu.memory_space<vmem>>, vector<1x16xf32>,
        %swap3A_270 = vector.shape_cast %swap3A_269 : vector<1x16xf32> to vector<16xf32>
        %swap3A_271 = vector.shape_cast %add3A_266 : vector<16xf32> to vector<1x16xf32>
        tpu.vector_store %arg11[%swap3A_267, %swap3A_268], %swap3A_271 {strides = array<i32>} : memref<40x128xf32, #tpu.memory_space<vmem>>, vector<1x16xf32>,
        %get3A_272 = arith.index_cast %scan3A_216 : i32 to index
        %get3A_273 = arith.constant 64 : index
        %get3A_274 = tpu.vector_load %arg11[%get3A_272, %get3A_273] {strides = array<i32>} : memref<40x128xf32, #tpu.memory_space<vmem>>, vector<1x16xf32>,
        %get3A_275 = vector.shape_cast %get3A_274 : vector<1x16xf32> to vector<16xf32>
        %get3A_276 = arith.index_cast %scan3A_216 : i32 to index
        %get3A_277 = arith.constant 64 : index
        %get3A_278 = tpu.vector_load %arg16[%get3A_276, %get3A_277] {strides = array<i32>} : memref<40x128xf32, #tpu.memory_space<vmem>>, vector<1x16xf32>,
        %get3A_279 = vector.shape_cast %get3A_278 : vector<1x16xf32> to vector<16xf32>
        %add3A_280 = arith.addf %get3A_275, %get3A_279 : vector<16xf32>
        %swap3A_281 = arith.index_cast %scan3A_216 : i32 to index
        %swap3A_282 = arith.constant 64 : index
        %swap3A_283 = tpu.vector_load %arg11[%swap3A_281, %swap3A_282] {strides = array<i32>} : memref<40x128xf32, #tpu.memory_space<vmem>>, vector<1x16xf32>,
        %swap3A_284 = vector.shape_cast %swap3A_283 : vector<1x16xf32> to vector<16xf32>
        %swap3A_285 = vector.shape_cast %add3A_280 : vector<16xf32> to vector<1x16xf32>
        tpu.vector_store %arg11[%swap3A_281, %swap3A_282], %swap3A_285 {strides = array<i32>} : memref<40x128xf32, #tpu.memory_space<vmem>>, vector<1x16xf32>,
        %get3A_286 = arith.index_cast %scan3A_216 : i32 to index
        %get3A_287 = arith.constant 80 : index
        %get3A_288 = tpu.vector_load %arg11[%get3A_286, %get3A_287] {strides = array<i32>} : memref<40x128xf32, #tpu.memory_space<vmem>>, vector<1x16xf32>,
        %get3A_289 = vector.shape_cast %get3A_288 : vector<1x16xf32> to vector<16xf32>
        %get3A_290 = arith.index_cast %scan3A_216 : i32 to index
        %get3A_291 = arith.constant 80 : index
        %get3A_292 = tpu.vector_load %arg16[%get3A_290, %get3A_291] {strides = array<i32>} : memref<40x128xf32, #tpu.memory_space<vmem>>, vector<1x16xf32>,
        %get3A_293 = vector.shape_cast %get3A_292 : vector<1x16xf32> to vector<16xf32>
        %add3A_294 = arith.addf %get3A_289, %get3A_293 : vector<16xf32>
        %swap3A_295 = arith.index_cast %scan3A_216 : i32 to index
        %swap3A_296 = arith.constant 80 : index
        %swap3A_297 = tpu.vector_load %arg11[%swap3A_295, %swap3A_296] {strides = array<i32>} : memref<40x128xf32, #tpu.memory_space<vmem>>, vector<1x16xf32>,
        %swap3A_298 = vector.shape_cast %swap3A_297 : vector<1x16xf32> to vector<16xf32>
        %swap3A_299 = vector.shape_cast %add3A_294 : vector<16xf32> to vector<1x16xf32>
        tpu.vector_store %arg11[%swap3A_295, %swap3A_296], %swap3A_299 {strides = array<i32>} : memref<40x128xf32, #tpu.memory_space<vmem>>, vector<1x16xf32>,
        %get3A_300 = arith.index_cast %scan3A_216 : i32 to index
        %get3A_301 = arith.constant 96 : index
        %get3A_302 = tpu.vector_load %arg11[%get3A_300, %get3A_301] {strides = array<i32>} : memref<40x128xf32, #tpu.memory_space<vmem>>, vector<1x16xf32>,
        %get3A_303 = vector.shape_cast %get3A_302 : vector<1x16xf32> to vector<16xf32>
        %get3A_304 = arith.index_cast %scan3A_216 : i32 to index
        %get3A_305 = arith.constant 96 : index
        %get3A_306 = tpu.vector_load %arg16[%get3A_304, %get3A_305] {strides = array<i32>} : memref<40x128xf32, #tpu.memory_space<vmem>>, vector<1x16xf32>,
        %get3A_307 = vector.shape_cast %get3A_306 : vector<1x16xf32> to vector<16xf32>
        %add3A_308 = arith.addf %get3A_303, %get3A_307 : vector<16xf32>
        %swap3A_309 = arith.index_cast %scan3A_216 : i32 to index
        %swap3A_310 = arith.constant 96 : index
        %swap3A_311 = tpu.vector_load %arg11[%swap3A_309, %swap3A_310] {strides = array<i32>} : memref<40x128xf32, #tpu.memory_space<vmem>>, vector<1x16xf32>,
        %swap3A_312 = vector.shape_cast %swap3A_311 : vector<1x16xf32> to vector<16xf32>
        %swap3A_313 = vector.shape_cast %add3A_308 : vector<16xf32> to vector<1x16xf32>
        tpu.vector_store %arg11[%swap3A_309, %swap3A_310], %swap3A_313 {strides = array<i32>} : memref<40x128xf32, #tpu.memory_space<vmem>>, vector<1x16xf32>,
        %get3A_314 = arith.index_cast %scan3A_216 : i32 to index
        %get3A_315 = arith.constant 112 : index
        %get3A_316 = tpu.vector_load %arg11[%get3A_314, %get3A_315] {strides = array<i32>} : memref<40x128xf32, #tpu.memory_space<vmem>>, vector<1x16xf32>,
        %get3A_317 = vector.shape_cast %get3A_316 : vector<1x16xf32> to vector<16xf32>
        %get3A_318 = arith.index_cast %scan3A_216 : i32 to index
        %get3A_319 = arith.constant 112 : index
        %get3A_320 = tpu.vector_load %arg16[%get3A_318, %get3A_319] {strides = array<i32>} : memref<40x128xf32, #tpu.memory_space<vmem>>, vector<1x16xf32>,
        %get3A_321 = vector.shape_cast %get3A_320 : vector<1x16xf32> to vector<16xf32>
        %add3A_322 = arith.addf %get3A_317, %get3A_321 : vector<16xf32>
        %swap3A_323 = arith.index_cast %scan3A_216 : i32 to index
        %swap3A_324 = arith.constant 112 : index
        %swap3A_325 = tpu.vector_load %arg11[%swap3A_323, %swap3A_324] {strides = array<i32>} : memref<40x128xf32, #tpu.memory_space<vmem>>, vector<1x16xf32>,
        %swap3A_326 = vector.shape_cast %swap3A_325 : vector<1x16xf32> to vector<16xf32>
        %swap3A_327 = vector.shape_cast %add3A_322 : vector<16xf32> to vector<1x16xf32>
        tpu.vector_store %arg11[%swap3A_323, %swap3A_324], %swap3A_327 {strides = array<i32>} : memref<40x128xf32, #tpu.memory_space<vmem>>, vector<1x16xf32>,
        %scan3A_328 = arith.constant 0 : i32
        scf.yield %scan3A_328 : i32
      }
      %scan3A_137 = arith.constant 40 : i32
      %mul3A_138 = arith.constant 40 : i32
      %mul3A_139 = arith.muli %add3A_113, %mul3A_138 : i32
      %add3A_140 = arith.addi %mul3A_2, %mul3A_139 : i32
      %dma_start3A_141 = arith.constant 0 : i32
      %dma_start3A_142 = tpu.memref_slice %arg6[%add3A_140, %dma_start3A_141] : memref<153600x128xf32, #tpu.memory_space<hbm>> -> memref<40x128xf32, #tpu.memory_space<hbm>>
      %dma_start3A_143 = arith.constant 0 : i32
      %dma_start3A_144 = tpu.memref_slice %arg6[%add3A_140, %dma_start3A_143] : memref<153600x128xf32, #tpu.memory_space<hbm>> -> memref<40x128xf32, #tpu.memory_space<hbm>>
      tpu.enqueue_dma source(%arg11 : memref<40x128xf32, #tpu.memory_space<vmem>>) target(%dma_start3A_144 : memref<40x128xf32, #tpu.memory_space<hbm>>) target_semaphore(%arg26 : memref<!tpu.dma_semaphore, #tpu.memory_space<semaphore_mem>>)
      %mul3A_145 = arith.constant 5 : i32
      %mul3A_146 = arith.muli %scan3A_41, %mul3A_145 : i32
      %add3A_147 = arith.constant 3 : i32
      %add3A_148 = arith.addi %mul3A_146, %add3A_147 : i32
      %add3A_149 = arith.constant 1 : i32
      %add3A_150 = arith.addi %add3A_148, %add3A_149 : i32
      %lt3A_151 = arith.constant 120 : i32
      %lt3A_152 = arith.cmpi slt, %add3A_150, %lt3A_151 : i32
      %convert_element_type3A_153 = arith.extui %lt3A_152 : i1 to i32
      %cond3A_154 = arith.constant 0 : i32
      %cond3A_155 = arith.cmpi ne, %convert_element_type3A_153, %cond3A_154 : i32
      scf.if %cond3A_155 {
        %add3A_216 = arith.constant 1 : i32
        %add3A_217 = arith.addi %add3A_148, %add3A_216 : i32
        %ge3A = arith.constant 5 : i32
        %ge3A_218 = arith.cmpi sge, %add3A_217, %ge3A : i32
        %convert_element_type3A_219 = arith.extui %ge3A_218 : i1 to i32
        %cond3A_220 = arith.constant 0 : i32
        %cond3A_221 = arith.cmpi ne, %convert_element_type3A_219, %cond3A_220 : i32
        scf.if %cond3A_221 {
          %dma_wait3A_234 = arith.constant 0 : i32
          %dma_wait3A_235 = tpu.memref_slice %arg6[%mul3A_2, %dma_wait3A_234] : memref<153600x128xf32, #tpu.memory_space<hbm>> -> memref<40x128xf32, #tpu.memory_space<hbm>>
          %dma_wait3A_236 = arith.constant 0 : i32
          %dma_wait3A_237 = tpu.memref_slice %arg6[%mul3A_2, %dma_wait3A_236] : memref<153600x128xf32, #tpu.memory_space<hbm>> -> memref<40x128xf32, #tpu.memory_space<hbm>>
          tpu.wait_dma2 semaphore(%arg28 : memref<!tpu.dma_semaphore, #tpu.memory_space<semaphore_mem>>) src(%arg13 : memref<40x128xf32, #tpu.memory_space<vmem>>) dst(%dma_wait3A_237 : memref<40x128xf32, #tpu.memory_space<hbm>>)
        } else {
        }
        %add3A_222 = arith.constant 1 : i32
        %add3A_223 = arith.addi %add3A_148, %add3A_222 : i32
        %mul3A_224 = arith.constant 40 : i32
        %mul3A_225 = arith.muli %add3A_223, %mul3A_224 : i32
        %dma_start3A_226 = tpu.memref_slice %arg7[%mul3A_225] : memref<4800xi32, #tpu.memory_space<vmem>> -> memref<40xi32, #tpu.memory_space<vmem>>
        %dma_start3A_227 = arith.constant 0 : i32
        %dma_start3A_228 = arith.constant 0 : i32
        %dma_start3A_229 = tpu.memref_slice %arg2[%dma_start3A_227, %dma_start3A_228] : memref<10000x128xf32, #tpu.memory_space<hbm>> -> memref<10000x128xf32, #tpu.memory_space<hbm>>
        tpu.enqueue_indirect_dma source(%dma_start3A_229 : memref<10000x128xf32, #tpu.memory_space<hbm>>) target(%arg13 : memref<40x128xf32, #tpu.memory_space<vmem>>) offsets(%dma_start3A_226 : memref<40xi32, #tpu.memory_space<vmem>>) semaphore(%arg23 : memref<!tpu.dma_semaphore, #tpu.memory_space<semaphore_mem>>)
        %dma_start3A_230 = tpu.memref_slice %arg8[%mul3A_225] : memref<4800xi32, #tpu.memory_space<vmem>> -> memref<40xi32, #tpu.memory_space<vmem>>
        %dma_start3A_231 = arith.constant 0 : i32
        %dma_start3A_232 = arith.constant 0 : i32
        %dma_start3A_233 = tpu.memref_slice %arg3[%dma_start3A_231, %dma_start3A_232] : memref<10000x128xf32, #tpu.memory_space<hbm>> -> memref<10000x128xf32, #tpu.memory_space<hbm>>
        tpu.enqueue_indirect_dma source(%dma_start3A_233 : memref<10000x128xf32, #tpu.memory_space<hbm>>) target(%arg18 : memref<40x128xf32, #tpu.memory_space<vmem>>) offsets(%dma_start3A_230 : memref<40xi32, #tpu.memory_space<vmem>>) semaphore(%arg23 : memref<!tpu.dma_semaphore, #tpu.memory_space<semaphore_mem>>)
      } else {
      }
      %dma_wait3A_156 = arith.constant 0 : i32
      %dma_wait3A_157 = tpu.memref_slice %arg7[%dma_wait3A_156] : memref<4800xi32, #tpu.memory_space<vmem>> -> memref<40xi32, #tpu.memory_space<vmem>>
      %dma_wait3A_158 = arith.constant 0 : i32
      %dma_wait3A_159 = arith.constant 0 : i32
      %dma_wait3A_160 = tpu.memref_slice %arg2[%dma_wait3A_158, %dma_wait3A_159] : memref<10000x128xf32, #tpu.memory_space<hbm>> -> memref<10000x128xf32, #tpu.memory_space<hbm>>
      tpu.wait_indirect_dma semaphore(%arg22 : memref<!tpu.dma_semaphore, #tpu.memory_space<semaphore_mem>>) src(%dma_wait3A_160 : memref<10000x128xf32, #tpu.memory_space<hbm>>) dst(%arg12 : memref<40x128xf32, #tpu.memory_space<vmem>>)
      %dma_wait3A_161 = arith.constant 0 : i32
      %dma_wait3A_162 = tpu.memref_slice %arg8[%dma_wait3A_161] : memref<4800xi32, #tpu.memory_space<vmem>> -> memref<40xi32, #tpu.memory_space<vmem>>
      %dma_wait3A_163 = arith.constant 0 : i32
      %dma_wait3A_164 = arith.constant 0 : i32
      %dma_wait3A_165 = tpu.memref_slice %arg3[%dma_wait3A_163, %dma_wait3A_164] : memref<10000x128xf32, #tpu.memory_space<hbm>> -> memref<10000x128xf32, #tpu.memory_space<hbm>>
      tpu.wait_indirect_dma semaphore(%arg22 : memref<!tpu.dma_semaphore, #tpu.memory_space<semaphore_mem>>) src(%dma_wait3A_165 : memref<10000x128xf32, #tpu.memory_space<hbm>>) dst(%arg17 : memref<40x128xf32, #tpu.memory_space<vmem>>)
      %scan3A_166 = arith.constant 0 : i32
      %scan3A_167 = arith.constant 0 : i32
      %scan3A_168 = arith.constant 40 : i32
      %scan3A_169 = arith.addi %scan3A_167, %scan3A_168 : i32
      %scan3A_170 = arith.constant 1 : i32
      %scan3A_171 = scf.for %scan3A_216 = %scan3A_167 to %scan3A_169 step %scan3A_170 iter_args(%scan3A_217 = %scan3A_166) -> (i32)  : i32 {
        %get3A = arith.index_cast %scan3A_216 : i32 to index
        %get3A_218 = arith.constant 0 : index
        %get3A_219 = tpu.vector_load %arg12[%get3A, %get3A_218] {strides = array<i32>} : memref<40x128xf32, #tpu.memory_space<vmem>>, vector<1x16xf32>,
        %get3A_220 = vector.shape_cast %get3A_219 : vector<1x16xf32> to vector<16xf32>
        %get3A_221 = arith.index_cast %scan3A_216 : i32 to index
        %get3A_222 = arith.constant 0 : index
        %get3A_223 = tpu.vector_load %arg17[%get3A_221, %get3A_222] {strides = array<i32>} : memref<40x128xf32, #tpu.memory_space<vmem>>, vector<1x16xf32>,
        %get3A_224 = vector.shape_cast %get3A_223 : vector<1x16xf32> to vector<16xf32>
        %add3A_225 = arith.addf %get3A_220, %get3A_224 : vector<16xf32>
        %swap3A = arith.index_cast %scan3A_216 : i32 to index
        %swap3A_226 = arith.constant 0 : index
        %swap3A_227 = tpu.vector_load %arg12[%swap3A, %swap3A_226] {strides = array<i32>} : memref<40x128xf32, #tpu.memory_space<vmem>>, vector<1x16xf32>,
        %swap3A_228 = vector.shape_cast %swap3A_227 : vector<1x16xf32> to vector<16xf32>
        %swap3A_229 = vector.shape_cast %add3A_225 : vector<16xf32> to vector<1x16xf32>
        tpu.vector_store %arg12[%swap3A, %swap3A_226], %swap3A_229 {strides = array<i32>} : memref<40x128xf32, #tpu.memory_space<vmem>>, vector<1x16xf32>,
        %get3A_230 = arith.index_cast %scan3A_216 : i32 to index
        %get3A_231 = arith.constant 16 : index
        %get3A_232 = tpu.vector_load %arg12[%get3A_230, %get3A_231] {strides = array<i32>} : memref<40x128xf32, #tpu.memory_space<vmem>>, vector<1x16xf32>,
        %get3A_233 = vector.shape_cast %get3A_232 : vector<1x16xf32> to vector<16xf32>
        %get3A_234 = arith.index_cast %scan3A_216 : i32 to index
        %get3A_235 = arith.constant 16 : index
        %get3A_236 = tpu.vector_load %arg17[%get3A_234, %get3A_235] {strides = array<i32>} : memref<40x128xf32, #tpu.memory_space<vmem>>, vector<1x16xf32>,
        %get3A_237 = vector.shape_cast %get3A_236 : vector<1x16xf32> to vector<16xf32>
        %add3A_238 = arith.addf %get3A_233, %get3A_237 : vector<16xf32>
        %swap3A_239 = arith.index_cast %scan3A_216 : i32 to index
        %swap3A_240 = arith.constant 16 : index
        %swap3A_241 = tpu.vector_load %arg12[%swap3A_239, %swap3A_240] {strides = array<i32>} : memref<40x128xf32, #tpu.memory_space<vmem>>, vector<1x16xf32>,
        %swap3A_242 = vector.shape_cast %swap3A_241 : vector<1x16xf32> to vector<16xf32>
        %swap3A_243 = vector.shape_cast %add3A_238 : vector<16xf32> to vector<1x16xf32>
        tpu.vector_store %arg12[%swap3A_239, %swap3A_240], %swap3A_243 {strides = array<i32>} : memref<40x128xf32, #tpu.memory_space<vmem>>, vector<1x16xf32>,
        %get3A_244 = arith.index_cast %scan3A_216 : i32 to index
        %get3A_245 = arith.constant 32 : index
        %get3A_246 = tpu.vector_load %arg12[%get3A_244, %get3A_245] {strides = array<i32>} : memref<40x128xf32, #tpu.memory_space<vmem>>, vector<1x16xf32>,
        %get3A_247 = vector.shape_cast %get3A_246 : vector<1x16xf32> to vector<16xf32>
        %get3A_248 = arith.index_cast %scan3A_216 : i32 to index
        %get3A_249 = arith.constant 32 : index
        %get3A_250 = tpu.vector_load %arg17[%get3A_248, %get3A_249] {strides = array<i32>} : memref<40x128xf32, #tpu.memory_space<vmem>>, vector<1x16xf32>,
        %get3A_251 = vector.shape_cast %get3A_250 : vector<1x16xf32> to vector<16xf32>
        %add3A_252 = arith.addf %get3A_247, %get3A_251 : vector<16xf32>
        %swap3A_253 = arith.index_cast %scan3A_216 : i32 to index
        %swap3A_254 = arith.constant 32 : index
        %swap3A_255 = tpu.vector_load %arg12[%swap3A_253, %swap3A_254] {strides = array<i32>} : memref<40x128xf32, #tpu.memory_space<vmem>>, vector<1x16xf32>,
        %swap3A_256 = vector.shape_cast %swap3A_255 : vector<1x16xf32> to vector<16xf32>
        %swap3A_257 = vector.shape_cast %add3A_252 : vector<16xf32> to vector<1x16xf32>
        tpu.vector_store %arg12[%swap3A_253, %swap3A_254], %swap3A_257 {strides = array<i32>} : memref<40x128xf32, #tpu.memory_space<vmem>>, vector<1x16xf32>,
        %get3A_258 = arith.index_cast %scan3A_216 : i32 to index
        %get3A_259 = arith.constant 48 : index
        %get3A_260 = tpu.vector_load %arg12[%get3A_258, %get3A_259] {strides = array<i32>} : memref<40x128xf32, #tpu.memory_space<vmem>>, vector<1x16xf32>,
        %get3A_261 = vector.shape_cast %get3A_260 : vector<1x16xf32> to vector<16xf32>
        %get3A_262 = arith.index_cast %scan3A_216 : i32 to index
        %get3A_263 = arith.constant 48 : index
        %get3A_264 = tpu.vector_load %arg17[%get3A_262, %get3A_263] {strides = array<i32>} : memref<40x128xf32, #tpu.memory_space<vmem>>, vector<1x16xf32>,
        %get3A_265 = vector.shape_cast %get3A_264 : vector<1x16xf32> to vector<16xf32>
        %add3A_266 = arith.addf %get3A_261, %get3A_265 : vector<16xf32>
        %swap3A_267 = arith.index_cast %scan3A_216 : i32 to index
        %swap3A_268 = arith.constant 48 : index
        %swap3A_269 = tpu.vector_load %arg12[%swap3A_267, %swap3A_268] {strides = array<i32>} : memref<40x128xf32, #tpu.memory_space<vmem>>, vector<1x16xf32>,
        %swap3A_270 = vector.shape_cast %swap3A_269 : vector<1x16xf32> to vector<16xf32>
        %swap3A_271 = vector.shape_cast %add3A_266 : vector<16xf32> to vector<1x16xf32>
        tpu.vector_store %arg12[%swap3A_267, %swap3A_268], %swap3A_271 {strides = array<i32>} : memref<40x128xf32, #tpu.memory_space<vmem>>, vector<1x16xf32>,
        %get3A_272 = arith.index_cast %scan3A_216 : i32 to index
        %get3A_273 = arith.constant 64 : index
        %get3A_274 = tpu.vector_load %arg12[%get3A_272, %get3A_273] {strides = array<i32>} : memref<40x128xf32, #tpu.memory_space<vmem>>, vector<1x16xf32>,
        %get3A_275 = vector.shape_cast %get3A_274 : vector<1x16xf32> to vector<16xf32>
        %get3A_276 = arith.index_cast %scan3A_216 : i32 to index
        %get3A_277 = arith.constant 64 : index
        %get3A_278 = tpu.vector_load %arg17[%get3A_276, %get3A_277] {strides = array<i32>} : memref<40x128xf32, #tpu.memory_space<vmem>>, vector<1x16xf32>,
        %get3A_279 = vector.shape_cast %get3A_278 : vector<1x16xf32> to vector<16xf32>
        %add3A_280 = arith.addf %get3A_275, %get3A_279 : vector<16xf32>
        %swap3A_281 = arith.index_cast %scan3A_216 : i32 to index
        %swap3A_282 = arith.constant 64 : index
        %swap3A_283 = tpu.vector_load %arg12[%swap3A_281, %swap3A_282] {strides = array<i32>} : memref<40x128xf32, #tpu.memory_space<vmem>>, vector<1x16xf32>,
        %swap3A_284 = vector.shape_cast %swap3A_283 : vector<1x16xf32> to vector<16xf32>
        %swap3A_285 = vector.shape_cast %add3A_280 : vector<16xf32> to vector<1x16xf32>
        tpu.vector_store %arg12[%swap3A_281, %swap3A_282], %swap3A_285 {strides = array<i32>} : memref<40x128xf32, #tpu.memory_space<vmem>>, vector<1x16xf32>,
        %get3A_286 = arith.index_cast %scan3A_216 : i32 to index
        %get3A_287 = arith.constant 80 : index
        %get3A_288 = tpu.vector_load %arg12[%get3A_286, %get3A_287] {strides = array<i32>} : memref<40x128xf32, #tpu.memory_space<vmem>>, vector<1x16xf32>,
        %get3A_289 = vector.shape_cast %get3A_288 : vector<1x16xf32> to vector<16xf32>
        %get3A_290 = arith.index_cast %scan3A_216 : i32 to index
        %get3A_291 = arith.constant 80 : index
        %get3A_292 = tpu.vector_load %arg17[%get3A_290, %get3A_291] {strides = array<i32>} : memref<40x128xf32, #tpu.memory_space<vmem>>, vector<1x16xf32>,
        %get3A_293 = vector.shape_cast %get3A_292 : vector<1x16xf32> to vector<16xf32>
        %add3A_294 = arith.addf %get3A_289, %get3A_293 : vector<16xf32>
        %swap3A_295 = arith.index_cast %scan3A_216 : i32 to index
        %swap3A_296 = arith.constant 80 : index
        %swap3A_297 = tpu.vector_load %arg12[%swap3A_295, %swap3A_296] {strides = array<i32>} : memref<40x128xf32, #tpu.memory_space<vmem>>, vector<1x16xf32>,
        %swap3A_298 = vector.shape_cast %swap3A_297 : vector<1x16xf32> to vector<16xf32>
        %swap3A_299 = vector.shape_cast %add3A_294 : vector<16xf32> to vector<1x16xf32>
        tpu.vector_store %arg12[%swap3A_295, %swap3A_296], %swap3A_299 {strides = array<i32>} : memref<40x128xf32, #tpu.memory_space<vmem>>, vector<1x16xf32>,
        %get3A_300 = arith.index_cast %scan3A_216 : i32 to index
        %get3A_301 = arith.constant 96 : index
        %get3A_302 = tpu.vector_load %arg12[%get3A_300, %get3A_301] {strides = array<i32>} : memref<40x128xf32, #tpu.memory_space<vmem>>, vector<1x16xf32>,
        %get3A_303 = vector.shape_cast %get3A_302 : vector<1x16xf32> to vector<16xf32>
        %get3A_304 = arith.index_cast %scan3A_216 : i32 to index
        %get3A_305 = arith.constant 96 : index
        %get3A_306 = tpu.vector_load %arg17[%get3A_304, %get3A_305] {strides = array<i32>} : memref<40x128xf32, #tpu.memory_space<vmem>>, vector<1x16xf32>,
        %get3A_307 = vector.shape_cast %get3A_306 : vector<1x16xf32> to vector<16xf32>
        %add3A_308 = arith.addf %get3A_303, %get3A_307 : vector<16xf32>
        %swap3A_309 = arith.index_cast %scan3A_216 : i32 to index
        %swap3A_310 = arith.constant 96 : index
        %swap3A_311 = tpu.vector_load %arg12[%swap3A_309, %swap3A_310] {strides = array<i32>} : memref<40x128xf32, #tpu.memory_space<vmem>>, vector<1x16xf32>,
        %swap3A_312 = vector.shape_cast %swap3A_311 : vector<1x16xf32> to vector<16xf32>
        %swap3A_313 = vector.shape_cast %add3A_308 : vector<16xf32> to vector<1x16xf32>
        tpu.vector_store %arg12[%swap3A_309, %swap3A_310], %swap3A_313 {strides = array<i32>} : memref<40x128xf32, #tpu.memory_space<vmem>>, vector<1x16xf32>,
        %get3A_314 = arith.index_cast %scan3A_216 : i32 to index
        %get3A_315 = arith.constant 112 : index
        %get3A_316 = tpu.vector_load %arg12[%get3A_314, %get3A_315] {strides = array<i32>} : memref<40x128xf32, #tpu.memory_space<vmem>>, vector<1x16xf32>,
        %get3A_317 = vector.shape_cast %get3A_316 : vector<1x16xf32> to vector<16xf32>
        %get3A_318 = arith.index_cast %scan3A_216 : i32 to index
        %get3A_319 = arith.constant 112 : index
        %get3A_320 = tpu.vector_load %arg17[%get3A_318, %get3A_319] {strides = array<i32>} : memref<40x128xf32, #tpu.memory_space<vmem>>, vector<1x16xf32>,
        %get3A_321 = vector.shape_cast %get3A_320 : vector<1x16xf32> to vector<16xf32>
        %add3A_322 = arith.addf %get3A_317, %get3A_321 : vector<16xf32>
        %swap3A_323 = arith.index_cast %scan3A_216 : i32 to index
        %swap3A_324 = arith.constant 112 : index
        %swap3A_325 = tpu.vector_load %arg12[%swap3A_323, %swap3A_324] {strides = array<i32>} : memref<40x128xf32, #tpu.memory_space<vmem>>, vector<1x16xf32>,
        %swap3A_326 = vector.shape_cast %swap3A_325 : vector<1x16xf32> to vector<16xf32>
        %swap3A_327 = vector.shape_cast %add3A_322 : vector<16xf32> to vector<1x16xf32>
        tpu.vector_store %arg12[%swap3A_323, %swap3A_324], %swap3A_327 {strides = array<i32>} : memref<40x128xf32, #tpu.memory_space<vmem>>, vector<1x16xf32>,
        %scan3A_328 = arith.constant 0 : i32
        scf.yield %scan3A_328 : i32
      }
      %scan3A_172 = arith.constant 40 : i32
      %mul3A_173 = arith.constant 40 : i32
      %mul3A_174 = arith.muli %add3A_148, %mul3A_173 : i32
      %add3A_175 = arith.addi %mul3A_2, %mul3A_174 : i32
      %dma_start3A_176 = arith.constant 0 : i32
      %dma_start3A_177 = tpu.memref_slice %arg6[%add3A_175, %dma_start3A_176] : memref<153600x128xf32, #tpu.memory_space<hbm>> -> memref<40x128xf32, #tpu.memory_space<hbm>>
      %dma_start3A_178 = arith.constant 0 : i32
      %dma_start3A_179 = tpu.memref_slice %arg6[%add3A_175, %dma_start3A_178] : memref<153600x128xf32, #tpu.memory_space<hbm>> -> memref<40x128xf32, #tpu.memory_space<hbm>>
      tpu.enqueue_dma source(%arg12 : memref<40x128xf32, #tpu.memory_space<vmem>>) target(%dma_start3A_179 : memref<40x128xf32, #tpu.memory_space<hbm>>) target_semaphore(%arg27 : memref<!tpu.dma_semaphore, #tpu.memory_space<semaphore_mem>>)
      %mul3A_180 = arith.constant 5 : i32
      %mul3A_181 = arith.muli %scan3A_41, %mul3A_180 : i32
      %add3A_182 = arith.constant 4 : i32
      %add3A_183 = arith.addi %mul3A_181, %add3A_182 : i32
      %add3A_184 = arith.constant 1 : i32
      %add3A_185 = arith.addi %add3A_183, %add3A_184 : i32
      %lt3A_186 = arith.constant 120 : i32
      %lt3A_187 = arith.cmpi slt, %add3A_185, %lt3A_186 : i32
      %convert_element_type3A_188 = arith.extui %lt3A_187 : i1 to i32
      %cond3A_189 = arith.constant 0 : i32
      %cond3A_190 = arith.cmpi ne, %convert_element_type3A_188, %cond3A_189 : i32
      scf.if %cond3A_190 {
        %add3A_216 = arith.constant 1 : i32
        %add3A_217 = arith.addi %add3A_183, %add3A_216 : i32
        %ge3A = arith.constant 5 : i32
        %ge3A_218 = arith.cmpi sge, %add3A_217, %ge3A : i32
        %convert_element_type3A_219 = arith.extui %ge3A_218 : i1 to i32
        %cond3A_220 = arith.constant 0 : i32
        %cond3A_221 = arith.cmpi ne, %convert_element_type3A_219, %cond3A_220 : i32
        scf.if %cond3A_221 {
          %dma_wait3A_234 = arith.constant 0 : i32
          %dma_wait3A_235 = tpu.memref_slice %arg6[%mul3A_2, %dma_wait3A_234] : memref<153600x128xf32, #tpu.memory_space<hbm>> -> memref<40x128xf32, #tpu.memory_space<hbm>>
          %dma_wait3A_236 = arith.constant 0 : i32
          %dma_wait3A_237 = tpu.memref_slice %arg6[%mul3A_2, %dma_wait3A_236] : memref<153600x128xf32, #tpu.memory_space<hbm>> -> memref<40x128xf32, #tpu.memory_space<hbm>>
          tpu.wait_dma2 semaphore(%arg24 : memref<!tpu.dma_semaphore, #tpu.memory_space<semaphore_mem>>) src(%arg9 : memref<40x128xf32, #tpu.memory_space<vmem>>) dst(%dma_wait3A_237 : memref<40x128xf32, #tpu.memory_space<hbm>>)
        } else {
        }
        %add3A_222 = arith.constant 1 : i32
        %add3A_223 = arith.addi %add3A_183, %add3A_222 : i32
        %mul3A_224 = arith.constant 40 : i32
        %mul3A_225 = arith.muli %add3A_223, %mul3A_224 : i32
        %dma_start3A_226 = tpu.memref_slice %arg7[%mul3A_225] : memref<4800xi32, #tpu.memory_space<vmem>> -> memref<40xi32, #tpu.memory_space<vmem>>
        %dma_start3A_227 = arith.constant 0 : i32
        %dma_start3A_228 = arith.constant 0 : i32
        %dma_start3A_229 = tpu.memref_slice %arg2[%dma_start3A_227, %dma_start3A_228] : memref<10000x128xf32, #tpu.memory_space<hbm>> -> memref<10000x128xf32, #tpu.memory_space<hbm>>
        tpu.enqueue_indirect_dma source(%dma_start3A_229 : memref<10000x128xf32, #tpu.memory_space<hbm>>) target(%arg9 : memref<40x128xf32, #tpu.memory_space<vmem>>) offsets(%dma_start3A_226 : memref<40xi32, #tpu.memory_space<vmem>>) semaphore(%arg19 : memref<!tpu.dma_semaphore, #tpu.memory_space<semaphore_mem>>)
        %dma_start3A_230 = tpu.memref_slice %arg8[%mul3A_225] : memref<4800xi32, #tpu.memory_space<vmem>> -> memref<40xi32, #tpu.memory_space<vmem>>
        %dma_start3A_231 = arith.constant 0 : i32
        %dma_start3A_232 = arith.constant 0 : i32
        %dma_start3A_233 = tpu.memref_slice %arg3[%dma_start3A_231, %dma_start3A_232] : memref<10000x128xf32, #tpu.memory_space<hbm>> -> memref<10000x128xf32, #tpu.memory_space<hbm>>
        tpu.enqueue_indirect_dma source(%dma_start3A_233 : memref<10000x128xf32, #tpu.memory_space<hbm>>) target(%arg14 : memref<40x128xf32, #tpu.memory_space<vmem>>) offsets(%dma_start3A_230 : memref<40xi32, #tpu.memory_space<vmem>>) semaphore(%arg19 : memref<!tpu.dma_semaphore, #tpu.memory_space<semaphore_mem>>)
      } else {
      }
      %dma_wait3A_191 = arith.constant 0 : i32
      %dma_wait3A_192 = tpu.memref_slice %arg7[%dma_wait3A_191] : memref<4800xi32, #tpu.memory_space<vmem>> -> memref<40xi32, #tpu.memory_space<vmem>>
      %dma_wait3A_193 = arith.constant 0 : i32
      %dma_wait3A_194 = arith.constant 0 : i32
      %dma_wait3A_195 = tpu.memref_slice %arg2[%dma_wait3A_193, %dma_wait3A_194] : memref<10000x128xf32, #tpu.memory_space<hbm>> -> memref<10000x128xf32, #tpu.memory_space<hbm>>
      tpu.wait_indirect_dma semaphore(%arg23 : memref<!tpu.dma_semaphore, #tpu.memory_space<semaphore_mem>>) src(%dma_wait3A_195 : memref<10000x128xf32, #tpu.memory_space<hbm>>) dst(%arg13 : memref<40x128xf32, #tpu.memory_space<vmem>>)
      %dma_wait3A_196 = arith.constant 0 : i32
      %dma_wait3A_197 = tpu.memref_slice %arg8[%dma_wait3A_196] : memref<4800xi32, #tpu.memory_space<vmem>> -> memref<40xi32, #tpu.memory_space<vmem>>
      %dma_wait3A_198 = arith.constant 0 : i32
      %dma_wait3A_199 = arith.constant 0 : i32
      %dma_wait3A_200 = tpu.memref_slice %arg3[%dma_wait3A_198, %dma_wait3A_199] : memref<10000x128xf32, #tpu.memory_space<hbm>> -> memref<10000x128xf32, #tpu.memory_space<hbm>>
      tpu.wait_indirect_dma semaphore(%arg23 : memref<!tpu.dma_semaphore, #tpu.memory_space<semaphore_mem>>) src(%dma_wait3A_200 : memref<10000x128xf32, #tpu.memory_space<hbm>>) dst(%arg18 : memref<40x128xf32, #tpu.memory_space<vmem>>)
      %scan3A_201 = arith.constant 0 : i32
      %scan3A_202 = arith.constant 0 : i32
      %scan3A_203 = arith.constant 40 : i32
      %scan3A_204 = arith.addi %scan3A_202, %scan3A_203 : i32
      %scan3A_205 = arith.constant 1 : i32
      %scan3A_206 = scf.for %scan3A_216 = %scan3A_202 to %scan3A_204 step %scan3A_205 iter_args(%scan3A_217 = %scan3A_201) -> (i32)  : i32 {
        %get3A = arith.index_cast %scan3A_216 : i32 to index
        %get3A_218 = arith.constant 0 : index
        %get3A_219 = tpu.vector_load %arg13[%get3A, %get3A_218] {strides = array<i32>} : memref<40x128xf32, #tpu.memory_space<vmem>>, vector<1x16xf32>,
        %get3A_220 = vector.shape_cast %get3A_219 : vector<1x16xf32> to vector<16xf32>
        %get3A_221 = arith.index_cast %scan3A_216 : i32 to index
        %get3A_222 = arith.constant 0 : index
        %get3A_223 = tpu.vector_load %arg18[%get3A_221, %get3A_222] {strides = array<i32>} : memref<40x128xf32, #tpu.memory_space<vmem>>, vector<1x16xf32>,
        %get3A_224 = vector.shape_cast %get3A_223 : vector<1x16xf32> to vector<16xf32>
        %add3A_225 = arith.addf %get3A_220, %get3A_224 : vector<16xf32>
        %swap3A = arith.index_cast %scan3A_216 : i32 to index
        %swap3A_226 = arith.constant 0 : index
        %swap3A_227 = tpu.vector_load %arg13[%swap3A, %swap3A_226] {strides = array<i32>} : memref<40x128xf32, #tpu.memory_space<vmem>>, vector<1x16xf32>,
        %swap3A_228 = vector.shape_cast %swap3A_227 : vector<1x16xf32> to vector<16xf32>
        %swap3A_229 = vector.shape_cast %add3A_225 : vector<16xf32> to vector<1x16xf32>
        tpu.vector_store %arg13[%swap3A, %swap3A_226], %swap3A_229 {strides = array<i32>} : memref<40x128xf32, #tpu.memory_space<vmem>>, vector<1x16xf32>,
        %get3A_230 = arith.index_cast %scan3A_216 : i32 to index
        %get3A_231 = arith.constant 16 : index
        %get3A_232 = tpu.vector_load %arg13[%get3A_230, %get3A_231] {strides = array<i32>} : memref<40x128xf32, #tpu.memory_space<vmem>>, vector<1x16xf32>,
        %get3A_233 = vector.shape_cast %get3A_232 : vector<1x16xf32> to vector<16xf32>
        %get3A_234 = arith.index_cast %scan3A_216 : i32 to index
        %get3A_235 = arith.constant 16 : index
        %get3A_236 = tpu.vector_load %arg18[%get3A_234, %get3A_235] {strides = array<i32>} : memref<40x128xf32, #tpu.memory_space<vmem>>, vector<1x16xf32>,
        %get3A_237 = vector.shape_cast %get3A_236 : vector<1x16xf32> to vector<16xf32>
        %add3A_238 = arith.addf %get3A_233, %get3A_237 : vector<16xf32>
        %swap3A_239 = arith.index_cast %scan3A_216 : i32 to index
        %swap3A_240 = arith.constant 16 : index
        %swap3A_241 = tpu.vector_load %arg13[%swap3A_239, %swap3A_240] {strides = array<i32>} : memref<40x128xf32, #tpu.memory_space<vmem>>, vector<1x16xf32>,
        %swap3A_242 = vector.shape_cast %swap3A_241 : vector<1x16xf32> to vector<16xf32>
        %swap3A_243 = vector.shape_cast %add3A_238 : vector<16xf32> to vector<1x16xf32>
        tpu.vector_store %arg13[%swap3A_239, %swap3A_240], %swap3A_243 {strides = array<i32>} : memref<40x128xf32, #tpu.memory_space<vmem>>, vector<1x16xf32>,
        %get3A_244 = arith.index_cast %scan3A_216 : i32 to index
        %get3A_245 = arith.constant 32 : index
        %get3A_246 = tpu.vector_load %arg13[%get3A_244, %get3A_245] {strides = array<i32>} : memref<40x128xf32, #tpu.memory_space<vmem>>, vector<1x16xf32>,
        %get3A_247 = vector.shape_cast %get3A_246 : vector<1x16xf32> to vector<16xf32>
        %get3A_248 = arith.index_cast %scan3A_216 : i32 to index
        %get3A_249 = arith.constant 32 : index
        %get3A_250 = tpu.vector_load %arg18[%get3A_248, %get3A_249] {strides = array<i32>} : memref<40x128xf32, #tpu.memory_space<vmem>>, vector<1x16xf32>,
        %get3A_251 = vector.shape_cast %get3A_250 : vector<1x16xf32> to vector<16xf32>
        %add3A_252 = arith.addf %get3A_247, %get3A_251 : vector<16xf32>
        %swap3A_253 = arith.index_cast %scan3A_216 : i32 to index
        %swap3A_254 = arith.constant 32 : index
        %swap3A_255 = tpu.vector_load %arg13[%swap3A_253, %swap3A_254] {strides = array<i32>} : memref<40x128xf32, #tpu.memory_space<vmem>>, vector<1x16xf32>,
        %swap3A_256 = vector.shape_cast %swap3A_255 : vector<1x16xf32> to vector<16xf32>
        %swap3A_257 = vector.shape_cast %add3A_252 : vector<16xf32> to vector<1x16xf32>
        tpu.vector_store %arg13[%swap3A_253, %swap3A_254], %swap3A_257 {strides = array<i32>} : memref<40x128xf32, #tpu.memory_space<vmem>>, vector<1x16xf32>,
        %get3A_258 = arith.index_cast %scan3A_216 : i32 to index
        %get3A_259 = arith.constant 48 : index
        %get3A_260 = tpu.vector_load %arg13[%get3A_258, %get3A_259] {strides = array<i32>} : memref<40x128xf32, #tpu.memory_space<vmem>>, vector<1x16xf32>,
        %get3A_261 = vector.shape_cast %get3A_260 : vector<1x16xf32> to vector<16xf32>
        %get3A_262 = arith.index_cast %scan3A_216 : i32 to index
        %get3A_263 = arith.constant 48 : index
        %get3A_264 = tpu.vector_load %arg18[%get3A_262, %get3A_263] {strides = array<i32>} : memref<40x128xf32, #tpu.memory_space<vmem>>, vector<1x16xf32>,
        %get3A_265 = vector.shape_cast %get3A_264 : vector<1x16xf32> to vector<16xf32>
        %add3A_266 = arith.addf %get3A_261, %get3A_265 : vector<16xf32>
        %swap3A_267 = arith.index_cast %scan3A_216 : i32 to index
        %swap3A_268 = arith.constant 48 : index
        %swap3A_269 = tpu.vector_load %arg13[%swap3A_267, %swap3A_268] {strides = array<i32>} : memref<40x128xf32, #tpu.memory_space<vmem>>, vector<1x16xf32>,
        %swap3A_270 = vector.shape_cast %swap3A_269 : vector<1x16xf32> to vector<16xf32>
        %swap3A_271 = vector.shape_cast %add3A_266 : vector<16xf32> to vector<1x16xf32>
        tpu.vector_store %arg13[%swap3A_267, %swap3A_268], %swap3A_271 {strides = array<i32>} : memref<40x128xf32, #tpu.memory_space<vmem>>, vector<1x16xf32>,
        %get3A_272 = arith.index_cast %scan3A_216 : i32 to index
        %get3A_273 = arith.constant 64 : index
        %get3A_274 = tpu.vector_load %arg13[%get3A_272, %get3A_273] {strides = array<i32>} : memref<40x128xf32, #tpu.memory_space<vmem>>, vector<1x16xf32>,
        %get3A_275 = vector.shape_cast %get3A_274 : vector<1x16xf32> to vector<16xf32>
        %get3A_276 = arith.index_cast %scan3A_216 : i32 to index
        %get3A_277 = arith.constant 64 : index
        %get3A_278 = tpu.vector_load %arg18[%get3A_276, %get3A_277] {strides = array<i32>} : memref<40x128xf32, #tpu.memory_space<vmem>>, vector<1x16xf32>,
        %get3A_279 = vector.shape_cast %get3A_278 : vector<1x16xf32> to vector<16xf32>
        %add3A_280 = arith.addf %get3A_275, %get3A_279 : vector<16xf32>
        %swap3A_281 = arith.index_cast %scan3A_216 : i32 to index
        %swap3A_282 = arith.constant 64 : index
        %swap3A_283 = tpu.vector_load %arg13[%swap3A_281, %swap3A_282] {strides = array<i32>} : memref<40x128xf32, #tpu.memory_space<vmem>>, vector<1x16xf32>,
        %swap3A_284 = vector.shape_cast %swap3A_283 : vector<1x16xf32> to vector<16xf32>
        %swap3A_285 = vector.shape_cast %add3A_280 : vector<16xf32> to vector<1x16xf32>
        tpu.vector_store %arg13[%swap3A_281, %swap3A_282], %swap3A_285 {strides = array<i32>} : memref<40x128xf32, #tpu.memory_space<vmem>>, vector<1x16xf32>,
        %get3A_286 = arith.index_cast %scan3A_216 : i32 to index
        %get3A_287 = arith.constant 80 : index
        %get3A_288 = tpu.vector_load %arg13[%get3A_286, %get3A_287] {strides = array<i32>} : memref<40x128xf32, #tpu.memory_space<vmem>>, vector<1x16xf32>,
        %get3A_289 = vector.shape_cast %get3A_288 : vector<1x16xf32> to vector<16xf32>
        %get3A_290 = arith.index_cast %scan3A_216 : i32 to index
        %get3A_291 = arith.constant 80 : index
        %get3A_292 = tpu.vector_load %arg18[%get3A_290, %get3A_291] {strides = array<i32>} : memref<40x128xf32, #tpu.memory_space<vmem>>, vector<1x16xf32>,
        %get3A_293 = vector.shape_cast %get3A_292 : vector<1x16xf32> to vector<16xf32>
        %add3A_294 = arith.addf %get3A_289, %get3A_293 : vector<16xf32>
        %swap3A_295 = arith.index_cast %scan3A_216 : i32 to index
        %swap3A_296 = arith.constant 80 : index
        %swap3A_297 = tpu.vector_load %arg13[%swap3A_295, %swap3A_296] {strides = array<i32>} : memref<40x128xf32, #tpu.memory_space<vmem>>, vector<1x16xf32>,
        %swap3A_298 = vector.shape_cast %swap3A_297 : vector<1x16xf32> to vector<16xf32>
        %swap3A_299 = vector.shape_cast %add3A_294 : vector<16xf32> to vector<1x16xf32>
        tpu.vector_store %arg13[%swap3A_295, %swap3A_296], %swap3A_299 {strides = array<i32>} : memref<40x128xf32, #tpu.memory_space<vmem>>, vector<1x16xf32>,
        %get3A_300 = arith.index_cast %scan3A_216 : i32 to index
        %get3A_301 = arith.constant 96 : index
        %get3A_302 = tpu.vector_load %arg13[%get3A_300, %get3A_301] {strides = array<i32>} : memref<40x128xf32, #tpu.memory_space<vmem>>, vector<1x16xf32>,
        %get3A_303 = vector.shape_cast %get3A_302 : vector<1x16xf32> to vector<16xf32>
        %get3A_304 = arith.index_cast %scan3A_216 : i32 to index
        %get3A_305 = arith.constant 96 : index
        %get3A_306 = tpu.vector_load %arg18[%get3A_304, %get3A_305] {strides = array<i32>} : memref<40x128xf32, #tpu.memory_space<vmem>>, vector<1x16xf32>,
        %get3A_307 = vector.shape_cast %get3A_306 : vector<1x16xf32> to vector<16xf32>
        %add3A_308 = arith.addf %get3A_303, %get3A_307 : vector<16xf32>
        %swap3A_309 = arith.index_cast %scan3A_216 : i32 to index
        %swap3A_310 = arith.constant 96 : index
        %swap3A_311 = tpu.vector_load %arg13[%swap3A_309, %swap3A_310] {strides = array<i32>} : memref<40x128xf32, #tpu.memory_space<vmem>>, vector<1x16xf32>,
        %swap3A_312 = vector.shape_cast %swap3A_311 : vector<1x16xf32> to vector<16xf32>
        %swap3A_313 = vector.shape_cast %add3A_308 : vector<16xf32> to vector<1x16xf32>
        tpu.vector_store %arg13[%swap3A_309, %swap3A_310], %swap3A_313 {strides = array<i32>} : memref<40x128xf32, #tpu.memory_space<vmem>>, vector<1x16xf32>,
        %get3A_314 = arith.index_cast %scan3A_216 : i32 to index
        %get3A_315 = arith.constant 112 : index
        %get3A_316 = tpu.vector_load %arg13[%get3A_314, %get3A_315] {strides = array<i32>} : memref<40x128xf32, #tpu.memory_space<vmem>>, vector<1x16xf32>,
        %get3A_317 = vector.shape_cast %get3A_316 : vector<1x16xf32> to vector<16xf32>
        %get3A_318 = arith.index_cast %scan3A_216 : i32 to index
        %get3A_319 = arith.constant 112 : index
        %get3A_320 = tpu.vector_load %arg18[%get3A_318, %get3A_319] {strides = array<i32>} : memref<40x128xf32, #tpu.memory_space<vmem>>, vector<1x16xf32>,
        %get3A_321 = vector.shape_cast %get3A_320 : vector<1x16xf32> to vector<16xf32>
        %add3A_322 = arith.addf %get3A_317, %get3A_321 : vector<16xf32>
        %swap3A_323 = arith.index_cast %scan3A_216 : i32 to index
        %swap3A_324 = arith.constant 112 : index
        %swap3A_325 = tpu.vector_load %arg13[%swap3A_323, %swap3A_324] {strides = array<i32>} : memref<40x128xf32, #tpu.memory_space<vmem>>, vector<1x16xf32>,
        %swap3A_326 = vector.shape_cast %swap3A_325 : vector<1x16xf32> to vector<16xf32>
        %swap3A_327 = vector.shape_cast %add3A_322 : vector<16xf32> to vector<1x16xf32>
        tpu.vector_store %arg13[%swap3A_323, %swap3A_324], %swap3A_327 {strides = array<i32>} : memref<40x128xf32, #tpu.memory_space<vmem>>, vector<1x16xf32>,
        %scan3A_328 = arith.constant 0 : i32
        scf.yield %scan3A_328 : i32
      }
      %scan3A_207 = arith.constant 40 : i32
      %mul3A_208 = arith.constant 40 : i32
      %mul3A_209 = arith.muli %add3A_183, %mul3A_208 : i32
      %add3A_210 = arith.addi %mul3A_2, %mul3A_209 : i32
      %dma_start3A_211 = arith.constant 0 : i32
      %dma_start3A_212 = tpu.memref_slice %arg6[%add3A_210, %dma_start3A_211] : memref<153600x128xf32, #tpu.memory_space<hbm>> -> memref<40x128xf32, #tpu.memory_space<hbm>>
      %dma_start3A_213 = arith.constant 0 : i32
      %dma_start3A_214 = tpu.memref_slice %arg6[%add3A_210, %dma_start3A_213] : memref<153600x128xf32, #tpu.memory_space<hbm>> -> memref<40x128xf32, #tpu.memory_space<hbm>>
      tpu.enqueue_dma source(%arg13 : memref<40x128xf32, #tpu.memory_space<vmem>>) target(%dma_start3A_214 : memref<40x128xf32, #tpu.memory_space<hbm>>) target_semaphore(%arg28 : memref<!tpu.dma_semaphore, #tpu.memory_space<semaphore_mem>>)
      %scan3A_215 = arith.constant 0 : i32
      scf.yield %scan3A_215 : i32
    }
    %scan3A_21 = arith.constant 24 : i32
    %dma_wait3A = arith.constant 0 : i32
    %dma_wait3A_22 = tpu.memref_slice %arg6[%mul3A_2, %dma_wait3A] : memref<153600x128xf32, #tpu.memory_space<hbm>> -> memref<40x128xf32, #tpu.memory_space<hbm>>
    %dma_wait3A_23 = arith.constant 0 : i32
    %dma_wait3A_24 = tpu.memref_slice %arg6[%mul3A_2, %dma_wait3A_23] : memref<153600x128xf32, #tpu.memory_space<hbm>> -> memref<40x128xf32, #tpu.memory_space<hbm>>
    tpu.wait_dma2 semaphore(%arg24 : memref<!tpu.dma_semaphore, #tpu.memory_space<semaphore_mem>>) src(%arg9 : memref<40x128xf32, #tpu.memory_space<vmem>>) dst(%dma_wait3A_24 : memref<40x128xf32, #tpu.memory_space<hbm>>)
    %dma_wait3A_25 = arith.constant 0 : i32
    %dma_wait3A_26 = tpu.memref_slice %arg6[%mul3A_2, %dma_wait3A_25] : memref<153600x128xf32, #tpu.memory_space<hbm>> -> memref<40x128xf32, #tpu.memory_space<hbm>>
    %dma_wait3A_27 = arith.constant 0 : i32
    %dma_wait3A_28 = tpu.memref_slice %arg6[%mul3A_2, %dma_wait3A_27] : memref<153600x128xf32, #tpu.memory_space<hbm>> -> memref<40x128xf32, #tpu.memory_space<hbm>>
    tpu.wait_dma2 semaphore(%arg25 : memref<!tpu.dma_semaphore, #tpu.memory_space<semaphore_mem>>) src(%arg10 : memref<40x128xf32, #tpu.memory_space<vmem>>) dst(%dma_wait3A_28 : memref<40x128xf32, #tpu.memory_space<hbm>>)
    %dma_wait3A_29 = arith.constant 0 : i32
    %dma_wait3A_30 = tpu.memref_slice %arg6[%mul3A_2, %dma_wait3A_29] : memref<153600x128xf32, #tpu.memory_space<hbm>> -> memref<40x128xf32, #tpu.memory_space<hbm>>
    %dma_wait3A_31 = arith.constant 0 : i32
    %dma_wait3A_32 = tpu.memref_slice %arg6[%mul3A_2, %dma_wait3A_31] : memref<153600x128xf32, #tpu.memory_space<hbm>> -> memref<40x128xf32, #tpu.memory_space<hbm>>
    tpu.wait_dma2 semaphore(%arg26 : memref<!tpu.dma_semaphore, #tpu.memory_space<semaphore_mem>>) src(%arg11 : memref<40x128xf32, #tpu.memory_space<vmem>>) dst(%dma_wait3A_32 : memref<40x128xf32, #tpu.memory_space<hbm>>)
    %dma_wait3A_33 = arith.constant 0 : i32
    %dma_wait3A_34 = tpu.memref_slice %arg6[%mul3A_2, %dma_wait3A_33] : memref<153600x128xf32, #tpu.memory_space<hbm>> -> memref<40x128xf32, #tpu.memory_space<hbm>>
    %dma_wait3A_35 = arith.constant 0 : i32
    %dma_wait3A_36 = tpu.memref_slice %arg6[%mul3A_2, %dma_wait3A_35] : memref<153600x128xf32, #tpu.memory_space<hbm>> -> memref<40x128xf32, #tpu.memory_space<hbm>>
    tpu.wait_dma2 semaphore(%arg27 : memref<!tpu.dma_semaphore, #tpu.memory_space<semaphore_mem>>) src(%arg12 : memref<40x128xf32, #tpu.memory_space<vmem>>) dst(%dma_wait3A_36 : memref<40x128xf32, #tpu.memory_space<hbm>>)
    %dma_wait3A_37 = arith.constant 0 : i32
    %dma_wait3A_38 = tpu.memref_slice %arg6[%mul3A_2, %dma_wait3A_37] : memref<153600x128xf32, #tpu.memory_space<hbm>> -> memref<40x128xf32, #tpu.memory_space<hbm>>
    %dma_wait3A_39 = arith.constant 0 : i32
    %dma_wait3A_40 = tpu.memref_slice %arg6[%mul3A_2, %dma_wait3A_39] : memref<153600x128xf32, #tpu.memory_space<hbm>> -> memref<40x128xf32, #tpu.memory_space<hbm>>
    tpu.wait_dma2 semaphore(%arg28 : memref<!tpu.dma_semaphore, #tpu.memory_space<semaphore_mem>>) src(%arg13 : memref<40x128xf32, #tpu.memory_space<vmem>>) dst(%dma_wait3A_40 : memref<40x128xf32, #tpu.memory_space<hbm>>)
    return
  }
}

#map = affine_map<(d0, d1) -> (0)>
#map1 = affine_map<(d0, d1) -> (0, 0)>
module attributes {stable_mosaic.version = 14 : i64} {
  func.func @sk(%arg0: i32, %arg1: i32, %arg2: memref<30000xf32, #tpu.memory_space<hbm>>, %arg3: memref<320000xi32, #tpu.memory_space<hbm>>, %arg4: memref<320000xi32, #tpu.memory_space<hbm>>, %arg5: memref<153600xf32, #tpu.memory_space<hbm>>, %arg6: memref<32x30720xf32, #tpu.memory_space<hbm>>, %arg7: memref<30000xf32, #tpu.memory_space<vmem>>, %arg8: memref<30720xf32, #tpu.memory_space<vmem>>, %arg9: memref<4800xi32, #tpu.memory_space<vmem>>, %arg10: memref<4800xi32, #tpu.memory_space<vmem>>, %arg11: memref<4800xf32, #tpu.memory_space<vmem>>) attributes {dimension_semantics = [#tpu.dimension_semantics<core_parallel>, #tpu.dimension_semantics<subcore_parallel>], iteration_bounds = array<i64: 2, 16>, scalar_prefetch = 0 : i64, scratch_operands = 5 : i64, tpu.core_type = #tpu.core_type<sc_vector_subcore>, window_params = [{transform_indices = #map}, {transform_indices = #map}, {transform_indices = #map}, {transform_indices = #map}, {transform_indices = #map1}]} {
    %mul3A = arith.constant 2 : i32
    %mul3A_0 = arith.muli %arg1, %mul3A : i32
    %add3A = arith.addi %mul3A_0, %arg0 : i32
    %mul3A_1 = arith.constant 4800 : i32
    %mul3A_2 = arith.muli %add3A, %mul3A_1 : i32
    "tpu.region"() ({
      %run_scoped3A = tpu.sem_alloc : memref<!tpu.dma_semaphore, #tpu.memory_space<semaphore_mem>>
      tpu.enqueue_dma source(%arg2 : memref<30000xf32, #tpu.memory_space<hbm>>) target(%arg7 : memref<30000xf32, #tpu.memory_space<vmem>>) target_semaphore(%run_scoped3A : memref<!tpu.dma_semaphore, #tpu.memory_space<semaphore_mem>>)
      tpu.wait_dma2 semaphore(%run_scoped3A : memref<!tpu.dma_semaphore, #tpu.memory_space<semaphore_mem>>) src(%arg2 : memref<30000xf32, #tpu.memory_space<hbm>>) dst(%arg7 : memref<30000xf32, #tpu.memory_space<vmem>>)
      tpu.yield
    }) : () -> ()
    %add3A_3 = arith.constant 166400 : i32
    %add3A_4 = arith.addi %add3A_3, %mul3A_2 : i32
    "tpu.region"() ({
      %run_scoped3A = tpu.sem_alloc : memref<!tpu.dma_semaphore, #tpu.memory_space<semaphore_mem>>
      %dma_start3A = tpu.memref_slice %arg3[%add3A_4] : memref<320000xi32, #tpu.memory_space<hbm>> -> memref<4800xi32, #tpu.memory_space<hbm>>
      %dma_start3A_21 = tpu.memref_slice %arg3[%add3A_4] : memref<320000xi32, #tpu.memory_space<hbm>> -> memref<4800xi32, #tpu.memory_space<hbm>>
      tpu.enqueue_dma source(%dma_start3A_21 : memref<4800xi32, #tpu.memory_space<hbm>>) target(%arg9 : memref<4800xi32, #tpu.memory_space<vmem>>) target_semaphore(%run_scoped3A : memref<!tpu.dma_semaphore, #tpu.memory_space<semaphore_mem>>)
      %dma_wait3A = tpu.memref_slice %arg3[%add3A_4] : memref<320000xi32, #tpu.memory_space<hbm>> -> memref<4800xi32, #tpu.memory_space<hbm>>
      %dma_wait3A_22 = tpu.memref_slice %arg3[%add3A_4] : memref<320000xi32, #tpu.memory_space<hbm>> -> memref<4800xi32, #tpu.memory_space<hbm>>
      tpu.wait_dma2 semaphore(%run_scoped3A : memref<!tpu.dma_semaphore, #tpu.memory_space<semaphore_mem>>) src(%dma_wait3A_22 : memref<4800xi32, #tpu.memory_space<hbm>>) dst(%arg9 : memref<4800xi32, #tpu.memory_space<vmem>>)
      tpu.yield
    }) : () -> ()
    %add3A_5 = arith.constant 166400 : i32
    %add3A_6 = arith.addi %add3A_5, %mul3A_2 : i32
    "tpu.region"() ({
      %run_scoped3A = tpu.sem_alloc : memref<!tpu.dma_semaphore, #tpu.memory_space<semaphore_mem>>
      %dma_start3A = tpu.memref_slice %arg4[%add3A_6] : memref<320000xi32, #tpu.memory_space<hbm>> -> memref<4800xi32, #tpu.memory_space<hbm>>
      %dma_start3A_21 = tpu.memref_slice %arg4[%add3A_6] : memref<320000xi32, #tpu.memory_space<hbm>> -> memref<4800xi32, #tpu.memory_space<hbm>>
      tpu.enqueue_dma source(%dma_start3A_21 : memref<4800xi32, #tpu.memory_space<hbm>>) target(%arg10 : memref<4800xi32, #tpu.memory_space<vmem>>) target_semaphore(%run_scoped3A : memref<!tpu.dma_semaphore, #tpu.memory_space<semaphore_mem>>)
      %dma_wait3A = tpu.memref_slice %arg4[%add3A_6] : memref<320000xi32, #tpu.memory_space<hbm>> -> memref<4800xi32, #tpu.memory_space<hbm>>
      %dma_wait3A_22 = tpu.memref_slice %arg4[%add3A_6] : memref<320000xi32, #tpu.memory_space<hbm>> -> memref<4800xi32, #tpu.memory_space<hbm>>
      tpu.wait_dma2 semaphore(%run_scoped3A : memref<!tpu.dma_semaphore, #tpu.memory_space<semaphore_mem>>) src(%dma_wait3A_22 : memref<4800xi32, #tpu.memory_space<hbm>>) dst(%arg10 : memref<4800xi32, #tpu.memory_space<vmem>>)
      tpu.yield
    }) : () -> ()
    "tpu.region"() ({
      %run_scoped3A = tpu.sem_alloc : memref<!tpu.dma_semaphore, #tpu.memory_space<semaphore_mem>>
      %dma_start3A = tpu.memref_slice %arg5[%mul3A_2] : memref<153600xf32, #tpu.memory_space<hbm>> -> memref<4800xf32, #tpu.memory_space<hbm>>
      %dma_start3A_21 = tpu.memref_slice %arg5[%mul3A_2] : memref<153600xf32, #tpu.memory_space<hbm>> -> memref<4800xf32, #tpu.memory_space<hbm>>
      tpu.enqueue_dma source(%dma_start3A_21 : memref<4800xf32, #tpu.memory_space<hbm>>) target(%arg11 : memref<4800xf32, #tpu.memory_space<vmem>>) target_semaphore(%run_scoped3A : memref<!tpu.dma_semaphore, #tpu.memory_space<semaphore_mem>>)
      %dma_wait3A = tpu.memref_slice %arg5[%mul3A_2] : memref<153600xf32, #tpu.memory_space<hbm>> -> memref<4800xf32, #tpu.memory_space<hbm>>
      %dma_wait3A_22 = tpu.memref_slice %arg5[%mul3A_2] : memref<153600xf32, #tpu.memory_space<hbm>> -> memref<4800xf32, #tpu.memory_space<hbm>>
      tpu.wait_dma2 semaphore(%run_scoped3A : memref<!tpu.dma_semaphore, #tpu.memory_space<semaphore_mem>>) src(%dma_wait3A_22 : memref<4800xf32, #tpu.memory_space<hbm>>) dst(%arg11 : memref<4800xf32, #tpu.memory_space<vmem>>)
      tpu.yield
    }) : () -> ()
    %broadcast_in_dim3A = arith.constant 0.000000e+00 : f32
    %broadcast_in_dim3A_7 = vector.broadcast %broadcast_in_dim3A : f32 to vector<16xf32>
    %scan3A = arith.constant 0 : i32
    %scan3A_8 = arith.constant 0 : i32
    %scan3A_9 = arith.constant 1920 : i32
    %scan3A_10 = arith.addi %scan3A_8, %scan3A_9 : i32
    %scan3A_11 = arith.constant 1 : i32
    %scan3A_12 = scf.for %scan3A_21 = %scan3A_8 to %scan3A_10 step %scan3A_11 iter_args(%scan3A_22 = %scan3A) -> (i32)  : i32 {
      %mul3A_23 = arith.constant 16 : i32
      %mul3A_24 = arith.muli %scan3A_21, %mul3A_23 : i32
      %swap3A = arith.index_cast %mul3A_24 : i32 to index
      %swap3A_25 = tpu.vector_load %arg8[%swap3A] {strides = array<i32>} : memref<30720xf32, #tpu.memory_space<vmem>>, vector<16xf32>,
      tpu.vector_store %arg8[%swap3A], %broadcast_in_dim3A_7 {strides = array<i32>} : memref<30720xf32, #tpu.memory_space<vmem>>, vector<16xf32>,
      %scan3A_26 = arith.constant 0 : i32
      scf.yield %scan3A_26 : i32
    }
    %scan3A_13 = arith.constant 1920 : i32
    %scan3A_14 = arith.constant 0 : i32
    %scan3A_15 = arith.constant 0 : i32
    %scan3A_16 = arith.constant 300 : i32
    %scan3A_17 = arith.addi %scan3A_15, %scan3A_16 : i32
    %scan3A_18 = arith.constant 1 : i32
    %scan3A_19 = scf.for %scan3A_21 = %scan3A_15 to %scan3A_17 step %scan3A_18 iter_args(%scan3A_22 = %scan3A_14) -> (i32)  : i32 {
      %mul3A_23 = arith.constant 16 : i32
      %mul3A_24 = arith.muli %scan3A_21, %mul3A_23 : i32
      %get3A = arith.index_cast %mul3A_24 : i32 to index
      %get3A_25 = tpu.vector_load %arg9[%get3A] {strides = array<i32>} : memref<4800xi32, #tpu.memory_space<vmem>>, vector<16xi32>,
      %mul3A_26 = arith.constant 3 : i32
      %mul3A_27 = vector.broadcast %mul3A_26 : i32 to vector<16xi32>
      %mul3A_28 = arith.muli %get3A_25, %mul3A_27 : vector<16xi32>
      %get3A_29 = arith.index_cast %mul3A_24 : i32 to index
      %get3A_30 = tpu.vector_load %arg10[%get3A_29] {strides = array<i32>} : memref<4800xi32, #tpu.memory_space<vmem>>, vector<16xi32>,
      %mul3A_31 = arith.constant 3 : i32
      %mul3A_32 = vector.broadcast %mul3A_31 : i32 to vector<16xi32>
      %mul3A_33 = arith.muli %get3A_30, %mul3A_32 : vector<16xi32>
      %get3A_34 = arith.index_cast %mul3A_24 : i32 to index
      %get3A_35 = tpu.vector_load %arg11[%get3A_34] {strides = array<i32>} : memref<4800xf32, #tpu.memory_space<vmem>>, vector<16xf32>,
      %gather3A = tpu.vector_load_idx %arg7[%mul3A_28] : memref<30000xf32, #tpu.memory_space<vmem>>[vector<16xi32>], vector<16xf32>,
      %gather3A_36 = tpu.vector_load_idx %arg7[%mul3A_33] : memref<30000xf32, #tpu.memory_space<vmem>>[vector<16xi32>], vector<16xf32>,
      %sub3A = arith.subf %gather3A, %gather3A_36 : vector<16xf32>
      %add3A_37 = arith.constant 1 : i32
      %add3A_38 = vector.broadcast %add3A_37 : i32 to vector<16xi32>
      %add3A_39 = arith.addi %mul3A_28, %add3A_38 : vector<16xi32>
      %gather3A_40 = tpu.vector_load_idx %arg7[%add3A_39] : memref<30000xf32, #tpu.memory_space<vmem>>[vector<16xi32>], vector<16xf32>,
      %add3A_41 = arith.constant 1 : i32
      %add3A_42 = vector.broadcast %add3A_41 : i32 to vector<16xi32>
      %add3A_43 = arith.addi %mul3A_33, %add3A_42 : vector<16xi32>
      %gather3A_44 = tpu.vector_load_idx %arg7[%add3A_43] : memref<30000xf32, #tpu.memory_space<vmem>>[vector<16xi32>], vector<16xf32>,
      %sub3A_45 = arith.subf %gather3A_40, %gather3A_44 : vector<16xf32>
      %add3A_46 = arith.constant 2 : i32
      %add3A_47 = vector.broadcast %add3A_46 : i32 to vector<16xi32>
      %add3A_48 = arith.addi %mul3A_28, %add3A_47 : vector<16xi32>
      %gather3A_49 = tpu.vector_load_idx %arg7[%add3A_48] : memref<30000xf32, #tpu.memory_space<vmem>>[vector<16xi32>], vector<16xf32>,
      %add3A_50 = arith.constant 2 : i32
      %add3A_51 = vector.broadcast %add3A_50 : i32 to vector<16xi32>
      %add3A_52 = arith.addi %mul3A_33, %add3A_51 : vector<16xi32>
      %gather3A_53 = tpu.vector_load_idx %arg7[%add3A_52] : memref<30000xf32, #tpu.memory_space<vmem>>[vector<16xi32>], vector<16xf32>,
      %sub3A_54 = arith.subf %gather3A_49, %gather3A_53 : vector<16xf32>
      %mul3A_55 = arith.mulf %sub3A, %sub3A : vector<16xf32>
      %mul3A_56 = arith.mulf %sub3A_45, %sub3A_45 : vector<16xf32>
      %add3A_57 = arith.addf %mul3A_55, %mul3A_56 : vector<16xf32>
      %mul3A_58 = arith.mulf %sub3A_54, %sub3A_54 : vector<16xf32>
      %add3A_59 = arith.addf %add3A_57, %mul3A_58 : vector<16xf32>
      %max3A = arith.constant 1.000000e-30 : f32
      %max3A_60 = vector.broadcast %max3A : f32 to vector<16xf32>
      %max3A_61 = arith.maximumf %add3A_59, %max3A_60 : vector<16xf32>
      %bitcast3A = vector.bitcast %max3A_61 : vector<16xf32> to vector<16xi32>
      %shift_right_arithmetic3A = arith.constant 1 : i32
      %shift_right_arithmetic3A_62 = vector.broadcast %shift_right_arithmetic3A : i32 to vector<16xi32>
      %shift_right_arithmetic3A_63 = arith.shrsi %bitcast3A, %shift_right_arithmetic3A_62 : vector<16xi32>
      %sub3A_64 = arith.constant 1597463007 : i32
      %sub3A_65 = vector.broadcast %sub3A_64 : i32 to vector<16xi32>
      %sub3A_66 = arith.subi %sub3A_65, %shift_right_arithmetic3A_63 : vector<16xi32>
      %bitcast3A_67 = vector.bitcast %sub3A_66 : vector<16xi32> to vector<16xf32>
      %mul3A_68 = arith.constant 5.000000e-01 : f32
      %mul3A_69 = vector.broadcast %mul3A_68 : f32 to vector<16xf32>
      %mul3A_70 = arith.mulf %mul3A_69, %max3A_61 : vector<16xf32>
      %mul3A_71 = arith.mulf %mul3A_70, %bitcast3A_67 : vector<16xf32>
      %mul3A_72 = arith.mulf %mul3A_71, %bitcast3A_67 : vector<16xf32>
      %sub3A_73 = arith.constant 1.500000e+00 : f32
      %sub3A_74 = vector.broadcast %sub3A_73 : f32 to vector<16xf32>
      %sub3A_75 = arith.subf %sub3A_74, %mul3A_72 : vector<16xf32>
      %mul3A_76 = arith.mulf %bitcast3A_67, %sub3A_75 : vector<16xf32>
      %mul3A_77 = arith.constant 5.000000e-01 : f32
      %mul3A_78 = vector.broadcast %mul3A_77 : f32 to vector<16xf32>
      %mul3A_79 = arith.mulf %mul3A_78, %max3A_61 : vector<16xf32>
      %mul3A_80 = arith.mulf %mul3A_79, %mul3A_76 : vector<16xf32>
      %mul3A_81 = arith.mulf %mul3A_80, %mul3A_76 : vector<16xf32>
      %sub3A_82 = arith.constant 1.500000e+00 : f32
      %sub3A_83 = vector.broadcast %sub3A_82 : f32 to vector<16xf32>
      %sub3A_84 = arith.subf %sub3A_83, %mul3A_81 : vector<16xf32>
      %mul3A_85 = arith.mulf %mul3A_76, %sub3A_84 : vector<16xf32>
      %mul3A_86 = arith.constant 5.000000e-01 : f32
      %mul3A_87 = vector.broadcast %mul3A_86 : f32 to vector<16xf32>
      %mul3A_88 = arith.mulf %mul3A_87, %max3A_61 : vector<16xf32>
      %mul3A_89 = arith.mulf %mul3A_88, %mul3A_85 : vector<16xf32>
      %mul3A_90 = arith.mulf %mul3A_89, %mul3A_85 : vector<16xf32>
      %sub3A_91 = arith.constant 1.500000e+00 : f32
      %sub3A_92 = vector.broadcast %sub3A_91 : f32 to vector<16xf32>
      %sub3A_93 = arith.subf %sub3A_92, %mul3A_90 : vector<16xf32>
      %mul3A_94 = arith.mulf %mul3A_85, %sub3A_93 : vector<16xf32>
      %mul3A_95 = arith.mulf %max3A_61, %mul3A_94 : vector<16xf32>
      %max3A_96 = arith.constant 9.99999993E-9 : f32
      %max3A_97 = vector.broadcast %max3A_96 : f32 to vector<16xf32>
      %max3A_98 = arith.maximumf %mul3A_95, %max3A_97 : vector<16xf32>
      %div3A = arith.divf %get3A_35, %max3A_98 : vector<16xf32>
      %mul3A_99 = arith.mulf %sub3A, %div3A : vector<16xf32>
      tpu.vector_store_idx %arg8[%mul3A_28], %mul3A_99 {add = true} : memref<30720xf32, #tpu.memory_space<vmem>>[vector<16xi32>], vector<16xf32>,
      %add3A_100 = arith.constant 1 : i32
      %add3A_101 = vector.broadcast %add3A_100 : i32 to vector<16xi32>
      %add3A_102 = arith.addi %mul3A_28, %add3A_101 : vector<16xi32>
      %mul3A_103 = arith.mulf %sub3A_45, %div3A : vector<16xf32>
      tpu.vector_store_idx %arg8[%add3A_102], %mul3A_103 {add = true} : memref<30720xf32, #tpu.memory_space<vmem>>[vector<16xi32>], vector<16xf32>,
      %add3A_104 = arith.constant 2 : i32
      %add3A_105 = vector.broadcast %add3A_104 : i32 to vector<16xi32>
      %add3A_106 = arith.addi %mul3A_28, %add3A_105 : vector<16xi32>
      %mul3A_107 = arith.mulf %sub3A_54, %div3A : vector<16xf32>
      tpu.vector_store_idx %arg8[%add3A_106], %mul3A_107 {add = true} : memref<30720xf32, #tpu.memory_space<vmem>>[vector<16xi32>], vector<16xf32>,
      %scan3A_108 = arith.constant 0 : i32
      scf.yield %scan3A_108 : i32
    }
    %scan3A_20 = arith.constant 300 : i32
    "tpu.region"() ({
      %run_scoped3A = tpu.sem_alloc : memref<!tpu.dma_semaphore, #tpu.memory_space<semaphore_mem>>
      %dma_start3A = arith.constant 0 : i32
      %dma_start3A_21 = tpu.memref_slice %arg6[%add3A, %dma_start3A] : memref<32x30720xf32, #tpu.memory_space<hbm>> -> memref<1x30720xf32, #tpu.memory_space<hbm>>
      %dma_start3A_22 = tpu.memref_squeeze %dma_start3A_21 : memref<1x30720xf32, #tpu.memory_space<hbm>> -> memref<30720xf32, #tpu.memory_space<hbm>>
      %dma_start3A_23 = arith.constant 0 : i32
      %dma_start3A_24 = tpu.memref_slice %arg6[%add3A, %dma_start3A_23] : memref<32x30720xf32, #tpu.memory_space<hbm>> -> memref<1x30720xf32, #tpu.memory_space<hbm>>
      %dma_start3A_25 = tpu.memref_squeeze %dma_start3A_24 : memref<1x30720xf32, #tpu.memory_space<hbm>> -> memref<30720xf32, #tpu.memory_space<hbm>>
      tpu.enqueue_dma source(%arg8 : memref<30720xf32, #tpu.memory_space<vmem>>) target(%dma_start3A_25 : memref<30720xf32, #tpu.memory_space<hbm>>) target_semaphore(%run_scoped3A : memref<!tpu.dma_semaphore, #tpu.memory_space<semaphore_mem>>)
      %dma_wait3A = arith.constant 0 : i32
      %dma_wait3A_26 = tpu.memref_slice %arg6[%add3A, %dma_wait3A] : memref<32x30720xf32, #tpu.memory_space<hbm>> -> memref<1x30720xf32, #tpu.memory_space<hbm>>
      %dma_wait3A_27 = tpu.memref_squeeze %dma_wait3A_26 : memref<1x30720xf32, #tpu.memory_space<hbm>> -> memref<30720xf32, #tpu.memory_space<hbm>>
      %dma_wait3A_28 = arith.constant 0 : i32
      %dma_wait3A_29 = tpu.memref_slice %arg6[%add3A, %dma_wait3A_28] : memref<32x30720xf32, #tpu.memory_space<hbm>> -> memref<1x30720xf32, #tpu.memory_space<hbm>>
      %dma_wait3A_30 = tpu.memref_squeeze %dma_wait3A_29 : memref<1x30720xf32, #tpu.memory_space<hbm>> -> memref<30720xf32, #tpu.memory_space<hbm>>
      tpu.wait_dma2 semaphore(%run_scoped3A : memref<!tpu.dma_semaphore, #tpu.memory_space<semaphore_mem>>) src(%arg8 : memref<30720xf32, #tpu.memory_space<vmem>>) dst(%dma_wait3A_30 : memref<30720xf32, #tpu.memory_space<hbm>>)
      tpu.yield
    }) : () -> ()
    return
  }
}

#map = affine_map<(d0, d1) -> (0, 0)>
#map1 = affine_map<(d0, d1) -> (0)>
module attributes {stable_mosaic.version = 14 : i64} {
  func.func @gk(%arg0: i32, %arg1: i32, %arg2: memref<10000x128xf32, #tpu.memory_space<hbm>>, %arg3: memref<10000x128xf32, #tpu.memory_space<hbm>>, %arg4: memref<320000xi32, #tpu.memory_space<hbm>>, %arg5: memref<320000xi32, #tpu.memory_space<hbm>>, %arg6: memref<166400x128xf32, #tpu.memory_space<hbm>>, %arg7: memref<5200xi32, #tpu.memory_space<vmem>>, %arg8: memref<5200xi32, #tpu.memory_space<vmem>>, %arg9: memref<40x128xf32, #tpu.memory_space<vmem>>, %arg10: memref<40x128xf32, #tpu.memory_space<vmem>>, %arg11: memref<40x128xf32, #tpu.memory_space<vmem>>, %arg12: memref<40x128xf32, #tpu.memory_space<vmem>>, %arg13: memref<40x128xf32, #tpu.memory_space<vmem>>, %arg14: memref<40x128xf32, #tpu.memory_space<vmem>>, %arg15: memref<40x128xf32, #tpu.memory_space<vmem>>, %arg16: memref<40x128xf32, #tpu.memory_space<vmem>>, %arg17: memref<40x128xf32, #tpu.memory_space<vmem>>, %arg18: memref<40x128xf32, #tpu.memory_space<vmem>>, %arg19: memref<!tpu.dma_semaphore, #tpu.memory_space<semaphore_mem>>, %arg20: memref<!tpu.dma_semaphore, #tpu.memory_space<semaphore_mem>>, %arg21: memref<!tpu.dma_semaphore, #tpu.memory_space<semaphore_mem>>, %arg22: memref<!tpu.dma_semaphore, #tpu.memory_space<semaphore_mem>>, %arg23: memref<!tpu.dma_semaphore, #tpu.memory_space<semaphore_mem>>, %arg24: memref<!tpu.dma_semaphore, #tpu.memory_space<semaphore_mem>>, %arg25: memref<!tpu.dma_semaphore, #tpu.memory_space<semaphore_mem>>, %arg26: memref<!tpu.dma_semaphore, #tpu.memory_space<semaphore_mem>>, %arg27: memref<!tpu.dma_semaphore, #tpu.memory_space<semaphore_mem>>, %arg28: memref<!tpu.dma_semaphore, #tpu.memory_space<semaphore_mem>>) attributes {dimension_semantics = [#tpu.dimension_semantics<core_parallel>, #tpu.dimension_semantics<subcore_parallel>], iteration_bounds = array<i64: 2, 16>, scalar_prefetch = 0 : i64, scratch_operands = 22 : i64, tpu.core_type = #tpu.core_type<sc_vector_subcore>, window_params = [{transform_indices = #map}, {transform_indices = #map}, {transform_indices = #map1}, {transform_indices = #map1}, {transform_indices = #map}]} {
    %mul3A = arith.constant 2 : i32
    %mul3A_0 = arith.muli %arg1, %mul3A : i32
    %add3A = arith.addi %mul3A_0, %arg0 : i32
    %mul3A_1 = arith.constant 5200 : i32
    %mul3A_2 = arith.muli %add3A, %mul3A_1 : i32
    %add3A_3 = arith.constant 0 : i32
    %add3A_4 = arith.addi %add3A_3, %mul3A_2 : i32
    "tpu.region"() ({
      %run_scoped3A = tpu.sem_alloc : memref<!tpu.dma_semaphore, #tpu.memory_space<semaphore_mem>>
      %dma_start3A_41 = tpu.memref_slice %arg4[%add3A_4] : memref<320000xi32, #tpu.memory_space<hbm>> -> memref<5200xi32, #tpu.memory_space<hbm>>
      %dma_start3A_42 = tpu.memref_slice %arg4[%add3A_4] : memref<320000xi32, #tpu.memory_space<hbm>> -> memref<5200xi32, #tpu.memory_space<hbm>>
      tpu.enqueue_dma source(%dma_start3A_42 : memref<5200xi32, #tpu.memory_space<hbm>>) target(%arg7 : memref<5200xi32, #tpu.memory_space<vmem>>) target_semaphore(%run_scoped3A : memref<!tpu.dma_semaphore, #tpu.memory_space<semaphore_mem>>)
      %dma_wait3A_43 = tpu.memref_slice %arg4[%add3A_4] : memref<320000xi32, #tpu.memory_space<hbm>> -> memref<5200xi32, #tpu.memory_space<hbm>>
      %dma_wait3A_44 = tpu.memref_slice %arg4[%add3A_4] : memref<320000xi32, #tpu.memory_space<hbm>> -> memref<5200xi32, #tpu.memory_space<hbm>>
      tpu.wait_dma2 semaphore(%run_scoped3A : memref<!tpu.dma_semaphore, #tpu.memory_space<semaphore_mem>>) src(%dma_wait3A_44 : memref<5200xi32, #tpu.memory_space<hbm>>) dst(%arg7 : memref<5200xi32, #tpu.memory_space<vmem>>)
      tpu.yield
    }) : () -> ()
    %add3A_5 = arith.constant 0 : i32
    %add3A_6 = arith.addi %add3A_5, %mul3A_2 : i32
    "tpu.region"() ({
      %run_scoped3A = tpu.sem_alloc : memref<!tpu.dma_semaphore, #tpu.memory_space<semaphore_mem>>
      %dma_start3A_41 = tpu.memref_slice %arg5[%add3A_6] : memref<320000xi32, #tpu.memory_space<hbm>> -> memref<5200xi32, #tpu.memory_space<hbm>>
      %dma_start3A_42 = tpu.memref_slice %arg5[%add3A_6] : memref<320000xi32, #tpu.memory_space<hbm>> -> memref<5200xi32, #tpu.memory_space<hbm>>
      tpu.enqueue_dma source(%dma_start3A_42 : memref<5200xi32, #tpu.memory_space<hbm>>) target(%arg8 : memref<5200xi32, #tpu.memory_space<vmem>>) target_semaphore(%run_scoped3A : memref<!tpu.dma_semaphore, #tpu.memory_space<semaphore_mem>>)
      %dma_wait3A_43 = tpu.memref_slice %arg5[%add3A_6] : memref<320000xi32, #tpu.memory_space<hbm>> -> memref<5200xi32, #tpu.memory_space<hbm>>
      %dma_wait3A_44 = tpu.memref_slice %arg5[%add3A_6] : memref<320000xi32, #tpu.memory_space<hbm>> -> memref<5200xi32, #tpu.memory_space<hbm>>
      tpu.wait_dma2 semaphore(%run_scoped3A : memref<!tpu.dma_semaphore, #tpu.memory_space<semaphore_mem>>) src(%dma_wait3A_44 : memref<5200xi32, #tpu.memory_space<hbm>>) dst(%arg8 : memref<5200xi32, #tpu.memory_space<vmem>>)
      tpu.yield
    }) : () -> ()
    %dma_start3A = arith.constant 0 : i32
    %dma_start3A_7 = tpu.memref_slice %arg7[%dma_start3A] : memref<5200xi32, #tpu.memory_space<vmem>> -> memref<40xi32, #tpu.memory_space<vmem>>
    %dma_start3A_8 = arith.constant 0 : i32
    %dma_start3A_9 = arith.constant 0 : i32
    %dma_start3A_10 = tpu.memref_slice %arg2[%dma_start3A_8, %dma_start3A_9] : memref<10000x128xf32, #tpu.memory_space<hbm>> -> memref<10000x128xf32, #tpu.memory_space<hbm>>
    tpu.enqueue_indirect_dma source(%dma_start3A_10 : memref<10000x128xf32, #tpu.memory_space<hbm>>) target(%arg9 : memref<40x128xf32, #tpu.memory_space<vmem>>) offsets(%dma_start3A_7 : memref<40xi32, #tpu.memory_space<vmem>>) semaphore(%arg19 : memref<!tpu.dma_semaphore, #tpu.memory_space<semaphore_mem>>)
    %dma_start3A_11 = arith.constant 0 : i32
    %dma_start3A_12 = tpu.memref_slice %arg8[%dma_start3A_11] : memref<5200xi32, #tpu.memory_space<vmem>> -> memref<40xi32, #tpu.memory_space<vmem>>
    %dma_start3A_13 = arith.constant 0 : i32
    %dma_start3A_14 = arith.constant 0 : i32
    %dma_start3A_15 = tpu.memref_slice %arg3[%dma_start3A_13, %dma_start3A_14] : memref<10000x128xf32, #tpu.memory_space<hbm>> -> memref<10000x128xf32, #tpu.memory_space<hbm>>
    tpu.enqueue_indirect_dma source(%dma_start3A_15 : memref<10000x128xf32, #tpu.memory_space<hbm>>) target(%arg14 : memref<40x128xf32, #tpu.memory_space<vmem>>) offsets(%dma_start3A_12 : memref<40xi32, #tpu.memory_space<vmem>>) semaphore(%arg19 : memref<!tpu.dma_semaphore, #tpu.memory_space<semaphore_mem>>)
    %scan3A = arith.constant 0 : i32
    %scan3A_16 = arith.constant 0 : i32
    %scan3A_17 = arith.constant 26 : i32
    %scan3A_18 = arith.addi %scan3A_16, %scan3A_17 : i32
    %scan3A_19 = arith.constant 1 : i32
    %scan3A_20 = scf.for %scan3A_41 = %scan3A_16 to %scan3A_18 step %scan3A_19 iter_args(%scan3A_42 = %scan3A) -> (i32)  : i32 {
      %mul3A_43 = arith.constant 5 : i32
      %mul3A_44 = arith.muli %scan3A_41, %mul3A_43 : i32
      %add3A_45 = arith.constant 0 : i32
      %add3A_46 = arith.addi %mul3A_44, %add3A_45 : i32
      %add3A_47 = arith.constant 1 : i32
      %add3A_48 = arith.addi %add3A_46, %add3A_47 : i32
      %lt3A = arith.constant 130 : i32
      %lt3A_49 = arith.cmpi slt, %add3A_48, %lt3A : i32
      %convert_element_type3A = arith.extui %lt3A_49 : i1 to i32
      %cond3A = arith.constant 0 : i32
      %cond3A_50 = arith.cmpi ne, %convert_element_type3A, %cond3A : i32
      scf.if %cond3A_50 {
        %add3A_216 = arith.constant 1 : i32
        %add3A_217 = arith.addi %add3A_46, %add3A_216 : i32
        %ge3A = arith.constant 5 : i32
        %ge3A_218 = arith.cmpi sge, %add3A_217, %ge3A : i32
        %convert_element_type3A_219 = arith.extui %ge3A_218 : i1 to i32
        %cond3A_220 = arith.constant 0 : i32
        %cond3A_221 = arith.cmpi ne, %convert_element_type3A_219, %cond3A_220 : i32
        scf.if %cond3A_221 {
          %dma_wait3A_234 = arith.constant 0 : i32
          %dma_wait3A_235 = tpu.memref_slice %arg6[%mul3A_2, %dma_wait3A_234] : memref<166400x128xf32, #tpu.memory_space<hbm>> -> memref<40x128xf32, #tpu.memory_space<hbm>>
          %dma_wait3A_236 = arith.constant 0 : i32
          %dma_wait3A_237 = tpu.memref_slice %arg6[%mul3A_2, %dma_wait3A_236] : memref<166400x128xf32, #tpu.memory_space<hbm>> -> memref<40x128xf32, #tpu.memory_space<hbm>>
          tpu.wait_dma2 semaphore(%arg25 : memref<!tpu.dma_semaphore, #tpu.memory_space<semaphore_mem>>) src(%arg10 : memref<40x128xf32, #tpu.memory_space<vmem>>) dst(%dma_wait3A_237 : memref<40x128xf32, #tpu.memory_space<hbm>>)
        } else {
        }
        %add3A_222 = arith.constant 1 : i32
        %add3A_223 = arith.addi %add3A_46, %add3A_222 : i32
        %mul3A_224 = arith.constant 40 : i32
        %mul3A_225 = arith.muli %add3A_223, %mul3A_224 : i32
        %dma_start3A_226 = tpu.memref_slice %arg7[%mul3A_225] : memref<5200xi32, #tpu.memory_space<vmem>> -> memref<40xi32, #tpu.memory_space<vmem>>
        %dma_start3A_227 = arith.constant 0 : i32
        %dma_start3A_228 = arith.constant 0 : i32
        %dma_start3A_229 = tpu.memref_slice %arg2[%dma_start3A_227, %dma_start3A_228] : memref<10000x128xf32, #tpu.memory_space<hbm>> -> memref<10000x128xf32, #tpu.memory_space<hbm>>
        tpu.enqueue_indirect_dma source(%dma_start3A_229 : memref<10000x128xf32, #tpu.memory_space<hbm>>) target(%arg10 : memref<40x128xf32, #tpu.memory_space<vmem>>) offsets(%dma_start3A_226 : memref<40xi32, #tpu.memory_space<vmem>>) semaphore(%arg20 : memref<!tpu.dma_semaphore, #tpu.memory_space<semaphore_mem>>)
        %dma_start3A_230 = tpu.memref_slice %arg8[%mul3A_225] : memref<5200xi32, #tpu.memory_space<vmem>> -> memref<40xi32, #tpu.memory_space<vmem>>
        %dma_start3A_231 = arith.constant 0 : i32
        %dma_start3A_232 = arith.constant 0 : i32
        %dma_start3A_233 = tpu.memref_slice %arg3[%dma_start3A_231, %dma_start3A_232] : memref<10000x128xf32, #tpu.memory_space<hbm>> -> memref<10000x128xf32, #tpu.memory_space<hbm>>
        tpu.enqueue_indirect_dma source(%dma_start3A_233 : memref<10000x128xf32, #tpu.memory_space<hbm>>) target(%arg15 : memref<40x128xf32, #tpu.memory_space<vmem>>) offsets(%dma_start3A_230 : memref<40xi32, #tpu.memory_space<vmem>>) semaphore(%arg20 : memref<!tpu.dma_semaphore, #tpu.memory_space<semaphore_mem>>)
      } else {
      }
      %dma_wait3A_51 = arith.constant 0 : i32
      %dma_wait3A_52 = tpu.memref_slice %arg7[%dma_wait3A_51] : memref<5200xi32, #tpu.memory_space<vmem>> -> memref<40xi32, #tpu.memory_space<vmem>>
      %dma_wait3A_53 = arith.constant 0 : i32
      %dma_wait3A_54 = arith.constant 0 : i32
      %dma_wait3A_55 = tpu.memref_slice %arg2[%dma_wait3A_53, %dma_wait3A_54] : memref<10000x128xf32, #tpu.memory_space<hbm>> -> memref<10000x128xf32, #tpu.memory_space<hbm>>
      tpu.wait_indirect_dma semaphore(%arg19 : memref<!tpu.dma_semaphore, #tpu.memory_space<semaphore_mem>>) src(%dma_wait3A_55 : memref<10000x128xf32, #tpu.memory_space<hbm>>) dst(%arg9 : memref<40x128xf32, #tpu.memory_space<vmem>>)
      %dma_wait3A_56 = arith.constant 0 : i32
      %dma_wait3A_57 = tpu.memref_slice %arg8[%dma_wait3A_56] : memref<5200xi32, #tpu.memory_space<vmem>> -> memref<40xi32, #tpu.memory_space<vmem>>
      %dma_wait3A_58 = arith.constant 0 : i32
      %dma_wait3A_59 = arith.constant 0 : i32
      %dma_wait3A_60 = tpu.memref_slice %arg3[%dma_wait3A_58, %dma_wait3A_59] : memref<10000x128xf32, #tpu.memory_space<hbm>> -> memref<10000x128xf32, #tpu.memory_space<hbm>>
      tpu.wait_indirect_dma semaphore(%arg19 : memref<!tpu.dma_semaphore, #tpu.memory_space<semaphore_mem>>) src(%dma_wait3A_60 : memref<10000x128xf32, #tpu.memory_space<hbm>>) dst(%arg14 : memref<40x128xf32, #tpu.memory_space<vmem>>)
      %scan3A_61 = arith.constant 0 : i32
      %scan3A_62 = arith.constant 0 : i32
      %scan3A_63 = arith.constant 40 : i32
      %scan3A_64 = arith.addi %scan3A_62, %scan3A_63 : i32
      %scan3A_65 = arith.constant 1 : i32
      %scan3A_66 = scf.for %scan3A_216 = %scan3A_62 to %scan3A_64 step %scan3A_65 iter_args(%scan3A_217 = %scan3A_61) -> (i32)  : i32 {
        %get3A = arith.index_cast %scan3A_216 : i32 to index
        %get3A_218 = arith.constant 0 : index
        %get3A_219 = tpu.vector_load %arg9[%get3A, %get3A_218] {strides = array<i32>} : memref<40x128xf32, #tpu.memory_space<vmem>>, vector<1x16xf32>,
        %get3A_220 = vector.shape_cast %get3A_219 : vector<1x16xf32> to vector<16xf32>
        %get3A_221 = arith.index_cast %scan3A_216 : i32 to index
        %get3A_222 = arith.constant 0 : index
        %get3A_223 = tpu.vector_load %arg14[%get3A_221, %get3A_222] {strides = array<i32>} : memref<40x128xf32, #tpu.memory_space<vmem>>, vector<1x16xf32>,
        %get3A_224 = vector.shape_cast %get3A_223 : vector<1x16xf32> to vector<16xf32>
        %add3A_225 = arith.addf %get3A_220, %get3A_224 : vector<16xf32>
        %swap3A = arith.index_cast %scan3A_216 : i32 to index
        %swap3A_226 = arith.constant 0 : index
        %swap3A_227 = tpu.vector_load %arg9[%swap3A, %swap3A_226] {strides = array<i32>} : memref<40x128xf32, #tpu.memory_space<vmem>>, vector<1x16xf32>,
        %swap3A_228 = vector.shape_cast %swap3A_227 : vector<1x16xf32> to vector<16xf32>
        %swap3A_229 = vector.shape_cast %add3A_225 : vector<16xf32> to vector<1x16xf32>
        tpu.vector_store %arg9[%swap3A, %swap3A_226], %swap3A_229 {strides = array<i32>} : memref<40x128xf32, #tpu.memory_space<vmem>>, vector<1x16xf32>,
        %get3A_230 = arith.index_cast %scan3A_216 : i32 to index
        %get3A_231 = arith.constant 16 : index
        %get3A_232 = tpu.vector_load %arg9[%get3A_230, %get3A_231] {strides = array<i32>} : memref<40x128xf32, #tpu.memory_space<vmem>>, vector<1x16xf32>,
        %get3A_233 = vector.shape_cast %get3A_232 : vector<1x16xf32> to vector<16xf32>
        %get3A_234 = arith.index_cast %scan3A_216 : i32 to index
        %get3A_235 = arith.constant 16 : index
        %get3A_236 = tpu.vector_load %arg14[%get3A_234, %get3A_235] {strides = array<i32>} : memref<40x128xf32, #tpu.memory_space<vmem>>, vector<1x16xf32>,
        %get3A_237 = vector.shape_cast %get3A_236 : vector<1x16xf32> to vector<16xf32>
        %add3A_238 = arith.addf %get3A_233, %get3A_237 : vector<16xf32>
        %swap3A_239 = arith.index_cast %scan3A_216 : i32 to index
        %swap3A_240 = arith.constant 16 : index
        %swap3A_241 = tpu.vector_load %arg9[%swap3A_239, %swap3A_240] {strides = array<i32>} : memref<40x128xf32, #tpu.memory_space<vmem>>, vector<1x16xf32>,
        %swap3A_242 = vector.shape_cast %swap3A_241 : vector<1x16xf32> to vector<16xf32>
        %swap3A_243 = vector.shape_cast %add3A_238 : vector<16xf32> to vector<1x16xf32>
        tpu.vector_store %arg9[%swap3A_239, %swap3A_240], %swap3A_243 {strides = array<i32>} : memref<40x128xf32, #tpu.memory_space<vmem>>, vector<1x16xf32>,
        %get3A_244 = arith.index_cast %scan3A_216 : i32 to index
        %get3A_245 = arith.constant 32 : index
        %get3A_246 = tpu.vector_load %arg9[%get3A_244, %get3A_245] {strides = array<i32>} : memref<40x128xf32, #tpu.memory_space<vmem>>, vector<1x16xf32>,
        %get3A_247 = vector.shape_cast %get3A_246 : vector<1x16xf32> to vector<16xf32>
        %get3A_248 = arith.index_cast %scan3A_216 : i32 to index
        %get3A_249 = arith.constant 32 : index
        %get3A_250 = tpu.vector_load %arg14[%get3A_248, %get3A_249] {strides = array<i32>} : memref<40x128xf32, #tpu.memory_space<vmem>>, vector<1x16xf32>,
        %get3A_251 = vector.shape_cast %get3A_250 : vector<1x16xf32> to vector<16xf32>
        %add3A_252 = arith.addf %get3A_247, %get3A_251 : vector<16xf32>
        %swap3A_253 = arith.index_cast %scan3A_216 : i32 to index
        %swap3A_254 = arith.constant 32 : index
        %swap3A_255 = tpu.vector_load %arg9[%swap3A_253, %swap3A_254] {strides = array<i32>} : memref<40x128xf32, #tpu.memory_space<vmem>>, vector<1x16xf32>,
        %swap3A_256 = vector.shape_cast %swap3A_255 : vector<1x16xf32> to vector<16xf32>
        %swap3A_257 = vector.shape_cast %add3A_252 : vector<16xf32> to vector<1x16xf32>
        tpu.vector_store %arg9[%swap3A_253, %swap3A_254], %swap3A_257 {strides = array<i32>} : memref<40x128xf32, #tpu.memory_space<vmem>>, vector<1x16xf32>,
        %get3A_258 = arith.index_cast %scan3A_216 : i32 to index
        %get3A_259 = arith.constant 48 : index
        %get3A_260 = tpu.vector_load %arg9[%get3A_258, %get3A_259] {strides = array<i32>} : memref<40x128xf32, #tpu.memory_space<vmem>>, vector<1x16xf32>,
        %get3A_261 = vector.shape_cast %get3A_260 : vector<1x16xf32> to vector<16xf32>
        %get3A_262 = arith.index_cast %scan3A_216 : i32 to index
        %get3A_263 = arith.constant 48 : index
        %get3A_264 = tpu.vector_load %arg14[%get3A_262, %get3A_263] {strides = array<i32>} : memref<40x128xf32, #tpu.memory_space<vmem>>, vector<1x16xf32>,
        %get3A_265 = vector.shape_cast %get3A_264 : vector<1x16xf32> to vector<16xf32>
        %add3A_266 = arith.addf %get3A_261, %get3A_265 : vector<16xf32>
        %swap3A_267 = arith.index_cast %scan3A_216 : i32 to index
        %swap3A_268 = arith.constant 48 : index
        %swap3A_269 = tpu.vector_load %arg9[%swap3A_267, %swap3A_268] {strides = array<i32>} : memref<40x128xf32, #tpu.memory_space<vmem>>, vector<1x16xf32>,
        %swap3A_270 = vector.shape_cast %swap3A_269 : vector<1x16xf32> to vector<16xf32>
        %swap3A_271 = vector.shape_cast %add3A_266 : vector<16xf32> to vector<1x16xf32>
        tpu.vector_store %arg9[%swap3A_267, %swap3A_268], %swap3A_271 {strides = array<i32>} : memref<40x128xf32, #tpu.memory_space<vmem>>, vector<1x16xf32>,
        %get3A_272 = arith.index_cast %scan3A_216 : i32 to index
        %get3A_273 = arith.constant 64 : index
        %get3A_274 = tpu.vector_load %arg9[%get3A_272, %get3A_273] {strides = array<i32>} : memref<40x128xf32, #tpu.memory_space<vmem>>, vector<1x16xf32>,
        %get3A_275 = vector.shape_cast %get3A_274 : vector<1x16xf32> to vector<16xf32>
        %get3A_276 = arith.index_cast %scan3A_216 : i32 to index
        %get3A_277 = arith.constant 64 : index
        %get3A_278 = tpu.vector_load %arg14[%get3A_276, %get3A_277] {strides = array<i32>} : memref<40x128xf32, #tpu.memory_space<vmem>>, vector<1x16xf32>,
        %get3A_279 = vector.shape_cast %get3A_278 : vector<1x16xf32> to vector<16xf32>
        %add3A_280 = arith.addf %get3A_275, %get3A_279 : vector<16xf32>
        %swap3A_281 = arith.index_cast %scan3A_216 : i32 to index
        %swap3A_282 = arith.constant 64 : index
        %swap3A_283 = tpu.vector_load %arg9[%swap3A_281, %swap3A_282] {strides = array<i32>} : memref<40x128xf32, #tpu.memory_space<vmem>>, vector<1x16xf32>,
        %swap3A_284 = vector.shape_cast %swap3A_283 : vector<1x16xf32> to vector<16xf32>
        %swap3A_285 = vector.shape_cast %add3A_280 : vector<16xf32> to vector<1x16xf32>
        tpu.vector_store %arg9[%swap3A_281, %swap3A_282], %swap3A_285 {strides = array<i32>} : memref<40x128xf32, #tpu.memory_space<vmem>>, vector<1x16xf32>,
        %get3A_286 = arith.index_cast %scan3A_216 : i32 to index
        %get3A_287 = arith.constant 80 : index
        %get3A_288 = tpu.vector_load %arg9[%get3A_286, %get3A_287] {strides = array<i32>} : memref<40x128xf32, #tpu.memory_space<vmem>>, vector<1x16xf32>,
        %get3A_289 = vector.shape_cast %get3A_288 : vector<1x16xf32> to vector<16xf32>
        %get3A_290 = arith.index_cast %scan3A_216 : i32 to index
        %get3A_291 = arith.constant 80 : index
        %get3A_292 = tpu.vector_load %arg14[%get3A_290, %get3A_291] {strides = array<i32>} : memref<40x128xf32, #tpu.memory_space<vmem>>, vector<1x16xf32>,
        %get3A_293 = vector.shape_cast %get3A_292 : vector<1x16xf32> to vector<16xf32>
        %add3A_294 = arith.addf %get3A_289, %get3A_293 : vector<16xf32>
        %swap3A_295 = arith.index_cast %scan3A_216 : i32 to index
        %swap3A_296 = arith.constant 80 : index
        %swap3A_297 = tpu.vector_load %arg9[%swap3A_295, %swap3A_296] {strides = array<i32>} : memref<40x128xf32, #tpu.memory_space<vmem>>, vector<1x16xf32>,
        %swap3A_298 = vector.shape_cast %swap3A_297 : vector<1x16xf32> to vector<16xf32>
        %swap3A_299 = vector.shape_cast %add3A_294 : vector<16xf32> to vector<1x16xf32>
        tpu.vector_store %arg9[%swap3A_295, %swap3A_296], %swap3A_299 {strides = array<i32>} : memref<40x128xf32, #tpu.memory_space<vmem>>, vector<1x16xf32>,
        %get3A_300 = arith.index_cast %scan3A_216 : i32 to index
        %get3A_301 = arith.constant 96 : index
        %get3A_302 = tpu.vector_load %arg9[%get3A_300, %get3A_301] {strides = array<i32>} : memref<40x128xf32, #tpu.memory_space<vmem>>, vector<1x16xf32>,
        %get3A_303 = vector.shape_cast %get3A_302 : vector<1x16xf32> to vector<16xf32>
        %get3A_304 = arith.index_cast %scan3A_216 : i32 to index
        %get3A_305 = arith.constant 96 : index
        %get3A_306 = tpu.vector_load %arg14[%get3A_304, %get3A_305] {strides = array<i32>} : memref<40x128xf32, #tpu.memory_space<vmem>>, vector<1x16xf32>,
        %get3A_307 = vector.shape_cast %get3A_306 : vector<1x16xf32> to vector<16xf32>
        %add3A_308 = arith.addf %get3A_303, %get3A_307 : vector<16xf32>
        %swap3A_309 = arith.index_cast %scan3A_216 : i32 to index
        %swap3A_310 = arith.constant 96 : index
        %swap3A_311 = tpu.vector_load %arg9[%swap3A_309, %swap3A_310] {strides = array<i32>} : memref<40x128xf32, #tpu.memory_space<vmem>>, vector<1x16xf32>,
        %swap3A_312 = vector.shape_cast %swap3A_311 : vector<1x16xf32> to vector<16xf32>
        %swap3A_313 = vector.shape_cast %add3A_308 : vector<16xf32> to vector<1x16xf32>
        tpu.vector_store %arg9[%swap3A_309, %swap3A_310], %swap3A_313 {strides = array<i32>} : memref<40x128xf32, #tpu.memory_space<vmem>>, vector<1x16xf32>,
        %get3A_314 = arith.index_cast %scan3A_216 : i32 to index
        %get3A_315 = arith.constant 112 : index
        %get3A_316 = tpu.vector_load %arg9[%get3A_314, %get3A_315] {strides = array<i32>} : memref<40x128xf32, #tpu.memory_space<vmem>>, vector<1x16xf32>,
        %get3A_317 = vector.shape_cast %get3A_316 : vector<1x16xf32> to vector<16xf32>
        %get3A_318 = arith.index_cast %scan3A_216 : i32 to index
        %get3A_319 = arith.constant 112 : index
        %get3A_320 = tpu.vector_load %arg14[%get3A_318, %get3A_319] {strides = array<i32>} : memref<40x128xf32, #tpu.memory_space<vmem>>, vector<1x16xf32>,
        %get3A_321 = vector.shape_cast %get3A_320 : vector<1x16xf32> to vector<16xf32>
        %add3A_322 = arith.addf %get3A_317, %get3A_321 : vector<16xf32>
        %swap3A_323 = arith.index_cast %scan3A_216 : i32 to index
        %swap3A_324 = arith.constant 112 : index
        %swap3A_325 = tpu.vector_load %arg9[%swap3A_323, %swap3A_324] {strides = array<i32>} : memref<40x128xf32, #tpu.memory_space<vmem>>, vector<1x16xf32>,
        %swap3A_326 = vector.shape_cast %swap3A_325 : vector<1x16xf32> to vector<16xf32>
        %swap3A_327 = vector.shape_cast %add3A_322 : vector<16xf32> to vector<1x16xf32>
        tpu.vector_store %arg9[%swap3A_323, %swap3A_324], %swap3A_327 {strides = array<i32>} : memref<40x128xf32, #tpu.memory_space<vmem>>, vector<1x16xf32>,
        %scan3A_328 = arith.constant 0 : i32
        scf.yield %scan3A_328 : i32
      }
      %scan3A_67 = arith.constant 40 : i32
      %mul3A_68 = arith.constant 40 : i32
      %mul3A_69 = arith.muli %add3A_46, %mul3A_68 : i32
      %add3A_70 = arith.addi %mul3A_2, %mul3A_69 : i32
      %dma_start3A_71 = arith.constant 0 : i32
      %dma_start3A_72 = tpu.memref_slice %arg6[%add3A_70, %dma_start3A_71] : memref<166400x128xf32, #tpu.memory_space<hbm>> -> memref<40x128xf32, #tpu.memory_space<hbm>>
      %dma_start3A_73 = arith.constant 0 : i32
      %dma_start3A_74 = tpu.memref_slice %arg6[%add3A_70, %dma_start3A_73] : memref<166400x128xf32, #tpu.memory_space<hbm>> -> memref<40x128xf32, #tpu.memory_space<hbm>>
      tpu.enqueue_dma source(%arg9 : memref<40x128xf32, #tpu.memory_space<vmem>>) target(%dma_start3A_74 : memref<40x128xf32, #tpu.memory_space<hbm>>) target_semaphore(%arg24 : memref<!tpu.dma_semaphore, #tpu.memory_space<semaphore_mem>>)
      %mul3A_75 = arith.constant 5 : i32
      %mul3A_76 = arith.muli %scan3A_41, %mul3A_75 : i32
      %add3A_77 = arith.constant 1 : i32
      %add3A_78 = arith.addi %mul3A_76, %add3A_77 : i32
      %add3A_79 = arith.constant 1 : i32
      %add3A_80 = arith.addi %add3A_78, %add3A_79 : i32
      %lt3A_81 = arith.constant 130 : i32
      %lt3A_82 = arith.cmpi slt, %add3A_80, %lt3A_81 : i32
      %convert_element_type3A_83 = arith.extui %lt3A_82 : i1 to i32
      %cond3A_84 = arith.constant 0 : i32
      %cond3A_85 = arith.cmpi ne, %convert_element_type3A_83, %cond3A_84 : i32
      scf.if %cond3A_85 {
        %add3A_216 = arith.constant 1 : i32
        %add3A_217 = arith.addi %add3A_78, %add3A_216 : i32
        %ge3A = arith.constant 5 : i32
        %ge3A_218 = arith.cmpi sge, %add3A_217, %ge3A : i32
        %convert_element_type3A_219 = arith.extui %ge3A_218 : i1 to i32
        %cond3A_220 = arith.constant 0 : i32
        %cond3A_221 = arith.cmpi ne, %convert_element_type3A_219, %cond3A_220 : i32
        scf.if %cond3A_221 {
          %dma_wait3A_234 = arith.constant 0 : i32
          %dma_wait3A_235 = tpu.memref_slice %arg6[%mul3A_2, %dma_wait3A_234] : memref<166400x128xf32, #tpu.memory_space<hbm>> -> memref<40x128xf32, #tpu.memory_space<hbm>>
          %dma_wait3A_236 = arith.constant 0 : i32
          %dma_wait3A_237 = tpu.memref_slice %arg6[%mul3A_2, %dma_wait3A_236] : memref<166400x128xf32, #tpu.memory_space<hbm>> -> memref<40x128xf32, #tpu.memory_space<hbm>>
          tpu.wait_dma2 semaphore(%arg26 : memref<!tpu.dma_semaphore, #tpu.memory_space<semaphore_mem>>) src(%arg11 : memref<40x128xf32, #tpu.memory_space<vmem>>) dst(%dma_wait3A_237 : memref<40x128xf32, #tpu.memory_space<hbm>>)
        } else {
        }
        %add3A_222 = arith.constant 1 : i32
        %add3A_223 = arith.addi %add3A_78, %add3A_222 : i32
        %mul3A_224 = arith.constant 40 : i32
        %mul3A_225 = arith.muli %add3A_223, %mul3A_224 : i32
        %dma_start3A_226 = tpu.memref_slice %arg7[%mul3A_225] : memref<5200xi32, #tpu.memory_space<vmem>> -> memref<40xi32, #tpu.memory_space<vmem>>
        %dma_start3A_227 = arith.constant 0 : i32
        %dma_start3A_228 = arith.constant 0 : i32
        %dma_start3A_229 = tpu.memref_slice %arg2[%dma_start3A_227, %dma_start3A_228] : memref<10000x128xf32, #tpu.memory_space<hbm>> -> memref<10000x128xf32, #tpu.memory_space<hbm>>
        tpu.enqueue_indirect_dma source(%dma_start3A_229 : memref<10000x128xf32, #tpu.memory_space<hbm>>) target(%arg11 : memref<40x128xf32, #tpu.memory_space<vmem>>) offsets(%dma_start3A_226 : memref<40xi32, #tpu.memory_space<vmem>>) semaphore(%arg21 : memref<!tpu.dma_semaphore, #tpu.memory_space<semaphore_mem>>)
        %dma_start3A_230 = tpu.memref_slice %arg8[%mul3A_225] : memref<5200xi32, #tpu.memory_space<vmem>> -> memref<40xi32, #tpu.memory_space<vmem>>
        %dma_start3A_231 = arith.constant 0 : i32
        %dma_start3A_232 = arith.constant 0 : i32
        %dma_start3A_233 = tpu.memref_slice %arg3[%dma_start3A_231, %dma_start3A_232] : memref<10000x128xf32, #tpu.memory_space<hbm>> -> memref<10000x128xf32, #tpu.memory_space<hbm>>
        tpu.enqueue_indirect_dma source(%dma_start3A_233 : memref<10000x128xf32, #tpu.memory_space<hbm>>) target(%arg16 : memref<40x128xf32, #tpu.memory_space<vmem>>) offsets(%dma_start3A_230 : memref<40xi32, #tpu.memory_space<vmem>>) semaphore(%arg21 : memref<!tpu.dma_semaphore, #tpu.memory_space<semaphore_mem>>)
      } else {
      }
      %dma_wait3A_86 = arith.constant 0 : i32
      %dma_wait3A_87 = tpu.memref_slice %arg7[%dma_wait3A_86] : memref<5200xi32, #tpu.memory_space<vmem>> -> memref<40xi32, #tpu.memory_space<vmem>>
      %dma_wait3A_88 = arith.constant 0 : i32
      %dma_wait3A_89 = arith.constant 0 : i32
      %dma_wait3A_90 = tpu.memref_slice %arg2[%dma_wait3A_88, %dma_wait3A_89] : memref<10000x128xf32, #tpu.memory_space<hbm>> -> memref<10000x128xf32, #tpu.memory_space<hbm>>
      tpu.wait_indirect_dma semaphore(%arg20 : memref<!tpu.dma_semaphore, #tpu.memory_space<semaphore_mem>>) src(%dma_wait3A_90 : memref<10000x128xf32, #tpu.memory_space<hbm>>) dst(%arg10 : memref<40x128xf32, #tpu.memory_space<vmem>>)
      %dma_wait3A_91 = arith.constant 0 : i32
      %dma_wait3A_92 = tpu.memref_slice %arg8[%dma_wait3A_91] : memref<5200xi32, #tpu.memory_space<vmem>> -> memref<40xi32, #tpu.memory_space<vmem>>
      %dma_wait3A_93 = arith.constant 0 : i32
      %dma_wait3A_94 = arith.constant 0 : i32
      %dma_wait3A_95 = tpu.memref_slice %arg3[%dma_wait3A_93, %dma_wait3A_94] : memref<10000x128xf32, #tpu.memory_space<hbm>> -> memref<10000x128xf32, #tpu.memory_space<hbm>>
      tpu.wait_indirect_dma semaphore(%arg20 : memref<!tpu.dma_semaphore, #tpu.memory_space<semaphore_mem>>) src(%dma_wait3A_95 : memref<10000x128xf32, #tpu.memory_space<hbm>>) dst(%arg15 : memref<40x128xf32, #tpu.memory_space<vmem>>)
      %scan3A_96 = arith.constant 0 : i32
      %scan3A_97 = arith.constant 0 : i32
      %scan3A_98 = arith.constant 40 : i32
      %scan3A_99 = arith.addi %scan3A_97, %scan3A_98 : i32
      %scan3A_100 = arith.constant 1 : i32
      %scan3A_101 = scf.for %scan3A_216 = %scan3A_97 to %scan3A_99 step %scan3A_100 iter_args(%scan3A_217 = %scan3A_96) -> (i32)  : i32 {
        %get3A = arith.index_cast %scan3A_216 : i32 to index
        %get3A_218 = arith.constant 0 : index
        %get3A_219 = tpu.vector_load %arg10[%get3A, %get3A_218] {strides = array<i32>} : memref<40x128xf32, #tpu.memory_space<vmem>>, vector<1x16xf32>,
        %get3A_220 = vector.shape_cast %get3A_219 : vector<1x16xf32> to vector<16xf32>
        %get3A_221 = arith.index_cast %scan3A_216 : i32 to index
        %get3A_222 = arith.constant 0 : index
        %get3A_223 = tpu.vector_load %arg15[%get3A_221, %get3A_222] {strides = array<i32>} : memref<40x128xf32, #tpu.memory_space<vmem>>, vector<1x16xf32>,
        %get3A_224 = vector.shape_cast %get3A_223 : vector<1x16xf32> to vector<16xf32>
        %add3A_225 = arith.addf %get3A_220, %get3A_224 : vector<16xf32>
        %swap3A = arith.index_cast %scan3A_216 : i32 to index
        %swap3A_226 = arith.constant 0 : index
        %swap3A_227 = tpu.vector_load %arg10[%swap3A, %swap3A_226] {strides = array<i32>} : memref<40x128xf32, #tpu.memory_space<vmem>>, vector<1x16xf32>,
        %swap3A_228 = vector.shape_cast %swap3A_227 : vector<1x16xf32> to vector<16xf32>
        %swap3A_229 = vector.shape_cast %add3A_225 : vector<16xf32> to vector<1x16xf32>
        tpu.vector_store %arg10[%swap3A, %swap3A_226], %swap3A_229 {strides = array<i32>} : memref<40x128xf32, #tpu.memory_space<vmem>>, vector<1x16xf32>,
        %get3A_230 = arith.index_cast %scan3A_216 : i32 to index
        %get3A_231 = arith.constant 16 : index
        %get3A_232 = tpu.vector_load %arg10[%get3A_230, %get3A_231] {strides = array<i32>} : memref<40x128xf32, #tpu.memory_space<vmem>>, vector<1x16xf32>,
        %get3A_233 = vector.shape_cast %get3A_232 : vector<1x16xf32> to vector<16xf32>
        %get3A_234 = arith.index_cast %scan3A_216 : i32 to index
        %get3A_235 = arith.constant 16 : index
        %get3A_236 = tpu.vector_load %arg15[%get3A_234, %get3A_235] {strides = array<i32>} : memref<40x128xf32, #tpu.memory_space<vmem>>, vector<1x16xf32>,
        %get3A_237 = vector.shape_cast %get3A_236 : vector<1x16xf32> to vector<16xf32>
        %add3A_238 = arith.addf %get3A_233, %get3A_237 : vector<16xf32>
        %swap3A_239 = arith.index_cast %scan3A_216 : i32 to index
        %swap3A_240 = arith.constant 16 : index
        %swap3A_241 = tpu.vector_load %arg10[%swap3A_239, %swap3A_240] {strides = array<i32>} : memref<40x128xf32, #tpu.memory_space<vmem>>, vector<1x16xf32>,
        %swap3A_242 = vector.shape_cast %swap3A_241 : vector<1x16xf32> to vector<16xf32>
        %swap3A_243 = vector.shape_cast %add3A_238 : vector<16xf32> to vector<1x16xf32>
        tpu.vector_store %arg10[%swap3A_239, %swap3A_240], %swap3A_243 {strides = array<i32>} : memref<40x128xf32, #tpu.memory_space<vmem>>, vector<1x16xf32>,
        %get3A_244 = arith.index_cast %scan3A_216 : i32 to index
        %get3A_245 = arith.constant 32 : index
        %get3A_246 = tpu.vector_load %arg10[%get3A_244, %get3A_245] {strides = array<i32>} : memref<40x128xf32, #tpu.memory_space<vmem>>, vector<1x16xf32>,
        %get3A_247 = vector.shape_cast %get3A_246 : vector<1x16xf32> to vector<16xf32>
        %get3A_248 = arith.index_cast %scan3A_216 : i32 to index
        %get3A_249 = arith.constant 32 : index
        %get3A_250 = tpu.vector_load %arg15[%get3A_248, %get3A_249] {strides = array<i32>} : memref<40x128xf32, #tpu.memory_space<vmem>>, vector<1x16xf32>,
        %get3A_251 = vector.shape_cast %get3A_250 : vector<1x16xf32> to vector<16xf32>
        %add3A_252 = arith.addf %get3A_247, %get3A_251 : vector<16xf32>
        %swap3A_253 = arith.index_cast %scan3A_216 : i32 to index
        %swap3A_254 = arith.constant 32 : index
        %swap3A_255 = tpu.vector_load %arg10[%swap3A_253, %swap3A_254] {strides = array<i32>} : memref<40x128xf32, #tpu.memory_space<vmem>>, vector<1x16xf32>,
        %swap3A_256 = vector.shape_cast %swap3A_255 : vector<1x16xf32> to vector<16xf32>
        %swap3A_257 = vector.shape_cast %add3A_252 : vector<16xf32> to vector<1x16xf32>
        tpu.vector_store %arg10[%swap3A_253, %swap3A_254], %swap3A_257 {strides = array<i32>} : memref<40x128xf32, #tpu.memory_space<vmem>>, vector<1x16xf32>,
        %get3A_258 = arith.index_cast %scan3A_216 : i32 to index
        %get3A_259 = arith.constant 48 : index
        %get3A_260 = tpu.vector_load %arg10[%get3A_258, %get3A_259] {strides = array<i32>} : memref<40x128xf32, #tpu.memory_space<vmem>>, vector<1x16xf32>,
        %get3A_261 = vector.shape_cast %get3A_260 : vector<1x16xf32> to vector<16xf32>
        %get3A_262 = arith.index_cast %scan3A_216 : i32 to index
        %get3A_263 = arith.constant 48 : index
        %get3A_264 = tpu.vector_load %arg15[%get3A_262, %get3A_263] {strides = array<i32>} : memref<40x128xf32, #tpu.memory_space<vmem>>, vector<1x16xf32>,
        %get3A_265 = vector.shape_cast %get3A_264 : vector<1x16xf32> to vector<16xf32>
        %add3A_266 = arith.addf %get3A_261, %get3A_265 : vector<16xf32>
        %swap3A_267 = arith.index_cast %scan3A_216 : i32 to index
        %swap3A_268 = arith.constant 48 : index
        %swap3A_269 = tpu.vector_load %arg10[%swap3A_267, %swap3A_268] {strides = array<i32>} : memref<40x128xf32, #tpu.memory_space<vmem>>, vector<1x16xf32>,
        %swap3A_270 = vector.shape_cast %swap3A_269 : vector<1x16xf32> to vector<16xf32>
        %swap3A_271 = vector.shape_cast %add3A_266 : vector<16xf32> to vector<1x16xf32>
        tpu.vector_store %arg10[%swap3A_267, %swap3A_268], %swap3A_271 {strides = array<i32>} : memref<40x128xf32, #tpu.memory_space<vmem>>, vector<1x16xf32>,
        %get3A_272 = arith.index_cast %scan3A_216 : i32 to index
        %get3A_273 = arith.constant 64 : index
        %get3A_274 = tpu.vector_load %arg10[%get3A_272, %get3A_273] {strides = array<i32>} : memref<40x128xf32, #tpu.memory_space<vmem>>, vector<1x16xf32>,
        %get3A_275 = vector.shape_cast %get3A_274 : vector<1x16xf32> to vector<16xf32>
        %get3A_276 = arith.index_cast %scan3A_216 : i32 to index
        %get3A_277 = arith.constant 64 : index
        %get3A_278 = tpu.vector_load %arg15[%get3A_276, %get3A_277] {strides = array<i32>} : memref<40x128xf32, #tpu.memory_space<vmem>>, vector<1x16xf32>,
        %get3A_279 = vector.shape_cast %get3A_278 : vector<1x16xf32> to vector<16xf32>
        %add3A_280 = arith.addf %get3A_275, %get3A_279 : vector<16xf32>
        %swap3A_281 = arith.index_cast %scan3A_216 : i32 to index
        %swap3A_282 = arith.constant 64 : index
        %swap3A_283 = tpu.vector_load %arg10[%swap3A_281, %swap3A_282] {strides = array<i32>} : memref<40x128xf32, #tpu.memory_space<vmem>>, vector<1x16xf32>,
        %swap3A_284 = vector.shape_cast %swap3A_283 : vector<1x16xf32> to vector<16xf32>
        %swap3A_285 = vector.shape_cast %add3A_280 : vector<16xf32> to vector<1x16xf32>
        tpu.vector_store %arg10[%swap3A_281, %swap3A_282], %swap3A_285 {strides = array<i32>} : memref<40x128xf32, #tpu.memory_space<vmem>>, vector<1x16xf32>,
        %get3A_286 = arith.index_cast %scan3A_216 : i32 to index
        %get3A_287 = arith.constant 80 : index
        %get3A_288 = tpu.vector_load %arg10[%get3A_286, %get3A_287] {strides = array<i32>} : memref<40x128xf32, #tpu.memory_space<vmem>>, vector<1x16xf32>,
        %get3A_289 = vector.shape_cast %get3A_288 : vector<1x16xf32> to vector<16xf32>
        %get3A_290 = arith.index_cast %scan3A_216 : i32 to index
        %get3A_291 = arith.constant 80 : index
        %get3A_292 = tpu.vector_load %arg15[%get3A_290, %get3A_291] {strides = array<i32>} : memref<40x128xf32, #tpu.memory_space<vmem>>, vector<1x16xf32>,
        %get3A_293 = vector.shape_cast %get3A_292 : vector<1x16xf32> to vector<16xf32>
        %add3A_294 = arith.addf %get3A_289, %get3A_293 : vector<16xf32>
        %swap3A_295 = arith.index_cast %scan3A_216 : i32 to index
        %swap3A_296 = arith.constant 80 : index
        %swap3A_297 = tpu.vector_load %arg10[%swap3A_295, %swap3A_296] {strides = array<i32>} : memref<40x128xf32, #tpu.memory_space<vmem>>, vector<1x16xf32>,
        %swap3A_298 = vector.shape_cast %swap3A_297 : vector<1x16xf32> to vector<16xf32>
        %swap3A_299 = vector.shape_cast %add3A_294 : vector<16xf32> to vector<1x16xf32>
        tpu.vector_store %arg10[%swap3A_295, %swap3A_296], %swap3A_299 {strides = array<i32>} : memref<40x128xf32, #tpu.memory_space<vmem>>, vector<1x16xf32>,
        %get3A_300 = arith.index_cast %scan3A_216 : i32 to index
        %get3A_301 = arith.constant 96 : index
        %get3A_302 = tpu.vector_load %arg10[%get3A_300, %get3A_301] {strides = array<i32>} : memref<40x128xf32, #tpu.memory_space<vmem>>, vector<1x16xf32>,
        %get3A_303 = vector.shape_cast %get3A_302 : vector<1x16xf32> to vector<16xf32>
        %get3A_304 = arith.index_cast %scan3A_216 : i32 to index
        %get3A_305 = arith.constant 96 : index
        %get3A_306 = tpu.vector_load %arg15[%get3A_304, %get3A_305] {strides = array<i32>} : memref<40x128xf32, #tpu.memory_space<vmem>>, vector<1x16xf32>,
        %get3A_307 = vector.shape_cast %get3A_306 : vector<1x16xf32> to vector<16xf32>
        %add3A_308 = arith.addf %get3A_303, %get3A_307 : vector<16xf32>
        %swap3A_309 = arith.index_cast %scan3A_216 : i32 to index
        %swap3A_310 = arith.constant 96 : index
        %swap3A_311 = tpu.vector_load %arg10[%swap3A_309, %swap3A_310] {strides = array<i32>} : memref<40x128xf32, #tpu.memory_space<vmem>>, vector<1x16xf32>,
        %swap3A_312 = vector.shape_cast %swap3A_311 : vector<1x16xf32> to vector<16xf32>
        %swap3A_313 = vector.shape_cast %add3A_308 : vector<16xf32> to vector<1x16xf32>
        tpu.vector_store %arg10[%swap3A_309, %swap3A_310], %swap3A_313 {strides = array<i32>} : memref<40x128xf32, #tpu.memory_space<vmem>>, vector<1x16xf32>,
        %get3A_314 = arith.index_cast %scan3A_216 : i32 to index
        %get3A_315 = arith.constant 112 : index
        %get3A_316 = tpu.vector_load %arg10[%get3A_314, %get3A_315] {strides = array<i32>} : memref<40x128xf32, #tpu.memory_space<vmem>>, vector<1x16xf32>,
        %get3A_317 = vector.shape_cast %get3A_316 : vector<1x16xf32> to vector<16xf32>
        %get3A_318 = arith.index_cast %scan3A_216 : i32 to index
        %get3A_319 = arith.constant 112 : index
        %get3A_320 = tpu.vector_load %arg15[%get3A_318, %get3A_319] {strides = array<i32>} : memref<40x128xf32, #tpu.memory_space<vmem>>, vector<1x16xf32>,
        %get3A_321 = vector.shape_cast %get3A_320 : vector<1x16xf32> to vector<16xf32>
        %add3A_322 = arith.addf %get3A_317, %get3A_321 : vector<16xf32>
        %swap3A_323 = arith.index_cast %scan3A_216 : i32 to index
        %swap3A_324 = arith.constant 112 : index
        %swap3A_325 = tpu.vector_load %arg10[%swap3A_323, %swap3A_324] {strides = array<i32>} : memref<40x128xf32, #tpu.memory_space<vmem>>, vector<1x16xf32>,
        %swap3A_326 = vector.shape_cast %swap3A_325 : vector<1x16xf32> to vector<16xf32>
        %swap3A_327 = vector.shape_cast %add3A_322 : vector<16xf32> to vector<1x16xf32>
        tpu.vector_store %arg10[%swap3A_323, %swap3A_324], %swap3A_327 {strides = array<i32>} : memref<40x128xf32, #tpu.memory_space<vmem>>, vector<1x16xf32>,
        %scan3A_328 = arith.constant 0 : i32
        scf.yield %scan3A_328 : i32
      }
      %scan3A_102 = arith.constant 40 : i32
      %mul3A_103 = arith.constant 40 : i32
      %mul3A_104 = arith.muli %add3A_78, %mul3A_103 : i32
      %add3A_105 = arith.addi %mul3A_2, %mul3A_104 : i32
      %dma_start3A_106 = arith.constant 0 : i32
      %dma_start3A_107 = tpu.memref_slice %arg6[%add3A_105, %dma_start3A_106] : memref<166400x128xf32, #tpu.memory_space<hbm>> -> memref<40x128xf32, #tpu.memory_space<hbm>>
      %dma_start3A_108 = arith.constant 0 : i32
      %dma_start3A_109 = tpu.memref_slice %arg6[%add3A_105, %dma_start3A_108] : memref<166400x128xf32, #tpu.memory_space<hbm>> -> memref<40x128xf32, #tpu.memory_space<hbm>>
      tpu.enqueue_dma source(%arg10 : memref<40x128xf32, #tpu.memory_space<vmem>>) target(%dma_start3A_109 : memref<40x128xf32, #tpu.memory_space<hbm>>) target_semaphore(%arg25 : memref<!tpu.dma_semaphore, #tpu.memory_space<semaphore_mem>>)
      %mul3A_110 = arith.constant 5 : i32
      %mul3A_111 = arith.muli %scan3A_41, %mul3A_110 : i32
      %add3A_112 = arith.constant 2 : i32
      %add3A_113 = arith.addi %mul3A_111, %add3A_112 : i32
      %add3A_114 = arith.constant 1 : i32
      %add3A_115 = arith.addi %add3A_113, %add3A_114 : i32
      %lt3A_116 = arith.constant 130 : i32
      %lt3A_117 = arith.cmpi slt, %add3A_115, %lt3A_116 : i32
      %convert_element_type3A_118 = arith.extui %lt3A_117 : i1 to i32
      %cond3A_119 = arith.constant 0 : i32
      %cond3A_120 = arith.cmpi ne, %convert_element_type3A_118, %cond3A_119 : i32
      scf.if %cond3A_120 {
        %add3A_216 = arith.constant 1 : i32
        %add3A_217 = arith.addi %add3A_113, %add3A_216 : i32
        %ge3A = arith.constant 5 : i32
        %ge3A_218 = arith.cmpi sge, %add3A_217, %ge3A : i32
        %convert_element_type3A_219 = arith.extui %ge3A_218 : i1 to i32
        %cond3A_220 = arith.constant 0 : i32
        %cond3A_221 = arith.cmpi ne, %convert_element_type3A_219, %cond3A_220 : i32
        scf.if %cond3A_221 {
          %dma_wait3A_234 = arith.constant 0 : i32
          %dma_wait3A_235 = tpu.memref_slice %arg6[%mul3A_2, %dma_wait3A_234] : memref<166400x128xf32, #tpu.memory_space<hbm>> -> memref<40x128xf32, #tpu.memory_space<hbm>>
          %dma_wait3A_236 = arith.constant 0 : i32
          %dma_wait3A_237 = tpu.memref_slice %arg6[%mul3A_2, %dma_wait3A_236] : memref<166400x128xf32, #tpu.memory_space<hbm>> -> memref<40x128xf32, #tpu.memory_space<hbm>>
          tpu.wait_dma2 semaphore(%arg27 : memref<!tpu.dma_semaphore, #tpu.memory_space<semaphore_mem>>) src(%arg12 : memref<40x128xf32, #tpu.memory_space<vmem>>) dst(%dma_wait3A_237 : memref<40x128xf32, #tpu.memory_space<hbm>>)
        } else {
        }
        %add3A_222 = arith.constant 1 : i32
        %add3A_223 = arith.addi %add3A_113, %add3A_222 : i32
        %mul3A_224 = arith.constant 40 : i32
        %mul3A_225 = arith.muli %add3A_223, %mul3A_224 : i32
        %dma_start3A_226 = tpu.memref_slice %arg7[%mul3A_225] : memref<5200xi32, #tpu.memory_space<vmem>> -> memref<40xi32, #tpu.memory_space<vmem>>
        %dma_start3A_227 = arith.constant 0 : i32
        %dma_start3A_228 = arith.constant 0 : i32
        %dma_start3A_229 = tpu.memref_slice %arg2[%dma_start3A_227, %dma_start3A_228] : memref<10000x128xf32, #tpu.memory_space<hbm>> -> memref<10000x128xf32, #tpu.memory_space<hbm>>
        tpu.enqueue_indirect_dma source(%dma_start3A_229 : memref<10000x128xf32, #tpu.memory_space<hbm>>) target(%arg12 : memref<40x128xf32, #tpu.memory_space<vmem>>) offsets(%dma_start3A_226 : memref<40xi32, #tpu.memory_space<vmem>>) semaphore(%arg22 : memref<!tpu.dma_semaphore, #tpu.memory_space<semaphore_mem>>)
        %dma_start3A_230 = tpu.memref_slice %arg8[%mul3A_225] : memref<5200xi32, #tpu.memory_space<vmem>> -> memref<40xi32, #tpu.memory_space<vmem>>
        %dma_start3A_231 = arith.constant 0 : i32
        %dma_start3A_232 = arith.constant 0 : i32
        %dma_start3A_233 = tpu.memref_slice %arg3[%dma_start3A_231, %dma_start3A_232] : memref<10000x128xf32, #tpu.memory_space<hbm>> -> memref<10000x128xf32, #tpu.memory_space<hbm>>
        tpu.enqueue_indirect_dma source(%dma_start3A_233 : memref<10000x128xf32, #tpu.memory_space<hbm>>) target(%arg17 : memref<40x128xf32, #tpu.memory_space<vmem>>) offsets(%dma_start3A_230 : memref<40xi32, #tpu.memory_space<vmem>>) semaphore(%arg22 : memref<!tpu.dma_semaphore, #tpu.memory_space<semaphore_mem>>)
      } else {
      }
      %dma_wait3A_121 = arith.constant 0 : i32
      %dma_wait3A_122 = tpu.memref_slice %arg7[%dma_wait3A_121] : memref<5200xi32, #tpu.memory_space<vmem>> -> memref<40xi32, #tpu.memory_space<vmem>>
      %dma_wait3A_123 = arith.constant 0 : i32
      %dma_wait3A_124 = arith.constant 0 : i32
      %dma_wait3A_125 = tpu.memref_slice %arg2[%dma_wait3A_123, %dma_wait3A_124] : memref<10000x128xf32, #tpu.memory_space<hbm>> -> memref<10000x128xf32, #tpu.memory_space<hbm>>
      tpu.wait_indirect_dma semaphore(%arg21 : memref<!tpu.dma_semaphore, #tpu.memory_space<semaphore_mem>>) src(%dma_wait3A_125 : memref<10000x128xf32, #tpu.memory_space<hbm>>) dst(%arg11 : memref<40x128xf32, #tpu.memory_space<vmem>>)
      %dma_wait3A_126 = arith.constant 0 : i32
      %dma_wait3A_127 = tpu.memref_slice %arg8[%dma_wait3A_126] : memref<5200xi32, #tpu.memory_space<vmem>> -> memref<40xi32, #tpu.memory_space<vmem>>
      %dma_wait3A_128 = arith.constant 0 : i32
      %dma_wait3A_129 = arith.constant 0 : i32
      %dma_wait3A_130 = tpu.memref_slice %arg3[%dma_wait3A_128, %dma_wait3A_129] : memref<10000x128xf32, #tpu.memory_space<hbm>> -> memref<10000x128xf32, #tpu.memory_space<hbm>>
      tpu.wait_indirect_dma semaphore(%arg21 : memref<!tpu.dma_semaphore, #tpu.memory_space<semaphore_mem>>) src(%dma_wait3A_130 : memref<10000x128xf32, #tpu.memory_space<hbm>>) dst(%arg16 : memref<40x128xf32, #tpu.memory_space<vmem>>)
      %scan3A_131 = arith.constant 0 : i32
      %scan3A_132 = arith.constant 0 : i32
      %scan3A_133 = arith.constant 40 : i32
      %scan3A_134 = arith.addi %scan3A_132, %scan3A_133 : i32
      %scan3A_135 = arith.constant 1 : i32
      %scan3A_136 = scf.for %scan3A_216 = %scan3A_132 to %scan3A_134 step %scan3A_135 iter_args(%scan3A_217 = %scan3A_131) -> (i32)  : i32 {
        %get3A = arith.index_cast %scan3A_216 : i32 to index
        %get3A_218 = arith.constant 0 : index
        %get3A_219 = tpu.vector_load %arg11[%get3A, %get3A_218] {strides = array<i32>} : memref<40x128xf32, #tpu.memory_space<vmem>>, vector<1x16xf32>,
        %get3A_220 = vector.shape_cast %get3A_219 : vector<1x16xf32> to vector<16xf32>
        %get3A_221 = arith.index_cast %scan3A_216 : i32 to index
        %get3A_222 = arith.constant 0 : index
        %get3A_223 = tpu.vector_load %arg16[%get3A_221, %get3A_222] {strides = array<i32>} : memref<40x128xf32, #tpu.memory_space<vmem>>, vector<1x16xf32>,
        %get3A_224 = vector.shape_cast %get3A_223 : vector<1x16xf32> to vector<16xf32>
        %add3A_225 = arith.addf %get3A_220, %get3A_224 : vector<16xf32>
        %swap3A = arith.index_cast %scan3A_216 : i32 to index
        %swap3A_226 = arith.constant 0 : index
        %swap3A_227 = tpu.vector_load %arg11[%swap3A, %swap3A_226] {strides = array<i32>} : memref<40x128xf32, #tpu.memory_space<vmem>>, vector<1x16xf32>,
        %swap3A_228 = vector.shape_cast %swap3A_227 : vector<1x16xf32> to vector<16xf32>
        %swap3A_229 = vector.shape_cast %add3A_225 : vector<16xf32> to vector<1x16xf32>
        tpu.vector_store %arg11[%swap3A, %swap3A_226], %swap3A_229 {strides = array<i32>} : memref<40x128xf32, #tpu.memory_space<vmem>>, vector<1x16xf32>,
        %get3A_230 = arith.index_cast %scan3A_216 : i32 to index
        %get3A_231 = arith.constant 16 : index
        %get3A_232 = tpu.vector_load %arg11[%get3A_230, %get3A_231] {strides = array<i32>} : memref<40x128xf32, #tpu.memory_space<vmem>>, vector<1x16xf32>,
        %get3A_233 = vector.shape_cast %get3A_232 : vector<1x16xf32> to vector<16xf32>
        %get3A_234 = arith.index_cast %scan3A_216 : i32 to index
        %get3A_235 = arith.constant 16 : index
        %get3A_236 = tpu.vector_load %arg16[%get3A_234, %get3A_235] {strides = array<i32>} : memref<40x128xf32, #tpu.memory_space<vmem>>, vector<1x16xf32>,
        %get3A_237 = vector.shape_cast %get3A_236 : vector<1x16xf32> to vector<16xf32>
        %add3A_238 = arith.addf %get3A_233, %get3A_237 : vector<16xf32>
        %swap3A_239 = arith.index_cast %scan3A_216 : i32 to index
        %swap3A_240 = arith.constant 16 : index
        %swap3A_241 = tpu.vector_load %arg11[%swap3A_239, %swap3A_240] {strides = array<i32>} : memref<40x128xf32, #tpu.memory_space<vmem>>, vector<1x16xf32>,
        %swap3A_242 = vector.shape_cast %swap3A_241 : vector<1x16xf32> to vector<16xf32>
        %swap3A_243 = vector.shape_cast %add3A_238 : vector<16xf32> to vector<1x16xf32>
        tpu.vector_store %arg11[%swap3A_239, %swap3A_240], %swap3A_243 {strides = array<i32>} : memref<40x128xf32, #tpu.memory_space<vmem>>, vector<1x16xf32>,
        %get3A_244 = arith.index_cast %scan3A_216 : i32 to index
        %get3A_245 = arith.constant 32 : index
        %get3A_246 = tpu.vector_load %arg11[%get3A_244, %get3A_245] {strides = array<i32>} : memref<40x128xf32, #tpu.memory_space<vmem>>, vector<1x16xf32>,
        %get3A_247 = vector.shape_cast %get3A_246 : vector<1x16xf32> to vector<16xf32>
        %get3A_248 = arith.index_cast %scan3A_216 : i32 to index
        %get3A_249 = arith.constant 32 : index
        %get3A_250 = tpu.vector_load %arg16[%get3A_248, %get3A_249] {strides = array<i32>} : memref<40x128xf32, #tpu.memory_space<vmem>>, vector<1x16xf32>,
        %get3A_251 = vector.shape_cast %get3A_250 : vector<1x16xf32> to vector<16xf32>
        %add3A_252 = arith.addf %get3A_247, %get3A_251 : vector<16xf32>
        %swap3A_253 = arith.index_cast %scan3A_216 : i32 to index
        %swap3A_254 = arith.constant 32 : index
        %swap3A_255 = tpu.vector_load %arg11[%swap3A_253, %swap3A_254] {strides = array<i32>} : memref<40x128xf32, #tpu.memory_space<vmem>>, vector<1x16xf32>,
        %swap3A_256 = vector.shape_cast %swap3A_255 : vector<1x16xf32> to vector<16xf32>
        %swap3A_257 = vector.shape_cast %add3A_252 : vector<16xf32> to vector<1x16xf32>
        tpu.vector_store %arg11[%swap3A_253, %swap3A_254], %swap3A_257 {strides = array<i32>} : memref<40x128xf32, #tpu.memory_space<vmem>>, vector<1x16xf32>,
        %get3A_258 = arith.index_cast %scan3A_216 : i32 to index
        %get3A_259 = arith.constant 48 : index
        %get3A_260 = tpu.vector_load %arg11[%get3A_258, %get3A_259] {strides = array<i32>} : memref<40x128xf32, #tpu.memory_space<vmem>>, vector<1x16xf32>,
        %get3A_261 = vector.shape_cast %get3A_260 : vector<1x16xf32> to vector<16xf32>
        %get3A_262 = arith.index_cast %scan3A_216 : i32 to index
        %get3A_263 = arith.constant 48 : index
        %get3A_264 = tpu.vector_load %arg16[%get3A_262, %get3A_263] {strides = array<i32>} : memref<40x128xf32, #tpu.memory_space<vmem>>, vector<1x16xf32>,
        %get3A_265 = vector.shape_cast %get3A_264 : vector<1x16xf32> to vector<16xf32>
        %add3A_266 = arith.addf %get3A_261, %get3A_265 : vector<16xf32>
        %swap3A_267 = arith.index_cast %scan3A_216 : i32 to index
        %swap3A_268 = arith.constant 48 : index
        %swap3A_269 = tpu.vector_load %arg11[%swap3A_267, %swap3A_268] {strides = array<i32>} : memref<40x128xf32, #tpu.memory_space<vmem>>, vector<1x16xf32>,
        %swap3A_270 = vector.shape_cast %swap3A_269 : vector<1x16xf32> to vector<16xf32>
        %swap3A_271 = vector.shape_cast %add3A_266 : vector<16xf32> to vector<1x16xf32>
        tpu.vector_store %arg11[%swap3A_267, %swap3A_268], %swap3A_271 {strides = array<i32>} : memref<40x128xf32, #tpu.memory_space<vmem>>, vector<1x16xf32>,
        %get3A_272 = arith.index_cast %scan3A_216 : i32 to index
        %get3A_273 = arith.constant 64 : index
        %get3A_274 = tpu.vector_load %arg11[%get3A_272, %get3A_273] {strides = array<i32>} : memref<40x128xf32, #tpu.memory_space<vmem>>, vector<1x16xf32>,
        %get3A_275 = vector.shape_cast %get3A_274 : vector<1x16xf32> to vector<16xf32>
        %get3A_276 = arith.index_cast %scan3A_216 : i32 to index
        %get3A_277 = arith.constant 64 : index
        %get3A_278 = tpu.vector_load %arg16[%get3A_276, %get3A_277] {strides = array<i32>} : memref<40x128xf32, #tpu.memory_space<vmem>>, vector<1x16xf32>,
        %get3A_279 = vector.shape_cast %get3A_278 : vector<1x16xf32> to vector<16xf32>
        %add3A_280 = arith.addf %get3A_275, %get3A_279 : vector<16xf32>
        %swap3A_281 = arith.index_cast %scan3A_216 : i32 to index
        %swap3A_282 = arith.constant 64 : index
        %swap3A_283 = tpu.vector_load %arg11[%swap3A_281, %swap3A_282] {strides = array<i32>} : memref<40x128xf32, #tpu.memory_space<vmem>>, vector<1x16xf32>,
        %swap3A_284 = vector.shape_cast %swap3A_283 : vector<1x16xf32> to vector<16xf32>
        %swap3A_285 = vector.shape_cast %add3A_280 : vector<16xf32> to vector<1x16xf32>
        tpu.vector_store %arg11[%swap3A_281, %swap3A_282], %swap3A_285 {strides = array<i32>} : memref<40x128xf32, #tpu.memory_space<vmem>>, vector<1x16xf32>,
        %get3A_286 = arith.index_cast %scan3A_216 : i32 to index
        %get3A_287 = arith.constant 80 : index
        %get3A_288 = tpu.vector_load %arg11[%get3A_286, %get3A_287] {strides = array<i32>} : memref<40x128xf32, #tpu.memory_space<vmem>>, vector<1x16xf32>,
        %get3A_289 = vector.shape_cast %get3A_288 : vector<1x16xf32> to vector<16xf32>
        %get3A_290 = arith.index_cast %scan3A_216 : i32 to index
        %get3A_291 = arith.constant 80 : index
        %get3A_292 = tpu.vector_load %arg16[%get3A_290, %get3A_291] {strides = array<i32>} : memref<40x128xf32, #tpu.memory_space<vmem>>, vector<1x16xf32>,
        %get3A_293 = vector.shape_cast %get3A_292 : vector<1x16xf32> to vector<16xf32>
        %add3A_294 = arith.addf %get3A_289, %get3A_293 : vector<16xf32>
        %swap3A_295 = arith.index_cast %scan3A_216 : i32 to index
        %swap3A_296 = arith.constant 80 : index
        %swap3A_297 = tpu.vector_load %arg11[%swap3A_295, %swap3A_296] {strides = array<i32>} : memref<40x128xf32, #tpu.memory_space<vmem>>, vector<1x16xf32>,
        %swap3A_298 = vector.shape_cast %swap3A_297 : vector<1x16xf32> to vector<16xf32>
        %swap3A_299 = vector.shape_cast %add3A_294 : vector<16xf32> to vector<1x16xf32>
        tpu.vector_store %arg11[%swap3A_295, %swap3A_296], %swap3A_299 {strides = array<i32>} : memref<40x128xf32, #tpu.memory_space<vmem>>, vector<1x16xf32>,
        %get3A_300 = arith.index_cast %scan3A_216 : i32 to index
        %get3A_301 = arith.constant 96 : index
        %get3A_302 = tpu.vector_load %arg11[%get3A_300, %get3A_301] {strides = array<i32>} : memref<40x128xf32, #tpu.memory_space<vmem>>, vector<1x16xf32>,
        %get3A_303 = vector.shape_cast %get3A_302 : vector<1x16xf32> to vector<16xf32>
        %get3A_304 = arith.index_cast %scan3A_216 : i32 to index
        %get3A_305 = arith.constant 96 : index
        %get3A_306 = tpu.vector_load %arg16[%get3A_304, %get3A_305] {strides = array<i32>} : memref<40x128xf32, #tpu.memory_space<vmem>>, vector<1x16xf32>,
        %get3A_307 = vector.shape_cast %get3A_306 : vector<1x16xf32> to vector<16xf32>
        %add3A_308 = arith.addf %get3A_303, %get3A_307 : vector<16xf32>
        %swap3A_309 = arith.index_cast %scan3A_216 : i32 to index
        %swap3A_310 = arith.constant 96 : index
        %swap3A_311 = tpu.vector_load %arg11[%swap3A_309, %swap3A_310] {strides = array<i32>} : memref<40x128xf32, #tpu.memory_space<vmem>>, vector<1x16xf32>,
        %swap3A_312 = vector.shape_cast %swap3A_311 : vector<1x16xf32> to vector<16xf32>
        %swap3A_313 = vector.shape_cast %add3A_308 : vector<16xf32> to vector<1x16xf32>
        tpu.vector_store %arg11[%swap3A_309, %swap3A_310], %swap3A_313 {strides = array<i32>} : memref<40x128xf32, #tpu.memory_space<vmem>>, vector<1x16xf32>,
        %get3A_314 = arith.index_cast %scan3A_216 : i32 to index
        %get3A_315 = arith.constant 112 : index
        %get3A_316 = tpu.vector_load %arg11[%get3A_314, %get3A_315] {strides = array<i32>} : memref<40x128xf32, #tpu.memory_space<vmem>>, vector<1x16xf32>,
        %get3A_317 = vector.shape_cast %get3A_316 : vector<1x16xf32> to vector<16xf32>
        %get3A_318 = arith.index_cast %scan3A_216 : i32 to index
        %get3A_319 = arith.constant 112 : index
        %get3A_320 = tpu.vector_load %arg16[%get3A_318, %get3A_319] {strides = array<i32>} : memref<40x128xf32, #tpu.memory_space<vmem>>, vector<1x16xf32>,
        %get3A_321 = vector.shape_cast %get3A_320 : vector<1x16xf32> to vector<16xf32>
        %add3A_322 = arith.addf %get3A_317, %get3A_321 : vector<16xf32>
        %swap3A_323 = arith.index_cast %scan3A_216 : i32 to index
        %swap3A_324 = arith.constant 112 : index
        %swap3A_325 = tpu.vector_load %arg11[%swap3A_323, %swap3A_324] {strides = array<i32>} : memref<40x128xf32, #tpu.memory_space<vmem>>, vector<1x16xf32>,
        %swap3A_326 = vector.shape_cast %swap3A_325 : vector<1x16xf32> to vector<16xf32>
        %swap3A_327 = vector.shape_cast %add3A_322 : vector<16xf32> to vector<1x16xf32>
        tpu.vector_store %arg11[%swap3A_323, %swap3A_324], %swap3A_327 {strides = array<i32>} : memref<40x128xf32, #tpu.memory_space<vmem>>, vector<1x16xf32>,
        %scan3A_328 = arith.constant 0 : i32
        scf.yield %scan3A_328 : i32
      }
      %scan3A_137 = arith.constant 40 : i32
      %mul3A_138 = arith.constant 40 : i32
      %mul3A_139 = arith.muli %add3A_113, %mul3A_138 : i32
      %add3A_140 = arith.addi %mul3A_2, %mul3A_139 : i32
      %dma_start3A_141 = arith.constant 0 : i32
      %dma_start3A_142 = tpu.memref_slice %arg6[%add3A_140, %dma_start3A_141] : memref<166400x128xf32, #tpu.memory_space<hbm>> -> memref<40x128xf32, #tpu.memory_space<hbm>>
      %dma_start3A_143 = arith.constant 0 : i32
      %dma_start3A_144 = tpu.memref_slice %arg6[%add3A_140, %dma_start3A_143] : memref<166400x128xf32, #tpu.memory_space<hbm>> -> memref<40x128xf32, #tpu.memory_space<hbm>>
      tpu.enqueue_dma source(%arg11 : memref<40x128xf32, #tpu.memory_space<vmem>>) target(%dma_start3A_144 : memref<40x128xf32, #tpu.memory_space<hbm>>) target_semaphore(%arg26 : memref<!tpu.dma_semaphore, #tpu.memory_space<semaphore_mem>>)
      %mul3A_145 = arith.constant 5 : i32
      %mul3A_146 = arith.muli %scan3A_41, %mul3A_145 : i32
      %add3A_147 = arith.constant 3 : i32
      %add3A_148 = arith.addi %mul3A_146, %add3A_147 : i32
      %add3A_149 = arith.constant 1 : i32
      %add3A_150 = arith.addi %add3A_148, %add3A_149 : i32
      %lt3A_151 = arith.constant 130 : i32
      %lt3A_152 = arith.cmpi slt, %add3A_150, %lt3A_151 : i32
      %convert_element_type3A_153 = arith.extui %lt3A_152 : i1 to i32
      %cond3A_154 = arith.constant 0 : i32
      %cond3A_155 = arith.cmpi ne, %convert_element_type3A_153, %cond3A_154 : i32
      scf.if %cond3A_155 {
        %add3A_216 = arith.constant 1 : i32
        %add3A_217 = arith.addi %add3A_148, %add3A_216 : i32
        %ge3A = arith.constant 5 : i32
        %ge3A_218 = arith.cmpi sge, %add3A_217, %ge3A : i32
        %convert_element_type3A_219 = arith.extui %ge3A_218 : i1 to i32
        %cond3A_220 = arith.constant 0 : i32
        %cond3A_221 = arith.cmpi ne, %convert_element_type3A_219, %cond3A_220 : i32
        scf.if %cond3A_221 {
          %dma_wait3A_234 = arith.constant 0 : i32
          %dma_wait3A_235 = tpu.memref_slice %arg6[%mul3A_2, %dma_wait3A_234] : memref<166400x128xf32, #tpu.memory_space<hbm>> -> memref<40x128xf32, #tpu.memory_space<hbm>>
          %dma_wait3A_236 = arith.constant 0 : i32
          %dma_wait3A_237 = tpu.memref_slice %arg6[%mul3A_2, %dma_wait3A_236] : memref<166400x128xf32, #tpu.memory_space<hbm>> -> memref<40x128xf32, #tpu.memory_space<hbm>>
          tpu.wait_dma2 semaphore(%arg28 : memref<!tpu.dma_semaphore, #tpu.memory_space<semaphore_mem>>) src(%arg13 : memref<40x128xf32, #tpu.memory_space<vmem>>) dst(%dma_wait3A_237 : memref<40x128xf32, #tpu.memory_space<hbm>>)
        } else {
        }
        %add3A_222 = arith.constant 1 : i32
        %add3A_223 = arith.addi %add3A_148, %add3A_222 : i32
        %mul3A_224 = arith.constant 40 : i32
        %mul3A_225 = arith.muli %add3A_223, %mul3A_224 : i32
        %dma_start3A_226 = tpu.memref_slice %arg7[%mul3A_225] : memref<5200xi32, #tpu.memory_space<vmem>> -> memref<40xi32, #tpu.memory_space<vmem>>
        %dma_start3A_227 = arith.constant 0 : i32
        %dma_start3A_228 = arith.constant 0 : i32
        %dma_start3A_229 = tpu.memref_slice %arg2[%dma_start3A_227, %dma_start3A_228] : memref<10000x128xf32, #tpu.memory_space<hbm>> -> memref<10000x128xf32, #tpu.memory_space<hbm>>
        tpu.enqueue_indirect_dma source(%dma_start3A_229 : memref<10000x128xf32, #tpu.memory_space<hbm>>) target(%arg13 : memref<40x128xf32, #tpu.memory_space<vmem>>) offsets(%dma_start3A_226 : memref<40xi32, #tpu.memory_space<vmem>>) semaphore(%arg23 : memref<!tpu.dma_semaphore, #tpu.memory_space<semaphore_mem>>)
        %dma_start3A_230 = tpu.memref_slice %arg8[%mul3A_225] : memref<5200xi32, #tpu.memory_space<vmem>> -> memref<40xi32, #tpu.memory_space<vmem>>
        %dma_start3A_231 = arith.constant 0 : i32
        %dma_start3A_232 = arith.constant 0 : i32
        %dma_start3A_233 = tpu.memref_slice %arg3[%dma_start3A_231, %dma_start3A_232] : memref<10000x128xf32, #tpu.memory_space<hbm>> -> memref<10000x128xf32, #tpu.memory_space<hbm>>
        tpu.enqueue_indirect_dma source(%dma_start3A_233 : memref<10000x128xf32, #tpu.memory_space<hbm>>) target(%arg18 : memref<40x128xf32, #tpu.memory_space<vmem>>) offsets(%dma_start3A_230 : memref<40xi32, #tpu.memory_space<vmem>>) semaphore(%arg23 : memref<!tpu.dma_semaphore, #tpu.memory_space<semaphore_mem>>)
      } else {
      }
      %dma_wait3A_156 = arith.constant 0 : i32
      %dma_wait3A_157 = tpu.memref_slice %arg7[%dma_wait3A_156] : memref<5200xi32, #tpu.memory_space<vmem>> -> memref<40xi32, #tpu.memory_space<vmem>>
      %dma_wait3A_158 = arith.constant 0 : i32
      %dma_wait3A_159 = arith.constant 0 : i32
      %dma_wait3A_160 = tpu.memref_slice %arg2[%dma_wait3A_158, %dma_wait3A_159] : memref<10000x128xf32, #tpu.memory_space<hbm>> -> memref<10000x128xf32, #tpu.memory_space<hbm>>
      tpu.wait_indirect_dma semaphore(%arg22 : memref<!tpu.dma_semaphore, #tpu.memory_space<semaphore_mem>>) src(%dma_wait3A_160 : memref<10000x128xf32, #tpu.memory_space<hbm>>) dst(%arg12 : memref<40x128xf32, #tpu.memory_space<vmem>>)
      %dma_wait3A_161 = arith.constant 0 : i32
      %dma_wait3A_162 = tpu.memref_slice %arg8[%dma_wait3A_161] : memref<5200xi32, #tpu.memory_space<vmem>> -> memref<40xi32, #tpu.memory_space<vmem>>
      %dma_wait3A_163 = arith.constant 0 : i32
      %dma_wait3A_164 = arith.constant 0 : i32
      %dma_wait3A_165 = tpu.memref_slice %arg3[%dma_wait3A_163, %dma_wait3A_164] : memref<10000x128xf32, #tpu.memory_space<hbm>> -> memref<10000x128xf32, #tpu.memory_space<hbm>>
      tpu.wait_indirect_dma semaphore(%arg22 : memref<!tpu.dma_semaphore, #tpu.memory_space<semaphore_mem>>) src(%dma_wait3A_165 : memref<10000x128xf32, #tpu.memory_space<hbm>>) dst(%arg17 : memref<40x128xf32, #tpu.memory_space<vmem>>)
      %scan3A_166 = arith.constant 0 : i32
      %scan3A_167 = arith.constant 0 : i32
      %scan3A_168 = arith.constant 40 : i32
      %scan3A_169 = arith.addi %scan3A_167, %scan3A_168 : i32
      %scan3A_170 = arith.constant 1 : i32
      %scan3A_171 = scf.for %scan3A_216 = %scan3A_167 to %scan3A_169 step %scan3A_170 iter_args(%scan3A_217 = %scan3A_166) -> (i32)  : i32 {
        %get3A = arith.index_cast %scan3A_216 : i32 to index
        %get3A_218 = arith.constant 0 : index
        %get3A_219 = tpu.vector_load %arg12[%get3A, %get3A_218] {strides = array<i32>} : memref<40x128xf32, #tpu.memory_space<vmem>>, vector<1x16xf32>,
        %get3A_220 = vector.shape_cast %get3A_219 : vector<1x16xf32> to vector<16xf32>
        %get3A_221 = arith.index_cast %scan3A_216 : i32 to index
        %get3A_222 = arith.constant 0 : index
        %get3A_223 = tpu.vector_load %arg17[%get3A_221, %get3A_222] {strides = array<i32>} : memref<40x128xf32, #tpu.memory_space<vmem>>, vector<1x16xf32>,
        %get3A_224 = vector.shape_cast %get3A_223 : vector<1x16xf32> to vector<16xf32>
        %add3A_225 = arith.addf %get3A_220, %get3A_224 : vector<16xf32>
        %swap3A = arith.index_cast %scan3A_216 : i32 to index
        %swap3A_226 = arith.constant 0 : index
        %swap3A_227 = tpu.vector_load %arg12[%swap3A, %swap3A_226] {strides = array<i32>} : memref<40x128xf32, #tpu.memory_space<vmem>>, vector<1x16xf32>,
        %swap3A_228 = vector.shape_cast %swap3A_227 : vector<1x16xf32> to vector<16xf32>
        %swap3A_229 = vector.shape_cast %add3A_225 : vector<16xf32> to vector<1x16xf32>
        tpu.vector_store %arg12[%swap3A, %swap3A_226], %swap3A_229 {strides = array<i32>} : memref<40x128xf32, #tpu.memory_space<vmem>>, vector<1x16xf32>,
        %get3A_230 = arith.index_cast %scan3A_216 : i32 to index
        %get3A_231 = arith.constant 16 : index
        %get3A_232 = tpu.vector_load %arg12[%get3A_230, %get3A_231] {strides = array<i32>} : memref<40x128xf32, #tpu.memory_space<vmem>>, vector<1x16xf32>,
        %get3A_233 = vector.shape_cast %get3A_232 : vector<1x16xf32> to vector<16xf32>
        %get3A_234 = arith.index_cast %scan3A_216 : i32 to index
        %get3A_235 = arith.constant 16 : index
        %get3A_236 = tpu.vector_load %arg17[%get3A_234, %get3A_235] {strides = array<i32>} : memref<40x128xf32, #tpu.memory_space<vmem>>, vector<1x16xf32>,
        %get3A_237 = vector.shape_cast %get3A_236 : vector<1x16xf32> to vector<16xf32>
        %add3A_238 = arith.addf %get3A_233, %get3A_237 : vector<16xf32>
        %swap3A_239 = arith.index_cast %scan3A_216 : i32 to index
        %swap3A_240 = arith.constant 16 : index
        %swap3A_241 = tpu.vector_load %arg12[%swap3A_239, %swap3A_240] {strides = array<i32>} : memref<40x128xf32, #tpu.memory_space<vmem>>, vector<1x16xf32>,
        %swap3A_242 = vector.shape_cast %swap3A_241 : vector<1x16xf32> to vector<16xf32>
        %swap3A_243 = vector.shape_cast %add3A_238 : vector<16xf32> to vector<1x16xf32>
        tpu.vector_store %arg12[%swap3A_239, %swap3A_240], %swap3A_243 {strides = array<i32>} : memref<40x128xf32, #tpu.memory_space<vmem>>, vector<1x16xf32>,
        %get3A_244 = arith.index_cast %scan3A_216 : i32 to index
        %get3A_245 = arith.constant 32 : index
        %get3A_246 = tpu.vector_load %arg12[%get3A_244, %get3A_245] {strides = array<i32>} : memref<40x128xf32, #tpu.memory_space<vmem>>, vector<1x16xf32>,
        %get3A_247 = vector.shape_cast %get3A_246 : vector<1x16xf32> to vector<16xf32>
        %get3A_248 = arith.index_cast %scan3A_216 : i32 to index
        %get3A_249 = arith.constant 32 : index
        %get3A_250 = tpu.vector_load %arg17[%get3A_248, %get3A_249] {strides = array<i32>} : memref<40x128xf32, #tpu.memory_space<vmem>>, vector<1x16xf32>,
        %get3A_251 = vector.shape_cast %get3A_250 : vector<1x16xf32> to vector<16xf32>
        %add3A_252 = arith.addf %get3A_247, %get3A_251 : vector<16xf32>
        %swap3A_253 = arith.index_cast %scan3A_216 : i32 to index
        %swap3A_254 = arith.constant 32 : index
        %swap3A_255 = tpu.vector_load %arg12[%swap3A_253, %swap3A_254] {strides = array<i32>} : memref<40x128xf32, #tpu.memory_space<vmem>>, vector<1x16xf32>,
        %swap3A_256 = vector.shape_cast %swap3A_255 : vector<1x16xf32> to vector<16xf32>
        %swap3A_257 = vector.shape_cast %add3A_252 : vector<16xf32> to vector<1x16xf32>
        tpu.vector_store %arg12[%swap3A_253, %swap3A_254], %swap3A_257 {strides = array<i32>} : memref<40x128xf32, #tpu.memory_space<vmem>>, vector<1x16xf32>,
        %get3A_258 = arith.index_cast %scan3A_216 : i32 to index
        %get3A_259 = arith.constant 48 : index
        %get3A_260 = tpu.vector_load %arg12[%get3A_258, %get3A_259] {strides = array<i32>} : memref<40x128xf32, #tpu.memory_space<vmem>>, vector<1x16xf32>,
        %get3A_261 = vector.shape_cast %get3A_260 : vector<1x16xf32> to vector<16xf32>
        %get3A_262 = arith.index_cast %scan3A_216 : i32 to index
        %get3A_263 = arith.constant 48 : index
        %get3A_264 = tpu.vector_load %arg17[%get3A_262, %get3A_263] {strides = array<i32>} : memref<40x128xf32, #tpu.memory_space<vmem>>, vector<1x16xf32>,
        %get3A_265 = vector.shape_cast %get3A_264 : vector<1x16xf32> to vector<16xf32>
        %add3A_266 = arith.addf %get3A_261, %get3A_265 : vector<16xf32>
        %swap3A_267 = arith.index_cast %scan3A_216 : i32 to index
        %swap3A_268 = arith.constant 48 : index
        %swap3A_269 = tpu.vector_load %arg12[%swap3A_267, %swap3A_268] {strides = array<i32>} : memref<40x128xf32, #tpu.memory_space<vmem>>, vector<1x16xf32>,
        %swap3A_270 = vector.shape_cast %swap3A_269 : vector<1x16xf32> to vector<16xf32>
        %swap3A_271 = vector.shape_cast %add3A_266 : vector<16xf32> to vector<1x16xf32>
        tpu.vector_store %arg12[%swap3A_267, %swap3A_268], %swap3A_271 {strides = array<i32>} : memref<40x128xf32, #tpu.memory_space<vmem>>, vector<1x16xf32>,
        %get3A_272 = arith.index_cast %scan3A_216 : i32 to index
        %get3A_273 = arith.constant 64 : index
        %get3A_274 = tpu.vector_load %arg12[%get3A_272, %get3A_273] {strides = array<i32>} : memref<40x128xf32, #tpu.memory_space<vmem>>, vector<1x16xf32>,
        %get3A_275 = vector.shape_cast %get3A_274 : vector<1x16xf32> to vector<16xf32>
        %get3A_276 = arith.index_cast %scan3A_216 : i32 to index
        %get3A_277 = arith.constant 64 : index
        %get3A_278 = tpu.vector_load %arg17[%get3A_276, %get3A_277] {strides = array<i32>} : memref<40x128xf32, #tpu.memory_space<vmem>>, vector<1x16xf32>,
        %get3A_279 = vector.shape_cast %get3A_278 : vector<1x16xf32> to vector<16xf32>
        %add3A_280 = arith.addf %get3A_275, %get3A_279 : vector<16xf32>
        %swap3A_281 = arith.index_cast %scan3A_216 : i32 to index
        %swap3A_282 = arith.constant 64 : index
        %swap3A_283 = tpu.vector_load %arg12[%swap3A_281, %swap3A_282] {strides = array<i32>} : memref<40x128xf32, #tpu.memory_space<vmem>>, vector<1x16xf32>,
        %swap3A_284 = vector.shape_cast %swap3A_283 : vector<1x16xf32> to vector<16xf32>
        %swap3A_285 = vector.shape_cast %add3A_280 : vector<16xf32> to vector<1x16xf32>
        tpu.vector_store %arg12[%swap3A_281, %swap3A_282], %swap3A_285 {strides = array<i32>} : memref<40x128xf32, #tpu.memory_space<vmem>>, vector<1x16xf32>,
        %get3A_286 = arith.index_cast %scan3A_216 : i32 to index
        %get3A_287 = arith.constant 80 : index
        %get3A_288 = tpu.vector_load %arg12[%get3A_286, %get3A_287] {strides = array<i32>} : memref<40x128xf32, #tpu.memory_space<vmem>>, vector<1x16xf32>,
        %get3A_289 = vector.shape_cast %get3A_288 : vector<1x16xf32> to vector<16xf32>
        %get3A_290 = arith.index_cast %scan3A_216 : i32 to index
        %get3A_291 = arith.constant 80 : index
        %get3A_292 = tpu.vector_load %arg17[%get3A_290, %get3A_291] {strides = array<i32>} : memref<40x128xf32, #tpu.memory_space<vmem>>, vector<1x16xf32>,
        %get3A_293 = vector.shape_cast %get3A_292 : vector<1x16xf32> to vector<16xf32>
        %add3A_294 = arith.addf %get3A_289, %get3A_293 : vector<16xf32>
        %swap3A_295 = arith.index_cast %scan3A_216 : i32 to index
        %swap3A_296 = arith.constant 80 : index
        %swap3A_297 = tpu.vector_load %arg12[%swap3A_295, %swap3A_296] {strides = array<i32>} : memref<40x128xf32, #tpu.memory_space<vmem>>, vector<1x16xf32>,
        %swap3A_298 = vector.shape_cast %swap3A_297 : vector<1x16xf32> to vector<16xf32>
        %swap3A_299 = vector.shape_cast %add3A_294 : vector<16xf32> to vector<1x16xf32>
        tpu.vector_store %arg12[%swap3A_295, %swap3A_296], %swap3A_299 {strides = array<i32>} : memref<40x128xf32, #tpu.memory_space<vmem>>, vector<1x16xf32>,
        %get3A_300 = arith.index_cast %scan3A_216 : i32 to index
        %get3A_301 = arith.constant 96 : index
        %get3A_302 = tpu.vector_load %arg12[%get3A_300, %get3A_301] {strides = array<i32>} : memref<40x128xf32, #tpu.memory_space<vmem>>, vector<1x16xf32>,
        %get3A_303 = vector.shape_cast %get3A_302 : vector<1x16xf32> to vector<16xf32>
        %get3A_304 = arith.index_cast %scan3A_216 : i32 to index
        %get3A_305 = arith.constant 96 : index
        %get3A_306 = tpu.vector_load %arg17[%get3A_304, %get3A_305] {strides = array<i32>} : memref<40x128xf32, #tpu.memory_space<vmem>>, vector<1x16xf32>,
        %get3A_307 = vector.shape_cast %get3A_306 : vector<1x16xf32> to vector<16xf32>
        %add3A_308 = arith.addf %get3A_303, %get3A_307 : vector<16xf32>
        %swap3A_309 = arith.index_cast %scan3A_216 : i32 to index
        %swap3A_310 = arith.constant 96 : index
        %swap3A_311 = tpu.vector_load %arg12[%swap3A_309, %swap3A_310] {strides = array<i32>} : memref<40x128xf32, #tpu.memory_space<vmem>>, vector<1x16xf32>,
        %swap3A_312 = vector.shape_cast %swap3A_311 : vector<1x16xf32> to vector<16xf32>
        %swap3A_313 = vector.shape_cast %add3A_308 : vector<16xf32> to vector<1x16xf32>
        tpu.vector_store %arg12[%swap3A_309, %swap3A_310], %swap3A_313 {strides = array<i32>} : memref<40x128xf32, #tpu.memory_space<vmem>>, vector<1x16xf32>,
        %get3A_314 = arith.index_cast %scan3A_216 : i32 to index
        %get3A_315 = arith.constant 112 : index
        %get3A_316 = tpu.vector_load %arg12[%get3A_314, %get3A_315] {strides = array<i32>} : memref<40x128xf32, #tpu.memory_space<vmem>>, vector<1x16xf32>,
        %get3A_317 = vector.shape_cast %get3A_316 : vector<1x16xf32> to vector<16xf32>
        %get3A_318 = arith.index_cast %scan3A_216 : i32 to index
        %get3A_319 = arith.constant 112 : index
        %get3A_320 = tpu.vector_load %arg17[%get3A_318, %get3A_319] {strides = array<i32>} : memref<40x128xf32, #tpu.memory_space<vmem>>, vector<1x16xf32>,
        %get3A_321 = vector.shape_cast %get3A_320 : vector<1x16xf32> to vector<16xf32>
        %add3A_322 = arith.addf %get3A_317, %get3A_321 : vector<16xf32>
        %swap3A_323 = arith.index_cast %scan3A_216 : i32 to index
        %swap3A_324 = arith.constant 112 : index
        %swap3A_325 = tpu.vector_load %arg12[%swap3A_323, %swap3A_324] {strides = array<i32>} : memref<40x128xf32, #tpu.memory_space<vmem>>, vector<1x16xf32>,
        %swap3A_326 = vector.shape_cast %swap3A_325 : vector<1x16xf32> to vector<16xf32>
        %swap3A_327 = vector.shape_cast %add3A_322 : vector<16xf32> to vector<1x16xf32>
        tpu.vector_store %arg12[%swap3A_323, %swap3A_324], %swap3A_327 {strides = array<i32>} : memref<40x128xf32, #tpu.memory_space<vmem>>, vector<1x16xf32>,
        %scan3A_328 = arith.constant 0 : i32
        scf.yield %scan3A_328 : i32
      }
      %scan3A_172 = arith.constant 40 : i32
      %mul3A_173 = arith.constant 40 : i32
      %mul3A_174 = arith.muli %add3A_148, %mul3A_173 : i32
      %add3A_175 = arith.addi %mul3A_2, %mul3A_174 : i32
      %dma_start3A_176 = arith.constant 0 : i32
      %dma_start3A_177 = tpu.memref_slice %arg6[%add3A_175, %dma_start3A_176] : memref<166400x128xf32, #tpu.memory_space<hbm>> -> memref<40x128xf32, #tpu.memory_space<hbm>>
      %dma_start3A_178 = arith.constant 0 : i32
      %dma_start3A_179 = tpu.memref_slice %arg6[%add3A_175, %dma_start3A_178] : memref<166400x128xf32, #tpu.memory_space<hbm>> -> memref<40x128xf32, #tpu.memory_space<hbm>>
      tpu.enqueue_dma source(%arg12 : memref<40x128xf32, #tpu.memory_space<vmem>>) target(%dma_start3A_179 : memref<40x128xf32, #tpu.memory_space<hbm>>) target_semaphore(%arg27 : memref<!tpu.dma_semaphore, #tpu.memory_space<semaphore_mem>>)
      %mul3A_180 = arith.constant 5 : i32
      %mul3A_181 = arith.muli %scan3A_41, %mul3A_180 : i32
      %add3A_182 = arith.constant 4 : i32
      %add3A_183 = arith.addi %mul3A_181, %add3A_182 : i32
      %add3A_184 = arith.constant 1 : i32
      %add3A_185 = arith.addi %add3A_183, %add3A_184 : i32
      %lt3A_186 = arith.constant 130 : i32
      %lt3A_187 = arith.cmpi slt, %add3A_185, %lt3A_186 : i32
      %convert_element_type3A_188 = arith.extui %lt3A_187 : i1 to i32
      %cond3A_189 = arith.constant 0 : i32
      %cond3A_190 = arith.cmpi ne, %convert_element_type3A_188, %cond3A_189 : i32
      scf.if %cond3A_190 {
        %add3A_216 = arith.constant 1 : i32
        %add3A_217 = arith.addi %add3A_183, %add3A_216 : i32
        %ge3A = arith.constant 5 : i32
        %ge3A_218 = arith.cmpi sge, %add3A_217, %ge3A : i32
        %convert_element_type3A_219 = arith.extui %ge3A_218 : i1 to i32
        %cond3A_220 = arith.constant 0 : i32
        %cond3A_221 = arith.cmpi ne, %convert_element_type3A_219, %cond3A_220 : i32
        scf.if %cond3A_221 {
          %dma_wait3A_234 = arith.constant 0 : i32
          %dma_wait3A_235 = tpu.memref_slice %arg6[%mul3A_2, %dma_wait3A_234] : memref<166400x128xf32, #tpu.memory_space<hbm>> -> memref<40x128xf32, #tpu.memory_space<hbm>>
          %dma_wait3A_236 = arith.constant 0 : i32
          %dma_wait3A_237 = tpu.memref_slice %arg6[%mul3A_2, %dma_wait3A_236] : memref<166400x128xf32, #tpu.memory_space<hbm>> -> memref<40x128xf32, #tpu.memory_space<hbm>>
          tpu.wait_dma2 semaphore(%arg24 : memref<!tpu.dma_semaphore, #tpu.memory_space<semaphore_mem>>) src(%arg9 : memref<40x128xf32, #tpu.memory_space<vmem>>) dst(%dma_wait3A_237 : memref<40x128xf32, #tpu.memory_space<hbm>>)
        } else {
        }
        %add3A_222 = arith.constant 1 : i32
        %add3A_223 = arith.addi %add3A_183, %add3A_222 : i32
        %mul3A_224 = arith.constant 40 : i32
        %mul3A_225 = arith.muli %add3A_223, %mul3A_224 : i32
        %dma_start3A_226 = tpu.memref_slice %arg7[%mul3A_225] : memref<5200xi32, #tpu.memory_space<vmem>> -> memref<40xi32, #tpu.memory_space<vmem>>
        %dma_start3A_227 = arith.constant 0 : i32
        %dma_start3A_228 = arith.constant 0 : i32
        %dma_start3A_229 = tpu.memref_slice %arg2[%dma_start3A_227, %dma_start3A_228] : memref<10000x128xf32, #tpu.memory_space<hbm>> -> memref<10000x128xf32, #tpu.memory_space<hbm>>
        tpu.enqueue_indirect_dma source(%dma_start3A_229 : memref<10000x128xf32, #tpu.memory_space<hbm>>) target(%arg9 : memref<40x128xf32, #tpu.memory_space<vmem>>) offsets(%dma_start3A_226 : memref<40xi32, #tpu.memory_space<vmem>>) semaphore(%arg19 : memref<!tpu.dma_semaphore, #tpu.memory_space<semaphore_mem>>)
        %dma_start3A_230 = tpu.memref_slice %arg8[%mul3A_225] : memref<5200xi32, #tpu.memory_space<vmem>> -> memref<40xi32, #tpu.memory_space<vmem>>
        %dma_start3A_231 = arith.constant 0 : i32
        %dma_start3A_232 = arith.constant 0 : i32
        %dma_start3A_233 = tpu.memref_slice %arg3[%dma_start3A_231, %dma_start3A_232] : memref<10000x128xf32, #tpu.memory_space<hbm>> -> memref<10000x128xf32, #tpu.memory_space<hbm>>
        tpu.enqueue_indirect_dma source(%dma_start3A_233 : memref<10000x128xf32, #tpu.memory_space<hbm>>) target(%arg14 : memref<40x128xf32, #tpu.memory_space<vmem>>) offsets(%dma_start3A_230 : memref<40xi32, #tpu.memory_space<vmem>>) semaphore(%arg19 : memref<!tpu.dma_semaphore, #tpu.memory_space<semaphore_mem>>)
      } else {
      }
      %dma_wait3A_191 = arith.constant 0 : i32
      %dma_wait3A_192 = tpu.memref_slice %arg7[%dma_wait3A_191] : memref<5200xi32, #tpu.memory_space<vmem>> -> memref<40xi32, #tpu.memory_space<vmem>>
      %dma_wait3A_193 = arith.constant 0 : i32
      %dma_wait3A_194 = arith.constant 0 : i32
      %dma_wait3A_195 = tpu.memref_slice %arg2[%dma_wait3A_193, %dma_wait3A_194] : memref<10000x128xf32, #tpu.memory_space<hbm>> -> memref<10000x128xf32, #tpu.memory_space<hbm>>
      tpu.wait_indirect_dma semaphore(%arg23 : memref<!tpu.dma_semaphore, #tpu.memory_space<semaphore_mem>>) src(%dma_wait3A_195 : memref<10000x128xf32, #tpu.memory_space<hbm>>) dst(%arg13 : memref<40x128xf32, #tpu.memory_space<vmem>>)
      %dma_wait3A_196 = arith.constant 0 : i32
      %dma_wait3A_197 = tpu.memref_slice %arg8[%dma_wait3A_196] : memref<5200xi32, #tpu.memory_space<vmem>> -> memref<40xi32, #tpu.memory_space<vmem>>
      %dma_wait3A_198 = arith.constant 0 : i32
      %dma_wait3A_199 = arith.constant 0 : i32
      %dma_wait3A_200 = tpu.memref_slice %arg3[%dma_wait3A_198, %dma_wait3A_199] : memref<10000x128xf32, #tpu.memory_space<hbm>> -> memref<10000x128xf32, #tpu.memory_space<hbm>>
      tpu.wait_indirect_dma semaphore(%arg23 : memref<!tpu.dma_semaphore, #tpu.memory_space<semaphore_mem>>) src(%dma_wait3A_200 : memref<10000x128xf32, #tpu.memory_space<hbm>>) dst(%arg18 : memref<40x128xf32, #tpu.memory_space<vmem>>)
      %scan3A_201 = arith.constant 0 : i32
      %scan3A_202 = arith.constant 0 : i32
      %scan3A_203 = arith.constant 40 : i32
      %scan3A_204 = arith.addi %scan3A_202, %scan3A_203 : i32
      %scan3A_205 = arith.constant 1 : i32
      %scan3A_206 = scf.for %scan3A_216 = %scan3A_202 to %scan3A_204 step %scan3A_205 iter_args(%scan3A_217 = %scan3A_201) -> (i32)  : i32 {
        %get3A = arith.index_cast %scan3A_216 : i32 to index
        %get3A_218 = arith.constant 0 : index
        %get3A_219 = tpu.vector_load %arg13[%get3A, %get3A_218] {strides = array<i32>} : memref<40x128xf32, #tpu.memory_space<vmem>>, vector<1x16xf32>,
        %get3A_220 = vector.shape_cast %get3A_219 : vector<1x16xf32> to vector<16xf32>
        %get3A_221 = arith.index_cast %scan3A_216 : i32 to index
        %get3A_222 = arith.constant 0 : index
        %get3A_223 = tpu.vector_load %arg18[%get3A_221, %get3A_222] {strides = array<i32>} : memref<40x128xf32, #tpu.memory_space<vmem>>, vector<1x16xf32>,
        %get3A_224 = vector.shape_cast %get3A_223 : vector<1x16xf32> to vector<16xf32>
        %add3A_225 = arith.addf %get3A_220, %get3A_224 : vector<16xf32>
        %swap3A = arith.index_cast %scan3A_216 : i32 to index
        %swap3A_226 = arith.constant 0 : index
        %swap3A_227 = tpu.vector_load %arg13[%swap3A, %swap3A_226] {strides = array<i32>} : memref<40x128xf32, #tpu.memory_space<vmem>>, vector<1x16xf32>,
        %swap3A_228 = vector.shape_cast %swap3A_227 : vector<1x16xf32> to vector<16xf32>
        %swap3A_229 = vector.shape_cast %add3A_225 : vector<16xf32> to vector<1x16xf32>
        tpu.vector_store %arg13[%swap3A, %swap3A_226], %swap3A_229 {strides = array<i32>} : memref<40x128xf32, #tpu.memory_space<vmem>>, vector<1x16xf32>,
        %get3A_230 = arith.index_cast %scan3A_216 : i32 to index
        %get3A_231 = arith.constant 16 : index
        %get3A_232 = tpu.vector_load %arg13[%get3A_230, %get3A_231] {strides = array<i32>} : memref<40x128xf32, #tpu.memory_space<vmem>>, vector<1x16xf32>,
        %get3A_233 = vector.shape_cast %get3A_232 : vector<1x16xf32> to vector<16xf32>
        %get3A_234 = arith.index_cast %scan3A_216 : i32 to index
        %get3A_235 = arith.constant 16 : index
        %get3A_236 = tpu.vector_load %arg18[%get3A_234, %get3A_235] {strides = array<i32>} : memref<40x128xf32, #tpu.memory_space<vmem>>, vector<1x16xf32>,
        %get3A_237 = vector.shape_cast %get3A_236 : vector<1x16xf32> to vector<16xf32>
        %add3A_238 = arith.addf %get3A_233, %get3A_237 : vector<16xf32>
        %swap3A_239 = arith.index_cast %scan3A_216 : i32 to index
        %swap3A_240 = arith.constant 16 : index
        %swap3A_241 = tpu.vector_load %arg13[%swap3A_239, %swap3A_240] {strides = array<i32>} : memref<40x128xf32, #tpu.memory_space<vmem>>, vector<1x16xf32>,
        %swap3A_242 = vector.shape_cast %swap3A_241 : vector<1x16xf32> to vector<16xf32>
        %swap3A_243 = vector.shape_cast %add3A_238 : vector<16xf32> to vector<1x16xf32>
        tpu.vector_store %arg13[%swap3A_239, %swap3A_240], %swap3A_243 {strides = array<i32>} : memref<40x128xf32, #tpu.memory_space<vmem>>, vector<1x16xf32>,
        %get3A_244 = arith.index_cast %scan3A_216 : i32 to index
        %get3A_245 = arith.constant 32 : index
        %get3A_246 = tpu.vector_load %arg13[%get3A_244, %get3A_245] {strides = array<i32>} : memref<40x128xf32, #tpu.memory_space<vmem>>, vector<1x16xf32>,
        %get3A_247 = vector.shape_cast %get3A_246 : vector<1x16xf32> to vector<16xf32>
        %get3A_248 = arith.index_cast %scan3A_216 : i32 to index
        %get3A_249 = arith.constant 32 : index
        %get3A_250 = tpu.vector_load %arg18[%get3A_248, %get3A_249] {strides = array<i32>} : memref<40x128xf32, #tpu.memory_space<vmem>>, vector<1x16xf32>,
        %get3A_251 = vector.shape_cast %get3A_250 : vector<1x16xf32> to vector<16xf32>
        %add3A_252 = arith.addf %get3A_247, %get3A_251 : vector<16xf32>
        %swap3A_253 = arith.index_cast %scan3A_216 : i32 to index
        %swap3A_254 = arith.constant 32 : index
        %swap3A_255 = tpu.vector_load %arg13[%swap3A_253, %swap3A_254] {strides = array<i32>} : memref<40x128xf32, #tpu.memory_space<vmem>>, vector<1x16xf32>,
        %swap3A_256 = vector.shape_cast %swap3A_255 : vector<1x16xf32> to vector<16xf32>
        %swap3A_257 = vector.shape_cast %add3A_252 : vector<16xf32> to vector<1x16xf32>
        tpu.vector_store %arg13[%swap3A_253, %swap3A_254], %swap3A_257 {strides = array<i32>} : memref<40x128xf32, #tpu.memory_space<vmem>>, vector<1x16xf32>,
        %get3A_258 = arith.index_cast %scan3A_216 : i32 to index
        %get3A_259 = arith.constant 48 : index
        %get3A_260 = tpu.vector_load %arg13[%get3A_258, %get3A_259] {strides = array<i32>} : memref<40x128xf32, #tpu.memory_space<vmem>>, vector<1x16xf32>,
        %get3A_261 = vector.shape_cast %get3A_260 : vector<1x16xf32> to vector<16xf32>
        %get3A_262 = arith.index_cast %scan3A_216 : i32 to index
        %get3A_263 = arith.constant 48 : index
        %get3A_264 = tpu.vector_load %arg18[%get3A_262, %get3A_263] {strides = array<i32>} : memref<40x128xf32, #tpu.memory_space<vmem>>, vector<1x16xf32>,
        %get3A_265 = vector.shape_cast %get3A_264 : vector<1x16xf32> to vector<16xf32>
        %add3A_266 = arith.addf %get3A_261, %get3A_265 : vector<16xf32>
        %swap3A_267 = arith.index_cast %scan3A_216 : i32 to index
        %swap3A_268 = arith.constant 48 : index
        %swap3A_269 = tpu.vector_load %arg13[%swap3A_267, %swap3A_268] {strides = array<i32>} : memref<40x128xf32, #tpu.memory_space<vmem>>, vector<1x16xf32>,
        %swap3A_270 = vector.shape_cast %swap3A_269 : vector<1x16xf32> to vector<16xf32>
        %swap3A_271 = vector.shape_cast %add3A_266 : vector<16xf32> to vector<1x16xf32>
        tpu.vector_store %arg13[%swap3A_267, %swap3A_268], %swap3A_271 {strides = array<i32>} : memref<40x128xf32, #tpu.memory_space<vmem>>, vector<1x16xf32>,
        %get3A_272 = arith.index_cast %scan3A_216 : i32 to index
        %get3A_273 = arith.constant 64 : index
        %get3A_274 = tpu.vector_load %arg13[%get3A_272, %get3A_273] {strides = array<i32>} : memref<40x128xf32, #tpu.memory_space<vmem>>, vector<1x16xf32>,
        %get3A_275 = vector.shape_cast %get3A_274 : vector<1x16xf32> to vector<16xf32>
        %get3A_276 = arith.index_cast %scan3A_216 : i32 to index
        %get3A_277 = arith.constant 64 : index
        %get3A_278 = tpu.vector_load %arg18[%get3A_276, %get3A_277] {strides = array<i32>} : memref<40x128xf32, #tpu.memory_space<vmem>>, vector<1x16xf32>,
        %get3A_279 = vector.shape_cast %get3A_278 : vector<1x16xf32> to vector<16xf32>
        %add3A_280 = arith.addf %get3A_275, %get3A_279 : vector<16xf32>
        %swap3A_281 = arith.index_cast %scan3A_216 : i32 to index
        %swap3A_282 = arith.constant 64 : index
        %swap3A_283 = tpu.vector_load %arg13[%swap3A_281, %swap3A_282] {strides = array<i32>} : memref<40x128xf32, #tpu.memory_space<vmem>>, vector<1x16xf32>,
        %swap3A_284 = vector.shape_cast %swap3A_283 : vector<1x16xf32> to vector<16xf32>
        %swap3A_285 = vector.shape_cast %add3A_280 : vector<16xf32> to vector<1x16xf32>
        tpu.vector_store %arg13[%swap3A_281, %swap3A_282], %swap3A_285 {strides = array<i32>} : memref<40x128xf32, #tpu.memory_space<vmem>>, vector<1x16xf32>,
        %get3A_286 = arith.index_cast %scan3A_216 : i32 to index
        %get3A_287 = arith.constant 80 : index
        %get3A_288 = tpu.vector_load %arg13[%get3A_286, %get3A_287] {strides = array<i32>} : memref<40x128xf32, #tpu.memory_space<vmem>>, vector<1x16xf32>,
        %get3A_289 = vector.shape_cast %get3A_288 : vector<1x16xf32> to vector<16xf32>
        %get3A_290 = arith.index_cast %scan3A_216 : i32 to index
        %get3A_291 = arith.constant 80 : index
        %get3A_292 = tpu.vector_load %arg18[%get3A_290, %get3A_291] {strides = array<i32>} : memref<40x128xf32, #tpu.memory_space<vmem>>, vector<1x16xf32>,
        %get3A_293 = vector.shape_cast %get3A_292 : vector<1x16xf32> to vector<16xf32>
        %add3A_294 = arith.addf %get3A_289, %get3A_293 : vector<16xf32>
        %swap3A_295 = arith.index_cast %scan3A_216 : i32 to index
        %swap3A_296 = arith.constant 80 : index
        %swap3A_297 = tpu.vector_load %arg13[%swap3A_295, %swap3A_296] {strides = array<i32>} : memref<40x128xf32, #tpu.memory_space<vmem>>, vector<1x16xf32>,
        %swap3A_298 = vector.shape_cast %swap3A_297 : vector<1x16xf32> to vector<16xf32>
        %swap3A_299 = vector.shape_cast %add3A_294 : vector<16xf32> to vector<1x16xf32>
        tpu.vector_store %arg13[%swap3A_295, %swap3A_296], %swap3A_299 {strides = array<i32>} : memref<40x128xf32, #tpu.memory_space<vmem>>, vector<1x16xf32>,
        %get3A_300 = arith.index_cast %scan3A_216 : i32 to index
        %get3A_301 = arith.constant 96 : index
        %get3A_302 = tpu.vector_load %arg13[%get3A_300, %get3A_301] {strides = array<i32>} : memref<40x128xf32, #tpu.memory_space<vmem>>, vector<1x16xf32>,
        %get3A_303 = vector.shape_cast %get3A_302 : vector<1x16xf32> to vector<16xf32>
        %get3A_304 = arith.index_cast %scan3A_216 : i32 to index
        %get3A_305 = arith.constant 96 : index
        %get3A_306 = tpu.vector_load %arg18[%get3A_304, %get3A_305] {strides = array<i32>} : memref<40x128xf32, #tpu.memory_space<vmem>>, vector<1x16xf32>,
        %get3A_307 = vector.shape_cast %get3A_306 : vector<1x16xf32> to vector<16xf32>
        %add3A_308 = arith.addf %get3A_303, %get3A_307 : vector<16xf32>
        %swap3A_309 = arith.index_cast %scan3A_216 : i32 to index
        %swap3A_310 = arith.constant 96 : index
        %swap3A_311 = tpu.vector_load %arg13[%swap3A_309, %swap3A_310] {strides = array<i32>} : memref<40x128xf32, #tpu.memory_space<vmem>>, vector<1x16xf32>,
        %swap3A_312 = vector.shape_cast %swap3A_311 : vector<1x16xf32> to vector<16xf32>
        %swap3A_313 = vector.shape_cast %add3A_308 : vector<16xf32> to vector<1x16xf32>
        tpu.vector_store %arg13[%swap3A_309, %swap3A_310], %swap3A_313 {strides = array<i32>} : memref<40x128xf32, #tpu.memory_space<vmem>>, vector<1x16xf32>,
        %get3A_314 = arith.index_cast %scan3A_216 : i32 to index
        %get3A_315 = arith.constant 112 : index
        %get3A_316 = tpu.vector_load %arg13[%get3A_314, %get3A_315] {strides = array<i32>} : memref<40x128xf32, #tpu.memory_space<vmem>>, vector<1x16xf32>,
        %get3A_317 = vector.shape_cast %get3A_316 : vector<1x16xf32> to vector<16xf32>
        %get3A_318 = arith.index_cast %scan3A_216 : i32 to index
        %get3A_319 = arith.constant 112 : index
        %get3A_320 = tpu.vector_load %arg18[%get3A_318, %get3A_319] {strides = array<i32>} : memref<40x128xf32, #tpu.memory_space<vmem>>, vector<1x16xf32>,
        %get3A_321 = vector.shape_cast %get3A_320 : vector<1x16xf32> to vector<16xf32>
        %add3A_322 = arith.addf %get3A_317, %get3A_321 : vector<16xf32>
        %swap3A_323 = arith.index_cast %scan3A_216 : i32 to index
        %swap3A_324 = arith.constant 112 : index
        %swap3A_325 = tpu.vector_load %arg13[%swap3A_323, %swap3A_324] {strides = array<i32>} : memref<40x128xf32, #tpu.memory_space<vmem>>, vector<1x16xf32>,
        %swap3A_326 = vector.shape_cast %swap3A_325 : vector<1x16xf32> to vector<16xf32>
        %swap3A_327 = vector.shape_cast %add3A_322 : vector<16xf32> to vector<1x16xf32>
        tpu.vector_store %arg13[%swap3A_323, %swap3A_324], %swap3A_327 {strides = array<i32>} : memref<40x128xf32, #tpu.memory_space<vmem>>, vector<1x16xf32>,
        %scan3A_328 = arith.constant 0 : i32
        scf.yield %scan3A_328 : i32
      }
      %scan3A_207 = arith.constant 40 : i32
      %mul3A_208 = arith.constant 40 : i32
      %mul3A_209 = arith.muli %add3A_183, %mul3A_208 : i32
      %add3A_210 = arith.addi %mul3A_2, %mul3A_209 : i32
      %dma_start3A_211 = arith.constant 0 : i32
      %dma_start3A_212 = tpu.memref_slice %arg6[%add3A_210, %dma_start3A_211] : memref<166400x128xf32, #tpu.memory_space<hbm>> -> memref<40x128xf32, #tpu.memory_space<hbm>>
      %dma_start3A_213 = arith.constant 0 : i32
      %dma_start3A_214 = tpu.memref_slice %arg6[%add3A_210, %dma_start3A_213] : memref<166400x128xf32, #tpu.memory_space<hbm>> -> memref<40x128xf32, #tpu.memory_space<hbm>>
      tpu.enqueue_dma source(%arg13 : memref<40x128xf32, #tpu.memory_space<vmem>>) target(%dma_start3A_214 : memref<40x128xf32, #tpu.memory_space<hbm>>) target_semaphore(%arg28 : memref<!tpu.dma_semaphore, #tpu.memory_space<semaphore_mem>>)
      %scan3A_215 = arith.constant 0 : i32
      scf.yield %scan3A_215 : i32
    }
    %scan3A_21 = arith.constant 26 : i32
    %dma_wait3A = arith.constant 0 : i32
    %dma_wait3A_22 = tpu.memref_slice %arg6[%mul3A_2, %dma_wait3A] : memref<166400x128xf32, #tpu.memory_space<hbm>> -> memref<40x128xf32, #tpu.memory_space<hbm>>
    %dma_wait3A_23 = arith.constant 0 : i32
    %dma_wait3A_24 = tpu.memref_slice %arg6[%mul3A_2, %dma_wait3A_23] : memref<166400x128xf32, #tpu.memory_space<hbm>> -> memref<40x128xf32, #tpu.memory_space<hbm>>
    tpu.wait_dma2 semaphore(%arg24 : memref<!tpu.dma_semaphore, #tpu.memory_space<semaphore_mem>>) src(%arg9 : memref<40x128xf32, #tpu.memory_space<vmem>>) dst(%dma_wait3A_24 : memref<40x128xf32, #tpu.memory_space<hbm>>)
    %dma_wait3A_25 = arith.constant 0 : i32
    %dma_wait3A_26 = tpu.memref_slice %arg6[%mul3A_2, %dma_wait3A_25] : memref<166400x128xf32, #tpu.memory_space<hbm>> -> memref<40x128xf32, #tpu.memory_space<hbm>>
    %dma_wait3A_27 = arith.constant 0 : i32
    %dma_wait3A_28 = tpu.memref_slice %arg6[%mul3A_2, %dma_wait3A_27] : memref<166400x128xf32, #tpu.memory_space<hbm>> -> memref<40x128xf32, #tpu.memory_space<hbm>>
    tpu.wait_dma2 semaphore(%arg25 : memref<!tpu.dma_semaphore, #tpu.memory_space<semaphore_mem>>) src(%arg10 : memref<40x128xf32, #tpu.memory_space<vmem>>) dst(%dma_wait3A_28 : memref<40x128xf32, #tpu.memory_space<hbm>>)
    %dma_wait3A_29 = arith.constant 0 : i32
    %dma_wait3A_30 = tpu.memref_slice %arg6[%mul3A_2, %dma_wait3A_29] : memref<166400x128xf32, #tpu.memory_space<hbm>> -> memref<40x128xf32, #tpu.memory_space<hbm>>
    %dma_wait3A_31 = arith.constant 0 : i32
    %dma_wait3A_32 = tpu.memref_slice %arg6[%mul3A_2, %dma_wait3A_31] : memref<166400x128xf32, #tpu.memory_space<hbm>> -> memref<40x128xf32, #tpu.memory_space<hbm>>
    tpu.wait_dma2 semaphore(%arg26 : memref<!tpu.dma_semaphore, #tpu.memory_space<semaphore_mem>>) src(%arg11 : memref<40x128xf32, #tpu.memory_space<vmem>>) dst(%dma_wait3A_32 : memref<40x128xf32, #tpu.memory_space<hbm>>)
    %dma_wait3A_33 = arith.constant 0 : i32
    %dma_wait3A_34 = tpu.memref_slice %arg6[%mul3A_2, %dma_wait3A_33] : memref<166400x128xf32, #tpu.memory_space<hbm>> -> memref<40x128xf32, #tpu.memory_space<hbm>>
    %dma_wait3A_35 = arith.constant 0 : i32
    %dma_wait3A_36 = tpu.memref_slice %arg6[%mul3A_2, %dma_wait3A_35] : memref<166400x128xf32, #tpu.memory_space<hbm>> -> memref<40x128xf32, #tpu.memory_space<hbm>>
    tpu.wait_dma2 semaphore(%arg27 : memref<!tpu.dma_semaphore, #tpu.memory_space<semaphore_mem>>) src(%arg12 : memref<40x128xf32, #tpu.memory_space<vmem>>) dst(%dma_wait3A_36 : memref<40x128xf32, #tpu.memory_space<hbm>>)
    %dma_wait3A_37 = arith.constant 0 : i32
    %dma_wait3A_38 = tpu.memref_slice %arg6[%mul3A_2, %dma_wait3A_37] : memref<166400x128xf32, #tpu.memory_space<hbm>> -> memref<40x128xf32, #tpu.memory_space<hbm>>
    %dma_wait3A_39 = arith.constant 0 : i32
    %dma_wait3A_40 = tpu.memref_slice %arg6[%mul3A_2, %dma_wait3A_39] : memref<166400x128xf32, #tpu.memory_space<hbm>> -> memref<40x128xf32, #tpu.memory_space<hbm>>
    tpu.wait_dma2 semaphore(%arg28 : memref<!tpu.dma_semaphore, #tpu.memory_space<semaphore_mem>>) src(%arg13 : memref<40x128xf32, #tpu.memory_space<vmem>>) dst(%dma_wait3A_40 : memref<40x128xf32, #tpu.memory_space<hbm>>)
    return
  }
}

module attributes {stable_mosaic.version = 14 : i64} {
  func.func @body(%arg0: i32, %arg1: memref<2000x128xf32, #tpu.memory_space<vmem>>, %arg2: memref<128x128xf32, #tpu.memory_space<vmem>>, %arg3: memref<128x128xf32, #tpu.memory_space<vmem>>, %arg4: memref<1x128xf32, #tpu.memory_space<vmem>>, %arg5: memref<2000x128xf32, #tpu.memory_space<vmem>>, %arg6: memref<2000x128xf32, #tpu.memory_space<vmem>>) attributes {dimension_semantics = [#tpu.dimension_semantics<arbitrary>], iteration_bounds = array<i64: 5>, scalar_prefetch = 0 : i64, scratch_operands = 0 : i64, tpu.core_type = #tpu.core_type<tc>, window_params = [{transform_indices = @transform_0, window_bounds = array<i64: 2000, 128>}, {pipeline_mode = #tpu.pipeline_mode<synchronous>, transform_indices = @transform_1, window_bounds = array<i64: 128, 128>}, {pipeline_mode = #tpu.pipeline_mode<synchronous>, transform_indices = @transform_2, window_bounds = array<i64: 128, 128>}, {pipeline_mode = #tpu.pipeline_mode<synchronous>, transform_indices = @transform_3, window_bounds = array<i64: 1, 128>}, {transform_indices = @transform_4, window_bounds = array<i64: 2000, 128>}, {transform_indices = @transform_5, window_bounds = array<i64: 2000, 128>}]} {
    %get3A = arith.constant 0 : index
    %get3A_0 = arith.constant 0 : index
    %get3A_1 = vector.load %arg1[%get3A, %get3A_0] : memref<2000x128xf32, #tpu.memory_space<vmem>>, vector<2000x128xf32>
    %get3A_2 = arith.constant 0 : index
    %get3A_3 = arith.constant 0 : index
    %get3A_4 = vector.load %arg2[%get3A_2, %get3A_3] : memref<128x128xf32, #tpu.memory_space<vmem>>, vector<128x128xf32>
    %dot_general3A = arith.constant dense<0.000000e+00> : vector<2000x128xf32>
    %dot_general3A_5 = tpu.matmul %get3A_1, %get3A_4, %dot_general3A {dimension_numbers = #tpu.dot_dimension_numbers<[1], [0], [0], [1], [0, 0, 1, 1], [], []>, transpose_lhs_hint = false} : vector<2000x128xf32>, vector<128x128xf32>, vector<2000x128xf32> -> vector<2000x128xf32>
    %get3A_6 = arith.constant 0 : index
    %get3A_7 = arith.constant 0 : index
    %get3A_8 = vector.load %arg4[%get3A_6, %get3A_7] : memref<1x128xf32, #tpu.memory_space<vmem>>, vector<1x128xf32>
    %add3A = vector.broadcast %get3A_8 : vector<1x128xf32> to vector<2000x128xf32>
    %add3A_9 = arith.addf %dot_general3A_5, %add3A : vector<2000x128xf32>
    %swap3A = arith.constant 0 : index
    %swap3A_10 = arith.constant 0 : index
    %swap3A_11 = vector.load %arg5[%swap3A, %swap3A_10] : memref<2000x128xf32, #tpu.memory_space<vmem>>, vector<2000x128xf32>
    tpu.vector_store %arg5[%swap3A, %swap3A_10], %add3A_9 {strides = array<i32>} : memref<2000x128xf32, #tpu.memory_space<vmem>>, vector<2000x128xf32>,
    %get3A_12 = arith.constant 0 : index
    %get3A_13 = arith.constant 0 : index
    %get3A_14 = vector.load %arg3[%get3A_12, %get3A_13] : memref<128x128xf32, #tpu.memory_space<vmem>>, vector<128x128xf32>
    %dot_general3A_15 = arith.constant dense<0.000000e+00> : vector<2000x128xf32>
    %dot_general3A_16 = tpu.matmul %get3A_1, %get3A_14, %dot_general3A_15 {dimension_numbers = #tpu.dot_dimension_numbers<[1], [0], [0], [1], [0, 0, 1, 1], [], []>, transpose_lhs_hint = false} : vector<2000x128xf32>, vector<128x128xf32>, vector<2000x128xf32> -> vector<2000x128xf32>
    %swap3A_17 = arith.constant 0 : index
    %swap3A_18 = arith.constant 0 : index
    %swap3A_19 = vector.load %arg6[%swap3A_17, %swap3A_18] : memref<2000x128xf32, #tpu.memory_space<vmem>>, vector<2000x128xf32>
    tpu.vector_store %arg6[%swap3A_17, %swap3A_18], %dot_general3A_16 {strides = array<i32>} : memref<2000x128xf32, #tpu.memory_space<vmem>>, vector<2000x128xf32>,
    return
  }
  func.func @transform_0(%arg0: i32) -> (i32, i32) {
    %c0_i32 = arith.constant 0 : i32
    %c0_i32_0 = arith.constant 0 : i32
    return %arg0, %c0_i32 : i32, i32
  }
  func.func @transform_1(%arg0: i32) -> (i32, i32) {
    %c0_i32 = arith.constant 0 : i32
    %c0_i32_0 = arith.constant 0 : i32
    %c0_i32_1 = arith.constant 0 : i32
    return %c0_i32, %c0_i32_0 : i32, i32
  }
  func.func @transform_2(%arg0: i32) -> (i32, i32) {
    %c0_i32 = arith.constant 0 : i32
    %c0_i32_0 = arith.constant 0 : i32
    %c0_i32_1 = arith.constant 0 : i32
    return %c0_i32, %c0_i32_0 : i32, i32
  }
  func.func @transform_3(%arg0: i32) -> (i32, i32) {
    %c0_i32 = arith.constant 0 : i32
    %c0_i32_0 = arith.constant 0 : i32
    %c0_i32_1 = arith.constant 0 : i32
    return %c0_i32, %c0_i32_0 : i32, i32
  }
  func.func @transform_4(%arg0: i32) -> (i32, i32) {
    %c0_i32 = arith.constant 0 : i32
    %c0_i32_0 = arith.constant 0 : i32
    return %arg0, %c0_i32 : i32, i32
  }
  func.func @transform_5(%arg0: i32) -> (i32, i32) {
    %c0_i32 = arith.constant 0 : i32
    %c0_i32_0 = arith.constant 0 : i32
    return %arg0, %c0_i32 : i32, i32
  }
}

module attributes {stable_mosaic.version = 14 : i64} {
  func.func @body(%arg0: i32, %arg1: memref<2560x128xf32, #tpu.memory_space<vmem>>, %arg2: memref<16x2560xf32, #tpu.memory_space<vmem>>, %arg3: memref<16x2560xf32, #tpu.memory_space<vmem>>, %arg4: memref<2560x128xf32, #tpu.memory_space<vmem>>, %arg5: memref<8x2560xf32, #tpu.memory_space<vmem>>, %arg6: memref<16x128xbf16, #tpu.memory_space<vmem>>, %arg7: memref<16x128xbf16, #tpu.memory_space<vmem>>, %arg8: memref<128x128xbf16, #tpu.memory_space<vmem>>, %arg9: memref<128x128xbf16, #tpu.memory_space<vmem>>, %arg10: memref<128x128xbf16, #tpu.memory_space<vmem>>, %arg11: memref<8x128xf32, #tpu.memory_space<vmem>>, %arg12: memref<1x1x2560xf32, #tpu.memory_space<vmem>>) attributes {dimension_semantics = [#tpu.dimension_semantics<arbitrary>], iteration_bounds = array<i64: 60>, scalar_prefetch = 0 : i64, scratch_operands = 0 : i64, tpu.core_type = #tpu.core_type<tc>, window_params = [{transform_indices = @transform_0, window_bounds = array<i64: 2560, 128>}, {transform_indices = @transform_1, window_bounds = array<i64: 16, 2560>}, {transform_indices = @transform_2, window_bounds = array<i64: 16, 2560>}, {transform_indices = @transform_3, window_bounds = array<i64: 2560, 128>}, {transform_indices = @transform_4, window_bounds = array<i64: 8, 2560>}, {pipeline_mode = #tpu.pipeline_mode<synchronous>, transform_indices = @transform_5, window_bounds = array<i64: 16, 128>}, {pipeline_mode = #tpu.pipeline_mode<synchronous>, transform_indices = @transform_6, window_bounds = array<i64: 16, 128>}, {pipeline_mode = #tpu.pipeline_mode<synchronous>, transform_indices = @transform_7, window_bounds = array<i64: 128, 128>}, {pipeline_mode = #tpu.pipeline_mode<synchronous>, transform_indices = @transform_8, window_bounds = array<i64: 128, 128>}, {pipeline_mode = #tpu.pipeline_mode<synchronous>, transform_indices = @transform_9, window_bounds = array<i64: 128, 128>}, {pipeline_mode = #tpu.pipeline_mode<synchronous>, transform_indices = @transform_10, window_bounds = array<i64: 8, 128>}, {transform_indices = @transform_11, window_bounds = array<i64: 1, 1, 2560>}]} {
    %get3A = arith.constant 0 : index
    %get3A_0 = arith.constant 0 : index
    %get3A_1 = vector.load %arg1[%get3A, %get3A_0] : memref<2560x128xf32, #tpu.memory_space<vmem>>, vector<2560x128xf32>
    %get3A_2 = arith.constant 0 : index
    %get3A_3 = arith.constant 0 : index
    %get3A_4 = vector.load %arg2[%get3A_2, %get3A_3] : memref<16x2560xf32, #tpu.memory_space<vmem>>, vector<16x2560xf32>
    %convert_element_type3A = arith.truncf %get3A_4 : vector<16x2560xf32> to vector<16x2560xbf16>
    %get3A_5 = arith.constant 0 : index
    %get3A_6 = arith.constant 0 : index
    %get3A_7 = vector.load %arg6[%get3A_5, %get3A_6] : memref<16x128xbf16, #tpu.memory_space<vmem>>, vector<16x128xbf16>
    %dot_general3A = arith.constant dense<0.000000e+00> : vector<2560x128xf32>
    %dot_general3A_8 = tpu.matmul %convert_element_type3A, %get3A_7, %dot_general3A {dimension_numbers = #tpu.dot_dimension_numbers<[0], [0], [1], [1], [0, 1, 1, 1], [], []>, transpose_lhs_hint = false} : vector<16x2560xbf16>, vector<16x128xbf16>, vector<2560x128xf32> -> vector<2560x128xf32>
    %add3A = arith.addf %get3A_1, %dot_general3A_8 : vector<2560x128xf32>
    %get3A_9 = arith.constant 0 : index
    %get3A_10 = arith.constant 0 : index
    %get3A_11 = vector.load %arg3[%get3A_9, %get3A_10] : memref<16x2560xf32, #tpu.memory_space<vmem>>, vector<16x2560xf32>
    %convert_element_type3A_12 = arith.truncf %get3A_11 : vector<16x2560xf32> to vector<16x2560xbf16>
    %get3A_13 = arith.constant 0 : index
    %get3A_14 = arith.constant 0 : index
    %get3A_15 = vector.load %arg7[%get3A_13, %get3A_14] : memref<16x128xbf16, #tpu.memory_space<vmem>>, vector<16x128xbf16>
    %dot_general3A_16 = arith.constant dense<0.000000e+00> : vector<2560x128xf32>
    %dot_general3A_17 = tpu.matmul %convert_element_type3A_12, %get3A_15, %dot_general3A_16 {dimension_numbers = #tpu.dot_dimension_numbers<[0], [0], [1], [1], [0, 1, 1, 1], [], []>, transpose_lhs_hint = false} : vector<16x2560xbf16>, vector<16x128xbf16>, vector<2560x128xf32> -> vector<2560x128xf32>
    %add3A_18 = arith.addf %add3A, %dot_general3A_17 : vector<2560x128xf32>
    %reduce_sum3A = arith.constant dense<0.000000e+00> : vector<2560xf32>
    %reduce_sum3A_19 = vector.multi_reduction <add>, %add3A_18, %reduce_sum3A [1] : vector<2560x128xf32> to vector<2560xf32>
    %broadcast_in_dim3A = vector.shape_cast %reduce_sum3A_19 : vector<2560xf32> to vector<2560x1xf32>
    %div3A = arith.constant 1.280000e+02 : f32
    %div3A_20 = vector.broadcast %div3A : f32 to vector<2560x1xf32>
    %div3A_21 = arith.divf %broadcast_in_dim3A, %div3A_20 : vector<2560x1xf32>
    %sub3A = vector.broadcast %div3A_21 : vector<2560x1xf32> to vector<2560x128xf32>
    %sub3A_22 = arith.subf %add3A_18, %sub3A : vector<2560x128xf32>
    %mul3A = arith.mulf %sub3A_22, %sub3A_22 : vector<2560x128xf32>
    %reduce_sum3A_23 = arith.constant dense<0.000000e+00> : vector<2560xf32>
    %reduce_sum3A_24 = vector.multi_reduction <add>, %mul3A, %reduce_sum3A_23 [1] : vector<2560x128xf32> to vector<2560xf32>
    %broadcast_in_dim3A_25 = vector.shape_cast %reduce_sum3A_24 : vector<2560xf32> to vector<2560x1xf32>
    %div3A_26 = arith.constant 1.280000e+02 : f32
    %div3A_27 = vector.broadcast %div3A_26 : f32 to vector<2560x1xf32>
    %div3A_28 = arith.divf %broadcast_in_dim3A_25, %div3A_27 : vector<2560x1xf32>
    %add3A_29 = arith.constant 9.99999997E-7 : f32
    %add3A_30 = vector.broadcast %add3A_29 : f32 to vector<2560x1xf32>
    %add3A_31 = arith.addf %div3A_28, %add3A_30 : vector<2560x1xf32>
    %sqrt3A = math.sqrt %add3A_31 : vector<2560x1xf32>
    %div3A_32 = vector.broadcast %sqrt3A : vector<2560x1xf32> to vector<2560x128xf32>
    %div3A_33 = arith.divf %sub3A_22, %div3A_32 : vector<2560x128xf32>
    %get3A_34 = arith.constant 0 : index
    %get3A_35 = arith.constant 0 : index
    %get3A_36 = vector.load %arg4[%get3A_34, %get3A_35] : memref<2560x128xf32, #tpu.memory_space<vmem>>, vector<2560x128xf32>
    %neg3A = arith.constant 0.000000e+00 : f32
    %neg3A_37 = vector.broadcast %neg3A : f32 to vector<2560x128xf32>
    %neg3A_38 = arith.subf %neg3A_37, %get3A_36 : vector<2560x128xf32>
    %exp3A = math.exp %neg3A_38 : vector<2560x128xf32>
    %add3A_39 = arith.constant 1.000000e+00 : f32
    %add3A_40 = vector.broadcast %add3A_39 : f32 to vector<2560x128xf32>
    %add3A_41 = arith.addf %add3A_40, %exp3A : vector<2560x128xf32>
    %div3A_42 = arith.divf %get3A_36, %add3A_41 : vector<2560x128xf32>
    %convert_element_type3A_43 = arith.truncf %div3A_42 : vector<2560x128xf32> to vector<2560x128xbf16>
    %get3A_44 = arith.constant 0 : index
    %get3A_45 = arith.constant 0 : index
    %get3A_46 = vector.load %arg11[%get3A_44, %get3A_45] : memref<8x128xf32, #tpu.memory_space<vmem>>, vector<8x128xf32>
    %get3A_47 = arith.constant 0 : index
    %get3A_48 = arith.constant 0 : index
    %get3A_49 = vector.load %arg8[%get3A_47, %get3A_48] : memref<128x128xbf16, #tpu.memory_space<vmem>>, vector<128x128xbf16>
    %dot_general3A_50 = arith.constant dense<0.000000e+00> : vector<2560x128xf32>
    %dot_general3A_51 = tpu.matmul %convert_element_type3A_43, %get3A_49, %dot_general3A_50 {dimension_numbers = #tpu.dot_dimension_numbers<[1], [0], [0], [1], [0, 0, 1, 1], [], []>, transpose_lhs_hint = false} : vector<2560x128xbf16>, vector<128x128xbf16>, vector<2560x128xf32> -> vector<2560x128xf32>
    %slice3A = vector.extract_strided_slice %get3A_46 {offsets = [0, 0], sizes = [1, 128], strides = [1, 1]} : vector<8x128xf32> to vector<1x128xf32>
    %add3A_52 = vector.broadcast %slice3A : vector<1x128xf32> to vector<2560x128xf32>
    %add3A_53 = arith.addf %dot_general3A_51, %add3A_52 : vector<2560x128xf32>
    %get3A_54 = arith.constant 0 : index
    %get3A_55 = arith.constant 0 : index
    %get3A_56 = vector.load %arg9[%get3A_54, %get3A_55] : memref<128x128xbf16, #tpu.memory_space<vmem>>, vector<128x128xbf16>
    %dot_general3A_57 = arith.constant dense<0.000000e+00> : vector<2560x128xf32>
    %dot_general3A_58 = tpu.matmul %convert_element_type3A_43, %get3A_56, %dot_general3A_57 {dimension_numbers = #tpu.dot_dimension_numbers<[1], [0], [0], [1], [0, 0, 1, 1], [], []>, transpose_lhs_hint = false} : vector<2560x128xbf16>, vector<128x128xbf16>, vector<2560x128xf32> -> vector<2560x128xf32>
    %slice3A_59 = vector.extract_strided_slice %get3A_46 {offsets = [1, 0], sizes = [1, 128], strides = [1, 1]} : vector<8x128xf32> to vector<1x128xf32>
    %add3A_60 = vector.broadcast %slice3A_59 : vector<1x128xf32> to vector<2560x128xf32>
    %add3A_61 = arith.addf %dot_general3A_58, %add3A_60 : vector<2560x128xf32>
    %add3A_62 = arith.constant 1.000000e+00 : f32
    %add3A_63 = vector.broadcast %add3A_62 : f32 to vector<2560x128xf32>
    %add3A_64 = arith.addf %add3A_63, %add3A_61 : vector<2560x128xf32>
    %mul3A_65 = arith.mulf %div3A_33, %add3A_64 : vector<2560x128xf32>
    %add3A_66 = arith.addf %mul3A_65, %add3A_53 : vector<2560x128xf32>
    %convert_element_type3A_67 = arith.truncf %add3A_66 : vector<2560x128xf32> to vector<2560x128xbf16>
    %get3A_68 = arith.constant 0 : index
    %get3A_69 = arith.constant 0 : index
    %get3A_70 = vector.load %arg10[%get3A_68, %get3A_69] : memref<128x128xbf16, #tpu.memory_space<vmem>>, vector<128x128xbf16>
    %dot_general3A_71 = arith.constant dense<0.000000e+00> : vector<2560x128xf32>
    %dot_general3A_72 = tpu.matmul %convert_element_type3A_67, %get3A_70, %dot_general3A_71 {dimension_numbers = #tpu.dot_dimension_numbers<[1], [0], [0], [1], [0, 0, 1, 1], [], []>, transpose_lhs_hint = false} : vector<2560x128xbf16>, vector<128x128xbf16>, vector<2560x128xf32> -> vector<2560x128xf32>
    %slice3A_73 = vector.extract_strided_slice %get3A_46 {offsets = [2, 0], sizes = [1, 128], strides = [1, 1]} : vector<8x128xf32> to vector<1x128xf32>
    %add3A_74 = vector.broadcast %slice3A_73 : vector<1x128xf32> to vector<2560x128xf32>
    %add3A_75 = arith.addf %dot_general3A_72, %add3A_74 : vector<2560x128xf32>
    %neg3A_76 = arith.constant 0.000000e+00 : f32
    %neg3A_77 = vector.broadcast %neg3A_76 : f32 to vector<2560x128xf32>
    %neg3A_78 = arith.subf %neg3A_77, %add3A_75 : vector<2560x128xf32>
    %exp3A_79 = math.exp %neg3A_78 : vector<2560x128xf32>
    %add3A_80 = arith.constant 1.000000e+00 : f32
    %add3A_81 = vector.broadcast %add3A_80 : f32 to vector<2560x128xf32>
    %add3A_82 = arith.addf %add3A_81, %exp3A_79 : vector<2560x128xf32>
    %div3A_83 = arith.divf %add3A_75, %add3A_82 : vector<2560x128xf32>
    %slice3A_84 = vector.extract_strided_slice %get3A_46 {offsets = [3, 0], sizes = [1, 128], strides = [1, 1]} : vector<8x128xf32> to vector<1x128xf32>
    %mul3A_85 = vector.broadcast %slice3A_84 : vector<1x128xf32> to vector<2560x128xf32>
    %mul3A_86 = arith.mulf %div3A_83, %mul3A_85 : vector<2560x128xf32>
    %reduce_sum3A_87 = arith.constant dense<0.000000e+00> : vector<2560xf32>
    %reduce_sum3A_88 = vector.multi_reduction <add>, %mul3A_86, %reduce_sum3A_87 [1] : vector<2560x128xf32> to vector<2560xf32>
    %slice3A_89 = vector.extract_strided_slice %get3A_46 {offsets = [4, 0], sizes = [1, 128], strides = [1, 1]} : vector<8x128xf32> to vector<1x128xf32>
    %mul3A_90 = vector.broadcast %slice3A_89 : vector<1x128xf32> to vector<2560x128xf32>
    %mul3A_91 = arith.mulf %div3A_83, %mul3A_90 : vector<2560x128xf32>
    %reduce_sum3A_92 = arith.constant dense<0.000000e+00> : vector<2560xf32>
    %reduce_sum3A_93 = vector.multi_reduction <add>, %mul3A_91, %reduce_sum3A_92 [1] : vector<2560x128xf32> to vector<2560xf32>
    %slice3A_94 = vector.extract_strided_slice %get3A_46 {offsets = [5, 0], sizes = [1, 128], strides = [1, 1]} : vector<8x128xf32> to vector<1x128xf32>
    %mul3A_95 = vector.broadcast %slice3A_94 : vector<1x128xf32> to vector<2560x128xf32>
    %mul3A_96 = arith.mulf %div3A_83, %mul3A_95 : vector<2560x128xf32>
    %reduce_sum3A_97 = arith.constant dense<0.000000e+00> : vector<2560xf32>
    %reduce_sum3A_98 = vector.multi_reduction <add>, %mul3A_96, %reduce_sum3A_97 [1] : vector<2560x128xf32> to vector<2560xf32>
    %get3A_99 = arith.constant 0 : index
    %get3A_100 = arith.constant 0 : index
    %get3A_101 = vector.load %arg5[%get3A_99, %get3A_100] : memref<8x2560xf32, #tpu.memory_space<vmem>>, vector<8x2560xf32>
    %tanh3A = math.tanh %reduce_sum3A_88 : vector<2560xf32>
    %tanh3A_102 = math.tanh %reduce_sum3A_93 : vector<2560xf32>
    %slice3A_103 = vector.extract_strided_slice %get3A_101 {offsets = [0, 0], sizes = [1, 2560], strides = [1, 1]} : vector<8x2560xf32> to vector<1x2560xf32>
    %squeeze3A = vector.shape_cast %slice3A_103 : vector<1x2560xf32> to vector<2560xf32>
    %mul3A_104 = arith.mulf %tanh3A_102, %squeeze3A : vector<2560xf32>
    %add3A_105 = arith.addf %tanh3A, %mul3A_104 : vector<2560xf32>
    %tanh3A_106 = math.tanh %reduce_sum3A_98 : vector<2560xf32>
    %slice3A_107 = vector.extract_strided_slice %get3A_101 {offsets = [1, 0], sizes = [1, 2560], strides = [1, 1]} : vector<8x2560xf32> to vector<1x2560xf32>
    %squeeze3A_108 = vector.shape_cast %slice3A_107 : vector<1x2560xf32> to vector<2560xf32>
    %mul3A_109 = arith.mulf %tanh3A_106, %squeeze3A_108 : vector<2560xf32>
    %add3A_110 = arith.addf %add3A_105, %mul3A_109 : vector<2560xf32>
    %get3A_111 = arith.constant 6 : index
    %get3A_112 = arith.constant 0 : index
    %get3A_113 = vector.load %arg11[%get3A_111, %get3A_112] : memref<8x128xf32, #tpu.memory_space<vmem>>, vector<1x1xf32>
    %get3A_114 = vector.extract %get3A_113[0, 0] : f32 from vector<1x1xf32>
    %mul3A_115 = vector.broadcast %get3A_114 : f32 to vector<2560xf32>
    %mul3A_116 = arith.mulf %add3A_110, %mul3A_115 : vector<2560xf32>
    %broadcast_in_dim3A_117 = vector.shape_cast %mul3A_116 : vector<2560xf32> to vector<1x1x2560xf32>
    %swap3A = arith.constant 0 : index
    %swap3A_118 = arith.constant 0 : index
    %swap3A_119 = arith.constant 0 : index
    %swap3A_120 = vector.load %arg12[%swap3A, %swap3A_118, %swap3A_119] : memref<1x1x2560xf32, #tpu.memory_space<vmem>>, vector<1x1x2560xf32>
    tpu.vector_store %arg12[%swap3A, %swap3A_118, %swap3A_119], %broadcast_in_dim3A_117 {strides = array<i32>} : memref<1x1x2560xf32, #tpu.memory_space<vmem>>, vector<1x1x2560xf32>,
    return
  }
  func.func @transform_0(%arg0: i32) -> (i32, i32) {
    %c0_i32 = arith.constant 0 : i32
    %c0_i32_0 = arith.constant 0 : i32
    return %arg0, %c0_i32 : i32, i32
  }
  func.func @transform_1(%arg0: i32) -> (i32, i32) {
    %c0_i32 = arith.constant 0 : i32
    %c0_i32_0 = arith.constant 0 : i32
    return %c0_i32, %arg0 : i32, i32
  }
  func.func @transform_2(%arg0: i32) -> (i32, i32) {
    %c0_i32 = arith.constant 0 : i32
    %c0_i32_0 = arith.constant 0 : i32
    return %c0_i32, %arg0 : i32, i32
  }
  func.func @transform_3(%arg0: i32) -> (i32, i32) {
    %c0_i32 = arith.constant 0 : i32
    %c0_i32_0 = arith.constant 0 : i32
    return %arg0, %c0_i32 : i32, i32
  }
  func.func @transform_4(%arg0: i32) -> (i32, i32) {
    %c0_i32 = arith.constant 0 : i32
    %c0_i32_0 = arith.constant 0 : i32
    return %c0_i32, %arg0 : i32, i32
  }
  func.func @transform_5(%arg0: i32) -> (i32, i32) {
    %c0_i32 = arith.constant 0 : i32
    %c0_i32_0 = arith.constant 0 : i32
    %c0_i32_1 = arith.constant 0 : i32
    return %c0_i32, %c0_i32_0 : i32, i32
  }
  func.func @transform_6(%arg0: i32) -> (i32, i32) {
    %c0_i32 = arith.constant 0 : i32
    %c0_i32_0 = arith.constant 0 : i32
    %c0_i32_1 = arith.constant 0 : i32
    return %c0_i32, %c0_i32_0 : i32, i32
  }
  func.func @transform_7(%arg0: i32) -> (i32, i32) {
    %c0_i32 = arith.constant 0 : i32
    %c0_i32_0 = arith.constant 0 : i32
    %c0_i32_1 = arith.constant 0 : i32
    return %c0_i32, %c0_i32_0 : i32, i32
  }
  func.func @transform_8(%arg0: i32) -> (i32, i32) {
    %c0_i32 = arith.constant 0 : i32
    %c0_i32_0 = arith.constant 0 : i32
    %c0_i32_1 = arith.constant 0 : i32
    return %c0_i32, %c0_i32_0 : i32, i32
  }
  func.func @transform_9(%arg0: i32) -> (i32, i32) {
    %c0_i32 = arith.constant 0 : i32
    %c0_i32_0 = arith.constant 0 : i32
    %c0_i32_1 = arith.constant 0 : i32
    return %c0_i32, %c0_i32_0 : i32, i32
  }
  func.func @transform_10(%arg0: i32) -> (i32, i32) {
    %c0_i32 = arith.constant 0 : i32
    %c0_i32_0 = arith.constant 0 : i32
    %c0_i32_1 = arith.constant 0 : i32
    return %c0_i32, %c0_i32_0 : i32, i32
  }
  func.func @transform_11(%arg0: i32) -> (i32, i32, i32) {
    %c0_i32 = arith.constant 0 : i32
    %c0_i32_0 = arith.constant 0 : i32
    %c0_i32_1 = arith.constant 0 : i32
    return %arg0, %c0_i32, %c0_i32_0 : i32, i32, i32
  }
}

module attributes {stable_mosaic.version = 14 : i64} {
  func.func @body(%arg0: i32, %arg1: memref<2560x128xf32, #tpu.memory_space<vmem>>, %arg2: memref<16x2560xf32, #tpu.memory_space<vmem>>, %arg3: memref<16x2560xf32, #tpu.memory_space<vmem>>, %arg4: memref<2560x128xf32, #tpu.memory_space<vmem>>, %arg5: memref<8x2560xf32, #tpu.memory_space<vmem>>, %arg6: memref<16x128xbf16, #tpu.memory_space<vmem>>, %arg7: memref<16x128xbf16, #tpu.memory_space<vmem>>, %arg8: memref<128x128xbf16, #tpu.memory_space<vmem>>, %arg9: memref<128x128xbf16, #tpu.memory_space<vmem>>, %arg10: memref<128x128xbf16, #tpu.memory_space<vmem>>, %arg11: memref<8x128xf32, #tpu.memory_space<vmem>>, %arg12: memref<1x1x2560xf32, #tpu.memory_space<vmem>>) attributes {dimension_semantics = [#tpu.dimension_semantics<arbitrary>], iteration_bounds = array<i64: 65>, scalar_prefetch = 0 : i64, scratch_operands = 0 : i64, tpu.core_type = #tpu.core_type<tc>, window_params = [{transform_indices = @transform_0, window_bounds = array<i64: 2560, 128>}, {transform_indices = @transform_1, window_bounds = array<i64: 16, 2560>}, {transform_indices = @transform_2, window_bounds = array<i64: 16, 2560>}, {transform_indices = @transform_3, window_bounds = array<i64: 2560, 128>}, {transform_indices = @transform_4, window_bounds = array<i64: 8, 2560>}, {pipeline_mode = #tpu.pipeline_mode<synchronous>, transform_indices = @transform_5, window_bounds = array<i64: 16, 128>}, {pipeline_mode = #tpu.pipeline_mode<synchronous>, transform_indices = @transform_6, window_bounds = array<i64: 16, 128>}, {pipeline_mode = #tpu.pipeline_mode<synchronous>, transform_indices = @transform_7, window_bounds = array<i64: 128, 128>}, {pipeline_mode = #tpu.pipeline_mode<synchronous>, transform_indices = @transform_8, window_bounds = array<i64: 128, 128>}, {pipeline_mode = #tpu.pipeline_mode<synchronous>, transform_indices = @transform_9, window_bounds = array<i64: 128, 128>}, {pipeline_mode = #tpu.pipeline_mode<synchronous>, transform_indices = @transform_10, window_bounds = array<i64: 8, 128>}, {transform_indices = @transform_11, window_bounds = array<i64: 1, 1, 2560>}]} {
    %get3A = arith.constant 0 : index
    %get3A_0 = arith.constant 0 : index
    %get3A_1 = vector.load %arg1[%get3A, %get3A_0] : memref<2560x128xf32, #tpu.memory_space<vmem>>, vector<2560x128xf32>
    %get3A_2 = arith.constant 0 : index
    %get3A_3 = arith.constant 0 : index
    %get3A_4 = vector.load %arg2[%get3A_2, %get3A_3] : memref<16x2560xf32, #tpu.memory_space<vmem>>, vector<16x2560xf32>
    %convert_element_type3A = arith.truncf %get3A_4 : vector<16x2560xf32> to vector<16x2560xbf16>
    %get3A_5 = arith.constant 0 : index
    %get3A_6 = arith.constant 0 : index
    %get3A_7 = vector.load %arg6[%get3A_5, %get3A_6] : memref<16x128xbf16, #tpu.memory_space<vmem>>, vector<16x128xbf16>
    %dot_general3A = arith.constant dense<0.000000e+00> : vector<2560x128xf32>
    %dot_general3A_8 = tpu.matmul %convert_element_type3A, %get3A_7, %dot_general3A {dimension_numbers = #tpu.dot_dimension_numbers<[0], [0], [1], [1], [0, 1, 1, 1], [], []>, transpose_lhs_hint = false} : vector<16x2560xbf16>, vector<16x128xbf16>, vector<2560x128xf32> -> vector<2560x128xf32>
    %add3A = arith.addf %get3A_1, %dot_general3A_8 : vector<2560x128xf32>
    %get3A_9 = arith.constant 0 : index
    %get3A_10 = arith.constant 0 : index
    %get3A_11 = vector.load %arg3[%get3A_9, %get3A_10] : memref<16x2560xf32, #tpu.memory_space<vmem>>, vector<16x2560xf32>
    %convert_element_type3A_12 = arith.truncf %get3A_11 : vector<16x2560xf32> to vector<16x2560xbf16>
    %get3A_13 = arith.constant 0 : index
    %get3A_14 = arith.constant 0 : index
    %get3A_15 = vector.load %arg7[%get3A_13, %get3A_14] : memref<16x128xbf16, #tpu.memory_space<vmem>>, vector<16x128xbf16>
    %dot_general3A_16 = arith.constant dense<0.000000e+00> : vector<2560x128xf32>
    %dot_general3A_17 = tpu.matmul %convert_element_type3A_12, %get3A_15, %dot_general3A_16 {dimension_numbers = #tpu.dot_dimension_numbers<[0], [0], [1], [1], [0, 1, 1, 1], [], []>, transpose_lhs_hint = false} : vector<16x2560xbf16>, vector<16x128xbf16>, vector<2560x128xf32> -> vector<2560x128xf32>
    %add3A_18 = arith.addf %add3A, %dot_general3A_17 : vector<2560x128xf32>
    %reduce_sum3A = arith.constant dense<0.000000e+00> : vector<2560xf32>
    %reduce_sum3A_19 = vector.multi_reduction <add>, %add3A_18, %reduce_sum3A [1] : vector<2560x128xf32> to vector<2560xf32>
    %broadcast_in_dim3A = vector.shape_cast %reduce_sum3A_19 : vector<2560xf32> to vector<2560x1xf32>
    %div3A = arith.constant 1.280000e+02 : f32
    %div3A_20 = vector.broadcast %div3A : f32 to vector<2560x1xf32>
    %div3A_21 = arith.divf %broadcast_in_dim3A, %div3A_20 : vector<2560x1xf32>
    %sub3A = vector.broadcast %div3A_21 : vector<2560x1xf32> to vector<2560x128xf32>
    %sub3A_22 = arith.subf %add3A_18, %sub3A : vector<2560x128xf32>
    %mul3A = arith.mulf %sub3A_22, %sub3A_22 : vector<2560x128xf32>
    %reduce_sum3A_23 = arith.constant dense<0.000000e+00> : vector<2560xf32>
    %reduce_sum3A_24 = vector.multi_reduction <add>, %mul3A, %reduce_sum3A_23 [1] : vector<2560x128xf32> to vector<2560xf32>
    %broadcast_in_dim3A_25 = vector.shape_cast %reduce_sum3A_24 : vector<2560xf32> to vector<2560x1xf32>
    %div3A_26 = arith.constant 1.280000e+02 : f32
    %div3A_27 = vector.broadcast %div3A_26 : f32 to vector<2560x1xf32>
    %div3A_28 = arith.divf %broadcast_in_dim3A_25, %div3A_27 : vector<2560x1xf32>
    %add3A_29 = arith.constant 9.99999997E-7 : f32
    %add3A_30 = vector.broadcast %add3A_29 : f32 to vector<2560x1xf32>
    %add3A_31 = arith.addf %div3A_28, %add3A_30 : vector<2560x1xf32>
    %sqrt3A = math.sqrt %add3A_31 : vector<2560x1xf32>
    %div3A_32 = vector.broadcast %sqrt3A : vector<2560x1xf32> to vector<2560x128xf32>
    %div3A_33 = arith.divf %sub3A_22, %div3A_32 : vector<2560x128xf32>
    %get3A_34 = arith.constant 0 : index
    %get3A_35 = arith.constant 0 : index
    %get3A_36 = vector.load %arg4[%get3A_34, %get3A_35] : memref<2560x128xf32, #tpu.memory_space<vmem>>, vector<2560x128xf32>
    %neg3A = arith.constant 0.000000e+00 : f32
    %neg3A_37 = vector.broadcast %neg3A : f32 to vector<2560x128xf32>
    %neg3A_38 = arith.subf %neg3A_37, %get3A_36 : vector<2560x128xf32>
    %exp3A = math.exp %neg3A_38 : vector<2560x128xf32>
    %add3A_39 = arith.constant 1.000000e+00 : f32
    %add3A_40 = vector.broadcast %add3A_39 : f32 to vector<2560x128xf32>
    %add3A_41 = arith.addf %add3A_40, %exp3A : vector<2560x128xf32>
    %div3A_42 = arith.divf %get3A_36, %add3A_41 : vector<2560x128xf32>
    %convert_element_type3A_43 = arith.truncf %div3A_42 : vector<2560x128xf32> to vector<2560x128xbf16>
    %get3A_44 = arith.constant 0 : index
    %get3A_45 = arith.constant 0 : index
    %get3A_46 = vector.load %arg11[%get3A_44, %get3A_45] : memref<8x128xf32, #tpu.memory_space<vmem>>, vector<8x128xf32>
    %get3A_47 = arith.constant 0 : index
    %get3A_48 = arith.constant 0 : index
    %get3A_49 = vector.load %arg8[%get3A_47, %get3A_48] : memref<128x128xbf16, #tpu.memory_space<vmem>>, vector<128x128xbf16>
    %dot_general3A_50 = arith.constant dense<0.000000e+00> : vector<2560x128xf32>
    %dot_general3A_51 = tpu.matmul %convert_element_type3A_43, %get3A_49, %dot_general3A_50 {dimension_numbers = #tpu.dot_dimension_numbers<[1], [0], [0], [1], [0, 0, 1, 1], [], []>, transpose_lhs_hint = false} : vector<2560x128xbf16>, vector<128x128xbf16>, vector<2560x128xf32> -> vector<2560x128xf32>
    %slice3A = vector.extract_strided_slice %get3A_46 {offsets = [0, 0], sizes = [1, 128], strides = [1, 1]} : vector<8x128xf32> to vector<1x128xf32>
    %add3A_52 = vector.broadcast %slice3A : vector<1x128xf32> to vector<2560x128xf32>
    %add3A_53 = arith.addf %dot_general3A_51, %add3A_52 : vector<2560x128xf32>
    %get3A_54 = arith.constant 0 : index
    %get3A_55 = arith.constant 0 : index
    %get3A_56 = vector.load %arg9[%get3A_54, %get3A_55] : memref<128x128xbf16, #tpu.memory_space<vmem>>, vector<128x128xbf16>
    %dot_general3A_57 = arith.constant dense<0.000000e+00> : vector<2560x128xf32>
    %dot_general3A_58 = tpu.matmul %convert_element_type3A_43, %get3A_56, %dot_general3A_57 {dimension_numbers = #tpu.dot_dimension_numbers<[1], [0], [0], [1], [0, 0, 1, 1], [], []>, transpose_lhs_hint = false} : vector<2560x128xbf16>, vector<128x128xbf16>, vector<2560x128xf32> -> vector<2560x128xf32>
    %slice3A_59 = vector.extract_strided_slice %get3A_46 {offsets = [1, 0], sizes = [1, 128], strides = [1, 1]} : vector<8x128xf32> to vector<1x128xf32>
    %add3A_60 = vector.broadcast %slice3A_59 : vector<1x128xf32> to vector<2560x128xf32>
    %add3A_61 = arith.addf %dot_general3A_58, %add3A_60 : vector<2560x128xf32>
    %add3A_62 = arith.constant 1.000000e+00 : f32
    %add3A_63 = vector.broadcast %add3A_62 : f32 to vector<2560x128xf32>
    %add3A_64 = arith.addf %add3A_63, %add3A_61 : vector<2560x128xf32>
    %mul3A_65 = arith.mulf %div3A_33, %add3A_64 : vector<2560x128xf32>
    %add3A_66 = arith.addf %mul3A_65, %add3A_53 : vector<2560x128xf32>
    %convert_element_type3A_67 = arith.truncf %add3A_66 : vector<2560x128xf32> to vector<2560x128xbf16>
    %get3A_68 = arith.constant 0 : index
    %get3A_69 = arith.constant 0 : index
    %get3A_70 = vector.load %arg10[%get3A_68, %get3A_69] : memref<128x128xbf16, #tpu.memory_space<vmem>>, vector<128x128xbf16>
    %dot_general3A_71 = arith.constant dense<0.000000e+00> : vector<2560x128xf32>
    %dot_general3A_72 = tpu.matmul %convert_element_type3A_67, %get3A_70, %dot_general3A_71 {dimension_numbers = #tpu.dot_dimension_numbers<[1], [0], [0], [1], [0, 0, 1, 1], [], []>, transpose_lhs_hint = false} : vector<2560x128xbf16>, vector<128x128xbf16>, vector<2560x128xf32> -> vector<2560x128xf32>
    %slice3A_73 = vector.extract_strided_slice %get3A_46 {offsets = [2, 0], sizes = [1, 128], strides = [1, 1]} : vector<8x128xf32> to vector<1x128xf32>
    %add3A_74 = vector.broadcast %slice3A_73 : vector<1x128xf32> to vector<2560x128xf32>
    %add3A_75 = arith.addf %dot_general3A_72, %add3A_74 : vector<2560x128xf32>
    %neg3A_76 = arith.constant 0.000000e+00 : f32
    %neg3A_77 = vector.broadcast %neg3A_76 : f32 to vector<2560x128xf32>
    %neg3A_78 = arith.subf %neg3A_77, %add3A_75 : vector<2560x128xf32>
    %exp3A_79 = math.exp %neg3A_78 : vector<2560x128xf32>
    %add3A_80 = arith.constant 1.000000e+00 : f32
    %add3A_81 = vector.broadcast %add3A_80 : f32 to vector<2560x128xf32>
    %add3A_82 = arith.addf %add3A_81, %exp3A_79 : vector<2560x128xf32>
    %div3A_83 = arith.divf %add3A_75, %add3A_82 : vector<2560x128xf32>
    %slice3A_84 = vector.extract_strided_slice %get3A_46 {offsets = [3, 0], sizes = [1, 128], strides = [1, 1]} : vector<8x128xf32> to vector<1x128xf32>
    %mul3A_85 = vector.broadcast %slice3A_84 : vector<1x128xf32> to vector<2560x128xf32>
    %mul3A_86 = arith.mulf %div3A_83, %mul3A_85 : vector<2560x128xf32>
    %reduce_sum3A_87 = arith.constant dense<0.000000e+00> : vector<2560xf32>
    %reduce_sum3A_88 = vector.multi_reduction <add>, %mul3A_86, %reduce_sum3A_87 [1] : vector<2560x128xf32> to vector<2560xf32>
    %slice3A_89 = vector.extract_strided_slice %get3A_46 {offsets = [4, 0], sizes = [1, 128], strides = [1, 1]} : vector<8x128xf32> to vector<1x128xf32>
    %mul3A_90 = vector.broadcast %slice3A_89 : vector<1x128xf32> to vector<2560x128xf32>
    %mul3A_91 = arith.mulf %div3A_83, %mul3A_90 : vector<2560x128xf32>
    %reduce_sum3A_92 = arith.constant dense<0.000000e+00> : vector<2560xf32>
    %reduce_sum3A_93 = vector.multi_reduction <add>, %mul3A_91, %reduce_sum3A_92 [1] : vector<2560x128xf32> to vector<2560xf32>
    %slice3A_94 = vector.extract_strided_slice %get3A_46 {offsets = [5, 0], sizes = [1, 128], strides = [1, 1]} : vector<8x128xf32> to vector<1x128xf32>
    %mul3A_95 = vector.broadcast %slice3A_94 : vector<1x128xf32> to vector<2560x128xf32>
    %mul3A_96 = arith.mulf %div3A_83, %mul3A_95 : vector<2560x128xf32>
    %reduce_sum3A_97 = arith.constant dense<0.000000e+00> : vector<2560xf32>
    %reduce_sum3A_98 = vector.multi_reduction <add>, %mul3A_96, %reduce_sum3A_97 [1] : vector<2560x128xf32> to vector<2560xf32>
    %get3A_99 = arith.constant 0 : index
    %get3A_100 = arith.constant 0 : index
    %get3A_101 = vector.load %arg5[%get3A_99, %get3A_100] : memref<8x2560xf32, #tpu.memory_space<vmem>>, vector<8x2560xf32>
    %tanh3A = math.tanh %reduce_sum3A_88 : vector<2560xf32>
    %tanh3A_102 = math.tanh %reduce_sum3A_93 : vector<2560xf32>
    %slice3A_103 = vector.extract_strided_slice %get3A_101 {offsets = [0, 0], sizes = [1, 2560], strides = [1, 1]} : vector<8x2560xf32> to vector<1x2560xf32>
    %squeeze3A = vector.shape_cast %slice3A_103 : vector<1x2560xf32> to vector<2560xf32>
    %mul3A_104 = arith.mulf %tanh3A_102, %squeeze3A : vector<2560xf32>
    %add3A_105 = arith.addf %tanh3A, %mul3A_104 : vector<2560xf32>
    %tanh3A_106 = math.tanh %reduce_sum3A_98 : vector<2560xf32>
    %slice3A_107 = vector.extract_strided_slice %get3A_101 {offsets = [1, 0], sizes = [1, 2560], strides = [1, 1]} : vector<8x2560xf32> to vector<1x2560xf32>
    %squeeze3A_108 = vector.shape_cast %slice3A_107 : vector<1x2560xf32> to vector<2560xf32>
    %mul3A_109 = arith.mulf %tanh3A_106, %squeeze3A_108 : vector<2560xf32>
    %add3A_110 = arith.addf %add3A_105, %mul3A_109 : vector<2560xf32>
    %get3A_111 = arith.constant 6 : index
    %get3A_112 = arith.constant 0 : index
    %get3A_113 = vector.load %arg11[%get3A_111, %get3A_112] : memref<8x128xf32, #tpu.memory_space<vmem>>, vector<1x1xf32>
    %get3A_114 = vector.extract %get3A_113[0, 0] : f32 from vector<1x1xf32>
    %mul3A_115 = vector.broadcast %get3A_114 : f32 to vector<2560xf32>
    %mul3A_116 = arith.mulf %add3A_110, %mul3A_115 : vector<2560xf32>
    %broadcast_in_dim3A_117 = vector.shape_cast %mul3A_116 : vector<2560xf32> to vector<1x1x2560xf32>
    %swap3A = arith.constant 0 : index
    %swap3A_118 = arith.constant 0 : index
    %swap3A_119 = arith.constant 0 : index
    %swap3A_120 = vector.load %arg12[%swap3A, %swap3A_118, %swap3A_119] : memref<1x1x2560xf32, #tpu.memory_space<vmem>>, vector<1x1x2560xf32>
    tpu.vector_store %arg12[%swap3A, %swap3A_118, %swap3A_119], %broadcast_in_dim3A_117 {strides = array<i32>} : memref<1x1x2560xf32, #tpu.memory_space<vmem>>, vector<1x1x2560xf32>,
    return
  }
  func.func @transform_0(%arg0: i32) -> (i32, i32) {
    %c0_i32 = arith.constant 0 : i32
    %c0_i32_0 = arith.constant 0 : i32
    return %arg0, %c0_i32 : i32, i32
  }
  func.func @transform_1(%arg0: i32) -> (i32, i32) {
    %c0_i32 = arith.constant 0 : i32
    %c0_i32_0 = arith.constant 0 : i32
    return %c0_i32, %arg0 : i32, i32
  }
  func.func @transform_2(%arg0: i32) -> (i32, i32) {
    %c0_i32 = arith.constant 0 : i32
    %c0_i32_0 = arith.constant 0 : i32
    return %c0_i32, %arg0 : i32, i32
  }
  func.func @transform_3(%arg0: i32) -> (i32, i32) {
    %c0_i32 = arith.constant 0 : i32
    %c0_i32_0 = arith.constant 0 : i32
    return %arg0, %c0_i32 : i32, i32
  }
  func.func @transform_4(%arg0: i32) -> (i32, i32) {
    %c0_i32 = arith.constant 0 : i32
    %c0_i32_0 = arith.constant 0 : i32
    return %c0_i32, %arg0 : i32, i32
  }
  func.func @transform_5(%arg0: i32) -> (i32, i32) {
    %c0_i32 = arith.constant 0 : i32
    %c0_i32_0 = arith.constant 0 : i32
    %c0_i32_1 = arith.constant 0 : i32
    return %c0_i32, %c0_i32_0 : i32, i32
  }
  func.func @transform_6(%arg0: i32) -> (i32, i32) {
    %c0_i32 = arith.constant 0 : i32
    %c0_i32_0 = arith.constant 0 : i32
    %c0_i32_1 = arith.constant 0 : i32
    return %c0_i32, %c0_i32_0 : i32, i32
  }
  func.func @transform_7(%arg0: i32) -> (i32, i32) {
    %c0_i32 = arith.constant 0 : i32
    %c0_i32_0 = arith.constant 0 : i32
    %c0_i32_1 = arith.constant 0 : i32
    return %c0_i32, %c0_i32_0 : i32, i32
  }
  func.func @transform_8(%arg0: i32) -> (i32, i32) {
    %c0_i32 = arith.constant 0 : i32
    %c0_i32_0 = arith.constant 0 : i32
    %c0_i32_1 = arith.constant 0 : i32
    return %c0_i32, %c0_i32_0 : i32, i32
  }
  func.func @transform_9(%arg0: i32) -> (i32, i32) {
    %c0_i32 = arith.constant 0 : i32
    %c0_i32_0 = arith.constant 0 : i32
    %c0_i32_1 = arith.constant 0 : i32
    return %c0_i32, %c0_i32_0 : i32, i32
  }
  func.func @transform_10(%arg0: i32) -> (i32, i32) {
    %c0_i32 = arith.constant 0 : i32
    %c0_i32_0 = arith.constant 0 : i32
    %c0_i32_1 = arith.constant 0 : i32
    return %c0_i32, %c0_i32_0 : i32, i32
  }
  func.func @transform_11(%arg0: i32) -> (i32, i32, i32) {
    %c0_i32 = arith.constant 0 : i32
    %c0_i32_0 = arith.constant 0 : i32
    %c0_i32_1 = arith.constant 0 : i32
    return %arg0, %c0_i32, %c0_i32_0 : i32, i32, i32
  }
}

module attributes {stable_mosaic.version = 14 : i64} {
  func.func @body(%arg0: i32, %arg1: memref<32x240x128xf32, #tpu.memory_space<vmem>>, %arg2: memref<32x240x128xf32, #tpu.memory_space<vmem>>, %arg3: memref<240x128xf32, #tpu.memory_space<vmem>>, %arg4: memref<240x128xf32, #tpu.memory_space<vmem>>) attributes {dimension_semantics = [#tpu.dimension_semantics<arbitrary>], iteration_bounds = array<i64: 1>, scalar_prefetch = 0 : i64, scratch_operands = 0 : i64, tpu.core_type = #tpu.core_type<tc>, window_params = [{pipeline_mode = #tpu.pipeline_mode<synchronous>, transform_indices = @transform_0, window_bounds = array<i64: 32, 240, 128>}, {pipeline_mode = #tpu.pipeline_mode<synchronous>, transform_indices = @transform_1, window_bounds = array<i64: 32, 240, 128>}, {pipeline_mode = #tpu.pipeline_mode<synchronous>, transform_indices = @transform_2, window_bounds = array<i64: 240, 128>}, {pipeline_mode = #tpu.pipeline_mode<synchronous>, transform_indices = @transform_3, window_bounds = array<i64: 240, 128>}]} {
    %get3A = arith.constant 0 : index
    %get3A_0 = arith.constant 0 : index
    %get3A_1 = arith.constant 0 : index
    %get3A_2 = vector.load %arg1[%get3A, %get3A_0, %get3A_1] : memref<32x240x128xf32, #tpu.memory_space<vmem>>, vector<32x240x128xf32>
    %reduce_sum3A = arith.constant dense<0.000000e+00> : vector<240x128xf32>
    %reduce_sum3A_3 = vector.multi_reduction <add>, %get3A_2, %reduce_sum3A [0] : vector<32x240x128xf32> to vector<240x128xf32>
    %get3A_4 = arith.constant 0 : index
    %get3A_5 = arith.constant 0 : index
    %get3A_6 = arith.constant 0 : index
    %get3A_7 = vector.load %arg2[%get3A_4, %get3A_5, %get3A_6] : memref<32x240x128xf32, #tpu.memory_space<vmem>>, vector<32x240x128xf32>
    %reduce_sum3A_8 = arith.constant dense<0.000000e+00> : vector<240x128xf32>
    %reduce_sum3A_9 = vector.multi_reduction <add>, %get3A_7, %reduce_sum3A_8 [0] : vector<32x240x128xf32> to vector<240x128xf32>
    %add3A = arith.addf %reduce_sum3A_3, %reduce_sum3A_9 : vector<240x128xf32>
    %get3A_10 = arith.constant 0 : index
    %get3A_11 = arith.constant 0 : index
    %get3A_12 = vector.load %arg3[%get3A_10, %get3A_11] : memref<240x128xf32, #tpu.memory_space<vmem>>, vector<240x128xf32>
    %add3A_13 = arith.addf %add3A, %get3A_12 : vector<240x128xf32>
    %swap3A = arith.constant 0 : index
    %swap3A_14 = arith.constant 0 : index
    %swap3A_15 = vector.load %arg4[%swap3A, %swap3A_14] : memref<240x128xf32, #tpu.memory_space<vmem>>, vector<240x128xf32>
    tpu.vector_store %arg4[%swap3A, %swap3A_14], %add3A_13 {strides = array<i32>} : memref<240x128xf32, #tpu.memory_space<vmem>>, vector<240x128xf32>,
    return
  }
  func.func @transform_0(%arg0: i32) -> (i32, i32, i32) {
    %c0_i32 = arith.constant 0 : i32
    %c0_i32_0 = arith.constant 0 : i32
    %c0_i32_1 = arith.constant 0 : i32
    %c0_i32_2 = arith.constant 0 : i32
    return %c0_i32, %c0_i32_0, %c0_i32_1 : i32, i32, i32
  }
  func.func @transform_1(%arg0: i32) -> (i32, i32, i32) {
    %c0_i32 = arith.constant 0 : i32
    %c0_i32_0 = arith.constant 0 : i32
    %c0_i32_1 = arith.constant 0 : i32
    %c0_i32_2 = arith.constant 0 : i32
    return %c0_i32, %c0_i32_0, %c0_i32_1 : i32, i32, i32
  }
  func.func @transform_2(%arg0: i32) -> (i32, i32) {
    %c0_i32 = arith.constant 0 : i32
    %c0_i32_0 = arith.constant 0 : i32
    %c0_i32_1 = arith.constant 0 : i32
    return %c0_i32, %c0_i32_0 : i32, i32
  }
  func.func @transform_3(%arg0: i32) -> (i32, i32) {
    %c0_i32 = arith.constant 0 : i32
    %c0_i32_0 = arith.constant 0 : i32
    %c0_i32_1 = arith.constant 0 : i32
    return %c0_i32, %c0_i32_0 : i32, i32
  }
}

</mosaic_0001>

<sc_bundles>
// kernel: kernel.10.cloned.1.call-start
scs
__scs_entry_jumppad:
0x0: {  	(pc) =	sbr.rel $0x88, $3  }
0x1: {  	(tag) =	ssettag $0x0;
	lr =	simm.s32 $0x1  }
0x2: {  	[smem:$0x3F92] =	sst lr;
	_ =	strace $0xD0000000  }
0x3: {  	_ = 	snop  }
0x4: {  	_ = 	snop  }
0x5: {  	_ = 	snop  }
0x6: {  	_ = 	snop  }
0x7: {  	_ = 	snop  }
__scs_overlays_trampoline_lowered:
0x8: {  	[smem:$0x3FA1] =	sst s0  }
0x9: {  	[smem:$0x3FA2] =	sst s1  }
0xa: {  	[smem:$0x3FA3] =	sst s2  }
0xb: {  	[smem:$0x3FA4] =	sst s3  }
0xc: {  	[smem:$0x3FA5] =	sst s4  }
0xd: {  	[smem:$0x3FA6] =	sst s5  }
0xe: {  	[smem:$0x3FA7] =	sst s6  }
0xf: {  	[smem:$0x3FA8] =	sst s7  }
0x10: {  	[smem:$0x3FA9] =	sst s8  }
0x11: {  	[smem:$0x3FAA] =	sst s9;
	s0 =	simm.s32 @!p0 $0x0  }
0x12: {  	s1 =	sld [smem:$0x3F90];
	s0 =	simm.s32 @p0 $0x1  }
0x13: {  	[smem:$0x3FAB] =	sst s0;
	s0 =	simm.s32 @!p1 $0x0  }
0x14: {  	s2 =	sld [smem:$0x3F8F];
	s0 =	simm.s32 @p1 $0x1  }
0x15: {  	[smem:$0x3FAC] =	sst s0;
	s0 =	simm.s32 @!p2 $0x0  }
0x16: {  	s3 =	sld [smem:$0x3FDB];
	s0 =	simm.s32 @p2 $0x1  }
0x17: {  	s4 =	simm.s32 $0x1BF5;
	[smem:$0x3FAE] =	sst s0  }
0x18: {  	s0 =	sld [smem:$0x3F91];
	_ =	swait.ge [sflag:s4], $0x0  }
0x19: {  	s7 =	sld [smem:$0x3F92]  }
0x1a: {  	s8 =	sadd.s32 $0xFFFFE003, lr  }
0x1b: {  	s9 =	sadd.s32 $0xFFFFFEF7, lr;
	s5 =	simm.s32 $0xFFFFFFFF;
	p2 =	slt.u32 s8, $0xFFFFF086  }
0x1c: {  	p1 =	slt.u32 s9, $0xF7A;
	s5 =	simm.s32 @!p2 $0x0  }
0x1d: {  	s5 =	simm.s32 @p1 $0x1;
	p0 =	seq.s32 s7, s2  }
0x1e: {  	s7 =	smul.u32 @!p0 $0xF7A, s2;
	p2 =	seq.s32 @!p0 s5, $0x0  }
0x1f: {  	s9 =	smul.u32 $0xF7A, s1;
	s8 =	simm.s32 @!p0 $0x1BF5;
	p2 =	por !p2, p0  }
0x20: {  	[sflag:s8] =	ssyncset.s32 @!p0 $0xFFFFF086;
	s6 =	sadd.s32 @!p0 s3, s7;
	s7 =	simm.s32 @!p0 $0x108  }
0x21: {  	s3 =	sadd.s32 s3, s9;
	s6 =	sadd.s32 @!p0 $0x88, s6;
	s7 =	simm.s32 @p2 $0x1082  }
0x22: {  	[simem:s7], [sflag:s8] =	dma.local @!p0 [hbm:s6], $0xF7A  }
0x23: {  	s9 =	sor.u32 $0xD0000000, s2;
	s6 =	simm.s32 $0x108;
	_ =	swait.ge @!p0 [sflag:s8], $0x0  }
0x24: {  	s3 =	sadd.s32 $0x88, s3;
	s6 =	simm.s32 @!p1 $0x1082;
	[sflag:s4] =	ssyncset.s32 $0xFFFFF086  }
0x25: {  	[simem:s6], [sflag:s4] =	dma.local [hbm:s3], $0xF7A  }
0x26: {  	[smem:$0x3F92] =	sst s1;
	(tag) =	ssettag s2;
	_ =	strace s9  }
0x27: {  	s1 =	sld [smem:$0x3FA2]  }
0x28: {  	s2 =	sld [smem:$0x3FA3]  }
0x29: {  	s4 =	sld [smem:$0x3FA5]  }
0x2a: {  	p0 =	seq.s32 s5, $0x0;
	s5 =	sld [smem:$0x3FA6]  }
0x2b: {  	s6 =	sld [smem:$0x3FA7]  }
0x2c: {  	s7 =	sld [smem:$0x3FA8]  }
0x2d: {  	s3 =	simm.s32 $0x108;
	s8 =	sld [smem:$0x3FA9]  }
0x2e: {  	s3 =	simm.s32 @!p0 $0x1082;
	s9 =	sld [smem:$0x3FAA]  }
0x2f: {  	lr =	sadd.s32 s0, s3;
	s0 =	sld [smem:$0x3FA1]  }
0x30: {  	s3 =	sld [smem:$0x3FA4]  }
0x31: {  	[smem:$0x3FAD] =	sst s10  }
0x32: {  	s10 =	sld [smem:$0x3FAB];
	_ =	sdelay $0x3  }
0x33: {  	p0 =	seq.s32 s10, $0x1;
	s10 =	sld [smem:$0x3FAD];
	_ =	sdelay $0x3  }
0x34: {  	[smem:$0x3FAD] =	sst s10  }
0x35: {  	s10 =	sld [smem:$0x3FAC];
	_ =	sdelay $0x3  }
0x36: {  	p1 =	seq.s32 s10, $0x1;
	s10 =	sld [smem:$0x3FAD];
	_ =	sdelay $0x3  }
0x37: {  	[smem:$0x3FAD] =	sst s10  }
0x38: {  	s10 =	sld [smem:$0x3FAE]  }
0x39: {  	_ = 	snop;
	(pc) =	sbr.ind lr, $3  }
0x3a: {  	_ = 	snop  }
0x3b: {  	_ = 	snop  }
0x3c: {  	p2 =	seq.s32 s10, $0x1;
	s10 =	sld [smem:$0x3FAD]  }
0x3d: {  	_ =	shalt  }
0x3e: {  	_ =	shalt  }
0x3f: {  	_ =	shalt  }
0x40: {  	_ =	shalt  }
0x41: {  	_ =	shalt  }
0x42: {  	_ =	shalt  }
0x43: {  	_ =	shalt  }
0x44: {  	_ =	shalt  }
0x45: {  	_ =	shalt  }
0x46: {  	_ =	shalt  }
0x47: {  	_ =	shalt  }
0x48: {  	_ =	shalt  }
0x49: {  	_ =	shalt  }
0x4a: {  	_ =	shalt  }
0x4b: {  	_ =	shalt  }
0x4c: {  	_ =	shalt  }
0x4d: {  	_ =	shalt  }
0x4e: {  	_ =	shalt  }
0x4f: {  	_ =	shalt  }
0x50: {  	_ =	shalt  }
0x51: {  	_ =	shalt  }
0x52: {  	_ =	shalt  }
0x53: {  	_ =	shalt  }
0x54: {  	_ =	shalt  }
0x55: {  	_ =	shalt  }
0x56: {  	_ =	shalt  }
0x57: {  	_ =	shalt  }
0x58: {  	_ =	shalt  }
0x59: {  	_ =	shalt  }
0x5a: {  	_ =	shalt  }
0x5b: {  	_ =	shalt  }
0x5c: {  	_ =	shalt  }
0x5d: {  	_ =	shalt  }
0x5e: {  	_ =	shalt  }
0x5f: {  	_ =	shalt  }
0x60: {  	_ =	shalt  }
0x61: {  	_ =	shalt  }
0x62: {  	_ =	shalt  }
0x63: {  	_ =	shalt  }
0x64: {  	_ =	shalt  }
0x65: {  	_ =	shalt  }
0x66: {  	_ =	shalt  }
0x67: {  	_ =	shalt  }
0x68: {  	_ =	shalt  }
0x69: {  	_ =	shalt  }
0x6a: {  	_ =	shalt  }
0x6b: {  	_ =	shalt  }
0x6c: {  	_ =	shalt  }
0x6d: {  	_ =	shalt  }
0x6e: {  	_ =	shalt  }
0x6f: {  	_ =	shalt  }
0x70: {  	_ =	shalt  }
0x71: {  	_ =	shalt  }
0x72: {  	_ =	shalt  }
0x73: {  	_ =	shalt  }
0x74: {  	_ =	shalt  }
0x75: {  	_ =	shalt  }
0x76: {  	_ =	shalt  }
0x77: {  	_ =	shalt  }
0x78: {  	_ =	shalt  }
0x79: {  	_ =	shalt  }
0x7a: {  	_ =	shalt  }
0x7b: {  	_ =	shalt  }
0x7c: {  	_ =	shalt  }
0x7d: {  	_ =	shalt  }
0x7e: {  	_ =	shalt  }
0x7f: {  	_ =	shalt  }
0x80: {  	_ =	shalt  }
0x81: {  	_ =	shalt  }
0x82: {  	_ =	shalt  }
0x83: {  	_ =	shalt  }
0x84: {  	_ =	shalt  }
0x85: {  	_ =	shalt  }
0x86: {  	_ =	shalt  }
0x87: {  	_ =	shalt  }
.Lfunc_end0:
.L_simem_size_0:
called_computation_lowered:
.L_overlay_start_0:
0x88: {  	s2 =	sld [smem:$0x3FD9]  }
0x89: {  	s3 =	sld [smem:$0x3FFE];
	_ =	sdelay $0x1  }
0x8a: {  	s1 =	srdreg.scid  }
0x8b: {  	s0 =	sand.u32 $0x1, s1  }
0x8c: {  	s17 =	sshll.u32 s0, $0xA;
	s2 =	sadd.s32 s3, s2  }
0x8d: {  	s2 =	sadd.s32 s2, s17  }
0x8e: {  	[smem:$0x3FB9] =	sst s2  }
0x8f: {  	_ = 	snop  }
0x90: {  	(tm) =	ssettm $0x1  }
0x91: {  	s18 =	sld [smem:$0x3FFB];
	_ =	sdelay $0x3  }
0x92: {  	_ =	strace s18  }
0x93: {  	s2 =	sld [smem:$0x3FFC];
	_ =	sdelay $0x3  }
0x94: {  	_ =	strace s2  }
0x95: {  	s2 =	sld [smem:$0x3FFD];
	_ =	sdelay $0x3  }
0x96: {  	_ =	strace s2  }
0x97: {  	_ =	strace $0x8FFFFFFF  }
0x98: {  	s19 =	sld [smem:$0x3FDB];
	_ =	sdelay $0x1  }
0x99: {  	s20 =	simm.s32 $_scs_section_size  }
0x9a: {  	s4 =	simm.s32 $_size__tile_overlayer_lowered;
	s5 =	simm.s32 $_tile_overlayer_lowered  }
0x9b: {  	s6 =	simm.s32 $0x1BFF;
	s21 =	sshll.u32 s5, $0x1;
	s3 =	sadd.s32 s20, s19  }
0x9c: {  	s22 =	simm.s32 $0x0;
	s4 =	sshll.u32 s4, $0x1;
	s5 =	sadd.s32 s21, s3  }
0x9d: {  	[timem:s22], [sflag:s6] =	dma.local [hbm:s5], s4  }
0x9e: {  	_ =	swait.ge [sflag:s6], s4  }
0x9f: {  	s4 =	ssub.s32 $0x0, s4;
	[sflag:s6] =	ssyncset.done $0x0  }
0xa0: {  	[sflag:s6] =	ssyncadd.s32 s4;
	_ =	sdelay $0x1  }
0xa1: {  	s23 =	simm.s32 $0x1B8B  }
0xa2: {  	_ =	swait.ge [sflag:s23], $0x1  }
0xa3: {  	[sflag:s23] =	ssyncset.done $0x0  }
0xa4: {  	[sflag:s23] =	ssyncadd.s32 $0xFFFFFFFF  }
0xa5: {  	s4 =	sld [smem:$0x0]  }
0xa6: {  	s5 =	sand.u32 $0xFFFFFFFE, s1  }
0xa7: {  	p0 =	sne.s32 s1, s5  }
0xa8: {  	s5 =	sshll.u32 @p0 s5, $0xE  }
0xa9: {  	s5 =	sadd.s32 @p0 $0x11B8D, s5;
	s6 =	sshll.u32 @p0 s4, $0x11  }
0xaa: {  	s5 =	sor.u32 @p0 s6, s5  }
0xab: {  	[sflag:s5] =	ssyncadd.remote.s32 @p0 $0x1;
	_ =	sdelay $0x1  }
0xac: {  	s5 =	simm.s32 @p0 $0x1B8D  }
0xad: {  	_ =	swait.eq @p0 [sflag:s5], $0x1  }
0xae: {  	[sflag:s5] =	ssyncadd.s32 @p0 $0xFFFFFFFF  }
0xaf: {  	s6 =	sshll.u32 @!p0 s1, $0xE  }
0xb0: {  	s6 =	sor.u32 @!p0 $0x4000, s6;
	s5 =	simm.s32 @!p0 $0x1B8D  }
0xb1: {  	s4 =	sshll.u32 @!p0 s4, $0x11;
	s6 =	sadd.s32 @!p0 $0x11B8D, s6;
	_ =	swait.eq @!p0 [sflag:s5], $0x1  }
0xb2: {  	s4 =	sor.u32 @!p0 s4, s6;
	[sflag:s5] =	ssyncadd.s32 @!p0 $0xFFFFFFFF  }
0xb3: {  	s25 =	simm.s32 $0x1B8E;
	s24 =	sld [smem:$0x3FFE];
	[sflag:s4] =	ssyncadd.remote.s32 @!p0 $0x1  }
0xb4: {  	s26 =	simm.s32 $execute0_lowered;
	[smem:$0x3FD2] =	sst s25  }
0xb5: {  	s5 =	sshll.u32 s26, $0x1;
	_ =	strace $0x80000049;
	[dreg:$0x1] =	wrdreg $0xFFFFFFFF  }
0xb6: {  	s28 =	simm.s32 $_size_execute0_lowered;
	s3 =	sadd.s32 s3, s5;
	[dreg:$0x0] =	wrdreg $0x0  }
0xb7: {  	s5 =	sshll.u32 s28, $0x1;
	[dreg:$0x2] =	wrdreg s3  }
0xb8: {  	[dreg:$0x3] =	wrdreg s5  }
0xb9: {  	[dreg:$0x4] =	wrdreg $0xC0  }
0xba: {  	_ =	task [dreg:s22], $0x5FFFF  }
0xbb: {  	[dreg:$0x1] =	wrdreg $0xFFFFFFFF  }
0xbc: {  	[dreg:$0x0] =	wrdreg $0x60  }
0xbd: {  	[dreg:$0x2] =	wrdreg s24  }
0xbe: {  	[dreg:$0x3] =	wrdreg $0x9  }
0xbf: {  	_ =	task.clear_ibuf [dreg:s22], $0x4FFFF;
	_ =	strace $0x90000049  }
0xc0: {  	s29 =	simm.s32 $0x9;
	_ =	strace $0x8000004B  }
0xc1: {  	_ =	swait.ge [sflag:s29], $0x1  }
0xc2: {  	[sflag:s29] =	ssyncadd.s32 $0xFFFFFFFF  }
0xc3: {  	_ =	strace $0x9000004B  }
0xc4: {  	_ =	sfence  }
0xc5: {  	s30 =	sld [smem:$0x0];
	_ =	sdelay $0x2  }
0xc6: {  	s31 =	sshll.u32 s1, $0xD;
	s1 =	sshrl.u32 s1, $0x2  }
0xc7: {  	s4 =	sand.u32 $0x4000, s31;
	s1 =	sadd.s32 s1, s30  }
0xc8: {  	s0 =	sor.u32 s4, s0;
	s1 =	sshll.u32 s1, $0x11  }
0xc9: {  	s0 =	sor.u32 s1, s0  }
0xca: {  	s0 =	sadd.s32 $0x8F2B, s0  }
0xcb: {  	[sflag:s0] =	ssyncadd.remote.s32 $0x1  }
0xcc: {  	_ =	sfence.sel $0xFFFF  }
0xcd: {  	[dreg:$0x0] =	wrdreg $0xFFFFFFFF;
	(pc) =	sbr.abs _section_cstart, $3  }
0xce: {  	[dreg:$0x1] =	wrdreg $0xFFFFFFFF  }
0xcf: {  	_ =	task.clear_ibuf [dreg:s22], $0x2FFFF;
	_ =	strace $0x9FFFFFFF  }
0xd0: {  	(tm) =	ssettm $0x7FFFFFFF  }
0xd1: {  	_ =	shalt  }
tec
execute0_lowered:
.L_overlay_start_1:
0x0: {  	(tag) =	ssettag $0x1  }
0x1: {  	s0 =	srdreg.scid  }
0x2: {  	s2 =	stileid.u32;
	s1 =	rddreg [dreg:$0x0];
	s10 =	simm.s32 $0xB  }
0x3: {  	s12 =	simm.s32 $0x28;
	s13 =	simm.s32 $0x2900;
	s15 =	simm.s32 $0x3D00  }
0x4: {  	s16 =	simm.s32 $0xA100;
	s17 =	simm.s32 $0x1;
	s18 =	simm.s32 $0x5100  }
0x5: {  	s19 =	simm.s32 $0xB500;
	s20 =	simm.s32 $0x2;
	s21 =	simm.s32 $0x6500  }
0x6: {  	s22 =	simm.s32 $0xC900;
	s23 =	simm.s32 $0x3;
	s24 =	simm.s32 $0x7900  }
0x7: {  	s25 =	simm.s32 $0xDD00;
	s0 =	sand.u32 $0x1, s0;
	s3 =	sshll.u32 s2, $0x1  }
0x8: {  	s26 =	simm.s32 $0x4;
	s28 =	simm.s32 $0x5;
	s3 =	sor.u32 s0, s3  }
0x9: {  	s14 =	simm.s32 $0x0;
	s0 =	ssub.s32 $0x2, s0;
	s3 =	smul.u32 $0x1450, s3  }
0xa: {  	s2 =	simm.s32 $0x0;
	s4 =	sadd.s32 $0x17C00, s1;
	s7 =	sshrl.u32 s0, $0x1  }
0xb: {  	s5 =	sadd.s32 $0x3EE00, s1;
	s0 =	ssub.s32 s0, s7;
	s6 =	sshrl.u32 s3, $0x3  }
0xc: {  	[smem:$0x7FF] =	sst s2;
	s0 =	smax.u32 s0, $0x1;
	s8 =	sadd.s32 s6, s1  }
0xd: {  	_ =	strace $0x8000004A;
	[dreg:$0x4] =	wrdreg s0;
	s30 =	sadd.s32 $0xDE00, s8  }
0xe: {  	s6 =	sadd.s32 $0x2BE000, s1;
	s31 =	sadd.s32 $0x4000, s8;
	[dreg:$0x2] =	wrdreg s30  }
0xf: {  	s1 =	simm.s32 $0x9;
	s0 =	simm.s32 $0xA;
	[dreg:$0x3] =	wrdreg s31  }
.LBB2_1:
0x10: {  	s7 =	rddreg [dreg:$0x2]  }
0x11: {  	[tilespmem:s2], [sflag:$0xB] =	stream.linear.gather [hbm4b:s7+s2], $0x1450, $0x38;
	[tilespmem:$0xF100] =	vst v63  }
0x12: {  	_ =	swait.ge [sflag:s10], $0x1450  }
0x13: {  	[sflag:s10] =	ssyncset.done $0x0  }
0x14: {  	s8 =	simm.s32 $0x1480;
	s30 =	rddreg [dreg:$0x3];
	[sflag:s10] =	ssyncadd.s32 $0xFFFFEBB0  }
0x15: {  	[tilespmem:s8], [sflag:$0xB] =	stream.linear.gather [hbm4b:s30+s2], $0x1450, $0x38;
	[tilespmem:$0xF100] =	vst v63  }
0x16: {  	_ =	swait.ge [sflag:s10], $0x1450  }
0x17: {  	[sflag:s10] =	ssyncset.done $0x0  }
0x18: {  	[sflag:s10] =	ssyncadd.s32 $0xFFFFEBB0  }
0x19: {  	[tilespmem:s13], [sflag:$0x1] =	stream.indirect.gather [hbm4b:s4+s12], $0x80, s2, s12, $0xb8;
	[tilespmem:$0xF100] =	vst v63  }
0x1a: {  	s31 =	simm.s32 $0x8D00;
	s11 =	simm.s32 $0x0  }
0x1b: {  	[tilespmem:s31], [sflag:$0x1] =	stream.indirect.gather [hbm4b:s5+s12], $0x80, s8, s12, $0xb8;
	[tilespmem:$0xF100] =	vst v63  }
.LBB2_2:
0x1c: {  	p0 =	seq.s32 s11, $0x0  }
0x1d: {  	s8 =	simm.s32 @!p0 $0x7  }
0x1e: {  	s7 =	smul.u32 $0xC8, s11;
	_ =	swait.ge @!p0 [sflag:s8], $0x1400  }
0x1f: {  	[sflag:s8] =	ssyncset.done @!p0 $0x0  }
0x20: {  	[sflag:s8] =	ssyncadd.s32 @!p0 $0xFFFFEC00;
	s8 =	sadd.s32 $0x28, s7  }
0x21: {  	[tilespmem:s15], [sflag:$0x2] =	stream.indirect.gather [hbm4b:s4+s12], $0x80, s8, s12, $0xb8;
	[tilespmem:$0xF100] =	vst v63  }
0x22: {  	s9 =	sadd.s32 $0x14A8, s7  }
0x23: {  	[tilespmem:s16], [sflag:$0x2] =	stream.indirect.gather [hbm4b:s5+s12], $0x80, s9, s12, $0xb8;
	[tilespmem:$0xF100] =	vst v63  }
0x24: {  	_ =	swait.ge [sflag:s17], $0x1400  }
0x25: {  	[sflag:s17] =	ssyncset.done $0x0  }
0x26: {  	[sflag:s17] =	ssyncadd.s32 $0xFFFFEC00  }
0x27: {  	_ =	swait.ge [sflag:s17], $0x1400  }
0x28: {  	[sflag:s17] =	ssyncset.done $0x0  }
0x29: {  	s9 =	simm.s32 $0x0;
	[sflag:s17] =	ssyncadd.s32 $0xFFFFEC00  }
0x2a: {  	v7 =	vld [tilespmem:s9+$0x8D00]  }
0x2b: {  	v11 =	vld [tilespmem:s9+$0x8D10]  }
0x2c: {  	v5 =	vld [tilespmem:s9+$0x8D20]  }
0x2d: {  	v4 =	vld [tilespmem:s9+$0x8D30]  }
0x2e: {  	v3 =	vld [tilespmem:s9+$0x8D40]  }
0x2f: {  	v2 =	vld [tilespmem:s9+$0x8D50]  }
0x30: {  	v1 =	vld [tilespmem:s9+$0x8D60]  }
0x31: {  	v0 =	vld [tilespmem:s9+$0x8D70]  }
0x32: {  	v12 =	vld [tilespmem:s9+$0x2900]  }
0x33: {  	v13 =	vld [tilespmem:s9+$0x2910]  }
0x34: {  	v10 =	vld [tilespmem:s9+$0x2920]  }
0x35: {  	v9 =	vld [tilespmem:s9+$0x2930]  }
0x36: {  	v8 =	vld [tilespmem:s9+$0x2940]  }
0x37: {  	v6 =	vld [tilespmem:s9+$0x2950];
	v12 =	vadd.f32 v7, v12  }
0x38: {  	s29 =	simm.s32 $0x200;
	v11 =	vadd.f32 v11, v13;
	v7 =	vld [tilespmem:s9+$0x2960]  }
.LBB2_3:
0x39: {  	s30 =	sshra.s32 s29, $0x2;
	p1 =	sne.s32 s29, $0x4E00;
	[tilespmem:s9+$0x2900] =	vst v12;
	v5 =	vadd.f32 v5, v10;
	v10 =	vld [tilespmem:s9+$0x2970]  }
0x3a: {  	v12 =	vld [tilespmem:s30+$0x8D00];
	[tilespmem:s9+$0x2910] =	vst v11;
	v4 =	vadd.f32 v4, v9  }
0x3b: {  	v11 =	vld [tilespmem:s30+$0x8D10];
	[tilespmem:s9+$0x2920] =	vst v5;
	v3 =	vadd.f32 v3, v8  }
0x3c: {  	v5 =	vld [tilespmem:s30+$0x8D20];
	[tilespmem:s9+$0x2930] =	vst v4;
	v2 =	vadd.f32 v2, v6  }
0x3d: {  	v4 =	vld [tilespmem:s30+$0x8D30];
	[tilespmem:s9+$0x2940] =	vst v3;
	v1 =	vadd.f32 v1, v7  }
0x3e: {  	v3 =	vld [tilespmem:s30+$0x8D40];
	[tilespmem:s9+$0x2950] =	vst v2;
	v0 =	vadd.f32 v0, v10  }
0x3f: {  	v2 =	vld [tilespmem:s30+$0x8D50];
	[tilespmem:s9+$0x2960] =	vst v1  }
0x40: {  	v1 =	vld [tilespmem:s30+$0x8D60];
	[tilespmem:s9+$0x2970] =	vst v0;
	s9 =	smov.u32 s30  }
0x41: {  	v0 =	vld [tilespmem:s9+$0x8D70]  }
0x42: {  	v6 =	vld [tilespmem:s9+$0x2900]  }
0x43: {  	v7 =	vld [tilespmem:s9+$0x2910]  }
.Ltmp0:
0x44: {  	v10 =	vld [tilespmem:s9+$0x2920];
	(pc) =	sbr.rel @p1 .LBB2_3-.Ltmp0, $4  }
0x45: {  	v9 =	vld [tilespmem:s9+$0x2930]  }
0x46: {  	v8 =	vld [tilespmem:s9+$0x2940]  }
0x47: {  	v12 =	vadd.f32 v12, v6;
	v6 =	vld [tilespmem:s9+$0x2950]  }
0x48: {  	s29 =	sadd.s32 $0x200, s29;
	v11 =	vadd.f32 v11, v7;
	v7 =	vld [tilespmem:s9+$0x2960]  }
0x49: {  	[tilespmem:s9+$0x2900] =	vst v12;
	v5 =	vadd.f32 v5, v10;
	v10 =	vld [tilespmem:s9+$0x2970]  }
0x4a: {  	[tilespmem:s9+$0x2910] =	vst v11;
	v4 =	vadd.f32 v4, v9  }
0x4b: {  	[tilespmem:s9+$0x2920] =	vst v5;
	v3 =	vadd.f32 v3, v8  }
0x4c: {  	[tilespmem:s9+$0x2930] =	vst v4;
	v2 =	vadd.f32 v2, v6  }
0x4d: {  	[tilespmem:s9+$0x2940] =	vst v3;
	v1 =	vadd.f32 v1, v7  }
0x4e: {  	s29 =	sadd.s32 s3, s7;
	[tilespmem:s9+$0x2950] =	vst v2;
	v0 =	vadd.f32 v0, v10  }
0x4f: {  	s29 =	sshll.u32 s29, $0x4;
	[tilespmem:s9+$0x2960] =	vst v1  }
0x50: {  	s31 =	sadd.s32 s6, s29;
	[tilespmem:s9+$0x2970] =	vst v0;
	s9 =	simm.s32 @!p0 $0x8  }
0x51: {  	[hbm4b:s31+s2] =	stream.linear.scatter [tilespmem:s13], [sflag:$0x6], $0x1400, $0x38;
	[tilespmem:$0xF100] =	vst v63  }
0x52: {  	_ =	swait.ge @!p0 [sflag:s9], $0x1400  }
0x53: {  	[sflag:s9] =	ssyncset.done @!p0 $0x0  }
0x54: {  	[sflag:s9] =	ssyncadd.s32 @!p0 $0xFFFFEC00;
	s9 =	sadd.s32 $0x50, s7  }
0x55: {  	[tilespmem:s18], [sflag:$0x3] =	stream.indirect.gather [hbm4b:s4+s12], $0x80, s9, s12, $0xb8;
	[tilespmem:$0xF100] =	vst v63  }
0x56: {  	s29 =	sadd.s32 $0x14D0, s7  }
0x57: {  	[tilespmem:s19], [sflag:$0x3] =	stream.indirect.gather [hbm4b:s5+s12], $0x80, s29, s12, $0xb8;
	[tilespmem:$0xF100] =	vst v63  }
0x58: {  	_ =	swait.ge [sflag:s20], $0x1400  }
0x59: {  	[sflag:s20] =	ssyncset.done $0x0  }
0x5a: {  	[sflag:s20] =	ssyncadd.s32 $0xFFFFEC00  }
0x5b: {  	_ =	swait.ge [sflag:s20], $0x1400  }
0x5c: {  	[sflag:s20] =	ssyncset.done $0x0  }
0x5d: {  	s29 =	simm.s32 $0x0;
	[sflag:s20] =	ssyncadd.s32 $0xFFFFEC00  }
0x5e: {  	v7 =	vld [tilespmem:s29+$0xA100]  }
0x5f: {  	v11 =	vld [tilespmem:s29+$0xA110]  }
0x60: {  	v5 =	vld [tilespmem:s29+$0xA120]  }
0x61: {  	v4 =	vld [tilespmem:s29+$0xA130]  }
0x62: {  	v3 =	vld [tilespmem:s29+$0xA140]  }
0x63: {  	v2 =	vld [tilespmem:s29+$0xA150]  }
0x64: {  	v1 =	vld [tilespmem:s29+$0xA160]  }
0x65: {  	v0 =	vld [tilespmem:s29+$0xA170]  }
0x66: {  	v12 =	vld [tilespmem:s29+$0x3D00]  }
0x67: {  	v13 =	vld [tilespmem:s29+$0x3D10]  }
0x68: {  	v10 =	vld [tilespmem:s29+$0x3D20]  }
0x69: {  	v9 =	vld [tilespmem:s29+$0x3D30]  }
0x6a: {  	v8 =	vld [tilespmem:s29+$0x3D40]  }
0x6b: {  	v6 =	vld [tilespmem:s29+$0x3D50];
	v12 =	vadd.f32 v7, v12  }
0x6c: {  	s30 =	simm.s32 $0x200;
	v11 =	vadd.f32 v11, v13;
	v7 =	vld [tilespmem:s29+$0x3D60]  }
.LBB2_5:
0x6d: {  	s31 =	sshra.s32 s30, $0x2;
	p1 =	sne.s32 s30, $0x4E00;
	[tilespmem:s29+$0x3D00] =	vst v12;
	v5 =	vadd.f32 v5, v10;
	v10 =	vld [tilespmem:s29+$0x3D70]  }
0x6e: {  	v12 =	vld [tilespmem:s31+$0xA100];
	[tilespmem:s29+$0x3D10] =	vst v11;
	v4 =	vadd.f32 v4, v9  }
0x6f: {  	v11 =	vld [tilespmem:s31+$0xA110];
	[tilespmem:s29+$0x3D20] =	vst v5;
	v3 =	vadd.f32 v3, v8  }
0x70: {  	v5 =	vld [tilespmem:s31+$0xA120];
	[tilespmem:s29+$0x3D30] =	vst v4;
	v2 =	vadd.f32 v2, v6  }
0x71: {  	v4 =	vld [tilespmem:s31+$0xA130];
	[tilespmem:s29+$0x3D40] =	vst v3;
	v1 =	vadd.f32 v1, v7  }
0x72: {  	v3 =	vld [tilespmem:s31+$0xA140];
	[tilespmem:s29+$0x3D50] =	vst v2;
	v0 =	vadd.f32 v0, v10  }
0x73: {  	v2 =	vld [tilespmem:s31+$0xA150];
	[tilespmem:s29+$0x3D60] =	vst v1  }
0x74: {  	v1 =	vld [tilespmem:s31+$0xA160];
	[tilespmem:s29+$0x3D70] =	vst v0;
	s29 =	smov.u32 s31  }
0x75: {  	v0 =	vld [tilespmem:s29+$0xA170]  }
0x76: {  	v6 =	vld [tilespmem:s29+$0x3D00]  }
0x77: {  	v7 =	vld [tilespmem:s29+$0x3D10]  }
.Ltmp1:
0x78: {  	v10 =	vld [tilespmem:s29+$0x3D20];
	(pc) =	sbr.rel @p1 .LBB2_5-.Ltmp1, $4  }
0x79: {  	v9 =	vld [tilespmem:s29+$0x3D30]  }
0x7a: {  	v8 =	vld [tilespmem:s29+$0x3D40]  }
0x7b: {  	v12 =	vadd.f32 v12, v6;
	v6 =	vld [tilespmem:s29+$0x3D50]  }
0x7c: {  	s30 =	sadd.s32 $0x200, s30;
	v11 =	vadd.f32 v11, v7;
	v7 =	vld [tilespmem:s29+$0x3D60]  }
0x7d: {  	[tilespmem:s29+$0x3D00] =	vst v12;
	v5 =	vadd.f32 v5, v10;
	v10 =	vld [tilespmem:s29+$0x3D70]  }
0x7e: {  	[tilespmem:s29+$0x3D10] =	vst v11;
	v4 =	vadd.f32 v4, v9  }
0x7f: {  	[tilespmem:s29+$0x3D20] =	vst v5;
	v3 =	vadd.f32 v3, v8  }
0x80: {  	[tilespmem:s29+$0x3D30] =	vst v4;
	v2 =	vadd.f32 v2, v6  }
0x81: {  	[tilespmem:s29+$0x3D40] =	vst v3;
	v1 =	vadd.f32 v1, v7  }
0x82: {  	s8 =	sadd.s32 s3, s8;
	[tilespmem:s29+$0x3D50] =	vst v2;
	v0 =	vadd.f32 v0, v10  }
0x83: {  	s8 =	sshll.u32 s8, $0x4;
	[tilespmem:s29+$0x3D60] =	vst v1  }
0x84: {  	s8 =	sadd.s32 s6, s8;
	[tilespmem:s29+$0x3D70] =	vst v0  }
0x85: {  	[hbm4b:s8+s2] =	stream.linear.scatter [tilespmem:s15], [sflag:$0x7], $0x1400, $0x38;
	[tilespmem:$0xF100] =	vst v63  }
0x86: {  	s8 =	simm.s32 @!p0 $0x9  }
0x87: {  	_ =	swait.ge @!p0 [sflag:s8], $0x1400  }
0x88: {  	[sflag:s8] =	ssyncset.done @!p0 $0x0  }
0x89: {  	s29 =	sadd.s32 $0x78, s7;
	[sflag:s8] =	ssyncadd.s32 @!p0 $0xFFFFEC00  }
0x8a: {  	[tilespmem:s21], [sflag:$0x4] =	stream.indirect.gather [hbm4b:s4+s12], $0x80, s29, s12, $0xb8;
	[tilespmem:$0xF100] =	vst v63  }
0x8b: {  	s31 =	sadd.s32 $0x14F8, s7  }
0x8c: {  	[tilespmem:s22], [sflag:$0x4] =	stream.indirect.gather [hbm4b:s5+s12], $0x80, s31, s12, $0xb8;
	[tilespmem:$0xF100] =	vst v63  }
0x8d: {  	_ =	swait.ge [sflag:s23], $0x1400  }
0x8e: {  	[sflag:s23] =	ssyncset.done $0x0  }
0x8f: {  	[sflag:s23] =	ssyncadd.s32 $0xFFFFEC00  }
0x90: {  	_ =	swait.ge [sflag:s23], $0x1400  }
0x91: {  	[sflag:s23] =	ssyncset.done $0x0  }
0x92: {  	s8 =	simm.s32 $0x0;
	[sflag:s23] =	ssyncadd.s32 $0xFFFFEC00  }
0x93: {  	v7 =	vld [tilespmem:s8+$0xB500]  }
0x94: {  	v11 =	vld [tilespmem:s8+$0xB510]  }
0x95: {  	v5 =	vld [tilespmem:s8+$0xB520]  }
0x96: {  	v4 =	vld [tilespmem:s8+$0xB530]  }
0x97: {  	v3 =	vld [tilespmem:s8+$0xB540]  }
0x98: {  	v2 =	vld [tilespmem:s8+$0xB550]  }
0x99: {  	v1 =	vld [tilespmem:s8+$0xB560]  }
0x9a: {  	v0 =	vld [tilespmem:s8+$0xB570]  }
0x9b: {  	v12 =	vld [tilespmem:s8+$0x5100]  }
0x9c: {  	v13 =	vld [tilespmem:s8+$0x5110]  }
0x9d: {  	v10 =	vld [tilespmem:s8+$0x5120]  }
0x9e: {  	v9 =	vld [tilespmem:s8+$0x5130]  }
0x9f: {  	v8 =	vld [tilespmem:s8+$0x5140]  }
0xa0: {  	v6 =	vld [tilespmem:s8+$0x5150];
	v12 =	vadd.f32 v7, v12  }
0xa1: {  	s30 =	simm.s32 $0x200;
	v11 =	vadd.f32 v11, v13;
	v7 =	vld [tilespmem:s8+$0x5160]  }
.LBB2_7:
0xa2: {  	s31 =	sshra.s32 s30, $0x2;
	p1 =	sne.s32 s30, $0x4E00;
	[tilespmem:s8+$0x5100] =	vst v12;
	v5 =	vadd.f32 v5, v10;
	v10 =	vld [tilespmem:s8+$0x5170]  }
0xa3: {  	v12 =	vld [tilespmem:s31+$0xB500];
	[tilespmem:s8+$0x5110] =	vst v11;
	v4 =	vadd.f32 v4, v9  }
0xa4: {  	v11 =	vld [tilespmem:s31+$0xB510];
	[tilespmem:s8+$0x5120] =	vst v5;
	v3 =	vadd.f32 v3, v8  }
0xa5: {  	v5 =	vld [tilespmem:s31+$0xB520];
	[tilespmem:s8+$0x5130] =	vst v4;
	v2 =	vadd.f32 v2, v6  }
0xa6: {  	v4 =	vld [tilespmem:s31+$0xB530];
	[tilespmem:s8+$0x5140] =	vst v3;
	v1 =	vadd.f32 v1, v7  }
0xa7: {  	v3 =	vld [tilespmem:s31+$0xB540];
	[tilespmem:s8+$0x5150] =	vst v2;
	v0 =	vadd.f32 v0, v10  }
0xa8: {  	v2 =	vld [tilespmem:s31+$0xB550];
	[tilespmem:s8+$0x5160] =	vst v1  }
0xa9: {  	v1 =	vld [tilespmem:s31+$0xB560];
	[tilespmem:s8+$0x5170] =	vst v0;
	s8 =	smov.u32 s31  }
0xaa: {  	v0 =	vld [tilespmem:s8+$0xB570]  }
0xab: {  	v6 =	vld [tilespmem:s8+$0x5100]  }
0xac: {  	v7 =	vld [tilespmem:s8+$0x5110]  }
.Ltmp2:
0xad: {  	v10 =	vld [tilespmem:s8+$0x5120];
	(pc) =	sbr.rel @p1 .LBB2_7-.Ltmp2, $4  }
0xae: {  	v9 =	vld [tilespmem:s8+$0x5130]  }
0xaf: {  	v8 =	vld [tilespmem:s8+$0x5140]  }
0xb0: {  	v12 =	vadd.f32 v12, v6;
	v6 =	vld [tilespmem:s8+$0x5150]  }
0xb1: {  	s30 =	sadd.s32 $0x200, s30;
	v11 =	vadd.f32 v11, v7;
	v7 =	vld [tilespmem:s8+$0x5160]  }
0xb2: {  	[tilespmem:s8+$0x5100] =	vst v12;
	v5 =	vadd.f32 v5, v10;
	v10 =	vld [tilespmem:s8+$0x5170]  }
0xb3: {  	[tilespmem:s8+$0x5110] =	vst v11;
	v4 =	vadd.f32 v4, v9  }
0xb4: {  	[tilespmem:s8+$0x5120] =	vst v5;
	v3 =	vadd.f32 v3, v8  }
0xb5: {  	[tilespmem:s8+$0x5130] =	vst v4;
	v2 =	vadd.f32 v2, v6  }
0xb6: {  	[tilespmem:s8+$0x5140] =	vst v3;
	v1 =	vadd.f32 v1, v7  }
0xb7: {  	s9 =	sadd.s32 s3, s9;
	[tilespmem:s8+$0x5150] =	vst v2;
	v0 =	vadd.f32 v0, v10  }
0xb8: {  	s9 =	sshll.u32 s9, $0x4;
	[tilespmem:s8+$0x5160] =	vst v1  }
0xb9: {  	s9 =	sadd.s32 s6, s9;
	[tilespmem:s8+$0x5170] =	vst v0;
	s8 =	simm.s32 @!p0 $0xA  }
0xba: {  	[hbm4b:s9+s2] =	stream.linear.scatter [tilespmem:s18], [sflag:$0x8], $0x1400, $0x38;
	[tilespmem:$0xF100] =	vst v63  }
0xbb: {  	_ =	swait.ge @!p0 [sflag:s8], $0x1400  }
0xbc: {  	[sflag:s8] =	ssyncset.done @!p0 $0x0  }
0xbd: {  	[sflag:s8] =	ssyncadd.s32 @!p0 $0xFFFFEC00;
	s8 =	sadd.s32 $0xA0, s7  }
0xbe: {  	[tilespmem:s24], [sflag:$0x5] =	stream.indirect.gather [hbm4b:s4+s12], $0x80, s8, s12, $0xb8;
	[tilespmem:$0xF100] =	vst v63  }
0xbf: {  	s31 =	sadd.s32 $0x1520, s7  }
0xc0: {  	[tilespmem:s25], [sflag:$0x5] =	stream.indirect.gather [hbm4b:s5+s12], $0x80, s31, s12, $0xb8;
	[tilespmem:$0xF100] =	vst v63  }
0xc1: {  	_ =	swait.ge [sflag:s26], $0x1400  }
0xc2: {  	[sflag:s26] =	ssyncset.done $0x0  }
0xc3: {  	[sflag:s26] =	ssyncadd.s32 $0xFFFFEC00  }
0xc4: {  	_ =	swait.ge [sflag:s26], $0x1400  }
0xc5: {  	[sflag:s26] =	ssyncset.done $0x0  }
0xc6: {  	s9 =	simm.s32 $0x0;
	[sflag:s26] =	ssyncadd.s32 $0xFFFFEC00  }
0xc7: {  	v7 =	vld [tilespmem:s9+$0xC900]  }
0xc8: {  	v11 =	vld [tilespmem:s9+$0xC910]  }
0xc9: {  	v5 =	vld [tilespmem:s9+$0xC920]  }
0xca: {  	v4 =	vld [tilespmem:s9+$0xC930]  }
0xcb: {  	v3 =	vld [tilespmem:s9+$0xC940]  }
0xcc: {  	v2 =	vld [tilespmem:s9+$0xC950]  }
0xcd: {  	v1 =	vld [tilespmem:s9+$0xC960]  }
0xce: {  	v0 =	vld [tilespmem:s9+$0xC970]  }
0xcf: {  	v12 =	vld [tilespmem:s9+$0x6500]  }
0xd0: {  	v13 =	vld [tilespmem:s9+$0x6510]  }
0xd1: {  	v10 =	vld [tilespmem:s9+$0x6520]  }
0xd2: {  	v9 =	vld [tilespmem:s9+$0x6530]  }
0xd3: {  	v8 =	vld [tilespmem:s9+$0x6540]  }
0xd4: {  	v6 =	vld [tilespmem:s9+$0x6550];
	v12 =	vadd.f32 v7, v12  }
0xd5: {  	s30 =	simm.s32 $0x200;
	v11 =	vadd.f32 v11, v13;
	v7 =	vld [tilespmem:s9+$0x6560]  }
.LBB2_9:
0xd6: {  	s31 =	sshra.s32 s30, $0x2;
	p0 =	sne.s32 s30, $0x4E00;
	[tilespmem:s9+$0x6500] =	vst v12;
	v5 =	vadd.f32 v5, v10;
	v10 =	vld [tilespmem:s9+$0x6570]  }
0xd7: {  	v12 =	vld [tilespmem:s31+$0xC900];
	[tilespmem:s9+$0x6510] =	vst v11;
	v4 =	vadd.f32 v4, v9  }
0xd8: {  	v11 =	vld [tilespmem:s31+$0xC910];
	[tilespmem:s9+$0x6520] =	vst v5;
	v3 =	vadd.f32 v3, v8  }
0xd9: {  	v5 =	vld [tilespmem:s31+$0xC920];
	[tilespmem:s9+$0x6530] =	vst v4;
	v2 =	vadd.f32 v2, v6  }
0xda: {  	v4 =	vld [tilespmem:s31+$0xC930];
	[tilespmem:s9+$0x6540] =	vst v3;
	v1 =	vadd.f32 v1, v7  }
0xdb: {  	v3 =	vld [tilespmem:s31+$0xC940];
	[tilespmem:s9+$0x6550] =	vst v2;
	v0 =	vadd.f32 v0, v10  }
0xdc: {  	v2 =	vld [tilespmem:s31+$0xC950];
	[tilespmem:s9+$0x6560] =	vst v1  }
0xdd: {  	v1 =	vld [tilespmem:s31+$0xC960];
	[tilespmem:s9+$0x6570] =	vst v0;
	s9 =	smov.u32 s31  }
0xde: {  	v0 =	vld [tilespmem:s9+$0xC970]  }
0xdf: {  	v6 =	vld [tilespmem:s9+$0x6500]  }
0xe0: {  	v7 =	vld [tilespmem:s9+$0x6510]  }
.Ltmp3:
0xe1: {  	v10 =	vld [tilespmem:s9+$0x6520];
	(pc) =	sbr.rel @p0 .LBB2_9-.Ltmp3, $4  }
0xe2: {  	v9 =	vld [tilespmem:s9+$0x6530]  }
0xe3: {  	v8 =	vld [tilespmem:s9+$0x6540]  }
0xe4: {  	v12 =	vadd.f32 v12, v6;
	v6 =	vld [tilespmem:s9+$0x6550]  }
0xe5: {  	s30 =	sadd.s32 $0x200, s30;
	v11 =	vadd.f32 v11, v7;
	v7 =	vld [tilespmem:s9+$0x6560]  }
0xe6: {  	[tilespmem:s9+$0x6500] =	vst v12;
	v5 =	vadd.f32 v5, v10;
	v10 =	vld [tilespmem:s9+$0x6570]  }
0xe7: {  	[tilespmem:s9+$0x6510] =	vst v11;
	v4 =	vadd.f32 v4, v9  }
0xe8: {  	[tilespmem:s9+$0x6520] =	vst v5;
	v3 =	vadd.f32 v3, v8  }
0xe9: {  	[tilespmem:s9+$0x6530] =	vst v4;
	v2 =	vadd.f32 v2, v6  }
0xea: {  	[tilespmem:s9+$0x6540] =	vst v3;
	v1 =	vadd.f32 v1, v7  }
0xeb: {  	s29 =	sadd.s32 s3, s29;
	[tilespmem:s9+$0x6550] =	vst v2;
	v0 =	vadd.f32 v0, v10  }
0xec: {  	p0 =	seq.s32 s11, $0x19;
	s29 =	sshll.u32 s29, $0x4;
	[tilespmem:s9+$0x6560] =	vst v1  }
0xed: {  	s31 =	sadd.s32 s6, s29;
	[tilespmem:s9+$0x6570] =	vst v0;
	s9 =	simm.s32 @!p0 $0x6  }
0xee: {  	[hbm4b:s31+s2] =	stream.linear.scatter [tilespmem:s21], [sflag:$0x9], $0x1400, $0x38;
	[tilespmem:$0xF100] =	vst v63  }
0xef: {  	_ =	swait.ge @!p0 [sflag:s9], $0x1400  }
0xf0: {  	s30 =	simm.s32 @!p0 $0x2900;
	[sflag:s9] =	ssyncset.done @!p0 $0x0  }
0xf1: {  	s29 =	simm.s32 @!p0 $0x28;
	[sflag:s9] =	ssyncadd.s32 @!p0 $0xFFFFEC00;
	s9 =	sadd.s32 @!p0 $0xC8, s7  }
0xf2: {  	[tilespmem:s30], [sflag:$0x1] =	stream.indirect.gather @!p0 [hbm4b:s4+s29], $0x80, s9, s29, $0xb8;
	[tilespmem:$0xF100] =	vst v63  }
0xf3: {  	s7 =	sadd.s32 @!p0 $0x1548, s7;
	s9 =	simm.s32 @!p0 $0x8D00  }
0xf4: {  	[tilespmem:s9], [sflag:$0x1] =	stream.indirect.gather @!p0 [hbm4b:s5+s29], $0x80, s7, s29, $0xb8;
	[tilespmem:$0xF100] =	vst v63  }
0xf5: {  	_ =	swait.ge [sflag:s28], $0x1400  }
0xf6: {  	[sflag:s28] =	ssyncset.done $0x0  }
0xf7: {  	[sflag:s28] =	ssyncadd.s32 $0xFFFFEC00  }
0xf8: {  	_ =	swait.ge [sflag:s28], $0x1400  }
0xf9: {  	[sflag:s28] =	ssyncset.done $0x0  }
0xfa: {  	s7 =	simm.s32 $0x0;
	[sflag:s28] =	ssyncadd.s32 $0xFFFFEC00  }
0xfb: {  	v7 =	vld [tilespmem:s7+$0xDD00]  }
0xfc: {  	v11 =	vld [tilespmem:s7+$0xDD10]  }
0xfd: {  	v5 =	vld [tilespmem:s7+$0xDD20]  }
0xfe: {  	v4 =	vld [tilespmem:s7+$0xDD30]  }
0xff: {  	v3 =	vld [tilespmem:s7+$0xDD40]  }
0x100: {  	v2 =	vld [tilespmem:s7+$0xDD50]  }
0x101: {  	v1 =	vld [tilespmem:s7+$0xDD60]  }
0x102: {  	v0 =	vld [tilespmem:s7+$0xDD70]  }
0x103: {  	v12 =	vld [tilespmem:s7+$0x7900]  }
0x104: {  	v13 =	vld [tilespmem:s7+$0x7910]  }
0x105: {  	v10 =	vld [tilespmem:s7+$0x7920]  }
0x106: {  	v9 =	vld [tilespmem:s7+$0x7930]  }
0x107: {  	v8 =	vld [tilespmem:s7+$0x7940]  }
0x108: {  	v6 =	vld [tilespmem:s7+$0x7950];
	v12 =	vadd.f32 v7, v12  }
0x109: {  	s9 =	simm.s32 $0x200;
	v11 =	vadd.f32 v11, v13;
	v7 =	vld [tilespmem:s7+$0x7960]  }
.LBB2_11:
0x10a: {  	s29 =	sshra.s32 s9, $0x2;
	p0 =	sne.s32 s9, $0x4E00;
	[tilespmem:s7+$0x7900] =	vst v12;
	v5 =	vadd.f32 v5, v10;
	v10 =	vld [tilespmem:s7+$0x7970]  }
0x10b: {  	v12 =	vld [tilespmem:s29+$0xDD00];
	[tilespmem:s7+$0x7910] =	vst v11;
	v4 =	vadd.f32 v4, v9  }
0x10c: {  	v11 =	vld [tilespmem:s29+$0xDD10];
	[tilespmem:s7+$0x7920] =	vst v5;
	v3 =	vadd.f32 v3, v8  }
0x10d: {  	v5 =	vld [tilespmem:s29+$0xDD20];
	[tilespmem:s7+$0x7930] =	vst v4;
	v2 =	vadd.f32 v2, v6  }
0x10e: {  	v4 =	vld [tilespmem:s29+$0xDD30];
	[tilespmem:s7+$0x7940] =	vst v3;
	v1 =	vadd.f32 v1, v7  }
0x10f: {  	v3 =	vld [tilespmem:s29+$0xDD40];
	[tilespmem:s7+$0x7950] =	vst v2;
	v0 =	vadd.f32 v0, v10  }
0x110: {  	v2 =	vld [tilespmem:s29+$0xDD50];
	[tilespmem:s7+$0x7960] =	vst v1  }
0x111: {  	v1 =	vld [tilespmem:s29+$0xDD60];
	[tilespmem:s7+$0x7970] =	vst v0;
	s7 =	smov.u32 s29  }
0x112: {  	v0 =	vld [tilespmem:s7+$0xDD70]  }
0x113: {  	v6 =	vld [tilespmem:s7+$0x7900]  }
0x114: {  	v7 =	vld [tilespmem:s7+$0x7910]  }
.Ltmp4:
0x115: {  	v10 =	vld [tilespmem:s7+$0x7920];
	(pc) =	sbr.rel @p0 .LBB2_11-.Ltmp4, $4  }
0x116: {  	v9 =	vld [tilespmem:s7+$0x7930]  }
0x117: {  	v8 =	vld [tilespmem:s7+$0x7940]  }
0x118: {  	v12 =	vadd.f32 v12, v6;
	v6 =	vld [tilespmem:s7+$0x7950]  }
0x119: {  	s9 =	sadd.s32 $0x200, s9;
	v11 =	vadd.f32 v11, v7;
	v7 =	vld [tilespmem:s7+$0x7960]  }
0x11a: {  	[tilespmem:s7+$0x7900] =	vst v12;
	v5 =	vadd.f32 v5, v10;
	v63 =	vld [tilespmem:s7+$0x7970]  }
0x11b: {  	[tilespmem:s7+$0x7910] =	vst v11;
	v4 =	vadd.f32 v4, v9  }
0x11c: {  	s11 =	sadd.s32 $0x1, s11;
	[tilespmem:s7+$0x7920] =	vst v5;
	v3 =	vadd.f32 v3, v8  }
0x11d: {  	p0 =	sne.s32 s11, $0x1A;
	[tilespmem:s7+$0x7930] =	vst v4;
	v2 =	vadd.f32 v2, v6  }
.Ltmp5:
0x11e: {  	[tilespmem:s7+$0x7940] =	vst v3;
	v1 =	vadd.f32 v1, v7;
	(pc) =	sbr.rel @p0 .LBB2_2-.Ltmp5, $4  }
0x11f: {  	s8 =	sadd.s32 s3, s8;
	[tilespmem:s7+$0x7950] =	vst v2;
	v0 =	vadd.f32 v0, v63  }
0x120: {  	s8 =	sshll.u32 s8, $0x4;
	[tilespmem:s7+$0x7960] =	vst v1  }
0x121: {  	s31 =	sadd.s32 s6, s8;
	[tilespmem:s7+$0x7970] =	vst v0  }
0x122: {  	[hbm4b:s31+s2] =	stream.linear.scatter [tilespmem:s24], [sflag:$0xA], $0x1400, $0x38;
	[tilespmem:$0xF100] =	vst v63  }
0x123: {  	s7 =	simm.s32 $0x6  }
0x124: {  	_ =	swait.ge [sflag:s7], $0x1400  }
0x125: {  	[sflag:s7] =	ssyncset.done $0x0  }
0x126: {  	s29 =	simm.s32 $0x7;
	[sflag:s7] =	ssyncadd.s32 $0xFFFFEC00  }
0x127: {  	_ =	swait.ge [sflag:s29], $0x1400  }
0x128: {  	[sflag:s29] =	ssyncset.done $0x0  }
0x129: {  	s30 =	simm.s32 $0x8;
	[sflag:s29] =	ssyncadd.s32 $0xFFFFEC00  }
0x12a: {  	_ =	swait.ge [sflag:s30], $0x1400  }
0x12b: {  	[sflag:s30] =	ssyncset.done $0x0  }
0x12c: {  	[sflag:s30] =	ssyncadd.s32 $0xFFFFEC00  }
0x12d: {  	_ =	swait.ge [sflag:s1], $0x1400  }
0x12e: {  	[sflag:s1] =	ssyncset.done $0x0  }
0x12f: {  	[sflag:s1] =	ssyncadd.s32 $0xFFFFEC00  }
0x130: {  	_ =	swait.ge [sflag:s0], $0x1400  }
0x131: {  	s14 =	sadd.s32 $0x1, s14;
	s31 =	rddreg [dreg:$0x4]  }
0x132: {  	p0 =	sne.s32 s14, s31  }
.Ltmp6:
0x133: {  	_ = 	snop;
	(pc) =	sbr.rel @p0 .LBB2_1-.Ltmp6, $3  }
0x134: {  	_ =	sdelay $0x1  }
0x135: {  	[sflag:s0] =	ssyncset.done $0x0  }
0x136: {  	[sflag:s0] =	ssyncadd.s32 $0xFFFFEC00  }
0x137: {  	_ =	sfence.sel $0x180000  }
0x138: {  	[bflag:$0x0] =	sbarrier.arrive $0xFFFF  }
0x139: {  	_ =	strace $0x9000004A  }
0x13a: {  	s0 =	stileid.u32;
	[bflag:$0x2] =	sbarrier.arrive $0xFFFF  }
0x13b: {  	p0 =	sne.s32 s0, $0x0;
	s0 =	rddreg [dreg:$0x1]  }
0x13c: {  	s0 =	sadd.s32 @!p0 $0x100000, s0  }
0x13d: {  	[sflag:s0] =	ssyncadd.tile.s32 @!p0 $0x1;
	_ =	shalt  }
.Lfunc_end2:
_tile_overlayer_lowered:
.L_overlay_start_2:
0x13e: {  	(tag) =	ssettag $0x2  }
0x13f: {  	s0 =	rddreg [dreg:$0x0];
	s2 =	stileid.u32  }
0x140: {  	s1 =	rddreg [dreg:$0x1];
	p0 =	sne.s32 s2, $0x0  }
0x141: {  	s3 =	rddreg [dreg:$0x2];
	[bflag:$0x3] =	sbarrier.arrive $0xFFFF;
	s2 =	simm.s32 @!p0 $0x1C0B  }
0x142: {  	[timem:s3], [sflag:s2] =	dma.local @!p0 [hbm:s0], s1  }
0x143: {  	s0 =	simm.s32 @!p0 $0xB  }
0x144: {  	_ =	swait.ge @!p0 [sflag:s0], s1  }
0x145: {  	s1 =	ssub.s32 @!p0 $0x0, s1;
	[sflag:s0] =	ssyncset.done @!p0 $0x0  }
0x146: {  	[sflag:s0] =	ssyncadd.s32 @!p0 s1  }
0x147: {  	[bflag:$0x3] =	sbarrier.arrive $0xFFFF  }
0x148: {  	_ =	shalt  }

// kernel: kernel.13.cloned.1.call-start
scs
__scs_entry_jumppad:
0x0: {  	(pc) =	sbr.rel $0x88, $3  }
0x1: {  	(tag) =	ssettag $0x0;
	lr =	simm.s32 $0x1  }
0x2: {  	[smem:$0x3F92] =	sst lr;
	_ =	strace $0xD0000000  }
0x3: {  	_ = 	snop  }
0x4: {  	_ = 	snop  }
0x5: {  	_ = 	snop  }
0x6: {  	_ = 	snop  }
0x7: {  	_ = 	snop  }
__scs_overlays_trampoline_lowered:
0x8: {  	[smem:$0x3FA1] =	sst s0  }
0x9: {  	[smem:$0x3FA2] =	sst s1  }
0xa: {  	[smem:$0x3FA3] =	sst s2  }
0xb: {  	[smem:$0x3FA4] =	sst s3  }
0xc: {  	[smem:$0x3FA5] =	sst s4  }
0xd: {  	[smem:$0x3FA6] =	sst s5  }
0xe: {  	[smem:$0x3FA7] =	sst s6  }
0xf: {  	[smem:$0x3FA8] =	sst s7  }
0x10: {  	[smem:$0x3FA9] =	sst s8  }
0x11: {  	[smem:$0x3FAA] =	sst s9;
	s0 =	simm.s32 @!p0 $0x0  }
0x12: {  	s1 =	sld [smem:$0x3F90];
	s0 =	simm.s32 @p0 $0x1  }
0x13: {  	[smem:$0x3FAB] =	sst s0;
	s0 =	simm.s32 @!p1 $0x0  }
0x14: {  	s2 =	sld [smem:$0x3F8F];
	s0 =	simm.s32 @p1 $0x1  }
0x15: {  	[smem:$0x3FAC] =	sst s0;
	s0 =	simm.s32 @!p2 $0x0  }
0x16: {  	s3 =	sld [smem:$0x3FDB];
	s0 =	simm.s32 @p2 $0x1  }
0x17: {  	s4 =	simm.s32 $0x1BF5;
	[smem:$0x3FAE] =	sst s0  }
0x18: {  	s0 =	sld [smem:$0x3F91];
	_ =	swait.ge [sflag:s4], $0x0  }
0x19: {  	s7 =	sld [smem:$0x3F92]  }
0x1a: {  	s8 =	sadd.s32 $0xFFFFE003, lr  }
0x1b: {  	s9 =	sadd.s32 $0xFFFFFEF7, lr;
	s5 =	simm.s32 $0xFFFFFFFF;
	p2 =	slt.u32 s8, $0xFFFFF086  }
0x1c: {  	p1 =	slt.u32 s9, $0xF7A;
	s5 =	simm.s32 @!p2 $0x0  }
0x1d: {  	s5 =	simm.s32 @p1 $0x1;
	p0 =	seq.s32 s7, s2  }
0x1e: {  	s7 =	smul.u32 @!p0 $0xF7A, s2;
	p2 =	seq.s32 @!p0 s5, $0x0  }
0x1f: {  	s9 =	smul.u32 $0xF7A, s1;
	s8 =	simm.s32 @!p0 $0x1BF5;
	p2 =	por !p2, p0  }
0x20: {  	[sflag:s8] =	ssyncset.s32 @!p0 $0xFFFFF086;
	s6 =	sadd.s32 @!p0 s3, s7;
	s7 =	simm.s32 @!p0 $0x108  }
0x21: {  	s3 =	sadd.s32 s3, s9;
	s6 =	sadd.s32 @!p0 $0x88, s6;
	s7 =	simm.s32 @p2 $0x1082  }
0x22: {  	[simem:s7], [sflag:s8] =	dma.local @!p0 [hbm:s6], $0xF7A  }
0x23: {  	s9 =	sor.u32 $0xD0000000, s2;
	s6 =	simm.s32 $0x108;
	_ =	swait.ge @!p0 [sflag:s8], $0x0  }
0x24: {  	s3 =	sadd.s32 $0x88, s3;
	s6 =	simm.s32 @!p1 $0x1082;
	[sflag:s4] =	ssyncset.s32 $0xFFFFF086  }
0x25: {  	[simem:s6], [sflag:s4] =	dma.local [hbm:s3], $0xF7A  }
0x26: {  	[smem:$0x3F92] =	sst s1;
	(tag) =	ssettag s2;
	_ =	strace s9  }
0x27: {  	s1 =	sld [smem:$0x3FA2]  }
0x28: {  	s2 =	sld [smem:$0x3FA3]  }
0x29: {  	s4 =	sld [smem:$0x3FA5]  }
0x2a: {  	p0 =	seq.s32 s5, $0x0;
	s5 =	sld [smem:$0x3FA6]  }
0x2b: {  	s6 =	sld [smem:$0x3FA7]  }
0x2c: {  	s7 =	sld [smem:$0x3FA8]  }
0x2d: {  	s3 =	simm.s32 $0x108;
	s8 =	sld [smem:$0x3FA9]  }
0x2e: {  	s3 =	simm.s32 @!p0 $0x1082;
	s9 =	sld [smem:$0x3FAA]  }
0x2f: {  	lr =	sadd.s32 s0, s3;
	s0 =	sld [smem:$0x3FA1]  }
0x30: {  	s3 =	sld [smem:$0x3FA4]  }
0x31: {  	[smem:$0x3FAD] =	sst s10  }
0x32: {  	s10 =	sld [smem:$0x3FAB];
	_ =	sdelay $0x3  }
0x33: {  	p0 =	seq.s32 s10, $0x1;
	s10 =	sld [smem:$0x3FAD];
	_ =	sdelay $0x3  }
0x34: {  	[smem:$0x3FAD] =	sst s10  }
0x35: {  	s10 =	sld [smem:$0x3FAC];
	_ =	sdelay $0x3  }
0x36: {  	p1 =	seq.s32 s10, $0x1;
	s10 =	sld [smem:$0x3FAD];
	_ =	sdelay $0x3  }
0x37: {  	[smem:$0x3FAD] =	sst s10  }
0x38: {  	s10 =	sld [smem:$0x3FAE]  }
0x39: {  	_ = 	snop;
	(pc) =	sbr.ind lr, $3  }
0x3a: {  	_ = 	snop  }
0x3b: {  	_ = 	snop  }
0x3c: {  	p2 =	seq.s32 s10, $0x1;
	s10 =	sld [smem:$0x3FAD]  }
0x3d: {  	_ =	shalt  }
0x3e: {  	_ =	shalt  }
0x3f: {  	_ =	shalt  }
0x40: {  	_ =	shalt  }
0x41: {  	_ =	shalt  }
0x42: {  	_ =	shalt  }
0x43: {  	_ =	shalt  }
0x44: {  	_ =	shalt  }
0x45: {  	_ =	shalt  }
0x46: {  	_ =	shalt  }
0x47: {  	_ =	shalt  }
0x48: {  	_ =	shalt  }
0x49: {  	_ =	shalt  }
0x4a: {  	_ =	shalt  }
0x4b: {  	_ =	shalt  }
0x4c: {  	_ =	shalt  }
0x4d: {  	_ =	shalt  }
0x4e: {  	_ =	shalt  }
0x4f: {  	_ =	shalt  }
0x50: {  	_ =	shalt  }
0x51: {  	_ =	shalt  }
0x52: {  	_ =	shalt  }
0x53: {  	_ =	shalt  }
0x54: {  	_ =	shalt  }
0x55: {  	_ =	shalt  }
0x56: {  	_ =	shalt  }
0x57: {  	_ =	shalt  }
0x58: {  	_ =	shalt  }
0x59: {  	_ =	shalt  }
0x5a: {  	_ =	shalt  }
0x5b: {  	_ =	shalt  }
0x5c: {  	_ =	shalt  }
0x5d: {  	_ =	shalt  }
0x5e: {  	_ =	shalt  }
0x5f: {  	_ =	shalt  }
0x60: {  	_ =	shalt  }
0x61: {  	_ =	shalt  }
0x62: {  	_ =	shalt  }
0x63: {  	_ =	shalt  }
0x64: {  	_ =	shalt  }
0x65: {  	_ =	shalt  }
0x66: {  	_ =	shalt  }
0x67: {  	_ =	shalt  }
0x68: {  	_ =	shalt  }
0x69: {  	_ =	shalt  }
0x6a: {  	_ =	shalt  }
0x6b: {  	_ =	shalt  }
0x6c: {  	_ =	shalt  }
0x6d: {  	_ =	shalt  }
0x6e: {  	_ =	shalt  }
0x6f: {  	_ =	shalt  }
0x70: {  	_ =	shalt  }
0x71: {  	_ =	shalt  }
0x72: {  	_ =	shalt  }
0x73: {  	_ =	shalt  }
0x74: {  	_ =	shalt  }
0x75: {  	_ =	shalt  }
0x76: {  	_ =	shalt  }
0x77: {  	_ =	shalt  }
0x78: {  	_ =	shalt  }
0x79: {  	_ =	shalt  }
0x7a: {  	_ =	shalt  }
0x7b: {  	_ =	shalt  }
0x7c: {  	_ =	shalt  }
0x7d: {  	_ =	shalt  }
0x7e: {  	_ =	shalt  }
0x7f: {  	_ =	shalt  }
0x80: {  	_ =	shalt  }
0x81: {  	_ =	shalt  }
0x82: {  	_ =	shalt  }
0x83: {  	_ =	shalt  }
0x84: {  	_ =	shalt  }
0x85: {  	_ =	shalt  }
0x86: {  	_ =	shalt  }
0x87: {  	_ =	shalt  }
.Lfunc_end0:
.L_simem_size_0:
called_computation.1_lowered:
.L_overlay_start_0:
0x88: {  	s2 =	sld [smem:$0x3FD9]  }
0x89: {  	s3 =	sld [smem:$0x3FFE];
	_ =	sdelay $0x1  }
0x8a: {  	s1 =	srdreg.scid  }
0x8b: {  	s0 =	sand.u32 $0x1, s1  }
0x8c: {  	s17 =	sshll.u32 s0, $0xA;
	s2 =	sadd.s32 s3, s2  }
0x8d: {  	s2 =	sadd.s32 s2, s17  }
0x8e: {  	[smem:$0x3FB9] =	sst s2  }
0x8f: {  	_ = 	snop  }
0x90: {  	s18 =	sld [smem:$0x3FD0];
	(tm) =	ssettm $0x1  }
0x91: {  	s19 =	sld [smem:$0x3FFB];
	_ =	sdelay $0x3  }
0x92: {  	_ =	strace s19  }
0x93: {  	s2 =	sld [smem:$0x3FFC];
	_ =	sdelay $0x3  }
0x94: {  	_ =	strace s2  }
0x95: {  	s2 =	sld [smem:$0x3FFD];
	_ =	sdelay $0x3  }
0x96: {  	_ =	strace s2  }
0x97: {  	_ =	strace $0x8FFFFFFF  }
0x98: {  	s20 =	sld [smem:$0x3FDB];
	_ =	sdelay $0x1  }
0x99: {  	s4 =	simm.s32 $_scs_section_size  }
0x9a: {  	s5 =	simm.s32 $_size__tile_overlayer_lowered;
	s6 =	simm.s32 $_tile_overlayer_lowered  }
0x9b: {  	s7 =	simm.s32 $0x1BFF;
	s21 =	sshll.u32 s6, $0x1;
	s4 =	sadd.s32 s4, s20  }
0x9c: {  	s22 =	simm.s32 $0x0;
	s5 =	sshll.u32 s5, $0x1;
	s6 =	sadd.s32 s21, s4  }
0x9d: {  	[timem:s22], [sflag:s7] =	dma.local [hbm:s6], s5  }
0x9e: {  	_ =	swait.ge [sflag:s7], s5  }
0x9f: {  	s5 =	ssub.s32 $0x0, s5;
	[sflag:s7] =	ssyncset.done $0x0  }
0xa0: {  	[sflag:s7] =	ssyncadd.s32 s5;
	_ =	sdelay $0x1  }
0xa1: {  	s23 =	simm.s32 $0x1B8B  }
0xa2: {  	_ =	swait.ge [sflag:s23], $0x1  }
0xa3: {  	[sflag:s23] =	ssyncset.done $0x0  }
0xa4: {  	[sflag:s23] =	ssyncadd.s32 $0xFFFFFFFF  }
0xa5: {  	s5 =	sld [smem:$0x0]  }
0xa6: {  	s6 =	sand.u32 $0xFFFFFFFE, s1  }
0xa7: {  	p0 =	sne.s32 s1, s6  }
0xa8: {  	s6 =	sshll.u32 @p0 s6, $0xE  }
0xa9: {  	s6 =	sadd.s32 @p0 $0x11B8D, s6;
	s7 =	sshll.u32 @p0 s5, $0x11  }
0xaa: {  	s6 =	sor.u32 @p0 s7, s6  }
0xab: {  	[sflag:s6] =	ssyncadd.remote.s32 @p0 $0x1;
	_ =	sdelay $0x1  }
0xac: {  	s6 =	simm.s32 @p0 $0x1B8D  }
0xad: {  	_ =	swait.eq @p0 [sflag:s6], $0x1  }
0xae: {  	[sflag:s6] =	ssyncadd.s32 @p0 $0xFFFFFFFF  }
0xaf: {  	s7 =	sshll.u32 @!p0 s1, $0xE  }
0xb0: {  	s7 =	sor.u32 @!p0 $0x4000, s7;
	s6 =	simm.s32 @!p0 $0x1B8D  }
0xb1: {  	s5 =	sshll.u32 @!p0 s5, $0x11;
	s7 =	sadd.s32 @!p0 $0x11B8D, s7;
	_ =	swait.eq @!p0 [sflag:s6], $0x1  }
0xb2: {  	s5 =	sor.u32 @!p0 s5, s7;
	[sflag:s6] =	ssyncadd.s32 @!p0 $0xFFFFFFFF  }
0xb3: {  	s25 =	simm.s32 $0x1B8E;
	s24 =	sld [smem:$0x3FFE];
	[sflag:s5] =	ssyncadd.remote.s32 @!p0 $0x1  }
0xb4: {  	s26 =	simm.s32 $execute0_lowered;
	[smem:$0x3FD2] =	sst s25  }
0xb5: {  	s6 =	sshll.u32 s26, $0x1;
	_ =	strace $0x8000004F;
	[dreg:$0x1] =	wrdreg $0xFFFFFFFF  }
0xb6: {  	s28 =	simm.s32 $_size_execute0_lowered;
	s4 =	sadd.s32 s4, s6;
	[dreg:$0x0] =	wrdreg $0x0  }
0xb7: {  	s6 =	sshll.u32 s28, $0x1;
	[dreg:$0x2] =	wrdreg s4  }
0xb8: {  	[dreg:$0x3] =	wrdreg s6  }
0xb9: {  	[dreg:$0x4] =	wrdreg $0xC0  }
0xba: {  	_ =	task [dreg:s22], $0x5FFFF  }
0xbb: {  	[dreg:$0x1] =	wrdreg $0xFFFFFFFF  }
0xbc: {  	[dreg:$0x0] =	wrdreg $0x60  }
0xbd: {  	[dreg:$0x2] =	wrdreg s18  }
0xbe: {  	[dreg:$0x3] =	wrdreg s24  }
0xbf: {  	[dreg:$0x4] =	wrdreg $0x9  }
0xc0: {  	_ =	task.clear_ibuf [dreg:s22], $0x5FFFF;
	_ =	strace $0x9000004F  }
0xc1: {  	s29 =	simm.s32 $0x9;
	_ =	strace $0x80000051  }
0xc2: {  	_ =	swait.ge [sflag:s29], $0x1  }
0xc3: {  	[sflag:s29] =	ssyncadd.s32 $0xFFFFFFFF  }
0xc4: {  	_ =	strace $0x90000051  }
0xc5: {  	_ =	sfence  }
0xc6: {  	s30 =	sld [smem:$0x0];
	_ =	sdelay $0x2  }
0xc7: {  	s31 =	sshll.u32 s1, $0xD;
	s1 =	sshrl.u32 s1, $0x2  }
0xc8: {  	s4 =	sand.u32 $0x4000, s31;
	s1 =	sadd.s32 s1, s30  }
0xc9: {  	s0 =	sor.u32 s4, s0;
	s1 =	sshll.u32 s1, $0x11  }
0xca: {  	s0 =	sor.u32 s1, s0  }
0xcb: {  	s0 =	sadd.s32 $0x8F2B, s0  }
0xcc: {  	[sflag:s0] =	ssyncadd.remote.s32 $0x1  }
0xcd: {  	_ =	sfence.sel $0xFFFF  }
0xce: {  	[dreg:$0x0] =	wrdreg $0xFFFFFFFF;
	(pc) =	sbr.abs _section_cstart, $3  }
0xcf: {  	[dreg:$0x1] =	wrdreg $0xFFFFFFFF  }
0xd0: {  	_ =	task.clear_ibuf [dreg:s22], $0x2FFFF;
	_ =	strace $0x9FFFFFFF  }
0xd1: {  	(tm) =	ssettm $0x7FFFFFFF  }
tec
execute0_lowered:
.L_overlay_start_1:
0x0: {  	(tag) =	ssettag $0x1  }
0x1: {  	s2 =	rddreg [dreg:$0x0]  }
0x2: {  	s1 =	srdreg.scid;
	s0 =	stileid.u32  }
0x3: {  	s4 =	rddreg [dreg:$0x1];
	s9 =	simm.s32 $0x1;
	s10 =	simm.s32 $0xED80  }
0x4: {  	s11 =	simm.s32 $0x10200;
	s12 =	simm.s32 $0x11680;
	s13 =	simm.s32 $0x7580  }
0x5: {  	s14 =	simm.s32 $0x80;
	s15 =	simm.s32 $0x400;
	s16 =	simm.s32 $0x0  }
0x6: {  	s5 =	sand.u32 $0x1, s1;
	s3 =	sshll.u32 s0, $0x1;
	s1 =	rddreg [dreg:$0x2]  }
0x7: {  	s7 =	sshrl.u32 s0, $0x2;
	s6 =	sor.u32 s5, s3;
	s3 =	simm.s32 $0x0  }
0x8: {  	s7 =	smul.u32 $0x3C000, s7;
	s5 =	ssub.s32 $0x2, s5;
	s8 =	sshll.u32 s6, $0x7  }
0x9: {  	[smem:$0x7FF] =	sst s3;
	s6 =	smul.u32 $0x28A, s6;
	s8 =	sand.u32 $0x380, s8  }
0xa: {  	s31 =	sshrl.u32 s5, $0x1;
	_ =	strace $0x80000050;
	s7 =	sor.u32 s7, s8  }
0xb: {  	s6 =	sadd.s32 s6, s4;
	s8 =	ssub.s32 s5, s31;
	s7 =	sshrl.u32 s7, $0x3  }
0xc: {  	s5 =	sadd.s32 $0x4000, s6;
	s8 =	smax.u32 s8, $0x1;
	s7 =	sadd.s32 s7, s4  }
0xd: {  	v0 =	vimm.f32 $0.0e+00;
	s4 =	sadd.s32 $0xDE00, s6;
	s6 =	sadd.s32 $0x17C00, s6;
	s7 =	sadd.s32 $0x1CE00, s7  }
.LBB2_1:
0xe: {  	[tilespmem:s3], [sflag:$0x1] =	stream.linear.gather [hbm4b:s2+s3], $0x7580, $0x38;
	[tilespmem:$0x12B00] =	vst v63  }
0xf: {  	_ =	swait.ge [sflag:s9], $0x7580  }
0x10: {  	[sflag:s9] =	ssyncset.done $0x0  }
0x11: {  	[sflag:s9] =	ssyncadd.s32 $0xFFFF8A80  }
0x12: {  	[tilespmem:s10], [sflag:$0x1] =	stream.linear.gather [hbm4b:s4+s3], $0x1450, $0x38;
	[tilespmem:$0x12B00] =	vst v63  }
0x13: {  	_ =	swait.ge [sflag:s9], $0x1450  }
0x14: {  	[sflag:s9] =	ssyncset.done $0x0  }
0x15: {  	[sflag:s9] =	ssyncadd.s32 $0xFFFFEBB0  }
0x16: {  	[tilespmem:s11], [sflag:$0x1] =	stream.linear.gather [hbm4b:s5+s3], $0x1450, $0x38;
	[tilespmem:$0x12B00] =	vst v63  }
0x17: {  	_ =	swait.ge [sflag:s9], $0x1450  }
0x18: {  	[sflag:s9] =	ssyncset.done $0x0  }
0x19: {  	[sflag:s9] =	ssyncadd.s32 $0xFFFFEBB0  }
0x1a: {  	[tilespmem:s12], [sflag:$0x1] =	stream.linear.gather [hbm4b:s6+s3], $0x1450, $0x38;
	[tilespmem:$0x12B00] =	vst v63  }
0x1b: {  	_ =	swait.ge [sflag:s9], $0x1450  }
0x1c: {  	[sflag:s9] =	ssyncset.done $0x0  }
0x1d: {  	s17 =	simm.s32 $0x0;
	[sflag:s9] =	ssyncadd.s32 $0xFFFFEBB0  }
.LBB2_2:
0x1e: {  	p0 =	sne.s32 s17, $0x1DFC0  }
.Ltmp0:
0x1f: {  	_ = 	snop;
	(pc) =	sbr.rel @p0 .LBB2_2-.Ltmp0, $3  }
0x20: {  	_ =	sdelay $0x1  }
0x21: {  	s18 =	sshra.s32 s17, $0x2  }
0x22: {  	s17 =	sadd.s32 $0x40, s17;
	[tilespmem:s18+$0x7580] =	vst v0  }
0x23: {  	s17 =	simm.s32 $0x0  }
0x24: {  	v3 =	vld [tilespmem:s17+$0xED80]  }
0x25: {  	v2 =	vld [tilespmem:s17+$0x10200];
	_ =	sdelay $0x1  }
0x26: {  	v1 =	vld [tilespmem:s17+$0x11680];
	s17 =	simm.s32 $0x40  }
.LBB2_4:
0x27: {  	p0 =	sne.s32 s17, $0x5100  }
0x28: {  	v3 =	vmul.u32 $0x3, v3  }
0x29: {  	v2 =	vmul.u32 $0x3, v2;
	_ =	sdelay $0x1  }
0x2a: {  	v4 =	vadd.s32 $0x1, v3  }
0x2b: {  	v5 =	vadd.s32 $0x1, v2  }
0x2c: {  	v6 =	vadd.s32 $0x2, v3  }
0x2d: {  	v8 =	vadd.s32 $0x2, v2;
	v7 =	vld.idx.msk [tilespmem:v3+s3+$0x0], $0xffff  }
0x2e: {  	v2 =	vld.idx.msk [tilespmem:v2+s3+$0x0], $0xffff  }
0x2f: {  	v9 =	vld.idx.msk [tilespmem:v4+s3+$0x0], $0xffff  }
0x30: {  	v5 =	vld.idx.msk [tilespmem:v5+s3+$0x0], $0xffff  }
0x31: {  	v10 =	vld.idx.msk [tilespmem:v6+s3+$0x0], $0xffff  }
0x32: {  	v8 =	vld.idx.msk [tilespmem:v8+s3+$0x0], $0xffff;
	_ =	sdelay $0x3  }
0x33: {  	v2 =	vsub.f32 v7, v2;
	v5 =	vsub.f32 v9, v5;
	_ =	sdelay $0x1  }
0x34: {  	v7 =	vsub.f32 v10, v8;
	v8 =	vmul.f32 v2, v2;
	v9 =	vmul.f32 v5, v5;
	_ =	sdelay $0x1  }
0x35: {  	v8 =	vadd.f32 v9, v8;
	v9 =	vmul.f32 v7, v7;
	_ =	sdelay $0x1  }
0x36: {  	v8 =	vadd.f32 v9, v8;
	_ =	sdelay $0x1  }
0x37: {  	v8 =	vmax.f32 v8, $1.000000000e-30  }
0x38: {  	v9 =	vshra.s32 v8, $0x1;
	v10 =	vmul.f32 $5.000000000e-01, v8  }
0x39: {  	v9 =	vsub.s32 $0x5F3759DF, v9  }
0x3a: {  	v11 =	vmul.f32 v9, v10;
	_ =	sdelay $0x1  }
0x3b: {  	v11 =	vmul.f32 v9, v11;
	_ =	sdelay $0x1  }
0x3c: {  	v11 =	vsub.f32 $1.500000000e+00, v11;
	_ =	sdelay $0x1  }
0x3d: {  	v9 =	vmul.f32 v9, v11;
	_ =	sdelay $0x1  }
0x3e: {  	v11 =	vmul.f32 v9, v10;
	_ =	sdelay $0x1  }
0x3f: {  	v11 =	vmul.f32 v11, v9;
	_ =	sdelay $0x1  }
0x40: {  	v11 =	vsub.f32 $1.500000000e+00, v11;
	_ =	sdelay $0x1  }
0x41: {  	v9 =	vmul.f32 v11, v9;
	_ =	sdelay $0x1  }
0x42: {  	v10 =	vmul.f32 v9, v10;
	_ =	sdelay $0x1  }
0x43: {  	v10 =	vmul.f32 v10, v9;
	_ =	sdelay $0x1  }
0x44: {  	v10 =	vsub.f32 $1.500000000e+00, v10;
	_ =	sdelay $0x1  }
0x45: {  	v9 =	vmul.f32 v10, v9;
	_ =	sdelay $0x1  }
0x46: {  	v8 =	vmul.f32 v9, v8;
	_ =	sdelay $0x1  }
0x47: {  	v8 =	vmax.f32 v8, $9.999999930e-09  }
0x48: {  	(erf) = vrcp.f32 v8;
	_ =	sdelay $0x8  }
0x49: {  	v8 =	vpop (erf)  }
0x4a: {  	v1 =	vmul.f32 v8, v1;
	_ =	sdelay $0x1  }
0x4b: {  	v2 =	vmul.f32 v1, v2;
	v7 =	vmul.f32 v1, v7  }
0x4c: {  	v1 =	vmul.f32 v1, v5  }
0x4d: {  	[tilespmem:v3+s13+$0x0] =	vst.idx.add.f32.msk $0xffff, v2  }
0x4e: {  	[tilespmem:v4+s13+$0x0] =	vst.idx.add.f32.msk $0xffff, v1  }
0x4f: {  	s18 =	sshra.s32 s17, $0x2;
	[tilespmem:v6+s13+$0x0] =	vst.idx.add.f32.msk $0xffff, v7  }
.Ltmp1:
0x50: {  	v2 =	vld [tilespmem:s18+$0x10200];
	(pc) =	sbr.rel @p0 .LBB2_4-.Ltmp1, $3  }
0x51: {  	v3 =	vld [tilespmem:s18+$0xED80]  }
0x52: {  	v1 =	vld [tilespmem:s18+$0x11680];
	_ =	sdelay $0x1  }
0x53: {  	s17 =	sadd.s32 $0x40, s17  }
0x54: {  	v2 =	vmul.u32 $0x3, v2  }
0x55: {  	v3 =	vmul.u32 $0x3, v3;
	_ =	sdelay $0x1  }
0x56: {  	v5 =	vadd.s32 $0x1, v2  }
0x57: {  	v4 =	vadd.s32 $0x1, v3  }
0x58: {  	v8 =	vadd.s32 $0x2, v2  }
0x59: {  	v6 =	vadd.s32 $0x2, v3;
	v2 =	vld.idx.msk [tilespmem:v2+s3+$0x0], $0xffff  }
0x5a: {  	v7 =	vld.idx.msk [tilespmem:v3+s3+$0x0], $0xffff  }
0x5b: {  	v5 =	vld.idx.msk [tilespmem:v5+s3+$0x0], $0xffff  }
0x5c: {  	v9 =	vld.idx.msk [tilespmem:v4+s3+$0x0], $0xffff  }
0x5d: {  	v8 =	vld.idx.msk [tilespmem:v8+s3+$0x0], $0xffff  }
0x5e: {  	v10 =	vld.idx.msk [tilespmem:v6+s3+$0x0], $0xffff;
	_ =	sdelay $0x2  }
0x5f: {  	v2 =	vsub.f32 v7, v2;
	v5 =	vsub.f32 v9, v5;
	_ =	sdelay $0x1  }
0x60: {  	v59 =	vsub.f32 v10, v8;
	v60 =	vmul.f32 v2, v2;
	v9 =	vmul.f32 v5, v5;
	_ =	sdelay $0x1  }
0x61: {  	v61 =	vmul.f32 v59, v59;
	v8 =	vadd.f32 v9, v60;
	_ =	sdelay $0x1  }
0x62: {  	v8 =	vadd.f32 v61, v8;
	_ =	sdelay $0x1  }
0x63: {  	v8 =	vmax.f32 v8, $1.000000000e-30  }
0x64: {  	v62 =	vshra.s32 v8, $0x1;
	v63 =	vmul.f32 $5.000000000e-01, v8  }
0x65: {  	v9 =	vsub.s32 $0x5F3759DF, v62  }
0x66: {  	v11 =	vmul.f32 v9, v63;
	_ =	sdelay $0x1  }
0x67: {  	v11 =	vmul.f32 v9, v11;
	_ =	sdelay $0x1  }
0x68: {  	v11 =	vsub.f32 $1.500000000e+00, v11;
	_ =	sdelay $0x1  }
0x69: {  	v9 =	vmul.f32 v9, v11;
	_ =	sdelay $0x1  }
0x6a: {  	v11 =	vmul.f32 v9, v63;
	_ =	sdelay $0x1  }
0x6b: {  	v11 =	vmul.f32 v11, v9;
	_ =	sdelay $0x1  }
0x6c: {  	v11 =	vsub.f32 $1.500000000e+00, v11;
	_ =	sdelay $0x1  }
0x6d: {  	v9 =	vmul.f32 v11, v9;
	_ =	sdelay $0x1  }
0x6e: {  	v10 =	vmul.f32 v9, v63;
	_ =	sdelay $0x1  }
0x6f: {  	v10 =	vmul.f32 v10, v9;
	_ =	sdelay $0x1  }
0x70: {  	v10 =	vsub.f32 $1.500000000e+00, v10;
	_ =	sdelay $0x1  }
0x71: {  	v9 =	vmul.f32 v10, v9;
	_ =	sdelay $0x1  }
0x72: {  	v8 =	vmul.f32 v9, v8;
	_ =	sdelay $0x1  }
0x73: {  	v8 =	vmax.f32 v8, $9.999999930e-09  }
0x74: {  	(erf) = vrcp.f32 v8;
	_ =	sdelay $0x8  }
0x75: {  	v8 =	vpop (erf)  }
0x76: {  	v1 =	vmul.f32 v8, v1;
	_ =	sdelay $0x1  }
0x77: {  	v2 =	vmul.f32 v1, v2  }
0x78: {  	v5 =	vmul.f32 v1, v5  }
0x79: {  	s16 =	sadd.s32 $0x1, s16;
	v1 =	vmul.f32 v1, v59;
	[tilespmem:v3+s13+$0x0] =	vst.idx.add.f32.msk $0xffff, v2  }
0x7a: {  	p0 =	sne.s32 s16, s8;
	[tilespmem:v4+s13+$0x0] =	vst.idx.add.f32.msk $0xffff, v5  }
.Ltmp2:
0x7b: {  	[tilespmem:v6+s13+$0x0] =	vst.idx.add.f32.msk $0xffff, v1;
	(pc) =	sbr.rel @p0 .LBB2_1-.Ltmp2, $4  }
0x7c: {  	[hbm4b:s7+s14] =	stream.strided.scatter [tilespmem:s13], [sflag:$0x1], $0x7800, s15, s14, $0x38;
	[tilespmem:$0x12B00] =	vst v63  }
0x7d: {  	_ =	swait.ge [sflag:s9], $0x7800  }
0x7e: {  	[sflag:s9] =	ssyncset.done $0x0  }
0x7f: {  	[sflag:s9] =	ssyncadd.s32 $0xFFFF8800  }
0x80: {  	_ =	sfence.sel $0x180000  }
0x81: {  	[bflag:$0x0] =	sbarrier.arrive $0xFFFF  }
0x82: {  	p0 =	sne.s32 s0, $0x0;
	_ =	strace $0x90000050  }
0x83: {  	s0 =	sadd.s32 @!p0 $0x100000, s1;
	[bflag:$0x2] =	sbarrier.arrive $0xFFFF  }
0x84: {  	[sflag:s0] =	ssyncadd.tile.s32 @!p0 $0x1;
	_ =	shalt  }
.Lfunc_end2:
_tile_overlayer_lowered:
.L_overlay_start_2:
0x85: {  	(tag) =	ssettag $0x2  }
0x86: {  	s0 =	rddreg [dreg:$0x0];
	s2 =	stileid.u32  }
0x87: {  	s1 =	rddreg [dreg:$0x1];
	p0 =	sne.s32 s2, $0x0  }
0x88: {  	s3 =	rddreg [dreg:$0x2];
	[bflag:$0x3] =	sbarrier.arrive $0xFFFF;
	s2 =	simm.s32 @!p0 $0x1C01  }
0x89: {  	[timem:s3], [sflag:s2] =	dma.local @!p0 [hbm:s0], s1  }
0x8a: {  	s0 =	simm.s32 @!p0 $0x1  }
0x8b: {  	_ =	swait.ge @!p0 [sflag:s0], s1  }
0x8c: {  	s1 =	ssub.s32 @!p0 $0x0, s1;
	[sflag:s0] =	ssyncset.done @!p0 $0x0  }
0x8d: {  	[sflag:s0] =	ssyncadd.s32 @!p0 s1  }
0x8e: {  	[bflag:$0x3] =	sbarrier.arrive $0xFFFF  }
0x8f: {  	_ =	shalt  }

// kernel: kernel.16.cloned.1.call-start
scs
__scs_entry_jumppad:
0x0: {  	(pc) =	sbr.rel $0x88, $3  }
0x1: {  	(tag) =	ssettag $0x0;
	lr =	simm.s32 $0x1  }
0x2: {  	[smem:$0x3F92] =	sst lr;
	_ =	strace $0xD0000000  }
0x3: {  	_ = 	snop  }
0x4: {  	_ = 	snop  }
0x5: {  	_ = 	snop  }
0x6: {  	_ = 	snop  }
0x7: {  	_ = 	snop  }
__scs_overlays_trampoline_lowered:
0x8: {  	[smem:$0x3FA1] =	sst s0  }
0x9: {  	[smem:$0x3FA2] =	sst s1  }
0xa: {  	[smem:$0x3FA3] =	sst s2  }
0xb: {  	[smem:$0x3FA4] =	sst s3  }
0xc: {  	[smem:$0x3FA5] =	sst s4  }
0xd: {  	[smem:$0x3FA6] =	sst s5  }
0xe: {  	[smem:$0x3FA7] =	sst s6  }
0xf: {  	[smem:$0x3FA8] =	sst s7  }
0x10: {  	[smem:$0x3FA9] =	sst s8  }
0x11: {  	[smem:$0x3FAA] =	sst s9;
	s0 =	simm.s32 @!p0 $0x0  }
0x12: {  	s1 =	sld [smem:$0x3F90];
	s0 =	simm.s32 @p0 $0x1  }
0x13: {  	[smem:$0x3FAB] =	sst s0;
	s0 =	simm.s32 @!p1 $0x0  }
0x14: {  	s2 =	sld [smem:$0x3F8F];
	s0 =	simm.s32 @p1 $0x1  }
0x15: {  	[smem:$0x3FAC] =	sst s0;
	s0 =	simm.s32 @!p2 $0x0  }
0x16: {  	s3 =	sld [smem:$0x3FDB];
	s0 =	simm.s32 @p2 $0x1  }
0x17: {  	s4 =	simm.s32 $0x1BF5;
	[smem:$0x3FAE] =	sst s0  }
0x18: {  	s0 =	sld [smem:$0x3F91];
	_ =	swait.ge [sflag:s4], $0x0  }
0x19: {  	s7 =	sld [smem:$0x3F92]  }
0x1a: {  	s8 =	sadd.s32 $0xFFFFE003, lr  }
0x1b: {  	s9 =	sadd.s32 $0xFFFFFEF7, lr;
	s5 =	simm.s32 $0xFFFFFFFF;
	p2 =	slt.u32 s8, $0xFFFFF086  }
0x1c: {  	p1 =	slt.u32 s9, $0xF7A;
	s5 =	simm.s32 @!p2 $0x0  }
0x1d: {  	s5 =	simm.s32 @p1 $0x1;
	p0 =	seq.s32 s7, s2  }
0x1e: {  	s7 =	smul.u32 @!p0 $0xF7A, s2;
	p2 =	seq.s32 @!p0 s5, $0x0  }
0x1f: {  	s9 =	smul.u32 $0xF7A, s1;
	s8 =	simm.s32 @!p0 $0x1BF5;
	p2 =	por !p2, p0  }
0x20: {  	[sflag:s8] =	ssyncset.s32 @!p0 $0xFFFFF086;
	s6 =	sadd.s32 @!p0 s3, s7;
	s7 =	simm.s32 @!p0 $0x108  }
0x21: {  	s3 =	sadd.s32 s3, s9;
	s6 =	sadd.s32 @!p0 $0x88, s6;
	s7 =	simm.s32 @p2 $0x1082  }
0x22: {  	[simem:s7], [sflag:s8] =	dma.local @!p0 [hbm:s6], $0xF7A  }
0x23: {  	s9 =	sor.u32 $0xD0000000, s2;
	s6 =	simm.s32 $0x108;
	_ =	swait.ge @!p0 [sflag:s8], $0x0  }
0x24: {  	s3 =	sadd.s32 $0x88, s3;
	s6 =	simm.s32 @!p1 $0x1082;
	[sflag:s4] =	ssyncset.s32 $0xFFFFF086  }
0x25: {  	[simem:s6], [sflag:s4] =	dma.local [hbm:s3], $0xF7A  }
0x26: {  	[smem:$0x3F92] =	sst s1;
	(tag) =	ssettag s2;
	_ =	strace s9  }
0x27: {  	s1 =	sld [smem:$0x3FA2]  }
0x28: {  	s2 =	sld [smem:$0x3FA3]  }
0x29: {  	s4 =	sld [smem:$0x3FA5]  }
0x2a: {  	p0 =	seq.s32 s5, $0x0;
	s5 =	sld [smem:$0x3FA6]  }
0x2b: {  	s6 =	sld [smem:$0x3FA7]  }
0x2c: {  	s7 =	sld [smem:$0x3FA8]  }
0x2d: {  	s3 =	simm.s32 $0x108;
	s8 =	sld [smem:$0x3FA9]  }
0x2e: {  	s3 =	simm.s32 @!p0 $0x1082;
	s9 =	sld [smem:$0x3FAA]  }
0x2f: {  	lr =	sadd.s32 s0, s3;
	s0 =	sld [smem:$0x3FA1]  }
0x30: {  	s3 =	sld [smem:$0x3FA4]  }
0x31: {  	[smem:$0x3FAD] =	sst s10  }
0x32: {  	s10 =	sld [smem:$0x3FAB];
	_ =	sdelay $0x3  }
0x33: {  	p0 =	seq.s32 s10, $0x1;
	s10 =	sld [smem:$0x3FAD];
	_ =	sdelay $0x3  }
0x34: {  	[smem:$0x3FAD] =	sst s10  }
0x35: {  	s10 =	sld [smem:$0x3FAC];
	_ =	sdelay $0x3  }
0x36: {  	p1 =	seq.s32 s10, $0x1;
	s10 =	sld [smem:$0x3FAD];
	_ =	sdelay $0x3  }
0x37: {  	[smem:$0x3FAD] =	sst s10  }
0x38: {  	s10 =	sld [smem:$0x3FAE]  }
0x39: {  	_ = 	snop;
	(pc) =	sbr.ind lr, $3  }
0x3a: {  	_ = 	snop  }
0x3b: {  	_ = 	snop  }
0x3c: {  	p2 =	seq.s32 s10, $0x1;
	s10 =	sld [smem:$0x3FAD]  }
0x3d: {  	_ =	shalt  }
0x3e: {  	_ =	shalt  }
0x3f: {  	_ =	shalt  }
0x40: {  	_ =	shalt  }
0x41: {  	_ =	shalt  }
0x42: {  	_ =	shalt  }
0x43: {  	_ =	shalt  }
0x44: {  	_ =	shalt  }
0x45: {  	_ =	shalt  }
0x46: {  	_ =	shalt  }
0x47: {  	_ =	shalt  }
0x48: {  	_ =	shalt  }
0x49: {  	_ =	shalt  }
0x4a: {  	_ =	shalt  }
0x4b: {  	_ =	shalt  }
0x4c: {  	_ =	shalt  }
0x4d: {  	_ =	shalt  }
0x4e: {  	_ =	shalt  }
0x4f: {  	_ =	shalt  }
0x50: {  	_ =	shalt  }
0x51: {  	_ =	shalt  }
0x52: {  	_ =	shalt  }
0x53: {  	_ =	shalt  }
0x54: {  	_ =	shalt  }
0x55: {  	_ =	shalt  }
0x56: {  	_ =	shalt  }
0x57: {  	_ =	shalt  }
0x58: {  	_ =	shalt  }
0x59: {  	_ =	shalt  }
0x5a: {  	_ =	shalt  }
0x5b: {  	_ =	shalt  }
0x5c: {  	_ =	shalt  }
0x5d: {  	_ =	shalt  }
0x5e: {  	_ =	shalt  }
0x5f: {  	_ =	shalt  }
0x60: {  	_ =	shalt  }
0x61: {  	_ =	shalt  }
0x62: {  	_ =	shalt  }
0x63: {  	_ =	shalt  }
0x64: {  	_ =	shalt  }
0x65: {  	_ =	shalt  }
0x66: {  	_ =	shalt  }
0x67: {  	_ =	shalt  }
0x68: {  	_ =	shalt  }
0x69: {  	_ =	shalt  }
0x6a: {  	_ =	shalt  }
0x6b: {  	_ =	shalt  }
0x6c: {  	_ =	shalt  }
0x6d: {  	_ =	shalt  }
0x6e: {  	_ =	shalt  }
0x6f: {  	_ =	shalt  }
0x70: {  	_ =	shalt  }
0x71: {  	_ =	shalt  }
0x72: {  	_ =	shalt  }
0x73: {  	_ =	shalt  }
0x74: {  	_ =	shalt  }
0x75: {  	_ =	shalt  }
0x76: {  	_ =	shalt  }
0x77: {  	_ =	shalt  }
0x78: {  	_ =	shalt  }
0x79: {  	_ =	shalt  }
0x7a: {  	_ =	shalt  }
0x7b: {  	_ =	shalt  }
0x7c: {  	_ =	shalt  }
0x7d: {  	_ =	shalt  }
0x7e: {  	_ =	shalt  }
0x7f: {  	_ =	shalt  }
0x80: {  	_ =	shalt  }
0x81: {  	_ =	shalt  }
0x82: {  	_ =	shalt  }
0x83: {  	_ =	shalt  }
0x84: {  	_ =	shalt  }
0x85: {  	_ =	shalt  }
0x86: {  	_ =	shalt  }
0x87: {  	_ =	shalt  }
.Lfunc_end0:
.L_simem_size_0:
called_computation.2_lowered:
.L_overlay_start_0:
0x88: {  	s2 =	sld [smem:$0x3FD9]  }
0x89: {  	s3 =	sld [smem:$0x3FFE];
	_ =	sdelay $0x1  }
0x8a: {  	s1 =	srdreg.scid  }
0x8b: {  	s0 =	sand.u32 $0x1, s1  }
0x8c: {  	s16 =	sshll.u32 s0, $0xA;
	s2 =	sadd.s32 s3, s2  }
0x8d: {  	s2 =	sadd.s32 s2, s16  }
0x8e: {  	[smem:$0x3FB9] =	sst s2  }
0x8f: {  	_ = 	snop  }
0x90: {  	(tm) =	ssettm $0x1  }
0x91: {  	s17 =	sld [smem:$0x3FFB];
	_ =	sdelay $0x3  }
0x92: {  	_ =	strace s17  }
0x93: {  	s2 =	sld [smem:$0x3FFC];
	_ =	sdelay $0x3  }
0x94: {  	_ =	strace s2  }
0x95: {  	s2 =	sld [smem:$0x3FFD];
	_ =	sdelay $0x3  }
0x96: {  	_ =	strace s2  }
0x97: {  	_ =	strace $0x8FFFFFFF  }
0x98: {  	s18 =	sld [smem:$0x3FDB];
	_ =	sdelay $0x1  }
0x99: {  	s19 =	simm.s32 $_scs_section_size  }
0x9a: {  	s4 =	simm.s32 $_size__tile_overlayer_lowered;
	s5 =	simm.s32 $_tile_overlayer_lowered  }
0x9b: {  	s22 =	simm.s32 $0x1BFF;
	s21 =	sshll.u32 s5, $0x1;
	s2 =	sadd.s32 s19, s18  }
0x9c: {  	s6 =	simm.s32 $0x0;
	s20 =	sshll.u32 s4, $0x1;
	s4 =	sadd.s32 s21, s2  }
0x9d: {  	[timem:s6], [sflag:s22] =	dma.local [hbm:s4], s20  }
0x9e: {  	_ =	swait.ge [sflag:s22], s20  }
0x9f: {  	s3 =	ssub.s32 $0x0, s20;
	[sflag:s22] =	ssyncset.done $0x0  }
0xa0: {  	[sflag:s22] =	ssyncadd.s32 s3;
	_ =	sdelay $0x1  }
0xa1: {  	s23 =	simm.s32 $0x1B8B  }
0xa2: {  	_ =	swait.ge [sflag:s23], $0x1  }
0xa3: {  	[sflag:s23] =	ssyncset.done $0x0  }
0xa4: {  	s25 =	simm.s32 $0x1B8E;
	s24 =	sld [smem:$0x3FFE];
	[sflag:s23] =	ssyncadd.s32 $0xFFFFFFFF  }
0xa5: {  	s26 =	simm.s32 $execute0_lowered;
	[smem:$0x3FD2] =	sst s25  }
0xa6: {  	s4 =	sshll.u32 s26, $0x1;
	_ =	strace $0x80000046;
	[dreg:$0x1] =	wrdreg $0xFFFFFFFF  }
0xa7: {  	s28 =	simm.s32 $_size_execute0_lowered;
	s2 =	sadd.s32 s2, s4;
	[dreg:$0x0] =	wrdreg $0x0  }
0xa8: {  	s4 =	sshll.u32 s28, $0x1;
	[dreg:$0x2] =	wrdreg s2  }
0xa9: {  	[dreg:$0x3] =	wrdreg s4  }
0xaa: {  	[dreg:$0x4] =	wrdreg $0xC0  }
0xab: {  	_ =	task [dreg:s6], $0x5FFFF  }
0xac: {  	[dreg:$0x1] =	wrdreg $0xFFFFFFFF  }
0xad: {  	[dreg:$0x0] =	wrdreg $0x60  }
0xae: {  	[dreg:$0x2] =	wrdreg s24  }
0xaf: {  	[dreg:$0x3] =	wrdreg $0xA  }
0xb0: {  	_ =	task.clear_ibuf [dreg:s6], $0x4FFFF;
	_ =	strace $0x90000046  }
0xb1: {  	s29 =	simm.s32 $0xA;
	_ =	strace $0x80000048  }
0xb2: {  	_ =	swait.ge [sflag:s29], $0x1  }
0xb3: {  	[sflag:s29] =	ssyncadd.s32 $0xFFFFFFFF  }
0xb4: {  	_ =	strace $0x90000048  }
0xb5: {  	_ =	sfence  }
0xb6: {  	s30 =	sld [smem:$0x0];
	_ =	sdelay $0x2  }
0xb7: {  	s31 =	sshll.u32 s1, $0xD;
	s1 =	sshrl.u32 s1, $0x2  }
0xb8: {  	s3 =	sand.u32 $0x4000, s31;
	s1 =	sadd.s32 s1, s30  }
0xb9: {  	s0 =	sor.u32 s3, s0;
	s1 =	sshll.u32 s1, $0x11  }
0xba: {  	s0 =	sor.u32 s1, s0  }
0xbb: {  	s0 =	sadd.s32 $0x8F2B, s0  }
0xbc: {  	[sflag:s0] =	ssyncadd.remote.s32 $0x1  }
0xbd: {  	_ =	sfence.sel $0xFFFF  }
0xbe: {  	[dreg:$0x0] =	wrdreg $0xFFFFFFFF;
	(pc) =	sbr.abs _section_cstart, $3  }
0xbf: {  	[dreg:$0x1] =	wrdreg $0xFFFFFFFF  }
0xc0: {  	_ =	task.clear_ibuf [dreg:s6], $0x2FFFF;
	_ =	strace $0x9FFFFFFF  }
0xc1: {  	(tm) =	ssettm $0x7FFFFFFF  }
tec
execute0_lowered:
.L_overlay_start_1:
0x0: {  	(tag) =	ssettag $0x1  }
0x1: {  	s0 =	srdreg.scid  }
0x2: {  	s2 =	stileid.u32;
	s1 =	rddreg [dreg:$0x0];
	s10 =	simm.s32 $0xB  }
0x3: {  	s12 =	simm.s32 $0x28;
	s13 =	simm.s32 $0x2600;
	s15 =	simm.s32 $0x3A00  }
0x4: {  	s16 =	simm.s32 $0x9E00;
	s17 =	simm.s32 $0x1;
	s18 =	simm.s32 $0x4E00  }
0x5: {  	s19 =	simm.s32 $0xB200;
	s20 =	simm.s32 $0x2;
	s21 =	simm.s32 $0x6200  }
0x6: {  	s22 =	simm.s32 $0xC600;
	s23 =	simm.s32 $0x3;
	s24 =	simm.s32 $0x7600  }
0x7: {  	s25 =	simm.s32 $0xDA00;
	s0 =	sand.u32 $0x1, s0;
	s3 =	sshll.u32 s2, $0x1  }
0x8: {  	s26 =	simm.s32 $0x4;
	s28 =	simm.s32 $0x5;
	s3 =	sor.u32 s0, s3  }
0x9: {  	s2 =	simm.s32 $0x0;
	s0 =	ssub.s32 $0x2, s0;
	s3 =	smul.u32 $0x12C0, s3  }
0xa: {  	s4 =	sadd.s32 $0x17C00, s1;
	s5 =	sadd.s32 $0x3EE00, s1;
	s7 =	sshrl.u32 s0, $0x1  }
0xb: {  	s6 =	sadd.s32 $0x66000, s1;
	s0 =	ssub.s32 s0, s7;
	s8 =	sshrl.u32 s3, $0x3  }
0xc: {  	[smem:$0x7FF] =	sst s2;
	s0 =	smax.u32 s0, $0x1;
	s1 =	sadd.s32 s1, s8  }
0xd: {  	_ =	strace $0x80000047;
	[dreg:$0x4] =	wrdreg s0;
	s31 =	sadd.s32 $0x12F40, s1  }
0xe: {  	s14 =	simm.s32 $0x0;
	s1 =	sadd.s32 $0x9140, s1;
	[dreg:$0x2] =	wrdreg s31  }
0xf: {  	s0 =	simm.s32 $0xA;
	[dreg:$0x3] =	wrdreg s1;
	s1 =	simm.s32 $0x9  }
.LBB2_1:
0x10: {  	s7 =	rddreg [dreg:$0x2]  }
0x11: {  	[tilespmem:s2], [sflag:$0xB] =	stream.linear.gather [hbm4b:s7+s2], $0x12C0, $0x38;
	[tilespmem:$0xEE00] =	vst v63  }
0x12: {  	_ =	swait.ge [sflag:s10], $0x12C0  }
0x13: {  	[sflag:s10] =	ssyncset.done $0x0  }
0x14: {  	s8 =	simm.s32 $0x1300;
	s30 =	rddreg [dreg:$0x3];
	[sflag:s10] =	ssyncadd.s32 $0xFFFFED40  }
0x15: {  	[tilespmem:s8], [sflag:$0xB] =	stream.linear.gather [hbm4b:s30+s2], $0x12C0, $0x38;
	[tilespmem:$0xEE00] =	vst v63  }
0x16: {  	_ =	swait.ge [sflag:s10], $0x12C0  }
0x17: {  	[sflag:s10] =	ssyncset.done $0x0  }
0x18: {  	[sflag:s10] =	ssyncadd.s32 $0xFFFFED40  }
0x19: {  	[tilespmem:s13], [sflag:$0x1] =	stream.indirect.gather [hbm4b:s4+s12], $0x80, s2, s12, $0xb8;
	[tilespmem:$0xEE00] =	vst v63  }
0x1a: {  	s31 =	simm.s32 $0x8A00;
	s11 =	simm.s32 $0x0  }
0x1b: {  	[tilespmem:s31], [sflag:$0x1] =	stream.indirect.gather [hbm4b:s5+s12], $0x80, s8, s12, $0xb8;
	[tilespmem:$0xEE00] =	vst v63  }
.LBB2_2:
0x1c: {  	p0 =	seq.s32 s11, $0x0  }
0x1d: {  	s8 =	simm.s32 @!p0 $0x7  }
0x1e: {  	s7 =	smul.u32 $0xC8, s11;
	_ =	swait.ge @!p0 [sflag:s8], $0x1400  }
0x1f: {  	[sflag:s8] =	ssyncset.done @!p0 $0x0  }
0x20: {  	[sflag:s8] =	ssyncadd.s32 @!p0 $0xFFFFEC00;
	s8 =	sadd.s32 $0x28, s7  }
0x21: {  	[tilespmem:s15], [sflag:$0x2] =	stream.indirect.gather [hbm4b:s4+s12], $0x80, s8, s12, $0xb8;
	[tilespmem:$0xEE00] =	vst v63  }
0x22: {  	s9 =	sadd.s32 $0x1328, s7  }
0x23: {  	[tilespmem:s16], [sflag:$0x2] =	stream.indirect.gather [hbm4b:s5+s12], $0x80, s9, s12, $0xb8;
	[tilespmem:$0xEE00] =	vst v63  }
0x24: {  	_ =	swait.ge [sflag:s17], $0x1400  }
0x25: {  	[sflag:s17] =	ssyncset.done $0x0  }
0x26: {  	[sflag:s17] =	ssyncadd.s32 $0xFFFFEC00  }
0x27: {  	_ =	swait.ge [sflag:s17], $0x1400  }
0x28: {  	[sflag:s17] =	ssyncset.done $0x0  }
0x29: {  	s9 =	simm.s32 $0x0;
	[sflag:s17] =	ssyncadd.s32 $0xFFFFEC00  }
0x2a: {  	v7 =	vld [tilespmem:s9+$0x8A00]  }
0x2b: {  	v11 =	vld [tilespmem:s9+$0x8A10]  }
0x2c: {  	v5 =	vld [tilespmem:s9+$0x8A20]  }
0x2d: {  	v4 =	vld [tilespmem:s9+$0x8A30]  }
0x2e: {  	v3 =	vld [tilespmem:s9+$0x8A40]  }
0x2f: {  	v2 =	vld [tilespmem:s9+$0x8A50]  }
0x30: {  	v1 =	vld [tilespmem:s9+$0x8A60]  }
0x31: {  	v0 =	vld [tilespmem:s9+$0x8A70]  }
0x32: {  	v12 =	vld [tilespmem:s9+$0x2600]  }
0x33: {  	v13 =	vld [tilespmem:s9+$0x2610]  }
0x34: {  	v10 =	vld [tilespmem:s9+$0x2620]  }
0x35: {  	v9 =	vld [tilespmem:s9+$0x2630]  }
0x36: {  	v8 =	vld [tilespmem:s9+$0x2640]  }
0x37: {  	v6 =	vld [tilespmem:s9+$0x2650];
	v12 =	vadd.f32 v7, v12  }
0x38: {  	s29 =	simm.s32 $0x200;
	v11 =	vadd.f32 v11, v13;
	v7 =	vld [tilespmem:s9+$0x2660]  }
.LBB2_3:
0x39: {  	s30 =	sshra.s32 s29, $0x2;
	p1 =	sne.s32 s29, $0x4E00;
	[tilespmem:s9+$0x2600] =	vst v12;
	v5 =	vadd.f32 v5, v10;
	v10 =	vld [tilespmem:s9+$0x2670]  }
0x3a: {  	v12 =	vld [tilespmem:s30+$0x8A00];
	[tilespmem:s9+$0x2610] =	vst v11;
	v4 =	vadd.f32 v4, v9  }
0x3b: {  	v11 =	vld [tilespmem:s30+$0x8A10];
	[tilespmem:s9+$0x2620] =	vst v5;
	v3 =	vadd.f32 v3, v8  }
0x3c: {  	v5 =	vld [tilespmem:s30+$0x8A20];
	[tilespmem:s9+$0x2630] =	vst v4;
	v2 =	vadd.f32 v2, v6  }
0x3d: {  	v4 =	vld [tilespmem:s30+$0x8A30];
	[tilespmem:s9+$0x2640] =	vst v3;
	v1 =	vadd.f32 v1, v7  }
0x3e: {  	v3 =	vld [tilespmem:s30+$0x8A40];
	[tilespmem:s9+$0x2650] =	vst v2;
	v0 =	vadd.f32 v0, v10  }
0x3f: {  	v2 =	vld [tilespmem:s30+$0x8A50];
	[tilespmem:s9+$0x2660] =	vst v1  }
0x40: {  	v1 =	vld [tilespmem:s30+$0x8A60];
	[tilespmem:s9+$0x2670] =	vst v0;
	s9 =	smov.u32 s30  }
0x41: {  	v0 =	vld [tilespmem:s9+$0x8A70]  }
0x42: {  	v6 =	vld [tilespmem:s9+$0x2600]  }
0x43: {  	v7 =	vld [tilespmem:s9+$0x2610]  }
.Ltmp0:
0x44: {  	v10 =	vld [tilespmem:s9+$0x2620];
	(pc) =	sbr.rel @p1 .LBB2_3-.Ltmp0, $4  }
0x45: {  	v9 =	vld [tilespmem:s9+$0x2630]  }
0x46: {  	v8 =	vld [tilespmem:s9+$0x2640]  }
0x47: {  	v12 =	vadd.f32 v12, v6;
	v6 =	vld [tilespmem:s9+$0x2650]  }
0x48: {  	s29 =	sadd.s32 $0x200, s29;
	v11 =	vadd.f32 v11, v7;
	v7 =	vld [tilespmem:s9+$0x2660]  }
0x49: {  	[tilespmem:s9+$0x2600] =	vst v12;
	v5 =	vadd.f32 v5, v10;
	v10 =	vld [tilespmem:s9+$0x2670]  }
0x4a: {  	[tilespmem:s9+$0x2610] =	vst v11;
	v4 =	vadd.f32 v4, v9  }
0x4b: {  	[tilespmem:s9+$0x2620] =	vst v5;
	v3 =	vadd.f32 v3, v8  }
0x4c: {  	[tilespmem:s9+$0x2630] =	vst v4;
	v2 =	vadd.f32 v2, v6  }
0x4d: {  	[tilespmem:s9+$0x2640] =	vst v3;
	v1 =	vadd.f32 v1, v7  }
0x4e: {  	s29 =	sadd.s32 s3, s7;
	[tilespmem:s9+$0x2650] =	vst v2;
	v0 =	vadd.f32 v0, v10  }
0x4f: {  	s29 =	sshll.u32 s29, $0x4;
	[tilespmem:s9+$0x2660] =	vst v1  }
0x50: {  	s31 =	sadd.s32 s6, s29;
	[tilespmem:s9+$0x2670] =	vst v0;
	s9 =	simm.s32 @!p0 $0x8  }
0x51: {  	[hbm4b:s31+s2] =	stream.linear.scatter [tilespmem:s13], [sflag:$0x6], $0x1400, $0x38;
	[tilespmem:$0xEE00] =	vst v63  }
0x52: {  	_ =	swait.ge @!p0 [sflag:s9], $0x1400  }
0x53: {  	[sflag:s9] =	ssyncset.done @!p0 $0x0  }
0x54: {  	[sflag:s9] =	ssyncadd.s32 @!p0 $0xFFFFEC00;
	s9 =	sadd.s32 $0x50, s7  }
0x55: {  	[tilespmem:s18], [sflag:$0x3] =	stream.indirect.gather [hbm4b:s4+s12], $0x80, s9, s12, $0xb8;
	[tilespmem:$0xEE00] =	vst v63  }
0x56: {  	s29 =	sadd.s32 $0x1350, s7  }
0x57: {  	[tilespmem:s19], [sflag:$0x3] =	stream.indirect.gather [hbm4b:s5+s12], $0x80, s29, s12, $0xb8;
	[tilespmem:$0xEE00] =	vst v63  }
0x58: {  	_ =	swait.ge [sflag:s20], $0x1400  }
0x59: {  	[sflag:s20] =	ssyncset.done $0x0  }
0x5a: {  	[sflag:s20] =	ssyncadd.s32 $0xFFFFEC00  }
0x5b: {  	_ =	swait.ge [sflag:s20], $0x1400  }
0x5c: {  	[sflag:s20] =	ssyncset.done $0x0  }
0x5d: {  	s29 =	simm.s32 $0x0;
	[sflag:s20] =	ssyncadd.s32 $0xFFFFEC00  }
0x5e: {  	v7 =	vld [tilespmem:s29+$0x9E00]  }
0x5f: {  	v11 =	vld [tilespmem:s29+$0x9E10]  }
0x60: {  	v5 =	vld [tilespmem:s29+$0x9E20]  }
0x61: {  	v4 =	vld [tilespmem:s29+$0x9E30]  }
0x62: {  	v3 =	vld [tilespmem:s29+$0x9E40]  }
0x63: {  	v2 =	vld [tilespmem:s29+$0x9E50]  }
0x64: {  	v1 =	vld [tilespmem:s29+$0x9E60]  }
0x65: {  	v0 =	vld [tilespmem:s29+$0x9E70]  }
0x66: {  	v12 =	vld [tilespmem:s29+$0x3A00]  }
0x67: {  	v13 =	vld [tilespmem:s29+$0x3A10]  }
0x68: {  	v10 =	vld [tilespmem:s29+$0x3A20]  }
0x69: {  	v9 =	vld [tilespmem:s29+$0x3A30]  }
0x6a: {  	v8 =	vld [tilespmem:s29+$0x3A40]  }
0x6b: {  	v6 =	vld [tilespmem:s29+$0x3A50];
	v12 =	vadd.f32 v7, v12  }
0x6c: {  	s30 =	simm.s32 $0x200;
	v11 =	vadd.f32 v11, v13;
	v7 =	vld [tilespmem:s29+$0x3A60]  }
.LBB2_5:
0x6d: {  	s31 =	sshra.s32 s30, $0x2;
	p1 =	sne.s32 s30, $0x4E00;
	[tilespmem:s29+$0x3A00] =	vst v12;
	v5 =	vadd.f32 v5, v10;
	v10 =	vld [tilespmem:s29+$0x3A70]  }
0x6e: {  	v12 =	vld [tilespmem:s31+$0x9E00];
	[tilespmem:s29+$0x3A10] =	vst v11;
	v4 =	vadd.f32 v4, v9  }
0x6f: {  	v11 =	vld [tilespmem:s31+$0x9E10];
	[tilespmem:s29+$0x3A20] =	vst v5;
	v3 =	vadd.f32 v3, v8  }
0x70: {  	v5 =	vld [tilespmem:s31+$0x9E20];
	[tilespmem:s29+$0x3A30] =	vst v4;
	v2 =	vadd.f32 v2, v6  }
0x71: {  	v4 =	vld [tilespmem:s31+$0x9E30];
	[tilespmem:s29+$0x3A40] =	vst v3;
	v1 =	vadd.f32 v1, v7  }
0x72: {  	v3 =	vld [tilespmem:s31+$0x9E40];
	[tilespmem:s29+$0x3A50] =	vst v2;
	v0 =	vadd.f32 v0, v10  }
0x73: {  	v2 =	vld [tilespmem:s31+$0x9E50];
	[tilespmem:s29+$0x3A60] =	vst v1  }
0x74: {  	v1 =	vld [tilespmem:s31+$0x9E60];
	[tilespmem:s29+$0x3A70] =	vst v0;
	s29 =	smov.u32 s31  }
0x75: {  	v0 =	vld [tilespmem:s29+$0x9E70]  }
0x76: {  	v6 =	vld [tilespmem:s29+$0x3A00]  }
0x77: {  	v7 =	vld [tilespmem:s29+$0x3A10]  }
.Ltmp1:
0x78: {  	v10 =	vld [tilespmem:s29+$0x3A20];
	(pc) =	sbr.rel @p1 .LBB2_5-.Ltmp1, $4  }
0x79: {  	v9 =	vld [tilespmem:s29+$0x3A30]  }
0x7a: {  	v8 =	vld [tilespmem:s29+$0x3A40]  }
0x7b: {  	v12 =	vadd.f32 v12, v6;
	v6 =	vld [tilespmem:s29+$0x3A50]  }
0x7c: {  	s30 =	sadd.s32 $0x200, s30;
	v11 =	vadd.f32 v11, v7;
	v7 =	vld [tilespmem:s29+$0x3A60]  }
0x7d: {  	[tilespmem:s29+$0x3A00] =	vst v12;
	v5 =	vadd.f32 v5, v10;
	v10 =	vld [tilespmem:s29+$0x3A70]  }
0x7e: {  	[tilespmem:s29+$0x3A10] =	vst v11;
	v4 =	vadd.f32 v4, v9  }
0x7f: {  	[tilespmem:s29+$0x3A20] =	vst v5;
	v3 =	vadd.f32 v3, v8  }
0x80: {  	[tilespmem:s29+$0x3A30] =	vst v4;
	v2 =	vadd.f32 v2, v6  }
0x81: {  	[tilespmem:s29+$0x3A40] =	vst v3;
	v1 =	vadd.f32 v1, v7  }
0x82: {  	s8 =	sadd.s32 s3, s8;
	[tilespmem:s29+$0x3A50] =	vst v2;
	v0 =	vadd.f32 v0, v10  }
0x83: {  	s8 =	sshll.u32 s8, $0x4;
	[tilespmem:s29+$0x3A60] =	vst v1  }
0x84: {  	s8 =	sadd.s32 s6, s8;
	[tilespmem:s29+$0x3A70] =	vst v0  }
0x85: {  	[hbm4b:s8+s2] =	stream.linear.scatter [tilespmem:s15], [sflag:$0x7], $0x1400, $0x38;
	[tilespmem:$0xEE00] =	vst v63  }
0x86: {  	s8 =	simm.s32 @!p0 $0x9  }
0x87: {  	_ =	swait.ge @!p0 [sflag:s8], $0x1400  }
0x88: {  	[sflag:s8] =	ssyncset.done @!p0 $0x0  }
0x89: {  	s29 =	sadd.s32 $0x78, s7;
	[sflag:s8] =	ssyncadd.s32 @!p0 $0xFFFFEC00  }
0x8a: {  	[tilespmem:s21], [sflag:$0x4] =	stream.indirect.gather [hbm4b:s4+s12], $0x80, s29, s12, $0xb8;
	[tilespmem:$0xEE00] =	vst v63  }
0x8b: {  	s31 =	sadd.s32 $0x1378, s7  }
0x8c: {  	[tilespmem:s22], [sflag:$0x4] =	stream.indirect.gather [hbm4b:s5+s12], $0x80, s31, s12, $0xb8;
	[tilespmem:$0xEE00] =	vst v63  }
0x8d: {  	_ =	swait.ge [sflag:s23], $0x1400  }
0x8e: {  	[sflag:s23] =	ssyncset.done $0x0  }
0x8f: {  	[sflag:s23] =	ssyncadd.s32 $0xFFFFEC00  }
0x90: {  	_ =	swait.ge [sflag:s23], $0x1400  }
0x91: {  	[sflag:s23] =	ssyncset.done $0x0  }
0x92: {  	s8 =	simm.s32 $0x0;
	[sflag:s23] =	ssyncadd.s32 $0xFFFFEC00  }
0x93: {  	v7 =	vld [tilespmem:s8+$0xB200]  }
0x94: {  	v11 =	vld [tilespmem:s8+$0xB210]  }
0x95: {  	v5 =	vld [tilespmem:s8+$0xB220]  }
0x96: {  	v4 =	vld [tilespmem:s8+$0xB230]  }
0x97: {  	v3 =	vld [tilespmem:s8+$0xB240]  }
0x98: {  	v2 =	vld [tilespmem:s8+$0xB250]  }
0x99: {  	v1 =	vld [tilespmem:s8+$0xB260]  }
0x9a: {  	v0 =	vld [tilespmem:s8+$0xB270]  }
0x9b: {  	v12 =	vld [tilespmem:s8+$0x4E00]  }
0x9c: {  	v13 =	vld [tilespmem:s8+$0x4E10]  }
0x9d: {  	v10 =	vld [tilespmem:s8+$0x4E20]  }
0x9e: {  	v9 =	vld [tilespmem:s8+$0x4E30]  }
0x9f: {  	v8 =	vld [tilespmem:s8+$0x4E40]  }
0xa0: {  	v6 =	vld [tilespmem:s8+$0x4E50];
	v12 =	vadd.f32 v7, v12  }
0xa1: {  	s30 =	simm.s32 $0x200;
	v11 =	vadd.f32 v11, v13;
	v7 =	vld [tilespmem:s8+$0x4E60]  }
.LBB2_7:
0xa2: {  	s31 =	sshra.s32 s30, $0x2;
	p1 =	sne.s32 s30, $0x4E00;
	[tilespmem:s8+$0x4E00] =	vst v12;
	v5 =	vadd.f32 v5, v10;
	v10 =	vld [tilespmem:s8+$0x4E70]  }
0xa3: {  	v12 =	vld [tilespmem:s31+$0xB200];
	[tilespmem:s8+$0x4E10] =	vst v11;
	v4 =	vadd.f32 v4, v9  }
0xa4: {  	v11 =	vld [tilespmem:s31+$0xB210];
	[tilespmem:s8+$0x4E20] =	vst v5;
	v3 =	vadd.f32 v3, v8  }
0xa5: {  	v5 =	vld [tilespmem:s31+$0xB220];
	[tilespmem:s8+$0x4E30] =	vst v4;
	v2 =	vadd.f32 v2, v6  }
0xa6: {  	v4 =	vld [tilespmem:s31+$0xB230];
	[tilespmem:s8+$0x4E40] =	vst v3;
	v1 =	vadd.f32 v1, v7  }
0xa7: {  	v3 =	vld [tilespmem:s31+$0xB240];
	[tilespmem:s8+$0x4E50] =	vst v2;
	v0 =	vadd.f32 v0, v10  }
0xa8: {  	v2 =	vld [tilespmem:s31+$0xB250];
	[tilespmem:s8+$0x4E60] =	vst v1  }
0xa9: {  	v1 =	vld [tilespmem:s31+$0xB260];
	[tilespmem:s8+$0x4E70] =	vst v0;
	s8 =	smov.u32 s31  }
0xaa: {  	v0 =	vld [tilespmem:s8+$0xB270]  }
0xab: {  	v6 =	vld [tilespmem:s8+$0x4E00]  }
0xac: {  	v7 =	vld [tilespmem:s8+$0x4E10]  }
.Ltmp2:
0xad: {  	v10 =	vld [tilespmem:s8+$0x4E20];
	(pc) =	sbr.rel @p1 .LBB2_7-.Ltmp2, $4  }
0xae: {  	v9 =	vld [tilespmem:s8+$0x4E30]  }
0xaf: {  	v8 =	vld [tilespmem:s8+$0x4E40]  }
0xb0: {  	v12 =	vadd.f32 v12, v6;
	v6 =	vld [tilespmem:s8+$0x4E50]  }
0xb1: {  	s30 =	sadd.s32 $0x200, s30;
	v11 =	vadd.f32 v11, v7;
	v7 =	vld [tilespmem:s8+$0x4E60]  }
0xb2: {  	[tilespmem:s8+$0x4E00] =	vst v12;
	v5 =	vadd.f32 v5, v10;
	v10 =	vld [tilespmem:s8+$0x4E70]  }
0xb3: {  	[tilespmem:s8+$0x4E10] =	vst v11;
	v4 =	vadd.f32 v4, v9  }
0xb4: {  	[tilespmem:s8+$0x4E20] =	vst v5;
	v3 =	vadd.f32 v3, v8  }
0xb5: {  	[tilespmem:s8+$0x4E30] =	vst v4;
	v2 =	vadd.f32 v2, v6  }
0xb6: {  	[tilespmem:s8+$0x4E40] =	vst v3;
	v1 =	vadd.f32 v1, v7  }
0xb7: {  	s9 =	sadd.s32 s3, s9;
	[tilespmem:s8+$0x4E50] =	vst v2;
	v0 =	vadd.f32 v0, v10  }
0xb8: {  	s9 =	sshll.u32 s9, $0x4;
	[tilespmem:s8+$0x4E60] =	vst v1  }
0xb9: {  	s9 =	sadd.s32 s6, s9;
	[tilespmem:s8+$0x4E70] =	vst v0;
	s8 =	simm.s32 @!p0 $0xA  }
0xba: {  	[hbm4b:s9+s2] =	stream.linear.scatter [tilespmem:s18], [sflag:$0x8], $0x1400, $0x38;
	[tilespmem:$0xEE00] =	vst v63  }
0xbb: {  	_ =	swait.ge @!p0 [sflag:s8], $0x1400  }
0xbc: {  	[sflag:s8] =	ssyncset.done @!p0 $0x0  }
0xbd: {  	[sflag:s8] =	ssyncadd.s32 @!p0 $0xFFFFEC00;
	s8 =	sadd.s32 $0xA0, s7  }
0xbe: {  	[tilespmem:s24], [sflag:$0x5] =	stream.indirect.gather [hbm4b:s4+s12], $0x80, s8, s12, $0xb8;
	[tilespmem:$0xEE00] =	vst v63  }
0xbf: {  	s31 =	sadd.s32 $0x13A0, s7  }
0xc0: {  	[tilespmem:s25], [sflag:$0x5] =	stream.indirect.gather [hbm4b:s5+s12], $0x80, s31, s12, $0xb8;
	[tilespmem:$0xEE00] =	vst v63  }
0xc1: {  	_ =	swait.ge [sflag:s26], $0x1400  }
0xc2: {  	[sflag:s26] =	ssyncset.done $0x0  }
0xc3: {  	[sflag:s26] =	ssyncadd.s32 $0xFFFFEC00  }
0xc4: {  	_ =	swait.ge [sflag:s26], $0x1400  }
0xc5: {  	[sflag:s26] =	ssyncset.done $0x0  }
0xc6: {  	s9 =	simm.s32 $0x0;
	[sflag:s26] =	ssyncadd.s32 $0xFFFFEC00  }
0xc7: {  	v7 =	vld [tilespmem:s9+$0xC600]  }
0xc8: {  	v11 =	vld [tilespmem:s9+$0xC610]  }
0xc9: {  	v5 =	vld [tilespmem:s9+$0xC620]  }
0xca: {  	v4 =	vld [tilespmem:s9+$0xC630]  }
0xcb: {  	v3 =	vld [tilespmem:s9+$0xC640]  }
0xcc: {  	v2 =	vld [tilespmem:s9+$0xC650]  }
0xcd: {  	v1 =	vld [tilespmem:s9+$0xC660]  }
0xce: {  	v0 =	vld [tilespmem:s9+$0xC670]  }
0xcf: {  	v12 =	vld [tilespmem:s9+$0x6200]  }
0xd0: {  	v13 =	vld [tilespmem:s9+$0x6210]  }
0xd1: {  	v10 =	vld [tilespmem:s9+$0x6220]  }
0xd2: {  	v9 =	vld [tilespmem:s9+$0x6230]  }
0xd3: {  	v8 =	vld [tilespmem:s9+$0x6240]  }
0xd4: {  	v6 =	vld [tilespmem:s9+$0x6250];
	v12 =	vadd.f32 v7, v12  }
0xd5: {  	s30 =	simm.s32 $0x200;
	v11 =	vadd.f32 v11, v13;
	v7 =	vld [tilespmem:s9+$0x6260]  }
.LBB2_9:
0xd6: {  	s31 =	sshra.s32 s30, $0x2;
	p0 =	sne.s32 s30, $0x4E00;
	[tilespmem:s9+$0x6200] =	vst v12;
	v5 =	vadd.f32 v5, v10;
	v10 =	vld [tilespmem:s9+$0x6270]  }
0xd7: {  	v12 =	vld [tilespmem:s31+$0xC600];
	[tilespmem:s9+$0x6210] =	vst v11;
	v4 =	vadd.f32 v4, v9  }
0xd8: {  	v11 =	vld [tilespmem:s31+$0xC610];
	[tilespmem:s9+$0x6220] =	vst v5;
	v3 =	vadd.f32 v3, v8  }
0xd9: {  	v5 =	vld [tilespmem:s31+$0xC620];
	[tilespmem:s9+$0x6230] =	vst v4;
	v2 =	vadd.f32 v2, v6  }
0xda: {  	v4 =	vld [tilespmem:s31+$0xC630];
	[tilespmem:s9+$0x6240] =	vst v3;
	v1 =	vadd.f32 v1, v7  }
0xdb: {  	v3 =	vld [tilespmem:s31+$0xC640];
	[tilespmem:s9+$0x6250] =	vst v2;
	v0 =	vadd.f32 v0, v10  }
0xdc: {  	v2 =	vld [tilespmem:s31+$0xC650];
	[tilespmem:s9+$0x6260] =	vst v1  }
0xdd: {  	v1 =	vld [tilespmem:s31+$0xC660];
	[tilespmem:s9+$0x6270] =	vst v0;
	s9 =	smov.u32 s31  }
0xde: {  	v0 =	vld [tilespmem:s9+$0xC670]  }
0xdf: {  	v6 =	vld [tilespmem:s9+$0x6200]  }
0xe0: {  	v7 =	vld [tilespmem:s9+$0x6210]  }
.Ltmp3:
0xe1: {  	v10 =	vld [tilespmem:s9+$0x6220];
	(pc) =	sbr.rel @p0 .LBB2_9-.Ltmp3, $4  }
0xe2: {  	v9 =	vld [tilespmem:s9+$0x6230]  }
0xe3: {  	v8 =	vld [tilespmem:s9+$0x6240]  }
0xe4: {  	v12 =	vadd.f32 v12, v6;
	v6 =	vld [tilespmem:s9+$0x6250]  }
0xe5: {  	s30 =	sadd.s32 $0x200, s30;
	v11 =	vadd.f32 v11, v7;
	v7 =	vld [tilespmem:s9+$0x6260]  }
0xe6: {  	[tilespmem:s9+$0x6200] =	vst v12;
	v5 =	vadd.f32 v5, v10;
	v10 =	vld [tilespmem:s9+$0x6270]  }
0xe7: {  	[tilespmem:s9+$0x6210] =	vst v11;
	v4 =	vadd.f32 v4, v9  }
0xe8: {  	[tilespmem:s9+$0x6220] =	vst v5;
	v3 =	vadd.f32 v3, v8  }
0xe9: {  	[tilespmem:s9+$0x6230] =	vst v4;
	v2 =	vadd.f32 v2, v6  }
0xea: {  	[tilespmem:s9+$0x6240] =	vst v3;
	v1 =	vadd.f32 v1, v7  }
0xeb: {  	s29 =	sadd.s32 s3, s29;
	[tilespmem:s9+$0x6250] =	vst v2;
	v0 =	vadd.f32 v0, v10  }
0xec: {  	p0 =	seq.s32 s11, $0x17;
	s29 =	sshll.u32 s29, $0x4;
	[tilespmem:s9+$0x6260] =	vst v1  }
0xed: {  	s31 =	sadd.s32 s6, s29;
	[tilespmem:s9+$0x6270] =	vst v0;
	s9 =	simm.s32 @!p0 $0x6  }
0xee: {  	[hbm4b:s31+s2] =	stream.linear.scatter [tilespmem:s21], [sflag:$0x9], $0x1400, $0x38;
	[tilespmem:$0xEE00] =	vst v63  }
0xef: {  	_ =	swait.ge @!p0 [sflag:s9], $0x1400  }
0xf0: {  	s30 =	simm.s32 @!p0 $0x2600;
	[sflag:s9] =	ssyncset.done @!p0 $0x0  }
0xf1: {  	s29 =	simm.s32 @!p0 $0x28;
	[sflag:s9] =	ssyncadd.s32 @!p0 $0xFFFFEC00;
	s9 =	sadd.s32 @!p0 $0xC8, s7  }
0xf2: {  	[tilespmem:s30], [sflag:$0x1] =	stream.indirect.gather @!p0 [hbm4b:s4+s29], $0x80, s9, s29, $0xb8;
	[tilespmem:$0xEE00] =	vst v63  }
0xf3: {  	s7 =	sadd.s32 @!p0 $0x13C8, s7;
	s9 =	simm.s32 @!p0 $0x8A00  }
0xf4: {  	[tilespmem:s9], [sflag:$0x1] =	stream.indirect.gather @!p0 [hbm4b:s5+s29], $0x80, s7, s29, $0xb8;
	[tilespmem:$0xEE00] =	vst v63  }
0xf5: {  	_ =	swait.ge [sflag:s28], $0x1400  }
0xf6: {  	[sflag:s28] =	ssyncset.done $0x0  }
0xf7: {  	[sflag:s28] =	ssyncadd.s32 $0xFFFFEC00  }
0xf8: {  	_ =	swait.ge [sflag:s28], $0x1400  }
0xf9: {  	[sflag:s28] =	ssyncset.done $0x0  }
0xfa: {  	s7 =	simm.s32 $0x0;
	[sflag:s28] =	ssyncadd.s32 $0xFFFFEC00  }
0xfb: {  	v7 =	vld [tilespmem:s7+$0xDA00]  }
0xfc: {  	v11 =	vld [tilespmem:s7+$0xDA10]  }
0xfd: {  	v5 =	vld [tilespmem:s7+$0xDA20]  }
0xfe: {  	v4 =	vld [tilespmem:s7+$0xDA30]  }
0xff: {  	v3 =	vld [tilespmem:s7+$0xDA40]  }
0x100: {  	v2 =	vld [tilespmem:s7+$0xDA50]  }
0x101: {  	v1 =	vld [tilespmem:s7+$0xDA60]  }
0x102: {  	v0 =	vld [tilespmem:s7+$0xDA70]  }
0x103: {  	v12 =	vld [tilespmem:s7+$0x7600]  }
0x104: {  	v13 =	vld [tilespmem:s7+$0x7610]  }
0x105: {  	v10 =	vld [tilespmem:s7+$0x7620]  }
0x106: {  	v9 =	vld [tilespmem:s7+$0x7630]  }
0x107: {  	v8 =	vld [tilespmem:s7+$0x7640]  }
0x108: {  	v6 =	vld [tilespmem:s7+$0x7650];
	v12 =	vadd.f32 v7, v12  }
0x109: {  	s9 =	simm.s32 $0x200;
	v11 =	vadd.f32 v11, v13;
	v7 =	vld [tilespmem:s7+$0x7660]  }
.LBB2_11:
0x10a: {  	s29 =	sshra.s32 s9, $0x2;
	p0 =	sne.s32 s9, $0x4E00;
	[tilespmem:s7+$0x7600] =	vst v12;
	v5 =	vadd.f32 v5, v10;
	v10 =	vld [tilespmem:s7+$0x7670]  }
0x10b: {  	v12 =	vld [tilespmem:s29+$0xDA00];
	[tilespmem:s7+$0x7610] =	vst v11;
	v4 =	vadd.f32 v4, v9  }
0x10c: {  	v11 =	vld [tilespmem:s29+$0xDA10];
	[tilespmem:s7+$0x7620] =	vst v5;
	v3 =	vadd.f32 v3, v8  }
0x10d: {  	v5 =	vld [tilespmem:s29+$0xDA20];
	[tilespmem:s7+$0x7630] =	vst v4;
	v2 =	vadd.f32 v2, v6  }
0x10e: {  	v4 =	vld [tilespmem:s29+$0xDA30];
	[tilespmem:s7+$0x7640] =	vst v3;
	v1 =	vadd.f32 v1, v7  }
0x10f: {  	v3 =	vld [tilespmem:s29+$0xDA40];
	[tilespmem:s7+$0x7650] =	vst v2;
	v0 =	vadd.f32 v0, v10  }
0x110: {  	v2 =	vld [tilespmem:s29+$0xDA50];
	[tilespmem:s7+$0x7660] =	vst v1  }
0x111: {  	v1 =	vld [tilespmem:s29+$0xDA60];
	[tilespmem:s7+$0x7670] =	vst v0;
	s7 =	smov.u32 s29  }
0x112: {  	v0 =	vld [tilespmem:s7+$0xDA70]  }
0x113: {  	v6 =	vld [tilespmem:s7+$0x7600]  }
0x114: {  	v7 =	vld [tilespmem:s7+$0x7610]  }
.Ltmp4:
0x115: {  	v10 =	vld [tilespmem:s7+$0x7620];
	(pc) =	sbr.rel @p0 .LBB2_11-.Ltmp4, $4  }
0x116: {  	v9 =	vld [tilespmem:s7+$0x7630]  }
0x117: {  	v8 =	vld [tilespmem:s7+$0x7640]  }
0x118: {  	v12 =	vadd.f32 v12, v6;
	v6 =	vld [tilespmem:s7+$0x7650]  }
0x119: {  	s9 =	sadd.s32 $0x200, s9;
	v11 =	vadd.f32 v11, v7;
	v7 =	vld [tilespmem:s7+$0x7660]  }
0x11a: {  	[tilespmem:s7+$0x7600] =	vst v12;
	v5 =	vadd.f32 v5, v10;
	v63 =	vld [tilespmem:s7+$0x7670]  }
0x11b: {  	[tilespmem:s7+$0x7610] =	vst v11;
	v4 =	vadd.f32 v4, v9  }
0x11c: {  	s11 =	sadd.s32 $0x1, s11;
	[tilespmem:s7+$0x7620] =	vst v5;
	v3 =	vadd.f32 v3, v8  }
0x11d: {  	p0 =	sne.s32 s11, $0x18;
	[tilespmem:s7+$0x7630] =	vst v4;
	v2 =	vadd.f32 v2, v6  }
.Ltmp5:
0x11e: {  	[tilespmem:s7+$0x7640] =	vst v3;
	v1 =	vadd.f32 v1, v7;
	(pc) =	sbr.rel @p0 .LBB2_2-.Ltmp5, $4  }
0x11f: {  	s8 =	sadd.s32 s3, s8;
	[tilespmem:s7+$0x7650] =	vst v2;
	v0 =	vadd.f32 v0, v63  }
0x120: {  	s8 =	sshll.u32 s8, $0x4;
	[tilespmem:s7+$0x7660] =	vst v1  }
0x121: {  	s31 =	sadd.s32 s6, s8;
	[tilespmem:s7+$0x7670] =	vst v0  }
0x122: {  	[hbm4b:s31+s2] =	stream.linear.scatter [tilespmem:s24], [sflag:$0xA], $0x1400, $0x38;
	[tilespmem:$0xEE00] =	vst v63  }
0x123: {  	s7 =	simm.s32 $0x6  }
0x124: {  	_ =	swait.ge [sflag:s7], $0x1400  }
0x125: {  	[sflag:s7] =	ssyncset.done $0x0  }
0x126: {  	s29 =	simm.s32 $0x7;
	[sflag:s7] =	ssyncadd.s32 $0xFFFFEC00  }
0x127: {  	_ =	swait.ge [sflag:s29], $0x1400  }
0x128: {  	[sflag:s29] =	ssyncset.done $0x0  }
0x129: {  	s30 =	simm.s32 $0x8;
	[sflag:s29] =	ssyncadd.s32 $0xFFFFEC00  }
0x12a: {  	_ =	swait.ge [sflag:s30], $0x1400  }
0x12b: {  	[sflag:s30] =	ssyncset.done $0x0  }
0x12c: {  	[sflag:s30] =	ssyncadd.s32 $0xFFFFEC00  }
0x12d: {  	_ =	swait.ge [sflag:s1], $0x1400  }
0x12e: {  	[sflag:s1] =	ssyncset.done $0x0  }
0x12f: {  	[sflag:s1] =	ssyncadd.s32 $0xFFFFEC00  }
0x130: {  	_ =	swait.ge [sflag:s0], $0x1400  }
0x131: {  	s14 =	sadd.s32 $0x1, s14;
	s31 =	rddreg [dreg:$0x4]  }
0x132: {  	p0 =	sne.s32 s14, s31  }
.Ltmp6:
0x133: {  	_ = 	snop;
	(pc) =	sbr.rel @p0 .LBB2_1-.Ltmp6, $3  }
0x134: {  	_ =	sdelay $0x1  }
0x135: {  	[sflag:s0] =	ssyncset.done $0x0  }
0x136: {  	[sflag:s0] =	ssyncadd.s32 $0xFFFFEC00  }
0x137: {  	_ =	sfence.sel $0x180000  }
0x138: {  	[bflag:$0x0] =	sbarrier.arrive $0xFFFF  }
0x139: {  	_ =	strace $0x90000047  }
0x13a: {  	s0 =	stileid.u32;
	[bflag:$0x2] =	sbarrier.arrive $0xFFFF  }
0x13b: {  	p0 =	sne.s32 s0, $0x0;
	s0 =	rddreg [dreg:$0x1]  }
0x13c: {  	s0 =	sadd.s32 @!p0 $0x100000, s0  }
0x13d: {  	[sflag:s0] =	ssyncadd.tile.s32 @!p0 $0x1;
	_ =	shalt  }
.Lfunc_end2:
_tile_overlayer_lowered:
.L_overlay_start_2:
0x13e: {  	(tag) =	ssettag $0x2  }
0x13f: {  	s0 =	rddreg [dreg:$0x0];
	s2 =	stileid.u32  }
0x140: {  	s1 =	rddreg [dreg:$0x1];
	p0 =	sne.s32 s2, $0x0  }
0x141: {  	s3 =	rddreg [dreg:$0x2];
	[bflag:$0x3] =	sbarrier.arrive $0xFFFF;
	s2 =	simm.s32 @!p0 $0x1C0B  }
0x142: {  	[timem:s3], [sflag:s2] =	dma.local @!p0 [hbm:s0], s1  }
0x143: {  	s0 =	simm.s32 @!p0 $0xB  }
0x144: {  	_ =	swait.ge @!p0 [sflag:s0], s1  }
0x145: {  	s1 =	ssub.s32 @!p0 $0x0, s1;
	[sflag:s0] =	ssyncset.done @!p0 $0x0  }
0x146: {  	[sflag:s0] =	ssyncadd.s32 @!p0 s1  }
0x147: {  	[bflag:$0x3] =	sbarrier.arrive $0xFFFF  }
0x148: {  	_ =	shalt  }

// kernel: kernel.19.cloned.1.call-start
scs
__scs_entry_jumppad:
0x0: {  	(pc) =	sbr.rel $0x88, $3  }
0x1: {  	(tag) =	ssettag $0x0;
	lr =	simm.s32 $0x1  }
0x2: {  	[smem:$0x3F92] =	sst lr;
	_ =	strace $0xD0000000  }
0x3: {  	_ = 	snop  }
0x4: {  	_ = 	snop  }
0x5: {  	_ = 	snop  }
0x6: {  	_ = 	snop  }
0x7: {  	_ = 	snop  }
__scs_overlays_trampoline_lowered:
0x8: {  	[smem:$0x3FA1] =	sst s0  }
0x9: {  	[smem:$0x3FA2] =	sst s1  }
0xa: {  	[smem:$0x3FA3] =	sst s2  }
0xb: {  	[smem:$0x3FA4] =	sst s3  }
0xc: {  	[smem:$0x3FA5] =	sst s4  }
0xd: {  	[smem:$0x3FA6] =	sst s5  }
0xe: {  	[smem:$0x3FA7] =	sst s6  }
0xf: {  	[smem:$0x3FA8] =	sst s7  }
0x10: {  	[smem:$0x3FA9] =	sst s8  }
0x11: {  	[smem:$0x3FAA] =	sst s9;
	s0 =	simm.s32 @!p0 $0x0  }
0x12: {  	s1 =	sld [smem:$0x3F90];
	s0 =	simm.s32 @p0 $0x1  }
0x13: {  	[smem:$0x3FAB] =	sst s0;
	s0 =	simm.s32 @!p1 $0x0  }
0x14: {  	s2 =	sld [smem:$0x3F8F];
	s0 =	simm.s32 @p1 $0x1  }
0x15: {  	[smem:$0x3FAC] =	sst s0;
	s0 =	simm.s32 @!p2 $0x0  }
0x16: {  	s3 =	sld [smem:$0x3FDB];
	s0 =	simm.s32 @p2 $0x1  }
0x17: {  	s4 =	simm.s32 $0x1BF5;
	[smem:$0x3FAE] =	sst s0  }
0x18: {  	s0 =	sld [smem:$0x3F91];
	_ =	swait.ge [sflag:s4], $0x0  }
0x19: {  	s7 =	sld [smem:$0x3F92]  }
0x1a: {  	s8 =	sadd.s32 $0xFFFFE003, lr  }
0x1b: {  	s9 =	sadd.s32 $0xFFFFFEF7, lr;
	s5 =	simm.s32 $0xFFFFFFFF;
	p2 =	slt.u32 s8, $0xFFFFF086  }
0x1c: {  	p1 =	slt.u32 s9, $0xF7A;
	s5 =	simm.s32 @!p2 $0x0  }
0x1d: {  	s5 =	simm.s32 @p1 $0x1;
	p0 =	seq.s32 s7, s2  }
0x1e: {  	s7 =	smul.u32 @!p0 $0xF7A, s2;
	p2 =	seq.s32 @!p0 s5, $0x0  }
0x1f: {  	s9 =	smul.u32 $0xF7A, s1;
	s8 =	simm.s32 @!p0 $0x1BF5;
	p2 =	por !p2, p0  }
0x20: {  	[sflag:s8] =	ssyncset.s32 @!p0 $0xFFFFF086;
	s6 =	sadd.s32 @!p0 s3, s7;
	s7 =	simm.s32 @!p0 $0x108  }
0x21: {  	s3 =	sadd.s32 s3, s9;
	s6 =	sadd.s32 @!p0 $0x88, s6;
	s7 =	simm.s32 @p2 $0x1082  }
0x22: {  	[simem:s7], [sflag:s8] =	dma.local @!p0 [hbm:s6], $0xF7A  }
0x23: {  	s9 =	sor.u32 $0xD0000000, s2;
	s6 =	simm.s32 $0x108;
	_ =	swait.ge @!p0 [sflag:s8], $0x0  }
0x24: {  	s3 =	sadd.s32 $0x88, s3;
	s6 =	simm.s32 @!p1 $0x1082;
	[sflag:s4] =	ssyncset.s32 $0xFFFFF086  }
0x25: {  	[simem:s6], [sflag:s4] =	dma.local [hbm:s3], $0xF7A  }
0x26: {  	[smem:$0x3F92] =	sst s1;
	(tag) =	ssettag s2;
	_ =	strace s9  }
0x27: {  	s1 =	sld [smem:$0x3FA2]  }
0x28: {  	s2 =	sld [smem:$0x3FA3]  }
0x29: {  	s4 =	sld [smem:$0x3FA5]  }
0x2a: {  	p0 =	seq.s32 s5, $0x0;
	s5 =	sld [smem:$0x3FA6]  }
0x2b: {  	s6 =	sld [smem:$0x3FA7]  }
0x2c: {  	s7 =	sld [smem:$0x3FA8]  }
0x2d: {  	s3 =	simm.s32 $0x108;
	s8 =	sld [smem:$0x3FA9]  }
0x2e: {  	s3 =	simm.s32 @!p0 $0x1082;
	s9 =	sld [smem:$0x3FAA]  }
0x2f: {  	lr =	sadd.s32 s0, s3;
	s0 =	sld [smem:$0x3FA1]  }
0x30: {  	s3 =	sld [smem:$0x3FA4]  }
0x31: {  	[smem:$0x3FAD] =	sst s10  }
0x32: {  	s10 =	sld [smem:$0x3FAB];
	_ =	sdelay $0x3  }
0x33: {  	p0 =	seq.s32 s10, $0x1;
	s10 =	sld [smem:$0x3FAD];
	_ =	sdelay $0x3  }
0x34: {  	[smem:$0x3FAD] =	sst s10  }
0x35: {  	s10 =	sld [smem:$0x3FAC];
	_ =	sdelay $0x3  }
0x36: {  	p1 =	seq.s32 s10, $0x1;
	s10 =	sld [smem:$0x3FAD];
	_ =	sdelay $0x3  }
0x37: {  	[smem:$0x3FAD] =	sst s10  }
0x38: {  	s10 =	sld [smem:$0x3FAE]  }
0x39: {  	_ = 	snop;
	(pc) =	sbr.ind lr, $3  }
0x3a: {  	_ = 	snop  }
0x3b: {  	_ = 	snop  }
0x3c: {  	p2 =	seq.s32 s10, $0x1;
	s10 =	sld [smem:$0x3FAD]  }
0x3d: {  	_ =	shalt  }
0x3e: {  	_ =	shalt  }
0x3f: {  	_ =	shalt  }
0x40: {  	_ =	shalt  }
0x41: {  	_ =	shalt  }
0x42: {  	_ =	shalt  }
0x43: {  	_ =	shalt  }
0x44: {  	_ =	shalt  }
0x45: {  	_ =	shalt  }
0x46: {  	_ =	shalt  }
0x47: {  	_ =	shalt  }
0x48: {  	_ =	shalt  }
0x49: {  	_ =	shalt  }
0x4a: {  	_ =	shalt  }
0x4b: {  	_ =	shalt  }
0x4c: {  	_ =	shalt  }
0x4d: {  	_ =	shalt  }
0x4e: {  	_ =	shalt  }
0x4f: {  	_ =	shalt  }
0x50: {  	_ =	shalt  }
0x51: {  	_ =	shalt  }
0x52: {  	_ =	shalt  }
0x53: {  	_ =	shalt  }
0x54: {  	_ =	shalt  }
0x55: {  	_ =	shalt  }
0x56: {  	_ =	shalt  }
0x57: {  	_ =	shalt  }
0x58: {  	_ =	shalt  }
0x59: {  	_ =	shalt  }
0x5a: {  	_ =	shalt  }
0x5b: {  	_ =	shalt  }
0x5c: {  	_ =	shalt  }
0x5d: {  	_ =	shalt  }
0x5e: {  	_ =	shalt  }
0x5f: {  	_ =	shalt  }
0x60: {  	_ =	shalt  }
0x61: {  	_ =	shalt  }
0x62: {  	_ =	shalt  }
0x63: {  	_ =	shalt  }
0x64: {  	_ =	shalt  }
0x65: {  	_ =	shalt  }
0x66: {  	_ =	shalt  }
0x67: {  	_ =	shalt  }
0x68: {  	_ =	shalt  }
0x69: {  	_ =	shalt  }
0x6a: {  	_ =	shalt  }
0x6b: {  	_ =	shalt  }
0x6c: {  	_ =	shalt  }
0x6d: {  	_ =	shalt  }
0x6e: {  	_ =	shalt  }
0x6f: {  	_ =	shalt  }
0x70: {  	_ =	shalt  }
0x71: {  	_ =	shalt  }
0x72: {  	_ =	shalt  }
0x73: {  	_ =	shalt  }
0x74: {  	_ =	shalt  }
0x75: {  	_ =	shalt  }
0x76: {  	_ =	shalt  }
0x77: {  	_ =	shalt  }
0x78: {  	_ =	shalt  }
0x79: {  	_ =	shalt  }
0x7a: {  	_ =	shalt  }
0x7b: {  	_ =	shalt  }
0x7c: {  	_ =	shalt  }
0x7d: {  	_ =	shalt  }
0x7e: {  	_ =	shalt  }
0x7f: {  	_ =	shalt  }
0x80: {  	_ =	shalt  }
0x81: {  	_ =	shalt  }
0x82: {  	_ =	shalt  }
0x83: {  	_ =	shalt  }
0x84: {  	_ =	shalt  }
0x85: {  	_ =	shalt  }
0x86: {  	_ =	shalt  }
0x87: {  	_ =	shalt  }
.Lfunc_end0:
.L_simem_size_0:
called_computation.3_lowered:
.L_overlay_start_0:
0x88: {  	s2 =	sld [smem:$0x3FD9]  }
0x89: {  	s3 =	sld [smem:$0x3FFE];
	_ =	sdelay $0x1  }
0x8a: {  	s1 =	srdreg.scid  }
0x8b: {  	s0 =	sand.u32 $0x1, s1  }
0x8c: {  	s17 =	sshll.u32 s0, $0xA;
	s2 =	sadd.s32 s3, s2  }
0x8d: {  	s2 =	sadd.s32 s2, s17  }
0x8e: {  	[smem:$0x3FB9] =	sst s2  }
0x8f: {  	_ = 	snop  }
0x90: {  	s18 =	sld [smem:$0x3FD0];
	(tm) =	ssettm $0x1  }
0x91: {  	s19 =	sld [smem:$0x3FFB];
	_ =	sdelay $0x3  }
0x92: {  	_ =	strace s19  }
0x93: {  	s2 =	sld [smem:$0x3FFC];
	_ =	sdelay $0x3  }
0x94: {  	_ =	strace s2  }
0x95: {  	s2 =	sld [smem:$0x3FFD];
	_ =	sdelay $0x3  }
0x96: {  	_ =	strace s2  }
0x97: {  	_ =	strace $0x8FFFFFFF  }
0x98: {  	s20 =	sld [smem:$0x3FDB];
	_ =	sdelay $0x1  }
0x99: {  	s4 =	simm.s32 $_scs_section_size  }
0x9a: {  	s5 =	simm.s32 $_size__tile_overlayer_lowered;
	s6 =	simm.s32 $_tile_overlayer_lowered  }
0x9b: {  	s7 =	simm.s32 $0x1BFF;
	s21 =	sshll.u32 s6, $0x1;
	s4 =	sadd.s32 s4, s20  }
0x9c: {  	s22 =	simm.s32 $0x0;
	s5 =	sshll.u32 s5, $0x1;
	s6 =	sadd.s32 s21, s4  }
0x9d: {  	[timem:s22], [sflag:s7] =	dma.local [hbm:s6], s5  }
0x9e: {  	_ =	swait.ge [sflag:s7], s5  }
0x9f: {  	s5 =	ssub.s32 $0x0, s5;
	[sflag:s7] =	ssyncset.done $0x0  }
0xa0: {  	[sflag:s7] =	ssyncadd.s32 s5;
	_ =	sdelay $0x1  }
0xa1: {  	s23 =	simm.s32 $0x1B8B  }
0xa2: {  	_ =	swait.ge [sflag:s23], $0x1  }
0xa3: {  	[sflag:s23] =	ssyncset.done $0x0  }
0xa4: {  	[sflag:s23] =	ssyncadd.s32 $0xFFFFFFFF  }
0xa5: {  	s5 =	sld [smem:$0x0]  }
0xa6: {  	s6 =	sand.u32 $0xFFFFFFFE, s1  }
0xa7: {  	p0 =	sne.s32 s1, s6  }
0xa8: {  	s6 =	sshll.u32 @p0 s6, $0xE  }
0xa9: {  	s6 =	sadd.s32 @p0 $0x11B8D, s6;
	s7 =	sshll.u32 @p0 s5, $0x11  }
0xaa: {  	s6 =	sor.u32 @p0 s7, s6  }
0xab: {  	[sflag:s6] =	ssyncadd.remote.s32 @p0 $0x1;
	_ =	sdelay $0x1  }
0xac: {  	s6 =	simm.s32 @p0 $0x1B8D  }
0xad: {  	_ =	swait.eq @p0 [sflag:s6], $0x1  }
0xae: {  	[sflag:s6] =	ssyncadd.s32 @p0 $0xFFFFFFFF  }
0xaf: {  	s7 =	sshll.u32 @!p0 s1, $0xE  }
0xb0: {  	s7 =	sor.u32 @!p0 $0x4000, s7;
	s6 =	simm.s32 @!p0 $0x1B8D  }
0xb1: {  	s5 =	sshll.u32 @!p0 s5, $0x11;
	s7 =	sadd.s32 @!p0 $0x11B8D, s7;
	_ =	swait.eq @!p0 [sflag:s6], $0x1  }
0xb2: {  	s5 =	sor.u32 @!p0 s5, s7;
	[sflag:s6] =	ssyncadd.s32 @!p0 $0xFFFFFFFF  }
0xb3: {  	s25 =	simm.s32 $0x1B8E;
	s24 =	sld [smem:$0x3FFE];
	[sflag:s5] =	ssyncadd.remote.s32 @!p0 $0x1  }
0xb4: {  	s26 =	simm.s32 $execute0_lowered;
	[smem:$0x3FD2] =	sst s25  }
0xb5: {  	s6 =	sshll.u32 s26, $0x1;
	_ =	strace $0x8000004C;
	[dreg:$0x1] =	wrdreg $0xFFFFFFFF  }
0xb6: {  	s28 =	simm.s32 $_size_execute0_lowered;
	s4 =	sadd.s32 s4, s6;
	[dreg:$0x0] =	wrdreg $0x0  }
0xb7: {  	s6 =	sshll.u32 s28, $0x1;
	[dreg:$0x2] =	wrdreg s4  }
0xb8: {  	[dreg:$0x3] =	wrdreg s6  }
0xb9: {  	[dreg:$0x4] =	wrdreg $0xC0  }
0xba: {  	_ =	task [dreg:s22], $0x5FFFF  }
0xbb: {  	[dreg:$0x1] =	wrdreg $0xFFFFFFFF  }
0xbc: {  	[dreg:$0x0] =	wrdreg $0x60  }
0xbd: {  	[dreg:$0x2] =	wrdreg s18  }
0xbe: {  	[dreg:$0x3] =	wrdreg s24  }
0xbf: {  	[dreg:$0x4] =	wrdreg $0xA  }
0xc0: {  	_ =	task.clear_ibuf [dreg:s22], $0x5FFFF;
	_ =	strace $0x9000004C  }
0xc1: {  	s29 =	simm.s32 $0xA;
	_ =	strace $0x8000004E  }
0xc2: {  	_ =	swait.ge [sflag:s29], $0x1  }
0xc3: {  	[sflag:s29] =	ssyncadd.s32 $0xFFFFFFFF  }
0xc4: {  	_ =	strace $0x9000004E  }
0xc5: {  	_ =	sfence  }
0xc6: {  	s30 =	sld [smem:$0x0];
	_ =	sdelay $0x2  }
0xc7: {  	s31 =	sshll.u32 s1, $0xD;
	s1 =	sshrl.u32 s1, $0x2  }
0xc8: {  	s4 =	sand.u32 $0x4000, s31;
	s1 =	sadd.s32 s1, s30  }
0xc9: {  	s0 =	sor.u32 s4, s0;
	s1 =	sshll.u32 s1, $0x11  }
0xca: {  	s0 =	sor.u32 s1, s0  }
0xcb: {  	s0 =	sadd.s32 $0x8F2B, s0  }
0xcc: {  	[sflag:s0] =	ssyncadd.remote.s32 $0x1  }
0xcd: {  	_ =	sfence.sel $0xFFFF  }
0xce: {  	[dreg:$0x0] =	wrdreg $0xFFFFFFFF;
	(pc) =	sbr.abs _section_cstart, $3  }
0xcf: {  	[dreg:$0x1] =	wrdreg $0xFFFFFFFF  }
0xd0: {  	_ =	task.clear_ibuf [dreg:s22], $0x2FFFF;
	_ =	strace $0x9FFFFFFF  }
0xd1: {  	(tm) =	ssettm $0x7FFFFFFF  }
tec
execute0_lowered:
.L_overlay_start_1:
0x0: {  	(tag) =	ssettag $0x1  }
0x1: {  	s2 =	rddreg [dreg:$0x0];
	s1 =	srdreg.scid  }
0x2: {  	s0 =	stileid.u32;
	s4 =	rddreg [dreg:$0x1]  }
0x3: {  	s10 =	simm.s32 $0xED80;
	s11 =	simm.s32 $0x10080;
	s12 =	simm.s32 $0x11380  }
0x4: {  	s13 =	simm.s32 $0x7580;
	s14 =	simm.s32 $0x80;
	s15 =	simm.s32 $0x400  }
0x5: {  	s16 =	simm.s32 $0x0;
	s5 =	sand.u32 $0x1, s1;
	s3 =	sshll.u32 s0, $0x1  }
0x6: {  	s1 =	rddreg [dreg:$0x2];
	s8 =	sshrl.u32 s0, $0x2;
	s6 =	sor.u32 s5, s3  }
0x7: {  	s3 =	simm.s32 $0x0;
	s8 =	smul.u32 $0x3C000, s8;
	s5 =	ssub.s32 $0x2, s5  }
0x8: {  	s7 =	smul.u32 $0x12C0, s6;
	[smem:$0x7FF] =	sst s3;
	s6 =	sshll.u32 s6, $0x7  }
0x9: {  	s31 =	sshrl.u32 s5, $0x1;
	_ =	strace $0x8000004D;
	s6 =	sand.u32 $0x380, s6  }
0xa: {  	s7 =	sshrl.u32 s7, $0x3;
	s6 =	sor.u32 s8, s6;
	s8 =	ssub.s32 s5, s31  }
0xb: {  	s7 =	sadd.s32 s7, s4;
	s6 =	sshrl.u32 s6, $0x3;
	s8 =	smax.u32 s8, $0x1  }
0xc: {  	s9 =	sadd.s32 s6, s4;
	s4 =	sadd.s32 $0x12F40, s7;
	s5 =	sadd.s32 $0x9140, s7  }
0xd: {  	v0 =	vimm.f32 $0.0e+00;
	s6 =	sadd.s32 $0x66000, s7;
	s7 =	sadd.s32 $0x6AC00, s9;
	s9 =	simm.s32 $0x1  }
.LBB2_1:
0xe: {  	[tilespmem:s3], [sflag:$0x1] =	stream.linear.gather [hbm4b:s2+s3], $0x7580, $0x38;
	[tilespmem:$0x12680] =	vst v63  }
0xf: {  	_ =	swait.ge [sflag:s9], $0x7580  }
0x10: {  	[sflag:s9] =	ssyncset.done $0x0  }
0x11: {  	[sflag:s9] =	ssyncadd.s32 $0xFFFF8A80  }
0x12: {  	[tilespmem:s10], [sflag:$0x1] =	stream.linear.gather [hbm4b:s4+s3], $0x12C0, $0x38;
	[tilespmem:$0x12680] =	vst v63  }
0x13: {  	_ =	swait.ge [sflag:s9], $0x12C0  }
0x14: {  	[sflag:s9] =	ssyncset.done $0x0  }
0x15: {  	[sflag:s9] =	ssyncadd.s32 $0xFFFFED40  }
0x16: {  	[tilespmem:s11], [sflag:$0x1] =	stream.linear.gather [hbm4b:s5+s3], $0x12C0, $0x38;
	[tilespmem:$0x12680] =	vst v63  }
0x17: {  	_ =	swait.ge [sflag:s9], $0x12C0  }
0x18: {  	[sflag:s9] =	ssyncset.done $0x0  }
0x19: {  	[sflag:s9] =	ssyncadd.s32 $0xFFFFED40  }
0x1a: {  	[tilespmem:s12], [sflag:$0x1] =	stream.linear.gather [hbm4b:s6+s3], $0x12C0, $0x38;
	[tilespmem:$0x12680] =	vst v63  }
0x1b: {  	_ =	swait.ge [sflag:s9], $0x12C0  }
0x1c: {  	[sflag:s9] =	ssyncset.done $0x0  }
0x1d: {  	s17 =	simm.s32 $0x0;
	[sflag:s9] =	ssyncadd.s32 $0xFFFFED40  }
.LBB2_2:
0x1e: {  	p0 =	sne.s32 s17, $0x1DFC0  }
.Ltmp0:
0x1f: {  	_ = 	snop;
	(pc) =	sbr.rel @p0 .LBB2_2-.Ltmp0, $3  }
0x20: {  	_ =	sdelay $0x1  }
0x21: {  	s18 =	sshra.s32 s17, $0x2  }
0x22: {  	s17 =	sadd.s32 $0x40, s17;
	[tilespmem:s18+$0x7580] =	vst v0  }
0x23: {  	s17 =	simm.s32 $0x0  }
0x24: {  	v3 =	vld [tilespmem:s17+$0xED80]  }
0x25: {  	v2 =	vld [tilespmem:s17+$0x10080];
	_ =	sdelay $0x1  }
0x26: {  	v1 =	vld [tilespmem:s17+$0x11380];
	s17 =	simm.s32 $0x40  }
.LBB2_4:
0x27: {  	p0 =	sne.s32 s17, $0x4AC0  }
0x28: {  	v3 =	vmul.u32 $0x3, v3  }
0x29: {  	v2 =	vmul.u32 $0x3, v2;
	_ =	sdelay $0x1  }
0x2a: {  	v4 =	vadd.s32 $0x1, v3  }
0x2b: {  	v5 =	vadd.s32 $0x1, v2  }
0x2c: {  	v6 =	vadd.s32 $0x2, v3  }
0x2d: {  	v8 =	vadd.s32 $0x2, v2;
	v7 =	vld.idx.msk [tilespmem:v3+s3+$0x0], $0xffff  }
0x2e: {  	v2 =	vld.idx.msk [tilespmem:v2+s3+$0x0], $0xffff  }
0x2f: {  	v9 =	vld.idx.msk [tilespmem:v4+s3+$0x0], $0xffff  }
0x30: {  	v5 =	vld.idx.msk [tilespmem:v5+s3+$0x0], $0xffff  }
0x31: {  	v10 =	vld.idx.msk [tilespmem:v6+s3+$0x0], $0xffff  }
0x32: {  	v8 =	vld.idx.msk [tilespmem:v8+s3+$0x0], $0xffff;
	_ =	sdelay $0x3  }
0x33: {  	v2 =	vsub.f32 v7, v2;
	v5 =	vsub.f32 v9, v5;
	_ =	sdelay $0x1  }
0x34: {  	v7 =	vsub.f32 v10, v8;
	v8 =	vmul.f32 v2, v2;
	v9 =	vmul.f32 v5, v5;
	_ =	sdelay $0x1  }
0x35: {  	v8 =	vadd.f32 v9, v8;
	v9 =	vmul.f32 v7, v7;
	_ =	sdelay $0x1  }
0x36: {  	v8 =	vadd.f32 v9, v8;
	_ =	sdelay $0x1  }
0x37: {  	v8 =	vmax.f32 v8, $1.000000000e-30  }
0x38: {  	v9 =	vshra.s32 v8, $0x1;
	v10 =	vmul.f32 $5.000000000e-01, v8  }
0x39: {  	v9 =	vsub.s32 $0x5F3759DF, v9  }
0x3a: {  	v11 =	vmul.f32 v9, v10;
	_ =	sdelay $0x1  }
0x3b: {  	v11 =	vmul.f32 v9, v11;
	_ =	sdelay $0x1  }
0x3c: {  	v11 =	vsub.f32 $1.500000000e+00, v11;
	_ =	sdelay $0x1  }
0x3d: {  	v9 =	vmul.f32 v9, v11;
	_ =	sdelay $0x1  }
0x3e: {  	v11 =	vmul.f32 v9, v10;
	_ =	sdelay $0x1  }
0x3f: {  	v11 =	vmul.f32 v11, v9;
	_ =	sdelay $0x1  }
0x40: {  	v11 =	vsub.f32 $1.500000000e+00, v11;
	_ =	sdelay $0x1  }
0x41: {  	v9 =	vmul.f32 v11, v9;
	_ =	sdelay $0x1  }
0x42: {  	v10 =	vmul.f32 v9, v10;
	_ =	sdelay $0x1  }
0x43: {  	v10 =	vmul.f32 v10, v9;
	_ =	sdelay $0x1  }
0x44: {  	v10 =	vsub.f32 $1.500000000e+00, v10;
	_ =	sdelay $0x1  }
0x45: {  	v9 =	vmul.f32 v10, v9;
	_ =	sdelay $0x1  }
0x46: {  	v8 =	vmul.f32 v9, v8;
	_ =	sdelay $0x1  }
0x47: {  	v8 =	vmax.f32 v8, $9.999999930e-09  }
0x48: {  	(erf) = vrcp.f32 v8;
	_ =	sdelay $0x8  }
0x49: {  	v8 =	vpop (erf)  }
0x4a: {  	v1 =	vmul.f32 v8, v1;
	_ =	sdelay $0x1  }
0x4b: {  	v2 =	vmul.f32 v1, v2;
	v7 =	vmul.f32 v1, v7  }
0x4c: {  	v1 =	vmul.f32 v1, v5  }
0x4d: {  	[tilespmem:v3+s13+$0x0] =	vst.idx.add.f32.msk $0xffff, v2  }
0x4e: {  	[tilespmem:v4+s13+$0x0] =	vst.idx.add.f32.msk $0xffff, v1  }
0x4f: {  	s18 =	sshra.s32 s17, $0x2;
	[tilespmem:v6+s13+$0x0] =	vst.idx.add.f32.msk $0xffff, v7  }
.Ltmp1:
0x50: {  	v2 =	vld [tilespmem:s18+$0x10080];
	(pc) =	sbr.rel @p0 .LBB2_4-.Ltmp1, $3  }
0x51: {  	v3 =	vld [tilespmem:s18+$0xED80]  }
0x52: {  	v1 =	vld [tilespmem:s18+$0x11380];
	_ =	sdelay $0x1  }
0x53: {  	s17 =	sadd.s32 $0x40, s17  }
0x54: {  	v2 =	vmul.u32 $0x3, v2  }
0x55: {  	v3 =	vmul.u32 $0x3, v3;
	_ =	sdelay $0x1  }
0x56: {  	v5 =	vadd.s32 $0x1, v2  }
0x57: {  	v4 =	vadd.s32 $0x1, v3  }
0x58: {  	v8 =	vadd.s32 $0x2, v2  }
0x59: {  	v6 =	vadd.s32 $0x2, v3;
	v2 =	vld.idx.msk [tilespmem:v2+s3+$0x0], $0xffff  }
0x5a: {  	v7 =	vld.idx.msk [tilespmem:v3+s3+$0x0], $0xffff  }
0x5b: {  	v5 =	vld.idx.msk [tilespmem:v5+s3+$0x0], $0xffff  }
0x5c: {  	v9 =	vld.idx.msk [tilespmem:v4+s3+$0x0], $0xffff  }
0x5d: {  	v8 =	vld.idx.msk [tilespmem:v8+s3+$0x0], $0xffff  }
0x5e: {  	v10 =	vld.idx.msk [tilespmem:v6+s3+$0x0], $0xffff;
	_ =	sdelay $0x2  }
0x5f: {  	v2 =	vsub.f32 v7, v2;
	v5 =	vsub.f32 v9, v5;
	_ =	sdelay $0x1  }
0x60: {  	v59 =	vsub.f32 v10, v8;
	v60 =	vmul.f32 v2, v2;
	v9 =	vmul.f32 v5, v5;
	_ =	sdelay $0x1  }
0x61: {  	v61 =	vmul.f32 v59, v59;
	v8 =	vadd.f32 v9, v60;
	_ =	sdelay $0x1  }
0x62: {  	v8 =	vadd.f32 v61, v8;
	_ =	sdelay $0x1  }
0x63: {  	v8 =	vmax.f32 v8, $1.000000000e-30  }
0x64: {  	v62 =	vshra.s32 v8, $0x1;
	v63 =	vmul.f32 $5.000000000e-01, v8  }
0x65: {  	v9 =	vsub.s32 $0x5F3759DF, v62  }
0x66: {  	v11 =	vmul.f32 v9, v63;
	_ =	sdelay $0x1  }
0x67: {  	v11 =	vmul.f32 v9, v11;
	_ =	sdelay $0x1  }
0x68: {  	v11 =	vsub.f32 $1.500000000e+00, v11;
	_ =	sdelay $0x1  }
0x69: {  	v9 =	vmul.f32 v9, v11;
	_ =	sdelay $0x1  }
0x6a: {  	v11 =	vmul.f32 v9, v63;
	_ =	sdelay $0x1  }
0x6b: {  	v11 =	vmul.f32 v11, v9;
	_ =	sdelay $0x1  }
0x6c: {  	v11 =	vsub.f32 $1.500000000e+00, v11;
	_ =	sdelay $0x1  }
0x6d: {  	v9 =	vmul.f32 v11, v9;
	_ =	sdelay $0x1  }
0x6e: {  	v10 =	vmul.f32 v9, v63;
	_ =	sdelay $0x1  }
0x6f: {  	v10 =	vmul.f32 v10, v9;
	_ =	sdelay $0x1  }
0x70: {  	v10 =	vsub.f32 $1.500000000e+00, v10;
	_ =	sdelay $0x1  }
0x71: {  	v9 =	vmul.f32 v10, v9;
	_ =	sdelay $0x1  }
0x72: {  	v8 =	vmul.f32 v9, v8;
	_ =	sdelay $0x1  }
0x73: {  	v8 =	vmax.f32 v8, $9.999999930e-09  }
0x74: {  	(erf) = vrcp.f32 v8;
	_ =	sdelay $0x8  }
0x75: {  	v8 =	vpop (erf)  }
0x76: {  	v1 =	vmul.f32 v8, v1;
	_ =	sdelay $0x1  }
0x77: {  	v2 =	vmul.f32 v1, v2  }
0x78: {  	v5 =	vmul.f32 v1, v5  }
0x79: {  	s16 =	sadd.s32 $0x1, s16;
	v1 =	vmul.f32 v1, v59;
	[tilespmem:v3+s13+$0x0] =	vst.idx.add.f32.msk $0xffff, v2  }
0x7a: {  	p0 =	sne.s32 s16, s8;
	[tilespmem:v4+s13+$0x0] =	vst.idx.add.f32.msk $0xffff, v5  }
.Ltmp2:
0x7b: {  	[tilespmem:v6+s13+$0x0] =	vst.idx.add.f32.msk $0xffff, v1;
	(pc) =	sbr.rel @p0 .LBB2_1-.Ltmp2, $4  }
0x7c: {  	[hbm4b:s7+s14] =	stream.strided.scatter [tilespmem:s13], [sflag:$0x1], $0x7800, s15, s14, $0x38;
	[tilespmem:$0x12680] =	vst v63  }
0x7d: {  	_ =	swait.ge [sflag:s9], $0x7800  }
0x7e: {  	[sflag:s9] =	ssyncset.done $0x0  }
0x7f: {  	[sflag:s9] =	ssyncadd.s32 $0xFFFF8800  }
0x80: {  	_ =	sfence.sel $0x180000  }
0x81: {  	[bflag:$0x0] =	sbarrier.arrive $0xFFFF  }
0x82: {  	p0 =	sne.s32 s0, $0x0;
	_ =	strace $0x9000004D  }
0x83: {  	s0 =	sadd.s32 @!p0 $0x100000, s1;
	[bflag:$0x2] =	sbarrier.arrive $0xFFFF  }
0x84: {  	[sflag:s0] =	ssyncadd.tile.s32 @!p0 $0x1;
	_ =	shalt  }
.Lfunc_end2:
_tile_overlayer_lowered:
.L_overlay_start_2:
0x85: {  	(tag) =	ssettag $0x2  }
0x86: {  	s0 =	rddreg [dreg:$0x0];
	s2 =	stileid.u32  }
0x87: {  	s1 =	rddreg [dreg:$0x1];
	p0 =	sne.s32 s2, $0x0  }
0x88: {  	s3 =	rddreg [dreg:$0x2];
	[bflag:$0x3] =	sbarrier.arrive $0xFFFF;
	s2 =	simm.s32 @!p0 $0x1C01  }
0x89: {  	[timem:s3], [sflag:s2] =	dma.local @!p0 [hbm:s0], s1  }
0x8a: {  	s0 =	simm.s32 @!p0 $0x1  }
0x8b: {  	_ =	swait.ge @!p0 [sflag:s0], s1  }
0x8c: {  	s1 =	ssub.s32 @!p0 $0x0, s1;
	[sflag:s0] =	ssyncset.done @!p0 $0x0  }
0x8d: {  	[sflag:s0] =	ssyncadd.s32 @!p0 s1  }
0x8e: {  	[bflag:$0x3] =	sbarrier.arrive $0xFFFF  }
0x8f: {  	_ =	shalt  }

</sc_bundles>
